<compile_context>
chip_gen: v7x
topology: tpu7x:2x2x1
jax: 0.10.2.dev20260603
libtpu: 0.0.44.dev20260713+nightly
codegen_flags: <defaults>
</compile_context>

<pallas_src>
import functools

import jax
import jax.numpy as jnp
from jax import lax
from jax.experimental import pallas as pl
from jax.experimental.pallas import tpu as pltpu
from jax.experimental.pallas import tpu_sc as plsc

N_NODES = 10000
N_EDGES = 320000
IN_CH = 128
HEADS = 8
OUT_CH = 16
HID = HEADS * OUT_CH
EPS = 1e-06
LN_EPS = 1e-05

NC = 2
NS = 16
NW = NC * NS
EPT = N_EDGES // NW
CH = 40
NCHUNK = EPT // CH
N_PAD = 10240
ROWS_PT = N_PAD // NS
ZROWS = 64
TD = 2 * HID

_HIGH = jax.lax.Precision.HIGHEST

_GDN = lax.GatherDimensionNumbers(
    offset_dims=(), collapsed_slice_dims=(0,), start_index_map=(0,))


def _shuffle(v, idx):
    return lax.gather(v, idx[:, None], _GDN, (1,),
                      mode=lax.GatherScatterMode.PROMISE_IN_BOUNDS)



def _prep_body(x_ref, wlin_ref, s_ref, st_ref, hn_ref, tbl_ref):
    x = x_ref[...]
    h = lax.dot_general(x, wlin_ref[...], (((1,), (1,)), ((), ())),
                        precision=_HIGH, preferred_element_type=jnp.float32)
    h2s = lax.dot_general(h * h, s_ref[...], (((1,), (0,)), ((), ())),
                          precision=_HIGH, preferred_element_type=jnp.float32)
    nrm8 = jnp.maximum(jnp.sqrt(h2s), 1e-12)
    nrmx = lax.dot_general(nrm8, st_ref[...], (((1,), (0,)), ((), ())),
                           precision=_HIGH, preferred_element_type=jnp.float32)
    hn = h / nrmx
    hn_ref[...] = hn
    tbl_ref[:, :HID] = hn
    tbl_ref[:, HID:] = h


def _prep(x, w_lin):
    R = 1000
    grid = N_NODES // R
    heads_of_ch = jnp.arange(IN_CH, dtype=jnp.int32) // OUT_CH
    sel = (heads_of_ch[:, None] == jnp.arange(HEADS)[None, :])
    S = sel.astype(jnp.float32)
    ST = S.T
    return pl.pallas_call(
        _prep_body,
        grid=(grid,),
        in_specs=[
            pl.BlockSpec((R, IN_CH), lambda i: (i, 0)),
            pl.BlockSpec((HID, IN_CH), lambda i: (0, 0)),
            pl.BlockSpec((IN_CH, HEADS), lambda i: (0, 0)),
            pl.BlockSpec((HEADS, IN_CH), lambda i: (0, 0)),
        ],
        out_specs=[
            pl.BlockSpec((R, HID), lambda i: (i, 0)),
            pl.BlockSpec((R, TD), lambda i: (i, 0)),
        ],
        out_shape=[
            jax.ShapeDtypeStruct((N_NODES, HID), jnp.float32),
            jax.ShapeDtypeStruct((N_NODES, TD), jnp.float32),
        ],
    )(x, w_lin, S, ST)



def _edge_body(tbl_hbm, hn_hbm, rc_hbm, out_hbm,
               idxrc, scidx, vs, vd, msg, acc, semi, semg, semc):
    cid = lax.axis_index("c")
    sid = lax.axis_index("s")
    wid = cid * NS + sid

    z16 = jnp.zeros((16,), jnp.float32)

    def zb(r, _):
        for hh in range(HID // 16):
            msg[0, r, pl.ds(hh * 16, 16)] = z16
        return 0

    lax.fori_loop(0, CH, zb, 0)
    for j in range(ROWS_PT // CH):
        pltpu.sync_copy(msg.at[0], acc.at[pl.ds(sid * ROWS_PT + j * CH, CH)])
    plsc.subcore_barrier()

    lanes = lax.iota(jnp.int32, 16)
    x8, x4, x2, x1 = (lanes ^ 8, lanes ^ 4, lanes ^ 2, lanes ^ 1)
    m8 = lanes < 8
    m4 = (lanes & 4) == 0
    m2 = (lanes & 2) == 0
    lane_of = (0, 8, 4, 12, 2, 10, 6, 14)

    def issue_idx(i, b):
        pltpu.async_copy(rc_hbm.at[wid, i], idxrc.at[b], semi.at[b])

    def wait_idx(i, b):
        pltpu.make_async_copy(rc_hbm.at[wid, i], idxrc.at[b],
                              semi.at[b]).wait()

    def issue_gathers(b):
        pltpu.async_copy(tbl_hbm.at[idxrc.at[b, 0, pl.ds(CH, CH)]],
                         vs.at[b], semg.at[b])
        pltpu.async_copy(hn_hbm.at[idxrc.at[b, 0, pl.ds(0, CH)]],
                         vd.at[b], semg.at[b])

    def wait_gathers(b):
        pltpu.make_async_copy(tbl_hbm.at[idxrc.at[b, 0, pl.ds(CH, CH)]],
                              vs.at[b], semg.at[b]).wait()
        pltpu.make_async_copy(hn_hbm.at[idxrc.at[b, 0, pl.ds(0, CH)]],
                              vd.at[b], semg.at[b]).wait()

    def compute(b):
        @plsc.parallel_loop(0, CH, 1, unroll=2)
        def ebody(e):
            p = [vs[b, e, pl.ds(hh * 16, 16)] * vd[b, e, pl.ds(hh * 16, 16)]
                 for hh in range(HEADS)]
            r = [x + _shuffle(x, x8) for x in p]
            q = [jnp.where(m8, r[2 * k], r[2 * k + 1]) for k in range(4)]
            q = [x + _shuffle(x, x4) for x in q]
            u = [jnp.where(m4, q[0], q[1]), jnp.where(m4, q[2], q[3])]
            u = [x + _shuffle(x, x2) for x in u]
            v = jnp.where(m2, u[0], u[1])
            v = v + _shuffle(v, x1)
            v = jnp.minimum(jnp.maximum(v, EPS), 1.0)
            for hh in range(HEADS):
                hv = vs[b, e, pl.ds(HID + hh * 16, 16)]
                msg[b, e, pl.ds(hh * 16, 16)] = hv * v[lane_of[hh]]

    issue_idx(0, 0)
    wait_idx(0, 0)
    issue_gathers(0)

    def chunk_pair(j, _):
        for b in (0, 1):
            i = 2 * j + b
            b1 = 1 - b
            if b == 0:
                issue_idx(i + 1, b1)
                wait_gathers(b)
                wait_idx(i + 1, b1)
                issue_gathers(b1)
            else:
                @pl.when(j < NCHUNK // 2 - 1)
                def _():
                    issue_idx(i + 1, b1)
                    wait_idx(i + 1, b1)
                    issue_gathers(b1)
                wait_gathers(b)

            @pl.when(j > 0)
            def _():
                pltpu.make_async_copy(msg.at[b], acc.at[scidx.at[b, 0]],
                                      semc.at[b]).wait()
            for o in (0, 16, 24):
                scidx[b, 0, pl.ds(o, 16)] = idxrc[b, 0, pl.ds(o, 16)]

            compute(b)
            pltpu.async_copy(msg.at[b], acc.at[scidx.at[b, 0]], semc.at[b],
                             add=True)
        return 0

    lax.fori_loop(0, NCHUNK // 2, chunk_pair, 0)
    for b in (0, 1):
        pltpu.make_async_copy(msg.at[b], acc.at[scidx.at[b, 0]],
                              semc.at[b]).wait()
    plsc.subcore_barrier()
    pltpu.sync_copy(acc.at[pl.ds(sid * ROWS_PT, ROWS_PT)],
                    out_hbm.at[cid, pl.ds(sid * ROWS_PT, ROWS_PT)])


def _edge(tbl, hn, rc_idx):
    mesh = plsc.VectorSubcoreMesh(core_axis_name="c", subcore_axis_name="s")
    f = functools.partial(
        pl.kernel,
        out_type=jax.ShapeDtypeStruct((NC, N_PAD, HID), jnp.float32),
        mesh=mesh,
        scratch_types=[
            pltpu.VMEM((2, 1, 2 * CH), jnp.int32),
            pltpu.VMEM((2, 1, CH), jnp.int32),
            pltpu.VMEM((2, CH, TD), jnp.float32),
            pltpu.VMEM((2, CH, HID), jnp.float32),
            pltpu.VMEM((2, CH, HID), jnp.float32),
            pltpu.VMEM_SHARED((N_PAD, HID), jnp.float32),
            pltpu.SemaphoreType.DMA((2,)),
            pltpu.SemaphoreType.DMA((2,)),
            pltpu.SemaphoreType.DMA((2,)),
        ],
    )(_edge_body)
    return f(tbl, hn, rc_idx)



def _fin_body(p_ref, w_ref, g_ref, b_ref, o_ref):
    oc = p_ref[0] + p_ref[1]
    w = w_ref[...]
    lin = lax.dot_general(oc, w, (((1,), (1,)), ((), ())),
                          precision=_HIGH, preferred_element_type=jnp.float32)
    ones = jnp.ones((1, HID), jnp.float32)
    wn2 = lax.dot_general(ones, w * w, (((1,), (1,)), ((), ())),
                          precision=_HIGH, preferred_element_type=jnp.float32)
    winv = 1.0 / jnp.maximum(jnp.sqrt(wn2), 1e-12)
    xn2 = jnp.sum(oc * oc, axis=1, keepdims=True)
    xinv = 1.0 / jnp.maximum(jnp.sqrt(xn2), 1e-12)
    cos2 = jnp.clip(lin * xinv * winv, EPS, 1.0)
    ob = lin * cos2
    mu = jnp.mean(ob, axis=1, keepdims=True)
    d = ob - mu
    var = jnp.mean(d * d, axis=1, keepdims=True)
    o_ref[...] = d * lax.rsqrt(var + LN_EPS) * g_ref[...] + b_ref[...]


def _finish(partials, w_bcos, g, b):
    R = 1000
    grid = N_NODES // R
    return pl.pallas_call(
        _fin_body,
        grid=(grid,),
        in_specs=[
            pl.BlockSpec((NC, R, HID), lambda i: (0, i, 0)),
            pl.BlockSpec((HID, HID), lambda i: (0, 0)),
            pl.BlockSpec((1, HID), lambda i: (0, 0)),
            pl.BlockSpec((1, HID), lambda i: (0, 0)),
        ],
        out_specs=pl.BlockSpec((R, HID), lambda i: (i, 0)),
        out_shape=jax.ShapeDtypeStruct((N_NODES, HID), jnp.float32),
    )(partials, w_bcos, g, b)



def kernel(x, edge_index, W_lin, W_bcos, ln_gamma, ln_beta):
    hn, tbl = _prep(x, W_lin)
    row4 = edge_index[0].reshape(NW, NCHUNK, 1, CH)
    col4 = edge_index[1].reshape(NW, NCHUNK, 1, CH)
    rc_idx = jnp.concatenate([row4, col4], axis=3)
    partials = _edge(tbl, hn, rc_idx)
    return _finish(partials, W_bcos,
                   ln_gamma.reshape(1, HID), ln_beta.reshape(1, HID))

# --- scband reference (transcript-rebuilt; emitter-appended) ---
"""Pipeline reference for scband-interpretable-bcos-gatlayer-28346784153669 (READ-ONLY COPY).

The authoritative reference and input builder live on the scoring server;
editing this copy changes nothing except your own understanding.
"""

import jax, jax.numpy as jnp
import numpy as np

N_NODES = 10000
N_EDGES = 320000
IN_CH = 128
HEADS = 8
OUT_CH = 16
HID = HEADS * OUT_CH
B = 2.0
EPS = 1e-06
LN_EPS = 1e-05


def _l2norm(v, axis):
    n = jnp.linalg.norm(v, axis=axis, keepdims=True)
    return v / jnp.maximum(n, 1e-12)


def setup_inputs(seed: int = 0):
    key = jax.random.key(seed)
    k1, k2, k3, k4 = jax.random.split(key, 4)
    x = jax.random.normal(k1, (N_NODES, IN_CH), dtype=jnp.float32)
    edge_index = jax.random.randint(k2, (2, N_EDGES), 0, N_NODES, dtype=jnp.int32)
    # lin: nn.Linear(in_channels, heads*out_channels, bias=False), xavier_uniform init
    limit = float(np.sqrt(6.0 / (IN_CH + HID)))
    W_lin = jax.random.uniform(k3, (HID, IN_CH), minval=-limit, maxval=limit, dtype=jnp.float32)
    # bcos_out: BcosLinearNoBias(HID, HID), normal(0, 1/sqrt(in_features))
    W_bcos = jax.random.normal(k4, (HID, HID), dtype=jnp.float32) * (1.0 / np.sqrt(HID))
    ln_gamma = jnp.ones((HID,), dtype=jnp.float32)
    ln_beta = jnp.zeros((HID,), dtype=jnp.float32)
    return {"x": x, "edge_index": edge_index, "W_lin": W_lin, "W_bcos": W_bcos, "ln_gamma": ln_gamma, "ln_beta": ln_beta}


def reference(x, edge_index, W_lin, W_bcos, ln_gamma, ln_beta):
    N = x.shape[0]
    row = edge_index[0]
    col = edge_index[1]
    # h = lin(x).view(N, heads, -1)
    h = (x @ W_lin.T).reshape(N, HEADS, OUT_CH)
    h_norm = _l2norm(h, axis=2)
    src_feat = h_norm[col]
    tgt_feat = h_norm[row]
    cos = jnp.clip(jnp.sum(src_feat * tgt_feat, axis=2), EPS, 1.0)
    scale = (cos ** (B - 1.0))[..., None]
    messages = h[col] * scale
    messages_flat = messages.reshape(N_EDGES, HID)
    out_flat = jnp.zeros((N, HID), dtype=x.dtype).at[row].add(messages_flat)
    # concat=True
    out_cat = out_flat
    # BcosLinearNoBias forward
    lin = out_cat @ W_bcos.T
    x_n = _l2norm(out_cat, axis=1)
    w_n = _l2norm(W_bcos, axis=1)
    cos2 = jnp.clip(x_n @ w_n.T, EPS, 1.0)
    out_bcos = lin * (cos2 ** (B - 1.0))
    # LayerNorm
    mu = jnp.mean(out_bcos, axis=-1, keepdims=True)
    var = jnp.mean((out_bcos - mu) ** 2, axis=-1, keepdims=True)
    out_norm = (out_bcos - mu) / jnp.sqrt(var + LN_EPS) * ln_gamma + ln_beta
    # dropout is identity in eval mode
    return out_norm

if __name__ == "__main__":
    import jax
    _d = setup_inputs()
    print(jax.jit(kernel)(*tuple(_d.values())))

</pallas_src>

<mosaic_0001>
#map = affine_map<(d0, d1) -> (0, 0)>
#map1 = affine_map<(d0, d1) -> (0, 0, 0, 0)>
#map2 = affine_map<(d0, d1) -> (0, 0, 0)>
module attributes {stable_mosaic.version = 14 : i64} {
  func.func @_edge_body(%arg0: i32, %arg1: i32, %arg2: memref<10000x256xf32, #tpu.memory_space<hbm>>, %arg3: memref<10000x128xf32, #tpu.memory_space<hbm>>, %arg4: memref<32x250x1x80xi32, #tpu.memory_space<hbm>>, %arg5: memref<2x10240x128xf32, #tpu.memory_space<hbm>>, %arg6: memref<2x1x80xi32, #tpu.memory_space<vmem>>, %arg7: memref<2x1x40xi32, #tpu.memory_space<vmem>>, %arg8: memref<2x40x256xf32, #tpu.memory_space<vmem>>, %arg9: memref<2x40x128xf32, #tpu.memory_space<vmem>>, %arg10: memref<2x40x128xf32, #tpu.memory_space<vmem>>, %arg11: memref<10240x128xf32, #tpu.memory_space<vmem_shared>>, %arg12: memref<2x!tpu.dma_semaphore, #tpu.memory_space<semaphore_mem>>, %arg13: memref<2x!tpu.dma_semaphore, #tpu.memory_space<semaphore_mem>>, %arg14: memref<2x!tpu.dma_semaphore, #tpu.memory_space<semaphore_mem>>) attributes {dimension_semantics = [#tpu.dimension_semantics<core_parallel>, #tpu.dimension_semantics<subcore_parallel>], iteration_bounds = array<i64: 2, 16>, scalar_prefetch = 0 : i64, scratch_operands = 9 : i64, tpu.core_type = #tpu.core_type<sc_vector_subcore>, window_params = [{transform_indices = #map}, {transform_indices = #map}, {transform_indices = #map1}, {transform_indices = #map2}]} {
    %mul3A = arith.constant 16 : i32
    %mul3A_0 = arith.muli %arg0, %mul3A : i32
    %add3A = arith.addi %mul3A_0, %arg1 : i32
    %broadcast_in_dim3A = arith.constant 0.000000e+00 : f32
    %broadcast_in_dim3A_1 = vector.broadcast %broadcast_in_dim3A : f32 to vector<16xf32>
    %scan3A = arith.constant 0 : i32
    %scan3A_2 = arith.constant 0 : i32
    %scan3A_3 = arith.constant 40 : i32
    %scan3A_4 = arith.addi %scan3A_2, %scan3A_3 : i32
    %scan3A_5 = arith.constant 1 : i32
    %scan3A_6 = scf.for %scan3A_226 = %scan3A_2 to %scan3A_4 step %scan3A_5 iter_args(%scan3A_227 = %scan3A) -> (i32)  : i32 {
      %swap3A = arith.constant 0 : i32
      %swap3A_228 = arith.index_cast %swap3A : i32 to index
      %swap3A_229 = arith.index_cast %scan3A_226 : i32 to index
      %swap3A_230 = arith.constant 0 : index
      %swap3A_231 = tpu.vector_load %arg10[%swap3A_228, %swap3A_229, %swap3A_230] {strides = array<i32>} : memref<2x40x128xf32, #tpu.memory_space<vmem>>, vector<1x1x16xf32>,
      %swap3A_232 = vector.shape_cast %swap3A_231 : vector<1x1x16xf32> to vector<16xf32>
      %swap3A_233 = vector.shape_cast %broadcast_in_dim3A_1 : vector<16xf32> to vector<1x1x16xf32>
      tpu.vector_store %arg10[%swap3A_228, %swap3A_229, %swap3A_230], %swap3A_233 {strides = array<i32>} : memref<2x40x128xf32, #tpu.memory_space<vmem>>, vector<1x1x16xf32>,
      %swap3A_234 = arith.constant 0 : i32
      %swap3A_235 = arith.index_cast %swap3A_234 : i32 to index
      %swap3A_236 = arith.index_cast %scan3A_226 : i32 to index
      %swap3A_237 = arith.constant 16 : index
      %swap3A_238 = tpu.vector_load %arg10[%swap3A_235, %swap3A_236, %swap3A_237] {strides = array<i32>} : memref<2x40x128xf32, #tpu.memory_space<vmem>>, vector<1x1x16xf32>,
      %swap3A_239 = vector.shape_cast %swap3A_238 : vector<1x1x16xf32> to vector<16xf32>
      %swap3A_240 = vector.shape_cast %broadcast_in_dim3A_1 : vector<16xf32> to vector<1x1x16xf32>
      tpu.vector_store %arg10[%swap3A_235, %swap3A_236, %swap3A_237], %swap3A_240 {strides = array<i32>} : memref<2x40x128xf32, #tpu.memory_space<vmem>>, vector<1x1x16xf32>,
      %swap3A_241 = arith.constant 0 : i32
      %swap3A_242 = arith.index_cast %swap3A_241 : i32 to index
      %swap3A_243 = arith.index_cast %scan3A_226 : i32 to index
      %swap3A_244 = arith.constant 32 : index
      %swap3A_245 = tpu.vector_load %arg10[%swap3A_242, %swap3A_243, %swap3A_244] {strides = array<i32>} : memref<2x40x128xf32, #tpu.memory_space<vmem>>, vector<1x1x16xf32>,
      %swap3A_246 = vector.shape_cast %swap3A_245 : vector<1x1x16xf32> to vector<16xf32>
      %swap3A_247 = vector.shape_cast %broadcast_in_dim3A_1 : vector<16xf32> to vector<1x1x16xf32>
      tpu.vector_store %arg10[%swap3A_242, %swap3A_243, %swap3A_244], %swap3A_247 {strides = array<i32>} : memref<2x40x128xf32, #tpu.memory_space<vmem>>, vector<1x1x16xf32>,
      %swap3A_248 = arith.constant 0 : i32
      %swap3A_249 = arith.index_cast %swap3A_248 : i32 to index
      %swap3A_250 = arith.index_cast %scan3A_226 : i32 to index
      %swap3A_251 = arith.constant 48 : index
      %swap3A_252 = tpu.vector_load %arg10[%swap3A_249, %swap3A_250, %swap3A_251] {strides = array<i32>} : memref<2x40x128xf32, #tpu.memory_space<vmem>>, vector<1x1x16xf32>,
      %swap3A_253 = vector.shape_cast %swap3A_252 : vector<1x1x16xf32> to vector<16xf32>
      %swap3A_254 = vector.shape_cast %broadcast_in_dim3A_1 : vector<16xf32> to vector<1x1x16xf32>
      tpu.vector_store %arg10[%swap3A_249, %swap3A_250, %swap3A_251], %swap3A_254 {strides = array<i32>} : memref<2x40x128xf32, #tpu.memory_space<vmem>>, vector<1x1x16xf32>,
      %swap3A_255 = arith.constant 0 : i32
      %swap3A_256 = arith.index_cast %swap3A_255 : i32 to index
      %swap3A_257 = arith.index_cast %scan3A_226 : i32 to index
      %swap3A_258 = arith.constant 64 : index
      %swap3A_259 = tpu.vector_load %arg10[%swap3A_256, %swap3A_257, %swap3A_258] {strides = array<i32>} : memref<2x40x128xf32, #tpu.memory_space<vmem>>, vector<1x1x16xf32>,
      %swap3A_260 = vector.shape_cast %swap3A_259 : vector<1x1x16xf32> to vector<16xf32>
      %swap3A_261 = vector.shape_cast %broadcast_in_dim3A_1 : vector<16xf32> to vector<1x1x16xf32>
      tpu.vector_store %arg10[%swap3A_256, %swap3A_257, %swap3A_258], %swap3A_261 {strides = array<i32>} : memref<2x40x128xf32, #tpu.memory_space<vmem>>, vector<1x1x16xf32>,
      %swap3A_262 = arith.constant 0 : i32
      %swap3A_263 = arith.index_cast %swap3A_262 : i32 to index
      %swap3A_264 = arith.index_cast %scan3A_226 : i32 to index
      %swap3A_265 = arith.constant 80 : index
      %swap3A_266 = tpu.vector_load %arg10[%swap3A_263, %swap3A_264, %swap3A_265] {strides = array<i32>} : memref<2x40x128xf32, #tpu.memory_space<vmem>>, vector<1x1x16xf32>,
      %swap3A_267 = vector.shape_cast %swap3A_266 : vector<1x1x16xf32> to vector<16xf32>
      %swap3A_268 = vector.shape_cast %broadcast_in_dim3A_1 : vector<16xf32> to vector<1x1x16xf32>
      tpu.vector_store %arg10[%swap3A_263, %swap3A_264, %swap3A_265], %swap3A_268 {strides = array<i32>} : memref<2x40x128xf32, #tpu.memory_space<vmem>>, vector<1x1x16xf32>,
      %swap3A_269 = arith.constant 0 : i32
      %swap3A_270 = arith.index_cast %swap3A_269 : i32 to index
      %swap3A_271 = arith.index_cast %scan3A_226 : i32 to index
      %swap3A_272 = arith.constant 96 : index
      %swap3A_273 = tpu.vector_load %arg10[%swap3A_270, %swap3A_271, %swap3A_272] {strides = array<i32>} : memref<2x40x128xf32, #tpu.memory_space<vmem>>, vector<1x1x16xf32>,
      %swap3A_274 = vector.shape_cast %swap3A_273 : vector<1x1x16xf32> to vector<16xf32>
      %swap3A_275 = vector.shape_cast %broadcast_in_dim3A_1 : vector<16xf32> to vector<1x1x16xf32>
      tpu.vector_store %arg10[%swap3A_270, %swap3A_271, %swap3A_272], %swap3A_275 {strides = array<i32>} : memref<2x40x128xf32, #tpu.memory_space<vmem>>, vector<1x1x16xf32>,
      %swap3A_276 = arith.constant 0 : i32
      %swap3A_277 = arith.index_cast %swap3A_276 : i32 to index
      %swap3A_278 = arith.index_cast %scan3A_226 : i32 to index
      %swap3A_279 = arith.constant 112 : index
      %swap3A_280 = tpu.vector_load %arg10[%swap3A_277, %swap3A_278, %swap3A_279] {strides = array<i32>} : memref<2x40x128xf32, #tpu.memory_space<vmem>>, vector<1x1x16xf32>,
      %swap3A_281 = vector.shape_cast %swap3A_280 : vector<1x1x16xf32> to vector<16xf32>
      %swap3A_282 = vector.shape_cast %broadcast_in_dim3A_1 : vector<16xf32> to vector<1x1x16xf32>
      tpu.vector_store %arg10[%swap3A_277, %swap3A_278, %swap3A_279], %swap3A_282 {strides = array<i32>} : memref<2x40x128xf32, #tpu.memory_space<vmem>>, vector<1x1x16xf32>,
      %scan3A_283 = arith.constant 0 : i32
      scf.yield %scan3A_283 : i32
    }
    %scan3A_7 = arith.constant 40 : i32
    %mul3A_8 = arith.constant 640 : i32
    %mul3A_9 = arith.muli %arg1, %mul3A_8 : i32
    %add3A_10 = arith.constant 0 : i32
    %add3A_11 = arith.addi %mul3A_9, %add3A_10 : i32
    %run_scoped3A = arith.constant 0 : i32
    "tpu.region"() ({
      %run_scoped3A_226 = tpu.sem_alloc : memref<!tpu.dma_semaphore, #tpu.memory_space<semaphore_mem>>
      %dma_start3A_227 = arith.constant 0 : i32
      %dma_start3A_228 = arith.constant 0 : i32
      %dma_start3A_229 = tpu.memref_slice %arg10[%run_scoped3A, %dma_start3A_227, %dma_start3A_228] : memref<2x40x128xf32, #tpu.memory_space<vmem>> -> memref<1x40x128xf32, #tpu.memory_space<vmem>>
      %dma_start3A_230 = tpu.memref_squeeze %dma_start3A_229 : memref<1x40x128xf32, #tpu.memory_space<vmem>> -> memref<40x128xf32, #tpu.memory_space<vmem>>
      %dma_start3A_231 = arith.constant 0 : i32
      %dma_start3A_232 = tpu.memref_slice %arg11[%add3A_11, %dma_start3A_231] : memref<10240x128xf32, #tpu.memory_space<vmem_shared>> -> memref<40x128xf32, #tpu.memory_space<vmem_shared>>
      %dma_start3A_233 = arith.constant 0 : i32
      %dma_start3A_234 = tpu.memref_slice %arg11[%add3A_11, %dma_start3A_233] : memref<10240x128xf32, #tpu.memory_space<vmem_shared>> -> memref<40x128xf32, #tpu.memory_space<vmem_shared>>
      %dma_start3A_235 = arith.constant 0 : i32
      %dma_start3A_236 = arith.constant 0 : i32
      %dma_start3A_237 = tpu.memref_slice %arg10[%run_scoped3A, %dma_start3A_235, %dma_start3A_236] : memref<2x40x128xf32, #tpu.memory_space<vmem>> -> memref<1x40x128xf32, #tpu.memory_space<vmem>>
      %dma_start3A_238 = tpu.memref_squeeze %dma_start3A_237 : memref<1x40x128xf32, #tpu.memory_space<vmem>> -> memref<40x128xf32, #tpu.memory_space<vmem>>
      tpu.enqueue_dma source(%dma_start3A_238 : memref<40x128xf32, #tpu.memory_space<vmem>>) target(%dma_start3A_234 : memref<40x128xf32, #tpu.memory_space<vmem_shared>>) target_semaphore(%run_scoped3A_226 : memref<!tpu.dma_semaphore, #tpu.memory_space<semaphore_mem>>)
      %dma_wait3A_239 = arith.constant 0 : i32
      %dma_wait3A_240 = arith.constant 0 : i32
      %dma_wait3A_241 = tpu.memref_slice %arg10[%run_scoped3A, %dma_wait3A_239, %dma_wait3A_240] : memref<2x40x128xf32, #tpu.memory_space<vmem>> -> memref<1x40x128xf32, #tpu.memory_space<vmem>>
      %dma_wait3A_242 = tpu.memref_squeeze %dma_wait3A_241 : memref<1x40x128xf32, #tpu.memory_space<vmem>> -> memref<40x128xf32, #tpu.memory_space<vmem>>
      %dma_wait3A_243 = arith.constant 0 : i32
      %dma_wait3A_244 = tpu.memref_slice %arg11[%add3A_11, %dma_wait3A_243] : memref<10240x128xf32, #tpu.memory_space<vmem_shared>> -> memref<40x128xf32, #tpu.memory_space<vmem_shared>>
      %dma_wait3A_245 = arith.constant 0 : i32
      %dma_wait3A_246 = tpu.memref_slice %arg11[%add3A_11, %dma_wait3A_245] : memref<10240x128xf32, #tpu.memory_space<vmem_shared>> -> memref<40x128xf32, #tpu.memory_space<vmem_shared>>
      %dma_wait3A_247 = arith.constant 0 : i32
      %dma_wait3A_248 = arith.constant 0 : i32
      %dma_wait3A_249 = tpu.memref_slice %arg10[%run_scoped3A, %dma_wait3A_247, %dma_wait3A_248] : memref<2x40x128xf32, #tpu.memory_space<vmem>> -> memref<1x40x128xf32, #tpu.memory_space<vmem>>
      %dma_wait3A_250 = tpu.memref_squeeze %dma_wait3A_249 : memref<1x40x128xf32, #tpu.memory_space<vmem>> -> memref<40x128xf32, #tpu.memory_space<vmem>>
      tpu.wait_dma2 semaphore(%run_scoped3A_226 : memref<!tpu.dma_semaphore, #tpu.memory_space<semaphore_mem>>) src(%dma_wait3A_250 : memref<40x128xf32, #tpu.memory_space<vmem>>) dst(%dma_wait3A_246 : memref<40x128xf32, #tpu.memory_space<vmem_shared>>)
      tpu.yield
    }) : () -> ()
    %mul3A_12 = arith.constant 640 : i32
    %mul3A_13 = arith.muli %arg1, %mul3A_12 : i32
    %add3A_14 = arith.constant 40 : i32
    %add3A_15 = arith.addi %mul3A_13, %add3A_14 : i32
    %run_scoped3A_16 = arith.constant 0 : i32
    "tpu.region"() ({
      %run_scoped3A_226 = tpu.sem_alloc : memref<!tpu.dma_semaphore, #tpu.memory_space<semaphore_mem>>
      %dma_start3A_227 = arith.constant 0 : i32
      %dma_start3A_228 = arith.constant 0 : i32
      %dma_start3A_229 = tpu.memref_slice %arg10[%run_scoped3A_16, %dma_start3A_227, %dma_start3A_228] : memref<2x40x128xf32, #tpu.memory_space<vmem>> -> memref<1x40x128xf32, #tpu.memory_space<vmem>>
      %dma_start3A_230 = tpu.memref_squeeze %dma_start3A_229 : memref<1x40x128xf32, #tpu.memory_space<vmem>> -> memref<40x128xf32, #tpu.memory_space<vmem>>
      %dma_start3A_231 = arith.constant 0 : i32
      %dma_start3A_232 = tpu.memref_slice %arg11[%add3A_15, %dma_start3A_231] : memref<10240x128xf32, #tpu.memory_space<vmem_shared>> -> memref<40x128xf32, #tpu.memory_space<vmem_shared>>
      %dma_start3A_233 = arith.constant 0 : i32
      %dma_start3A_234 = tpu.memref_slice %arg11[%add3A_15, %dma_start3A_233] : memref<10240x128xf32, #tpu.memory_space<vmem_shared>> -> memref<40x128xf32, #tpu.memory_space<vmem_shared>>
      %dma_start3A_235 = arith.constant 0 : i32
      %dma_start3A_236 = arith.constant 0 : i32
      %dma_start3A_237 = tpu.memref_slice %arg10[%run_scoped3A_16, %dma_start3A_235, %dma_start3A_236] : memref<2x40x128xf32, #tpu.memory_space<vmem>> -> memref<1x40x128xf32, #tpu.memory_space<vmem>>
      %dma_start3A_238 = tpu.memref_squeeze %dma_start3A_237 : memref<1x40x128xf32, #tpu.memory_space<vmem>> -> memref<40x128xf32, #tpu.memory_space<vmem>>
      tpu.enqueue_dma source(%dma_start3A_238 : memref<40x128xf32, #tpu.memory_space<vmem>>) target(%dma_start3A_234 : memref<40x128xf32, #tpu.memory_space<vmem_shared>>) target_semaphore(%run_scoped3A_226 : memref<!tpu.dma_semaphore, #tpu.memory_space<semaphore_mem>>)
      %dma_wait3A_239 = arith.constant 0 : i32
      %dma_wait3A_240 = arith.constant 0 : i32
      %dma_wait3A_241 = tpu.memref_slice %arg10[%run_scoped3A_16, %dma_wait3A_239, %dma_wait3A_240] : memref<2x40x128xf32, #tpu.memory_space<vmem>> -> memref<1x40x128xf32, #tpu.memory_space<vmem>>
      %dma_wait3A_242 = tpu.memref_squeeze %dma_wait3A_241 : memref<1x40x128xf32, #tpu.memory_space<vmem>> -> memref<40x128xf32, #tpu.memory_space<vmem>>
      %dma_wait3A_243 = arith.constant 0 : i32
      %dma_wait3A_244 = tpu.memref_slice %arg11[%add3A_15, %dma_wait3A_243] : memref<10240x128xf32, #tpu.memory_space<vmem_shared>> -> memref<40x128xf32, #tpu.memory_space<vmem_shared>>
      %dma_wait3A_245 = arith.constant 0 : i32
      %dma_wait3A_246 = tpu.memref_slice %arg11[%add3A_15, %dma_wait3A_245] : memref<10240x128xf32, #tpu.memory_space<vmem_shared>> -> memref<40x128xf32, #tpu.memory_space<vmem_shared>>
      %dma_wait3A_247 = arith.constant 0 : i32
      %dma_wait3A_248 = arith.constant 0 : i32
      %dma_wait3A_249 = tpu.memref_slice %arg10[%run_scoped3A_16, %dma_wait3A_247, %dma_wait3A_248] : memref<2x40x128xf32, #tpu.memory_space<vmem>> -> memref<1x40x128xf32, #tpu.memory_space<vmem>>
      %dma_wait3A_250 = tpu.memref_squeeze %dma_wait3A_249 : memref<1x40x128xf32, #tpu.memory_space<vmem>> -> memref<40x128xf32, #tpu.memory_space<vmem>>
      tpu.wait_dma2 semaphore(%run_scoped3A_226 : memref<!tpu.dma_semaphore, #tpu.memory_space<semaphore_mem>>) src(%dma_wait3A_250 : memref<40x128xf32, #tpu.memory_space<vmem>>) dst(%dma_wait3A_246 : memref<40x128xf32, #tpu.memory_space<vmem_shared>>)
      tpu.yield
    }) : () -> ()
    %mul3A_17 = arith.constant 640 : i32
    %mul3A_18 = arith.muli %arg1, %mul3A_17 : i32
    %add3A_19 = arith.constant 80 : i32
    %add3A_20 = arith.addi %mul3A_18, %add3A_19 : i32
    %run_scoped3A_21 = arith.constant 0 : i32
    "tpu.region"() ({
      %run_scoped3A_226 = tpu.sem_alloc : memref<!tpu.dma_semaphore, #tpu.memory_space<semaphore_mem>>
      %dma_start3A_227 = arith.constant 0 : i32
      %dma_start3A_228 = arith.constant 0 : i32
      %dma_start3A_229 = tpu.memref_slice %arg10[%run_scoped3A_21, %dma_start3A_227, %dma_start3A_228] : memref<2x40x128xf32, #tpu.memory_space<vmem>> -> memref<1x40x128xf32, #tpu.memory_space<vmem>>
      %dma_start3A_230 = tpu.memref_squeeze %dma_start3A_229 : memref<1x40x128xf32, #tpu.memory_space<vmem>> -> memref<40x128xf32, #tpu.memory_space<vmem>>
      %dma_start3A_231 = arith.constant 0 : i32
      %dma_start3A_232 = tpu.memref_slice %arg11[%add3A_20, %dma_start3A_231] : memref<10240x128xf32, #tpu.memory_space<vmem_shared>> -> memref<40x128xf32, #tpu.memory_space<vmem_shared>>
      %dma_start3A_233 = arith.constant 0 : i32
      %dma_start3A_234 = tpu.memref_slice %arg11[%add3A_20, %dma_start3A_233] : memref<10240x128xf32, #tpu.memory_space<vmem_shared>> -> memref<40x128xf32, #tpu.memory_space<vmem_shared>>
      %dma_start3A_235 = arith.constant 0 : i32
      %dma_start3A_236 = arith.constant 0 : i32
      %dma_start3A_237 = tpu.memref_slice %arg10[%run_scoped3A_21, %dma_start3A_235, %dma_start3A_236] : memref<2x40x128xf32, #tpu.memory_space<vmem>> -> memref<1x40x128xf32, #tpu.memory_space<vmem>>
      %dma_start3A_238 = tpu.memref_squeeze %dma_start3A_237 : memref<1x40x128xf32, #tpu.memory_space<vmem>> -> memref<40x128xf32, #tpu.memory_space<vmem>>
      tpu.enqueue_dma source(%dma_start3A_238 : memref<40x128xf32, #tpu.memory_space<vmem>>) target(%dma_start3A_234 : memref<40x128xf32, #tpu.memory_space<vmem_shared>>) target_semaphore(%run_scoped3A_226 : memref<!tpu.dma_semaphore, #tpu.memory_space<semaphore_mem>>)
      %dma_wait3A_239 = arith.constant 0 : i32
      %dma_wait3A_240 = arith.constant 0 : i32
      %dma_wait3A_241 = tpu.memref_slice %arg10[%run_scoped3A_21, %dma_wait3A_239, %dma_wait3A_240] : memref<2x40x128xf32, #tpu.memory_space<vmem>> -> memref<1x40x128xf32, #tpu.memory_space<vmem>>
      %dma_wait3A_242 = tpu.memref_squeeze %dma_wait3A_241 : memref<1x40x128xf32, #tpu.memory_space<vmem>> -> memref<40x128xf32, #tpu.memory_space<vmem>>
      %dma_wait3A_243 = arith.constant 0 : i32
      %dma_wait3A_244 = tpu.memref_slice %arg11[%add3A_20, %dma_wait3A_243] : memref<10240x128xf32, #tpu.memory_space<vmem_shared>> -> memref<40x128xf32, #tpu.memory_space<vmem_shared>>
      %dma_wait3A_245 = arith.constant 0 : i32
      %dma_wait3A_246 = tpu.memref_slice %arg11[%add3A_20, %dma_wait3A_245] : memref<10240x128xf32, #tpu.memory_space<vmem_shared>> -> memref<40x128xf32, #tpu.memory_space<vmem_shared>>
      %dma_wait3A_247 = arith.constant 0 : i32
      %dma_wait3A_248 = arith.constant 0 : i32
      %dma_wait3A_249 = tpu.memref_slice %arg10[%run_scoped3A_21, %dma_wait3A_247, %dma_wait3A_248] : memref<2x40x128xf32, #tpu.memory_space<vmem>> -> memref<1x40x128xf32, #tpu.memory_space<vmem>>
      %dma_wait3A_250 = tpu.memref_squeeze %dma_wait3A_249 : memref<1x40x128xf32, #tpu.memory_space<vmem>> -> memref<40x128xf32, #tpu.memory_space<vmem>>
      tpu.wait_dma2 semaphore(%run_scoped3A_226 : memref<!tpu.dma_semaphore, #tpu.memory_space<semaphore_mem>>) src(%dma_wait3A_250 : memref<40x128xf32, #tpu.memory_space<vmem>>) dst(%dma_wait3A_246 : memref<40x128xf32, #tpu.memory_space<vmem_shared>>)
      tpu.yield
    }) : () -> ()
    %mul3A_22 = arith.constant 640 : i32
    %mul3A_23 = arith.muli %arg1, %mul3A_22 : i32
    %add3A_24 = arith.constant 120 : i32
    %add3A_25 = arith.addi %mul3A_23, %add3A_24 : i32
    %run_scoped3A_26 = arith.constant 0 : i32
    "tpu.region"() ({
      %run_scoped3A_226 = tpu.sem_alloc : memref<!tpu.dma_semaphore, #tpu.memory_space<semaphore_mem>>
      %dma_start3A_227 = arith.constant 0 : i32
      %dma_start3A_228 = arith.constant 0 : i32
      %dma_start3A_229 = tpu.memref_slice %arg10[%run_scoped3A_26, %dma_start3A_227, %dma_start3A_228] : memref<2x40x128xf32, #tpu.memory_space<vmem>> -> memref<1x40x128xf32, #tpu.memory_space<vmem>>
      %dma_start3A_230 = tpu.memref_squeeze %dma_start3A_229 : memref<1x40x128xf32, #tpu.memory_space<vmem>> -> memref<40x128xf32, #tpu.memory_space<vmem>>
      %dma_start3A_231 = arith.constant 0 : i32
      %dma_start3A_232 = tpu.memref_slice %arg11[%add3A_25, %dma_start3A_231] : memref<10240x128xf32, #tpu.memory_space<vmem_shared>> -> memref<40x128xf32, #tpu.memory_space<vmem_shared>>
      %dma_start3A_233 = arith.constant 0 : i32
      %dma_start3A_234 = tpu.memref_slice %arg11[%add3A_25, %dma_start3A_233] : memref<10240x128xf32, #tpu.memory_space<vmem_shared>> -> memref<40x128xf32, #tpu.memory_space<vmem_shared>>
      %dma_start3A_235 = arith.constant 0 : i32
      %dma_start3A_236 = arith.constant 0 : i32
      %dma_start3A_237 = tpu.memref_slice %arg10[%run_scoped3A_26, %dma_start3A_235, %dma_start3A_236] : memref<2x40x128xf32, #tpu.memory_space<vmem>> -> memref<1x40x128xf32, #tpu.memory_space<vmem>>
      %dma_start3A_238 = tpu.memref_squeeze %dma_start3A_237 : memref<1x40x128xf32, #tpu.memory_space<vmem>> -> memref<40x128xf32, #tpu.memory_space<vmem>>
      tpu.enqueue_dma source(%dma_start3A_238 : memref<40x128xf32, #tpu.memory_space<vmem>>) target(%dma_start3A_234 : memref<40x128xf32, #tpu.memory_space<vmem_shared>>) target_semaphore(%run_scoped3A_226 : memref<!tpu.dma_semaphore, #tpu.memory_space<semaphore_mem>>)
      %dma_wait3A_239 = arith.constant 0 : i32
      %dma_wait3A_240 = arith.constant 0 : i32
      %dma_wait3A_241 = tpu.memref_slice %arg10[%run_scoped3A_26, %dma_wait3A_239, %dma_wait3A_240] : memref<2x40x128xf32, #tpu.memory_space<vmem>> -> memref<1x40x128xf32, #tpu.memory_space<vmem>>
      %dma_wait3A_242 = tpu.memref_squeeze %dma_wait3A_241 : memref<1x40x128xf32, #tpu.memory_space<vmem>> -> memref<40x128xf32, #tpu.memory_space<vmem>>
      %dma_wait3A_243 = arith.constant 0 : i32
      %dma_wait3A_244 = tpu.memref_slice %arg11[%add3A_25, %dma_wait3A_243] : memref<10240x128xf32, #tpu.memory_space<vmem_shared>> -> memref<40x128xf32, #tpu.memory_space<vmem_shared>>
      %dma_wait3A_245 = arith.constant 0 : i32
      %dma_wait3A_246 = tpu.memref_slice %arg11[%add3A_25, %dma_wait3A_245] : memref<10240x128xf32, #tpu.memory_space<vmem_shared>> -> memref<40x128xf32, #tpu.memory_space<vmem_shared>>
      %dma_wait3A_247 = arith.constant 0 : i32
      %dma_wait3A_248 = arith.constant 0 : i32
      %dma_wait3A_249 = tpu.memref_slice %arg10[%run_scoped3A_26, %dma_wait3A_247, %dma_wait3A_248] : memref<2x40x128xf32, #tpu.memory_space<vmem>> -> memref<1x40x128xf32, #tpu.memory_space<vmem>>
      %dma_wait3A_250 = tpu.memref_squeeze %dma_wait3A_249 : memref<1x40x128xf32, #tpu.memory_space<vmem>> -> memref<40x128xf32, #tpu.memory_space<vmem>>
      tpu.wait_dma2 semaphore(%run_scoped3A_226 : memref<!tpu.dma_semaphore, #tpu.memory_space<semaphore_mem>>) src(%dma_wait3A_250 : memref<40x128xf32, #tpu.memory_space<vmem>>) dst(%dma_wait3A_246 : memref<40x128xf32, #tpu.memory_space<vmem_shared>>)
      tpu.yield
    }) : () -> ()
    %mul3A_27 = arith.constant 640 : i32
    %mul3A_28 = arith.muli %arg1, %mul3A_27 : i32
    %add3A_29 = arith.constant 160 : i32
    %add3A_30 = arith.addi %mul3A_28, %add3A_29 : i32
    %run_scoped3A_31 = arith.constant 0 : i32
    "tpu.region"() ({
      %run_scoped3A_226 = tpu.sem_alloc : memref<!tpu.dma_semaphore, #tpu.memory_space<semaphore_mem>>
      %dma_start3A_227 = arith.constant 0 : i32
      %dma_start3A_228 = arith.constant 0 : i32
      %dma_start3A_229 = tpu.memref_slice %arg10[%run_scoped3A_31, %dma_start3A_227, %dma_start3A_228] : memref<2x40x128xf32, #tpu.memory_space<vmem>> -> memref<1x40x128xf32, #tpu.memory_space<vmem>>
      %dma_start3A_230 = tpu.memref_squeeze %dma_start3A_229 : memref<1x40x128xf32, #tpu.memory_space<vmem>> -> memref<40x128xf32, #tpu.memory_space<vmem>>
      %dma_start3A_231 = arith.constant 0 : i32
      %dma_start3A_232 = tpu.memref_slice %arg11[%add3A_30, %dma_start3A_231] : memref<10240x128xf32, #tpu.memory_space<vmem_shared>> -> memref<40x128xf32, #tpu.memory_space<vmem_shared>>
      %dma_start3A_233 = arith.constant 0 : i32
      %dma_start3A_234 = tpu.memref_slice %arg11[%add3A_30, %dma_start3A_233] : memref<10240x128xf32, #tpu.memory_space<vmem_shared>> -> memref<40x128xf32, #tpu.memory_space<vmem_shared>>
      %dma_start3A_235 = arith.constant 0 : i32
      %dma_start3A_236 = arith.constant 0 : i32
      %dma_start3A_237 = tpu.memref_slice %arg10[%run_scoped3A_31, %dma_start3A_235, %dma_start3A_236] : memref<2x40x128xf32, #tpu.memory_space<vmem>> -> memref<1x40x128xf32, #tpu.memory_space<vmem>>
      %dma_start3A_238 = tpu.memref_squeeze %dma_start3A_237 : memref<1x40x128xf32, #tpu.memory_space<vmem>> -> memref<40x128xf32, #tpu.memory_space<vmem>>
      tpu.enqueue_dma source(%dma_start3A_238 : memref<40x128xf32, #tpu.memory_space<vmem>>) target(%dma_start3A_234 : memref<40x128xf32, #tpu.memory_space<vmem_shared>>) target_semaphore(%run_scoped3A_226 : memref<!tpu.dma_semaphore, #tpu.memory_space<semaphore_mem>>)
      %dma_wait3A_239 = arith.constant 0 : i32
      %dma_wait3A_240 = arith.constant 0 : i32
      %dma_wait3A_241 = tpu.memref_slice %arg10[%run_scoped3A_31, %dma_wait3A_239, %dma_wait3A_240] : memref<2x40x128xf32, #tpu.memory_space<vmem>> -> memref<1x40x128xf32, #tpu.memory_space<vmem>>
      %dma_wait3A_242 = tpu.memref_squeeze %dma_wait3A_241 : memref<1x40x128xf32, #tpu.memory_space<vmem>> -> memref<40x128xf32, #tpu.memory_space<vmem>>
      %dma_wait3A_243 = arith.constant 0 : i32
      %dma_wait3A_244 = tpu.memref_slice %arg11[%add3A_30, %dma_wait3A_243] : memref<10240x128xf32, #tpu.memory_space<vmem_shared>> -> memref<40x128xf32, #tpu.memory_space<vmem_shared>>
      %dma_wait3A_245 = arith.constant 0 : i32
      %dma_wait3A_246 = tpu.memref_slice %arg11[%add3A_30, %dma_wait3A_245] : memref<10240x128xf32, #tpu.memory_space<vmem_shared>> -> memref<40x128xf32, #tpu.memory_space<vmem_shared>>
      %dma_wait3A_247 = arith.constant 0 : i32
      %dma_wait3A_248 = arith.constant 0 : i32
      %dma_wait3A_249 = tpu.memref_slice %arg10[%run_scoped3A_31, %dma_wait3A_247, %dma_wait3A_248] : memref<2x40x128xf32, #tpu.memory_space<vmem>> -> memref<1x40x128xf32, #tpu.memory_space<vmem>>
      %dma_wait3A_250 = tpu.memref_squeeze %dma_wait3A_249 : memref<1x40x128xf32, #tpu.memory_space<vmem>> -> memref<40x128xf32, #tpu.memory_space<vmem>>
      tpu.wait_dma2 semaphore(%run_scoped3A_226 : memref<!tpu.dma_semaphore, #tpu.memory_space<semaphore_mem>>) src(%dma_wait3A_250 : memref<40x128xf32, #tpu.memory_space<vmem>>) dst(%dma_wait3A_246 : memref<40x128xf32, #tpu.memory_space<vmem_shared>>)
      tpu.yield
    }) : () -> ()
    %mul3A_32 = arith.constant 640 : i32
    %mul3A_33 = arith.muli %arg1, %mul3A_32 : i32
    %add3A_34 = arith.constant 200 : i32
    %add3A_35 = arith.addi %mul3A_33, %add3A_34 : i32
    %run_scoped3A_36 = arith.constant 0 : i32
    "tpu.region"() ({
      %run_scoped3A_226 = tpu.sem_alloc : memref<!tpu.dma_semaphore, #tpu.memory_space<semaphore_mem>>
      %dma_start3A_227 = arith.constant 0 : i32
      %dma_start3A_228 = arith.constant 0 : i32
      %dma_start3A_229 = tpu.memref_slice %arg10[%run_scoped3A_36, %dma_start3A_227, %dma_start3A_228] : memref<2x40x128xf32, #tpu.memory_space<vmem>> -> memref<1x40x128xf32, #tpu.memory_space<vmem>>
      %dma_start3A_230 = tpu.memref_squeeze %dma_start3A_229 : memref<1x40x128xf32, #tpu.memory_space<vmem>> -> memref<40x128xf32, #tpu.memory_space<vmem>>
      %dma_start3A_231 = arith.constant 0 : i32
      %dma_start3A_232 = tpu.memref_slice %arg11[%add3A_35, %dma_start3A_231] : memref<10240x128xf32, #tpu.memory_space<vmem_shared>> -> memref<40x128xf32, #tpu.memory_space<vmem_shared>>
      %dma_start3A_233 = arith.constant 0 : i32
      %dma_start3A_234 = tpu.memref_slice %arg11[%add3A_35, %dma_start3A_233] : memref<10240x128xf32, #tpu.memory_space<vmem_shared>> -> memref<40x128xf32, #tpu.memory_space<vmem_shared>>
      %dma_start3A_235 = arith.constant 0 : i32
      %dma_start3A_236 = arith.constant 0 : i32
      %dma_start3A_237 = tpu.memref_slice %arg10[%run_scoped3A_36, %dma_start3A_235, %dma_start3A_236] : memref<2x40x128xf32, #tpu.memory_space<vmem>> -> memref<1x40x128xf32, #tpu.memory_space<vmem>>
      %dma_start3A_238 = tpu.memref_squeeze %dma_start3A_237 : memref<1x40x128xf32, #tpu.memory_space<vmem>> -> memref<40x128xf32, #tpu.memory_space<vmem>>
      tpu.enqueue_dma source(%dma_start3A_238 : memref<40x128xf32, #tpu.memory_space<vmem>>) target(%dma_start3A_234 : memref<40x128xf32, #tpu.memory_space<vmem_shared>>) target_semaphore(%run_scoped3A_226 : memref<!tpu.dma_semaphore, #tpu.memory_space<semaphore_mem>>)
      %dma_wait3A_239 = arith.constant 0 : i32
      %dma_wait3A_240 = arith.constant 0 : i32
      %dma_wait3A_241 = tpu.memref_slice %arg10[%run_scoped3A_36, %dma_wait3A_239, %dma_wait3A_240] : memref<2x40x128xf32, #tpu.memory_space<vmem>> -> memref<1x40x128xf32, #tpu.memory_space<vmem>>
      %dma_wait3A_242 = tpu.memref_squeeze %dma_wait3A_241 : memref<1x40x128xf32, #tpu.memory_space<vmem>> -> memref<40x128xf32, #tpu.memory_space<vmem>>
      %dma_wait3A_243 = arith.constant 0 : i32
      %dma_wait3A_244 = tpu.memref_slice %arg11[%add3A_35, %dma_wait3A_243] : memref<10240x128xf32, #tpu.memory_space<vmem_shared>> -> memref<40x128xf32, #tpu.memory_space<vmem_shared>>
      %dma_wait3A_245 = arith.constant 0 : i32
      %dma_wait3A_246 = tpu.memref_slice %arg11[%add3A_35, %dma_wait3A_245] : memref<10240x128xf32, #tpu.memory_space<vmem_shared>> -> memref<40x128xf32, #tpu.memory_space<vmem_shared>>
      %dma_wait3A_247 = arith.constant 0 : i32
      %dma_wait3A_248 = arith.constant 0 : i32
      %dma_wait3A_249 = tpu.memref_slice %arg10[%run_scoped3A_36, %dma_wait3A_247, %dma_wait3A_248] : memref<2x40x128xf32, #tpu.memory_space<vmem>> -> memref<1x40x128xf32, #tpu.memory_space<vmem>>
      %dma_wait3A_250 = tpu.memref_squeeze %dma_wait3A_249 : memref<1x40x128xf32, #tpu.memory_space<vmem>> -> memref<40x128xf32, #tpu.memory_space<vmem>>
      tpu.wait_dma2 semaphore(%run_scoped3A_226 : memref<!tpu.dma_semaphore, #tpu.memory_space<semaphore_mem>>) src(%dma_wait3A_250 : memref<40x128xf32, #tpu.memory_space<vmem>>) dst(%dma_wait3A_246 : memref<40x128xf32, #tpu.memory_space<vmem_shared>>)
      tpu.yield
    }) : () -> ()
    %mul3A_37 = arith.constant 640 : i32
    %mul3A_38 = arith.muli %arg1, %mul3A_37 : i32
    %add3A_39 = arith.constant 240 : i32
    %add3A_40 = arith.addi %mul3A_38, %add3A_39 : i32
    %run_scoped3A_41 = arith.constant 0 : i32
    "tpu.region"() ({
      %run_scoped3A_226 = tpu.sem_alloc : memref<!tpu.dma_semaphore, #tpu.memory_space<semaphore_mem>>
      %dma_start3A_227 = arith.constant 0 : i32
      %dma_start3A_228 = arith.constant 0 : i32
      %dma_start3A_229 = tpu.memref_slice %arg10[%run_scoped3A_41, %dma_start3A_227, %dma_start3A_228] : memref<2x40x128xf32, #tpu.memory_space<vmem>> -> memref<1x40x128xf32, #tpu.memory_space<vmem>>
      %dma_start3A_230 = tpu.memref_squeeze %dma_start3A_229 : memref<1x40x128xf32, #tpu.memory_space<vmem>> -> memref<40x128xf32, #tpu.memory_space<vmem>>
      %dma_start3A_231 = arith.constant 0 : i32
      %dma_start3A_232 = tpu.memref_slice %arg11[%add3A_40, %dma_start3A_231] : memref<10240x128xf32, #tpu.memory_space<vmem_shared>> -> memref<40x128xf32, #tpu.memory_space<vmem_shared>>
      %dma_start3A_233 = arith.constant 0 : i32
      %dma_start3A_234 = tpu.memref_slice %arg11[%add3A_40, %dma_start3A_233] : memref<10240x128xf32, #tpu.memory_space<vmem_shared>> -> memref<40x128xf32, #tpu.memory_space<vmem_shared>>
      %dma_start3A_235 = arith.constant 0 : i32
      %dma_start3A_236 = arith.constant 0 : i32
      %dma_start3A_237 = tpu.memref_slice %arg10[%run_scoped3A_41, %dma_start3A_235, %dma_start3A_236] : memref<2x40x128xf32, #tpu.memory_space<vmem>> -> memref<1x40x128xf32, #tpu.memory_space<vmem>>
      %dma_start3A_238 = tpu.memref_squeeze %dma_start3A_237 : memref<1x40x128xf32, #tpu.memory_space<vmem>> -> memref<40x128xf32, #tpu.memory_space<vmem>>
      tpu.enqueue_dma source(%dma_start3A_238 : memref<40x128xf32, #tpu.memory_space<vmem>>) target(%dma_start3A_234 : memref<40x128xf32, #tpu.memory_space<vmem_shared>>) target_semaphore(%run_scoped3A_226 : memref<!tpu.dma_semaphore, #tpu.memory_space<semaphore_mem>>)
      %dma_wait3A_239 = arith.constant 0 : i32
      %dma_wait3A_240 = arith.constant 0 : i32
      %dma_wait3A_241 = tpu.memref_slice %arg10[%run_scoped3A_41, %dma_wait3A_239, %dma_wait3A_240] : memref<2x40x128xf32, #tpu.memory_space<vmem>> -> memref<1x40x128xf32, #tpu.memory_space<vmem>>
      %dma_wait3A_242 = tpu.memref_squeeze %dma_wait3A_241 : memref<1x40x128xf32, #tpu.memory_space<vmem>> -> memref<40x128xf32, #tpu.memory_space<vmem>>
      %dma_wait3A_243 = arith.constant 0 : i32
      %dma_wait3A_244 = tpu.memref_slice %arg11[%add3A_40, %dma_wait3A_243] : memref<10240x128xf32, #tpu.memory_space<vmem_shared>> -> memref<40x128xf32, #tpu.memory_space<vmem_shared>>
      %dma_wait3A_245 = arith.constant 0 : i32
      %dma_wait3A_246 = tpu.memref_slice %arg11[%add3A_40, %dma_wait3A_245] : memref<10240x128xf32, #tpu.memory_space<vmem_shared>> -> memref<40x128xf32, #tpu.memory_space<vmem_shared>>
      %dma_wait3A_247 = arith.constant 0 : i32
      %dma_wait3A_248 = arith.constant 0 : i32
      %dma_wait3A_249 = tpu.memref_slice %arg10[%run_scoped3A_41, %dma_wait3A_247, %dma_wait3A_248] : memref<2x40x128xf32, #tpu.memory_space<vmem>> -> memref<1x40x128xf32, #tpu.memory_space<vmem>>
      %dma_wait3A_250 = tpu.memref_squeeze %dma_wait3A_249 : memref<1x40x128xf32, #tpu.memory_space<vmem>> -> memref<40x128xf32, #tpu.memory_space<vmem>>
      tpu.wait_dma2 semaphore(%run_scoped3A_226 : memref<!tpu.dma_semaphore, #tpu.memory_space<semaphore_mem>>) src(%dma_wait3A_250 : memref<40x128xf32, #tpu.memory_space<vmem>>) dst(%dma_wait3A_246 : memref<40x128xf32, #tpu.memory_space<vmem_shared>>)
      tpu.yield
    }) : () -> ()
    %mul3A_42 = arith.constant 640 : i32
    %mul3A_43 = arith.muli %arg1, %mul3A_42 : i32
    %add3A_44 = arith.constant 280 : i32
    %add3A_45 = arith.addi %mul3A_43, %add3A_44 : i32
    %run_scoped3A_46 = arith.constant 0 : i32
    "tpu.region"() ({
      %run_scoped3A_226 = tpu.sem_alloc : memref<!tpu.dma_semaphore, #tpu.memory_space<semaphore_mem>>
      %dma_start3A_227 = arith.constant 0 : i32
      %dma_start3A_228 = arith.constant 0 : i32
      %dma_start3A_229 = tpu.memref_slice %arg10[%run_scoped3A_46, %dma_start3A_227, %dma_start3A_228] : memref<2x40x128xf32, #tpu.memory_space<vmem>> -> memref<1x40x128xf32, #tpu.memory_space<vmem>>
      %dma_start3A_230 = tpu.memref_squeeze %dma_start3A_229 : memref<1x40x128xf32, #tpu.memory_space<vmem>> -> memref<40x128xf32, #tpu.memory_space<vmem>>
      %dma_start3A_231 = arith.constant 0 : i32
      %dma_start3A_232 = tpu.memref_slice %arg11[%add3A_45, %dma_start3A_231] : memref<10240x128xf32, #tpu.memory_space<vmem_shared>> -> memref<40x128xf32, #tpu.memory_space<vmem_shared>>
      %dma_start3A_233 = arith.constant 0 : i32
      %dma_start3A_234 = tpu.memref_slice %arg11[%add3A_45, %dma_start3A_233] : memref<10240x128xf32, #tpu.memory_space<vmem_shared>> -> memref<40x128xf32, #tpu.memory_space<vmem_shared>>
      %dma_start3A_235 = arith.constant 0 : i32
      %dma_start3A_236 = arith.constant 0 : i32
      %dma_start3A_237 = tpu.memref_slice %arg10[%run_scoped3A_46, %dma_start3A_235, %dma_start3A_236] : memref<2x40x128xf32, #tpu.memory_space<vmem>> -> memref<1x40x128xf32, #tpu.memory_space<vmem>>
      %dma_start3A_238 = tpu.memref_squeeze %dma_start3A_237 : memref<1x40x128xf32, #tpu.memory_space<vmem>> -> memref<40x128xf32, #tpu.memory_space<vmem>>
      tpu.enqueue_dma source(%dma_start3A_238 : memref<40x128xf32, #tpu.memory_space<vmem>>) target(%dma_start3A_234 : memref<40x128xf32, #tpu.memory_space<vmem_shared>>) target_semaphore(%run_scoped3A_226 : memref<!tpu.dma_semaphore, #tpu.memory_space<semaphore_mem>>)
      %dma_wait3A_239 = arith.constant 0 : i32
      %dma_wait3A_240 = arith.constant 0 : i32
      %dma_wait3A_241 = tpu.memref_slice %arg10[%run_scoped3A_46, %dma_wait3A_239, %dma_wait3A_240] : memref<2x40x128xf32, #tpu.memory_space<vmem>> -> memref<1x40x128xf32, #tpu.memory_space<vmem>>
      %dma_wait3A_242 = tpu.memref_squeeze %dma_wait3A_241 : memref<1x40x128xf32, #tpu.memory_space<vmem>> -> memref<40x128xf32, #tpu.memory_space<vmem>>
      %dma_wait3A_243 = arith.constant 0 : i32
      %dma_wait3A_244 = tpu.memref_slice %arg11[%add3A_45, %dma_wait3A_243] : memref<10240x128xf32, #tpu.memory_space<vmem_shared>> -> memref<40x128xf32, #tpu.memory_space<vmem_shared>>
      %dma_wait3A_245 = arith.constant 0 : i32
      %dma_wait3A_246 = tpu.memref_slice %arg11[%add3A_45, %dma_wait3A_245] : memref<10240x128xf32, #tpu.memory_space<vmem_shared>> -> memref<40x128xf32, #tpu.memory_space<vmem_shared>>
      %dma_wait3A_247 = arith.constant 0 : i32
      %dma_wait3A_248 = arith.constant 0 : i32
      %dma_wait3A_249 = tpu.memref_slice %arg10[%run_scoped3A_46, %dma_wait3A_247, %dma_wait3A_248] : memref<2x40x128xf32, #tpu.memory_space<vmem>> -> memref<1x40x128xf32, #tpu.memory_space<vmem>>
      %dma_wait3A_250 = tpu.memref_squeeze %dma_wait3A_249 : memref<1x40x128xf32, #tpu.memory_space<vmem>> -> memref<40x128xf32, #tpu.memory_space<vmem>>
      tpu.wait_dma2 semaphore(%run_scoped3A_226 : memref<!tpu.dma_semaphore, #tpu.memory_space<semaphore_mem>>) src(%dma_wait3A_250 : memref<40x128xf32, #tpu.memory_space<vmem>>) dst(%dma_wait3A_246 : memref<40x128xf32, #tpu.memory_space<vmem_shared>>)
      tpu.yield
    }) : () -> ()
    %mul3A_47 = arith.constant 640 : i32
    %mul3A_48 = arith.muli %arg1, %mul3A_47 : i32
    %add3A_49 = arith.constant 320 : i32
    %add3A_50 = arith.addi %mul3A_48, %add3A_49 : i32
    %run_scoped3A_51 = arith.constant 0 : i32
    "tpu.region"() ({
      %run_scoped3A_226 = tpu.sem_alloc : memref<!tpu.dma_semaphore, #tpu.memory_space<semaphore_mem>>
      %dma_start3A_227 = arith.constant 0 : i32
      %dma_start3A_228 = arith.constant 0 : i32
      %dma_start3A_229 = tpu.memref_slice %arg10[%run_scoped3A_51, %dma_start3A_227, %dma_start3A_228] : memref<2x40x128xf32, #tpu.memory_space<vmem>> -> memref<1x40x128xf32, #tpu.memory_space<vmem>>
      %dma_start3A_230 = tpu.memref_squeeze %dma_start3A_229 : memref<1x40x128xf32, #tpu.memory_space<vmem>> -> memref<40x128xf32, #tpu.memory_space<vmem>>
      %dma_start3A_231 = arith.constant 0 : i32
      %dma_start3A_232 = tpu.memref_slice %arg11[%add3A_50, %dma_start3A_231] : memref<10240x128xf32, #tpu.memory_space<vmem_shared>> -> memref<40x128xf32, #tpu.memory_space<vmem_shared>>
      %dma_start3A_233 = arith.constant 0 : i32
      %dma_start3A_234 = tpu.memref_slice %arg11[%add3A_50, %dma_start3A_233] : memref<10240x128xf32, #tpu.memory_space<vmem_shared>> -> memref<40x128xf32, #tpu.memory_space<vmem_shared>>
      %dma_start3A_235 = arith.constant 0 : i32
      %dma_start3A_236 = arith.constant 0 : i32
      %dma_start3A_237 = tpu.memref_slice %arg10[%run_scoped3A_51, %dma_start3A_235, %dma_start3A_236] : memref<2x40x128xf32, #tpu.memory_space<vmem>> -> memref<1x40x128xf32, #tpu.memory_space<vmem>>
      %dma_start3A_238 = tpu.memref_squeeze %dma_start3A_237 : memref<1x40x128xf32, #tpu.memory_space<vmem>> -> memref<40x128xf32, #tpu.memory_space<vmem>>
      tpu.enqueue_dma source(%dma_start3A_238 : memref<40x128xf32, #tpu.memory_space<vmem>>) target(%dma_start3A_234 : memref<40x128xf32, #tpu.memory_space<vmem_shared>>) target_semaphore(%run_scoped3A_226 : memref<!tpu.dma_semaphore, #tpu.memory_space<semaphore_mem>>)
      %dma_wait3A_239 = arith.constant 0 : i32
      %dma_wait3A_240 = arith.constant 0 : i32
      %dma_wait3A_241 = tpu.memref_slice %arg10[%run_scoped3A_51, %dma_wait3A_239, %dma_wait3A_240] : memref<2x40x128xf32, #tpu.memory_space<vmem>> -> memref<1x40x128xf32, #tpu.memory_space<vmem>>
      %dma_wait3A_242 = tpu.memref_squeeze %dma_wait3A_241 : memref<1x40x128xf32, #tpu.memory_space<vmem>> -> memref<40x128xf32, #tpu.memory_space<vmem>>
      %dma_wait3A_243 = arith.constant 0 : i32
      %dma_wait3A_244 = tpu.memref_slice %arg11[%add3A_50, %dma_wait3A_243] : memref<10240x128xf32, #tpu.memory_space<vmem_shared>> -> memref<40x128xf32, #tpu.memory_space<vmem_shared>>
      %dma_wait3A_245 = arith.constant 0 : i32
      %dma_wait3A_246 = tpu.memref_slice %arg11[%add3A_50, %dma_wait3A_245] : memref<10240x128xf32, #tpu.memory_space<vmem_shared>> -> memref<40x128xf32, #tpu.memory_space<vmem_shared>>
      %dma_wait3A_247 = arith.constant 0 : i32
      %dma_wait3A_248 = arith.constant 0 : i32
      %dma_wait3A_249 = tpu.memref_slice %arg10[%run_scoped3A_51, %dma_wait3A_247, %dma_wait3A_248] : memref<2x40x128xf32, #tpu.memory_space<vmem>> -> memref<1x40x128xf32, #tpu.memory_space<vmem>>
      %dma_wait3A_250 = tpu.memref_squeeze %dma_wait3A_249 : memref<1x40x128xf32, #tpu.memory_space<vmem>> -> memref<40x128xf32, #tpu.memory_space<vmem>>
      tpu.wait_dma2 semaphore(%run_scoped3A_226 : memref<!tpu.dma_semaphore, #tpu.memory_space<semaphore_mem>>) src(%dma_wait3A_250 : memref<40x128xf32, #tpu.memory_space<vmem>>) dst(%dma_wait3A_246 : memref<40x128xf32, #tpu.memory_space<vmem_shared>>)
      tpu.yield
    }) : () -> ()
    %mul3A_52 = arith.constant 640 : i32
    %mul3A_53 = arith.muli %arg1, %mul3A_52 : i32
    %add3A_54 = arith.constant 360 : i32
    %add3A_55 = arith.addi %mul3A_53, %add3A_54 : i32
    %run_scoped3A_56 = arith.constant 0 : i32
    "tpu.region"() ({
      %run_scoped3A_226 = tpu.sem_alloc : memref<!tpu.dma_semaphore, #tpu.memory_space<semaphore_mem>>
      %dma_start3A_227 = arith.constant 0 : i32
      %dma_start3A_228 = arith.constant 0 : i32
      %dma_start3A_229 = tpu.memref_slice %arg10[%run_scoped3A_56, %dma_start3A_227, %dma_start3A_228] : memref<2x40x128xf32, #tpu.memory_space<vmem>> -> memref<1x40x128xf32, #tpu.memory_space<vmem>>
      %dma_start3A_230 = tpu.memref_squeeze %dma_start3A_229 : memref<1x40x128xf32, #tpu.memory_space<vmem>> -> memref<40x128xf32, #tpu.memory_space<vmem>>
      %dma_start3A_231 = arith.constant 0 : i32
      %dma_start3A_232 = tpu.memref_slice %arg11[%add3A_55, %dma_start3A_231] : memref<10240x128xf32, #tpu.memory_space<vmem_shared>> -> memref<40x128xf32, #tpu.memory_space<vmem_shared>>
      %dma_start3A_233 = arith.constant 0 : i32
      %dma_start3A_234 = tpu.memref_slice %arg11[%add3A_55, %dma_start3A_233] : memref<10240x128xf32, #tpu.memory_space<vmem_shared>> -> memref<40x128xf32, #tpu.memory_space<vmem_shared>>
      %dma_start3A_235 = arith.constant 0 : i32
      %dma_start3A_236 = arith.constant 0 : i32
      %dma_start3A_237 = tpu.memref_slice %arg10[%run_scoped3A_56, %dma_start3A_235, %dma_start3A_236] : memref<2x40x128xf32, #tpu.memory_space<vmem>> -> memref<1x40x128xf32, #tpu.memory_space<vmem>>
      %dma_start3A_238 = tpu.memref_squeeze %dma_start3A_237 : memref<1x40x128xf32, #tpu.memory_space<vmem>> -> memref<40x128xf32, #tpu.memory_space<vmem>>
      tpu.enqueue_dma source(%dma_start3A_238 : memref<40x128xf32, #tpu.memory_space<vmem>>) target(%dma_start3A_234 : memref<40x128xf32, #tpu.memory_space<vmem_shared>>) target_semaphore(%run_scoped3A_226 : memref<!tpu.dma_semaphore, #tpu.memory_space<semaphore_mem>>)
      %dma_wait3A_239 = arith.constant 0 : i32
      %dma_wait3A_240 = arith.constant 0 : i32
      %dma_wait3A_241 = tpu.memref_slice %arg10[%run_scoped3A_56, %dma_wait3A_239, %dma_wait3A_240] : memref<2x40x128xf32, #tpu.memory_space<vmem>> -> memref<1x40x128xf32, #tpu.memory_space<vmem>>
      %dma_wait3A_242 = tpu.memref_squeeze %dma_wait3A_241 : memref<1x40x128xf32, #tpu.memory_space<vmem>> -> memref<40x128xf32, #tpu.memory_space<vmem>>
      %dma_wait3A_243 = arith.constant 0 : i32
      %dma_wait3A_244 = tpu.memref_slice %arg11[%add3A_55, %dma_wait3A_243] : memref<10240x128xf32, #tpu.memory_space<vmem_shared>> -> memref<40x128xf32, #tpu.memory_space<vmem_shared>>
      %dma_wait3A_245 = arith.constant 0 : i32
      %dma_wait3A_246 = tpu.memref_slice %arg11[%add3A_55, %dma_wait3A_245] : memref<10240x128xf32, #tpu.memory_space<vmem_shared>> -> memref<40x128xf32, #tpu.memory_space<vmem_shared>>
      %dma_wait3A_247 = arith.constant 0 : i32
      %dma_wait3A_248 = arith.constant 0 : i32
      %dma_wait3A_249 = tpu.memref_slice %arg10[%run_scoped3A_56, %dma_wait3A_247, %dma_wait3A_248] : memref<2x40x128xf32, #tpu.memory_space<vmem>> -> memref<1x40x128xf32, #tpu.memory_space<vmem>>
      %dma_wait3A_250 = tpu.memref_squeeze %dma_wait3A_249 : memref<1x40x128xf32, #tpu.memory_space<vmem>> -> memref<40x128xf32, #tpu.memory_space<vmem>>
      tpu.wait_dma2 semaphore(%run_scoped3A_226 : memref<!tpu.dma_semaphore, #tpu.memory_space<semaphore_mem>>) src(%dma_wait3A_250 : memref<40x128xf32, #tpu.memory_space<vmem>>) dst(%dma_wait3A_246 : memref<40x128xf32, #tpu.memory_space<vmem_shared>>)
      tpu.yield
    }) : () -> ()
    %mul3A_57 = arith.constant 640 : i32
    %mul3A_58 = arith.muli %arg1, %mul3A_57 : i32
    %add3A_59 = arith.constant 400 : i32
    %add3A_60 = arith.addi %mul3A_58, %add3A_59 : i32
    %run_scoped3A_61 = arith.constant 0 : i32
    "tpu.region"() ({
      %run_scoped3A_226 = tpu.sem_alloc : memref<!tpu.dma_semaphore, #tpu.memory_space<semaphore_mem>>
      %dma_start3A_227 = arith.constant 0 : i32
      %dma_start3A_228 = arith.constant 0 : i32
      %dma_start3A_229 = tpu.memref_slice %arg10[%run_scoped3A_61, %dma_start3A_227, %dma_start3A_228] : memref<2x40x128xf32, #tpu.memory_space<vmem>> -> memref<1x40x128xf32, #tpu.memory_space<vmem>>
      %dma_start3A_230 = tpu.memref_squeeze %dma_start3A_229 : memref<1x40x128xf32, #tpu.memory_space<vmem>> -> memref<40x128xf32, #tpu.memory_space<vmem>>
      %dma_start3A_231 = arith.constant 0 : i32
      %dma_start3A_232 = tpu.memref_slice %arg11[%add3A_60, %dma_start3A_231] : memref<10240x128xf32, #tpu.memory_space<vmem_shared>> -> memref<40x128xf32, #tpu.memory_space<vmem_shared>>
      %dma_start3A_233 = arith.constant 0 : i32
      %dma_start3A_234 = tpu.memref_slice %arg11[%add3A_60, %dma_start3A_233] : memref<10240x128xf32, #tpu.memory_space<vmem_shared>> -> memref<40x128xf32, #tpu.memory_space<vmem_shared>>
      %dma_start3A_235 = arith.constant 0 : i32
      %dma_start3A_236 = arith.constant 0 : i32
      %dma_start3A_237 = tpu.memref_slice %arg10[%run_scoped3A_61, %dma_start3A_235, %dma_start3A_236] : memref<2x40x128xf32, #tpu.memory_space<vmem>> -> memref<1x40x128xf32, #tpu.memory_space<vmem>>
      %dma_start3A_238 = tpu.memref_squeeze %dma_start3A_237 : memref<1x40x128xf32, #tpu.memory_space<vmem>> -> memref<40x128xf32, #tpu.memory_space<vmem>>
      tpu.enqueue_dma source(%dma_start3A_238 : memref<40x128xf32, #tpu.memory_space<vmem>>) target(%dma_start3A_234 : memref<40x128xf32, #tpu.memory_space<vmem_shared>>) target_semaphore(%run_scoped3A_226 : memref<!tpu.dma_semaphore, #tpu.memory_space<semaphore_mem>>)
      %dma_wait3A_239 = arith.constant 0 : i32
      %dma_wait3A_240 = arith.constant 0 : i32
      %dma_wait3A_241 = tpu.memref_slice %arg10[%run_scoped3A_61, %dma_wait3A_239, %dma_wait3A_240] : memref<2x40x128xf32, #tpu.memory_space<vmem>> -> memref<1x40x128xf32, #tpu.memory_space<vmem>>
      %dma_wait3A_242 = tpu.memref_squeeze %dma_wait3A_241 : memref<1x40x128xf32, #tpu.memory_space<vmem>> -> memref<40x128xf32, #tpu.memory_space<vmem>>
      %dma_wait3A_243 = arith.constant 0 : i32
      %dma_wait3A_244 = tpu.memref_slice %arg11[%add3A_60, %dma_wait3A_243] : memref<10240x128xf32, #tpu.memory_space<vmem_shared>> -> memref<40x128xf32, #tpu.memory_space<vmem_shared>>
      %dma_wait3A_245 = arith.constant 0 : i32
      %dma_wait3A_246 = tpu.memref_slice %arg11[%add3A_60, %dma_wait3A_245] : memref<10240x128xf32, #tpu.memory_space<vmem_shared>> -> memref<40x128xf32, #tpu.memory_space<vmem_shared>>
      %dma_wait3A_247 = arith.constant 0 : i32
      %dma_wait3A_248 = arith.constant 0 : i32
      %dma_wait3A_249 = tpu.memref_slice %arg10[%run_scoped3A_61, %dma_wait3A_247, %dma_wait3A_248] : memref<2x40x128xf32, #tpu.memory_space<vmem>> -> memref<1x40x128xf32, #tpu.memory_space<vmem>>
      %dma_wait3A_250 = tpu.memref_squeeze %dma_wait3A_249 : memref<1x40x128xf32, #tpu.memory_space<vmem>> -> memref<40x128xf32, #tpu.memory_space<vmem>>
      tpu.wait_dma2 semaphore(%run_scoped3A_226 : memref<!tpu.dma_semaphore, #tpu.memory_space<semaphore_mem>>) src(%dma_wait3A_250 : memref<40x128xf32, #tpu.memory_space<vmem>>) dst(%dma_wait3A_246 : memref<40x128xf32, #tpu.memory_space<vmem_shared>>)
      tpu.yield
    }) : () -> ()
    %mul3A_62 = arith.constant 640 : i32
    %mul3A_63 = arith.muli %arg1, %mul3A_62 : i32
    %add3A_64 = arith.constant 440 : i32
    %add3A_65 = arith.addi %mul3A_63, %add3A_64 : i32
    %run_scoped3A_66 = arith.constant 0 : i32
    "tpu.region"() ({
      %run_scoped3A_226 = tpu.sem_alloc : memref<!tpu.dma_semaphore, #tpu.memory_space<semaphore_mem>>
      %dma_start3A_227 = arith.constant 0 : i32
      %dma_start3A_228 = arith.constant 0 : i32
      %dma_start3A_229 = tpu.memref_slice %arg10[%run_scoped3A_66, %dma_start3A_227, %dma_start3A_228] : memref<2x40x128xf32, #tpu.memory_space<vmem>> -> memref<1x40x128xf32, #tpu.memory_space<vmem>>
      %dma_start3A_230 = tpu.memref_squeeze %dma_start3A_229 : memref<1x40x128xf32, #tpu.memory_space<vmem>> -> memref<40x128xf32, #tpu.memory_space<vmem>>
      %dma_start3A_231 = arith.constant 0 : i32
      %dma_start3A_232 = tpu.memref_slice %arg11[%add3A_65, %dma_start3A_231] : memref<10240x128xf32, #tpu.memory_space<vmem_shared>> -> memref<40x128xf32, #tpu.memory_space<vmem_shared>>
      %dma_start3A_233 = arith.constant 0 : i32
      %dma_start3A_234 = tpu.memref_slice %arg11[%add3A_65, %dma_start3A_233] : memref<10240x128xf32, #tpu.memory_space<vmem_shared>> -> memref<40x128xf32, #tpu.memory_space<vmem_shared>>
      %dma_start3A_235 = arith.constant 0 : i32
      %dma_start3A_236 = arith.constant 0 : i32
      %dma_start3A_237 = tpu.memref_slice %arg10[%run_scoped3A_66, %dma_start3A_235, %dma_start3A_236] : memref<2x40x128xf32, #tpu.memory_space<vmem>> -> memref<1x40x128xf32, #tpu.memory_space<vmem>>
      %dma_start3A_238 = tpu.memref_squeeze %dma_start3A_237 : memref<1x40x128xf32, #tpu.memory_space<vmem>> -> memref<40x128xf32, #tpu.memory_space<vmem>>
      tpu.enqueue_dma source(%dma_start3A_238 : memref<40x128xf32, #tpu.memory_space<vmem>>) target(%dma_start3A_234 : memref<40x128xf32, #tpu.memory_space<vmem_shared>>) target_semaphore(%run_scoped3A_226 : memref<!tpu.dma_semaphore, #tpu.memory_space<semaphore_mem>>)
      %dma_wait3A_239 = arith.constant 0 : i32
      %dma_wait3A_240 = arith.constant 0 : i32
      %dma_wait3A_241 = tpu.memref_slice %arg10[%run_scoped3A_66, %dma_wait3A_239, %dma_wait3A_240] : memref<2x40x128xf32, #tpu.memory_space<vmem>> -> memref<1x40x128xf32, #tpu.memory_space<vmem>>
      %dma_wait3A_242 = tpu.memref_squeeze %dma_wait3A_241 : memref<1x40x128xf32, #tpu.memory_space<vmem>> -> memref<40x128xf32, #tpu.memory_space<vmem>>
      %dma_wait3A_243 = arith.constant 0 : i32
      %dma_wait3A_244 = tpu.memref_slice %arg11[%add3A_65, %dma_wait3A_243] : memref<10240x128xf32, #tpu.memory_space<vmem_shared>> -> memref<40x128xf32, #tpu.memory_space<vmem_shared>>
      %dma_wait3A_245 = arith.constant 0 : i32
      %dma_wait3A_246 = tpu.memref_slice %arg11[%add3A_65, %dma_wait3A_245] : memref<10240x128xf32, #tpu.memory_space<vmem_shared>> -> memref<40x128xf32, #tpu.memory_space<vmem_shared>>
      %dma_wait3A_247 = arith.constant 0 : i32
      %dma_wait3A_248 = arith.constant 0 : i32
      %dma_wait3A_249 = tpu.memref_slice %arg10[%run_scoped3A_66, %dma_wait3A_247, %dma_wait3A_248] : memref<2x40x128xf32, #tpu.memory_space<vmem>> -> memref<1x40x128xf32, #tpu.memory_space<vmem>>
      %dma_wait3A_250 = tpu.memref_squeeze %dma_wait3A_249 : memref<1x40x128xf32, #tpu.memory_space<vmem>> -> memref<40x128xf32, #tpu.memory_space<vmem>>
      tpu.wait_dma2 semaphore(%run_scoped3A_226 : memref<!tpu.dma_semaphore, #tpu.memory_space<semaphore_mem>>) src(%dma_wait3A_250 : memref<40x128xf32, #tpu.memory_space<vmem>>) dst(%dma_wait3A_246 : memref<40x128xf32, #tpu.memory_space<vmem_shared>>)
      tpu.yield
    }) : () -> ()
    %mul3A_67 = arith.constant 640 : i32
    %mul3A_68 = arith.muli %arg1, %mul3A_67 : i32
    %add3A_69 = arith.constant 480 : i32
    %add3A_70 = arith.addi %mul3A_68, %add3A_69 : i32
    %run_scoped3A_71 = arith.constant 0 : i32
    "tpu.region"() ({
      %run_scoped3A_226 = tpu.sem_alloc : memref<!tpu.dma_semaphore, #tpu.memory_space<semaphore_mem>>
      %dma_start3A_227 = arith.constant 0 : i32
      %dma_start3A_228 = arith.constant 0 : i32
      %dma_start3A_229 = tpu.memref_slice %arg10[%run_scoped3A_71, %dma_start3A_227, %dma_start3A_228] : memref<2x40x128xf32, #tpu.memory_space<vmem>> -> memref<1x40x128xf32, #tpu.memory_space<vmem>>
      %dma_start3A_230 = tpu.memref_squeeze %dma_start3A_229 : memref<1x40x128xf32, #tpu.memory_space<vmem>> -> memref<40x128xf32, #tpu.memory_space<vmem>>
      %dma_start3A_231 = arith.constant 0 : i32
      %dma_start3A_232 = tpu.memref_slice %arg11[%add3A_70, %dma_start3A_231] : memref<10240x128xf32, #tpu.memory_space<vmem_shared>> -> memref<40x128xf32, #tpu.memory_space<vmem_shared>>
      %dma_start3A_233 = arith.constant 0 : i32
      %dma_start3A_234 = tpu.memref_slice %arg11[%add3A_70, %dma_start3A_233] : memref<10240x128xf32, #tpu.memory_space<vmem_shared>> -> memref<40x128xf32, #tpu.memory_space<vmem_shared>>
      %dma_start3A_235 = arith.constant 0 : i32
      %dma_start3A_236 = arith.constant 0 : i32
      %dma_start3A_237 = tpu.memref_slice %arg10[%run_scoped3A_71, %dma_start3A_235, %dma_start3A_236] : memref<2x40x128xf32, #tpu.memory_space<vmem>> -> memref<1x40x128xf32, #tpu.memory_space<vmem>>
      %dma_start3A_238 = tpu.memref_squeeze %dma_start3A_237 : memref<1x40x128xf32, #tpu.memory_space<vmem>> -> memref<40x128xf32, #tpu.memory_space<vmem>>
      tpu.enqueue_dma source(%dma_start3A_238 : memref<40x128xf32, #tpu.memory_space<vmem>>) target(%dma_start3A_234 : memref<40x128xf32, #tpu.memory_space<vmem_shared>>) target_semaphore(%run_scoped3A_226 : memref<!tpu.dma_semaphore, #tpu.memory_space<semaphore_mem>>)
      %dma_wait3A_239 = arith.constant 0 : i32
      %dma_wait3A_240 = arith.constant 0 : i32
      %dma_wait3A_241 = tpu.memref_slice %arg10[%run_scoped3A_71, %dma_wait3A_239, %dma_wait3A_240] : memref<2x40x128xf32, #tpu.memory_space<vmem>> -> memref<1x40x128xf32, #tpu.memory_space<vmem>>
      %dma_wait3A_242 = tpu.memref_squeeze %dma_wait3A_241 : memref<1x40x128xf32, #tpu.memory_space<vmem>> -> memref<40x128xf32, #tpu.memory_space<vmem>>
      %dma_wait3A_243 = arith.constant 0 : i32
      %dma_wait3A_244 = tpu.memref_slice %arg11[%add3A_70, %dma_wait3A_243] : memref<10240x128xf32, #tpu.memory_space<vmem_shared>> -> memref<40x128xf32, #tpu.memory_space<vmem_shared>>
      %dma_wait3A_245 = arith.constant 0 : i32
      %dma_wait3A_246 = tpu.memref_slice %arg11[%add3A_70, %dma_wait3A_245] : memref<10240x128xf32, #tpu.memory_space<vmem_shared>> -> memref<40x128xf32, #tpu.memory_space<vmem_shared>>
      %dma_wait3A_247 = arith.constant 0 : i32
      %dma_wait3A_248 = arith.constant 0 : i32
      %dma_wait3A_249 = tpu.memref_slice %arg10[%run_scoped3A_71, %dma_wait3A_247, %dma_wait3A_248] : memref<2x40x128xf32, #tpu.memory_space<vmem>> -> memref<1x40x128xf32, #tpu.memory_space<vmem>>
      %dma_wait3A_250 = tpu.memref_squeeze %dma_wait3A_249 : memref<1x40x128xf32, #tpu.memory_space<vmem>> -> memref<40x128xf32, #tpu.memory_space<vmem>>
      tpu.wait_dma2 semaphore(%run_scoped3A_226 : memref<!tpu.dma_semaphore, #tpu.memory_space<semaphore_mem>>) src(%dma_wait3A_250 : memref<40x128xf32, #tpu.memory_space<vmem>>) dst(%dma_wait3A_246 : memref<40x128xf32, #tpu.memory_space<vmem_shared>>)
      tpu.yield
    }) : () -> ()
    %mul3A_72 = arith.constant 640 : i32
    %mul3A_73 = arith.muli %arg1, %mul3A_72 : i32
    %add3A_74 = arith.constant 520 : i32
    %add3A_75 = arith.addi %mul3A_73, %add3A_74 : i32
    %run_scoped3A_76 = arith.constant 0 : i32
    "tpu.region"() ({
      %run_scoped3A_226 = tpu.sem_alloc : memref<!tpu.dma_semaphore, #tpu.memory_space<semaphore_mem>>
      %dma_start3A_227 = arith.constant 0 : i32
      %dma_start3A_228 = arith.constant 0 : i32
      %dma_start3A_229 = tpu.memref_slice %arg10[%run_scoped3A_76, %dma_start3A_227, %dma_start3A_228] : memref<2x40x128xf32, #tpu.memory_space<vmem>> -> memref<1x40x128xf32, #tpu.memory_space<vmem>>
      %dma_start3A_230 = tpu.memref_squeeze %dma_start3A_229 : memref<1x40x128xf32, #tpu.memory_space<vmem>> -> memref<40x128xf32, #tpu.memory_space<vmem>>
      %dma_start3A_231 = arith.constant 0 : i32
      %dma_start3A_232 = tpu.memref_slice %arg11[%add3A_75, %dma_start3A_231] : memref<10240x128xf32, #tpu.memory_space<vmem_shared>> -> memref<40x128xf32, #tpu.memory_space<vmem_shared>>
      %dma_start3A_233 = arith.constant 0 : i32
      %dma_start3A_234 = tpu.memref_slice %arg11[%add3A_75, %dma_start3A_233] : memref<10240x128xf32, #tpu.memory_space<vmem_shared>> -> memref<40x128xf32, #tpu.memory_space<vmem_shared>>
      %dma_start3A_235 = arith.constant 0 : i32
      %dma_start3A_236 = arith.constant 0 : i32
      %dma_start3A_237 = tpu.memref_slice %arg10[%run_scoped3A_76, %dma_start3A_235, %dma_start3A_236] : memref<2x40x128xf32, #tpu.memory_space<vmem>> -> memref<1x40x128xf32, #tpu.memory_space<vmem>>
      %dma_start3A_238 = tpu.memref_squeeze %dma_start3A_237 : memref<1x40x128xf32, #tpu.memory_space<vmem>> -> memref<40x128xf32, #tpu.memory_space<vmem>>
      tpu.enqueue_dma source(%dma_start3A_238 : memref<40x128xf32, #tpu.memory_space<vmem>>) target(%dma_start3A_234 : memref<40x128xf32, #tpu.memory_space<vmem_shared>>) target_semaphore(%run_scoped3A_226 : memref<!tpu.dma_semaphore, #tpu.memory_space<semaphore_mem>>)
      %dma_wait3A_239 = arith.constant 0 : i32
      %dma_wait3A_240 = arith.constant 0 : i32
      %dma_wait3A_241 = tpu.memref_slice %arg10[%run_scoped3A_76, %dma_wait3A_239, %dma_wait3A_240] : memref<2x40x128xf32, #tpu.memory_space<vmem>> -> memref<1x40x128xf32, #tpu.memory_space<vmem>>
      %dma_wait3A_242 = tpu.memref_squeeze %dma_wait3A_241 : memref<1x40x128xf32, #tpu.memory_space<vmem>> -> memref<40x128xf32, #tpu.memory_space<vmem>>
      %dma_wait3A_243 = arith.constant 0 : i32
      %dma_wait3A_244 = tpu.memref_slice %arg11[%add3A_75, %dma_wait3A_243] : memref<10240x128xf32, #tpu.memory_space<vmem_shared>> -> memref<40x128xf32, #tpu.memory_space<vmem_shared>>
      %dma_wait3A_245 = arith.constant 0 : i32
      %dma_wait3A_246 = tpu.memref_slice %arg11[%add3A_75, %dma_wait3A_245] : memref<10240x128xf32, #tpu.memory_space<vmem_shared>> -> memref<40x128xf32, #tpu.memory_space<vmem_shared>>
      %dma_wait3A_247 = arith.constant 0 : i32
      %dma_wait3A_248 = arith.constant 0 : i32
      %dma_wait3A_249 = tpu.memref_slice %arg10[%run_scoped3A_76, %dma_wait3A_247, %dma_wait3A_248] : memref<2x40x128xf32, #tpu.memory_space<vmem>> -> memref<1x40x128xf32, #tpu.memory_space<vmem>>
      %dma_wait3A_250 = tpu.memref_squeeze %dma_wait3A_249 : memref<1x40x128xf32, #tpu.memory_space<vmem>> -> memref<40x128xf32, #tpu.memory_space<vmem>>
      tpu.wait_dma2 semaphore(%run_scoped3A_226 : memref<!tpu.dma_semaphore, #tpu.memory_space<semaphore_mem>>) src(%dma_wait3A_250 : memref<40x128xf32, #tpu.memory_space<vmem>>) dst(%dma_wait3A_246 : memref<40x128xf32, #tpu.memory_space<vmem_shared>>)
      tpu.yield
    }) : () -> ()
    %mul3A_77 = arith.constant 640 : i32
    %mul3A_78 = arith.muli %arg1, %mul3A_77 : i32
    %add3A_79 = arith.constant 560 : i32
    %add3A_80 = arith.addi %mul3A_78, %add3A_79 : i32
    %run_scoped3A_81 = arith.constant 0 : i32
    "tpu.region"() ({
      %run_scoped3A_226 = tpu.sem_alloc : memref<!tpu.dma_semaphore, #tpu.memory_space<semaphore_mem>>
      %dma_start3A_227 = arith.constant 0 : i32
      %dma_start3A_228 = arith.constant 0 : i32
      %dma_start3A_229 = tpu.memref_slice %arg10[%run_scoped3A_81, %dma_start3A_227, %dma_start3A_228] : memref<2x40x128xf32, #tpu.memory_space<vmem>> -> memref<1x40x128xf32, #tpu.memory_space<vmem>>
      %dma_start3A_230 = tpu.memref_squeeze %dma_start3A_229 : memref<1x40x128xf32, #tpu.memory_space<vmem>> -> memref<40x128xf32, #tpu.memory_space<vmem>>
      %dma_start3A_231 = arith.constant 0 : i32
      %dma_start3A_232 = tpu.memref_slice %arg11[%add3A_80, %dma_start3A_231] : memref<10240x128xf32, #tpu.memory_space<vmem_shared>> -> memref<40x128xf32, #tpu.memory_space<vmem_shared>>
      %dma_start3A_233 = arith.constant 0 : i32
      %dma_start3A_234 = tpu.memref_slice %arg11[%add3A_80, %dma_start3A_233] : memref<10240x128xf32, #tpu.memory_space<vmem_shared>> -> memref<40x128xf32, #tpu.memory_space<vmem_shared>>
      %dma_start3A_235 = arith.constant 0 : i32
      %dma_start3A_236 = arith.constant 0 : i32
      %dma_start3A_237 = tpu.memref_slice %arg10[%run_scoped3A_81, %dma_start3A_235, %dma_start3A_236] : memref<2x40x128xf32, #tpu.memory_space<vmem>> -> memref<1x40x128xf32, #tpu.memory_space<vmem>>
      %dma_start3A_238 = tpu.memref_squeeze %dma_start3A_237 : memref<1x40x128xf32, #tpu.memory_space<vmem>> -> memref<40x128xf32, #tpu.memory_space<vmem>>
      tpu.enqueue_dma source(%dma_start3A_238 : memref<40x128xf32, #tpu.memory_space<vmem>>) target(%dma_start3A_234 : memref<40x128xf32, #tpu.memory_space<vmem_shared>>) target_semaphore(%run_scoped3A_226 : memref<!tpu.dma_semaphore, #tpu.memory_space<semaphore_mem>>)
      %dma_wait3A_239 = arith.constant 0 : i32
      %dma_wait3A_240 = arith.constant 0 : i32
      %dma_wait3A_241 = tpu.memref_slice %arg10[%run_scoped3A_81, %dma_wait3A_239, %dma_wait3A_240] : memref<2x40x128xf32, #tpu.memory_space<vmem>> -> memref<1x40x128xf32, #tpu.memory_space<vmem>>
      %dma_wait3A_242 = tpu.memref_squeeze %dma_wait3A_241 : memref<1x40x128xf32, #tpu.memory_space<vmem>> -> memref<40x128xf32, #tpu.memory_space<vmem>>
      %dma_wait3A_243 = arith.constant 0 : i32
      %dma_wait3A_244 = tpu.memref_slice %arg11[%add3A_80, %dma_wait3A_243] : memref<10240x128xf32, #tpu.memory_space<vmem_shared>> -> memref<40x128xf32, #tpu.memory_space<vmem_shared>>
      %dma_wait3A_245 = arith.constant 0 : i32
      %dma_wait3A_246 = tpu.memref_slice %arg11[%add3A_80, %dma_wait3A_245] : memref<10240x128xf32, #tpu.memory_space<vmem_shared>> -> memref<40x128xf32, #tpu.memory_space<vmem_shared>>
      %dma_wait3A_247 = arith.constant 0 : i32
      %dma_wait3A_248 = arith.constant 0 : i32
      %dma_wait3A_249 = tpu.memref_slice %arg10[%run_scoped3A_81, %dma_wait3A_247, %dma_wait3A_248] : memref<2x40x128xf32, #tpu.memory_space<vmem>> -> memref<1x40x128xf32, #tpu.memory_space<vmem>>
      %dma_wait3A_250 = tpu.memref_squeeze %dma_wait3A_249 : memref<1x40x128xf32, #tpu.memory_space<vmem>> -> memref<40x128xf32, #tpu.memory_space<vmem>>
      tpu.wait_dma2 semaphore(%run_scoped3A_226 : memref<!tpu.dma_semaphore, #tpu.memory_space<semaphore_mem>>) src(%dma_wait3A_250 : memref<40x128xf32, #tpu.memory_space<vmem>>) dst(%dma_wait3A_246 : memref<40x128xf32, #tpu.memory_space<vmem_shared>>)
      tpu.yield
    }) : () -> ()
    %mul3A_82 = arith.constant 640 : i32
    %mul3A_83 = arith.muli %arg1, %mul3A_82 : i32
    %add3A_84 = arith.constant 600 : i32
    %add3A_85 = arith.addi %mul3A_83, %add3A_84 : i32
    %run_scoped3A_86 = arith.constant 0 : i32
    "tpu.region"() ({
      %run_scoped3A_226 = tpu.sem_alloc : memref<!tpu.dma_semaphore, #tpu.memory_space<semaphore_mem>>
      %dma_start3A_227 = arith.constant 0 : i32
      %dma_start3A_228 = arith.constant 0 : i32
      %dma_start3A_229 = tpu.memref_slice %arg10[%run_scoped3A_86, %dma_start3A_227, %dma_start3A_228] : memref<2x40x128xf32, #tpu.memory_space<vmem>> -> memref<1x40x128xf32, #tpu.memory_space<vmem>>
      %dma_start3A_230 = tpu.memref_squeeze %dma_start3A_229 : memref<1x40x128xf32, #tpu.memory_space<vmem>> -> memref<40x128xf32, #tpu.memory_space<vmem>>
      %dma_start3A_231 = arith.constant 0 : i32
      %dma_start3A_232 = tpu.memref_slice %arg11[%add3A_85, %dma_start3A_231] : memref<10240x128xf32, #tpu.memory_space<vmem_shared>> -> memref<40x128xf32, #tpu.memory_space<vmem_shared>>
      %dma_start3A_233 = arith.constant 0 : i32
      %dma_start3A_234 = tpu.memref_slice %arg11[%add3A_85, %dma_start3A_233] : memref<10240x128xf32, #tpu.memory_space<vmem_shared>> -> memref<40x128xf32, #tpu.memory_space<vmem_shared>>
      %dma_start3A_235 = arith.constant 0 : i32
      %dma_start3A_236 = arith.constant 0 : i32
      %dma_start3A_237 = tpu.memref_slice %arg10[%run_scoped3A_86, %dma_start3A_235, %dma_start3A_236] : memref<2x40x128xf32, #tpu.memory_space<vmem>> -> memref<1x40x128xf32, #tpu.memory_space<vmem>>
      %dma_start3A_238 = tpu.memref_squeeze %dma_start3A_237 : memref<1x40x128xf32, #tpu.memory_space<vmem>> -> memref<40x128xf32, #tpu.memory_space<vmem>>
      tpu.enqueue_dma source(%dma_start3A_238 : memref<40x128xf32, #tpu.memory_space<vmem>>) target(%dma_start3A_234 : memref<40x128xf32, #tpu.memory_space<vmem_shared>>) target_semaphore(%run_scoped3A_226 : memref<!tpu.dma_semaphore, #tpu.memory_space<semaphore_mem>>)
      %dma_wait3A_239 = arith.constant 0 : i32
      %dma_wait3A_240 = arith.constant 0 : i32
      %dma_wait3A_241 = tpu.memref_slice %arg10[%run_scoped3A_86, %dma_wait3A_239, %dma_wait3A_240] : memref<2x40x128xf32, #tpu.memory_space<vmem>> -> memref<1x40x128xf32, #tpu.memory_space<vmem>>
      %dma_wait3A_242 = tpu.memref_squeeze %dma_wait3A_241 : memref<1x40x128xf32, #tpu.memory_space<vmem>> -> memref<40x128xf32, #tpu.memory_space<vmem>>
      %dma_wait3A_243 = arith.constant 0 : i32
      %dma_wait3A_244 = tpu.memref_slice %arg11[%add3A_85, %dma_wait3A_243] : memref<10240x128xf32, #tpu.memory_space<vmem_shared>> -> memref<40x128xf32, #tpu.memory_space<vmem_shared>>
      %dma_wait3A_245 = arith.constant 0 : i32
      %dma_wait3A_246 = tpu.memref_slice %arg11[%add3A_85, %dma_wait3A_245] : memref<10240x128xf32, #tpu.memory_space<vmem_shared>> -> memref<40x128xf32, #tpu.memory_space<vmem_shared>>
      %dma_wait3A_247 = arith.constant 0 : i32
      %dma_wait3A_248 = arith.constant 0 : i32
      %dma_wait3A_249 = tpu.memref_slice %arg10[%run_scoped3A_86, %dma_wait3A_247, %dma_wait3A_248] : memref<2x40x128xf32, #tpu.memory_space<vmem>> -> memref<1x40x128xf32, #tpu.memory_space<vmem>>
      %dma_wait3A_250 = tpu.memref_squeeze %dma_wait3A_249 : memref<1x40x128xf32, #tpu.memory_space<vmem>> -> memref<40x128xf32, #tpu.memory_space<vmem>>
      tpu.wait_dma2 semaphore(%run_scoped3A_226 : memref<!tpu.dma_semaphore, #tpu.memory_space<semaphore_mem>>) src(%dma_wait3A_250 : memref<40x128xf32, #tpu.memory_space<vmem>>) dst(%dma_wait3A_246 : memref<40x128xf32, #tpu.memory_space<vmem_shared>>)
      tpu.yield
    }) : () -> ()
    %barrier3A = arith.constant 0 : index
    tpu.barrier barrier_id(%barrier3A)
    %iota3A = tpu.iota {dimensions = array<i32: 0>} : vector<16xi32>
    %xor3A = arith.constant 8 : i32
    %xor3A_87 = vector.broadcast %xor3A : i32 to vector<16xi32>
    %xor3A_88 = arith.xori %iota3A, %xor3A_87 : vector<16xi32>
    %xor3A_89 = arith.constant 4 : i32
    %xor3A_90 = vector.broadcast %xor3A_89 : i32 to vector<16xi32>
    %xor3A_91 = arith.xori %iota3A, %xor3A_90 : vector<16xi32>
    %xor3A_92 = arith.constant 2 : i32
    %xor3A_93 = vector.broadcast %xor3A_92 : i32 to vector<16xi32>
    %xor3A_94 = arith.xori %iota3A, %xor3A_93 : vector<16xi32>
    %xor3A_95 = arith.constant 1 : i32
    %xor3A_96 = vector.broadcast %xor3A_95 : i32 to vector<16xi32>
    %xor3A_97 = arith.xori %iota3A, %xor3A_96 : vector<16xi32>
    %lt3A = arith.constant 8 : i32
    %lt3A_98 = vector.broadcast %lt3A : i32 to vector<16xi32>
    %lt3A_99 = arith.cmpi slt, %iota3A, %lt3A_98 : vector<16xi32>
    %and3A = arith.constant 4 : i32
    %and3A_100 = vector.broadcast %and3A : i32 to vector<16xi32>
    %and3A_101 = arith.andi %iota3A, %and3A_100 : vector<16xi32>
    %eq3A = arith.constant 0 : i32
    %eq3A_102 = vector.broadcast %eq3A : i32 to vector<16xi32>
    %eq3A_103 = arith.cmpi eq, %and3A_101, %eq3A_102 : vector<16xi32>
    %and3A_104 = arith.constant 2 : i32
    %and3A_105 = vector.broadcast %and3A_104 : i32 to vector<16xi32>
    %and3A_106 = arith.andi %iota3A, %and3A_105 : vector<16xi32>
    %eq3A_107 = arith.constant 0 : i32
    %eq3A_108 = vector.broadcast %eq3A_107 : i32 to vector<16xi32>
    %eq3A_109 = arith.cmpi eq, %and3A_106, %eq3A_108 : vector<16xi32>
    %dma_start3A = arith.constant 0 : i32
    %dma_start3A_110 = arith.constant 0 : i32
    %dma_start3A_111 = arith.constant 0 : i32
    %dma_start3A_112 = arith.constant 0 : i32
    %dma_start3A_113 = arith.constant 0 : i32
    %dma_start3A_114 = tpu.memref_slice %arg6[%dma_start3A_110, %dma_start3A_112, %dma_start3A_113] : memref<2x1x80xi32, #tpu.memory_space<vmem>> -> memref<1x1x80xi32, #tpu.memory_space<vmem>>
    %dma_start3A_115 = tpu.memref_squeeze %dma_start3A_114 : memref<1x1x80xi32, #tpu.memory_space<vmem>> -> memref<1x80xi32, #tpu.memory_space<vmem>>
    %dma_start3A_116 = arith.constant 0 : i32
    %dma_start3A_117 = arith.constant 0 : i32
    %dma_start3A_118 = tpu.memref_slice %arg4[%add3A, %dma_start3A, %dma_start3A_116, %dma_start3A_117] : memref<32x250x1x80xi32, #tpu.memory_space<hbm>> -> memref<1x1x1x80xi32, #tpu.memory_space<hbm>>
    %dma_start3A_119 = tpu.memref_squeeze %dma_start3A_118 : memref<1x1x1x80xi32, #tpu.memory_space<hbm>> -> memref<1x80xi32, #tpu.memory_space<hbm>>
    %dma_start3A_120 = tpu.memref_slice %arg12[%dma_start3A_111] : memref<2x!tpu.dma_semaphore, #tpu.memory_space<semaphore_mem>> -> memref<1x!tpu.dma_semaphore, #tpu.memory_space<semaphore_mem>>
    %dma_start3A_121 = tpu.memref_squeeze %dma_start3A_120 : memref<1x!tpu.dma_semaphore, #tpu.memory_space<semaphore_mem>> -> memref<!tpu.dma_semaphore, #tpu.memory_space<semaphore_mem>>
    %dma_start3A_122 = arith.constant 0 : i32
    %dma_start3A_123 = arith.constant 0 : i32
    %dma_start3A_124 = tpu.memref_slice %arg6[%dma_start3A_110, %dma_start3A_122, %dma_start3A_123] : memref<2x1x80xi32, #tpu.memory_space<vmem>> -> memref<1x1x80xi32, #tpu.memory_space<vmem>>
    %dma_start3A_125 = tpu.memref_squeeze %dma_start3A_124 : memref<1x1x80xi32, #tpu.memory_space<vmem>> -> memref<1x80xi32, #tpu.memory_space<vmem>>
    %dma_start3A_126 = arith.constant 0 : i32
    %dma_start3A_127 = arith.constant 0 : i32
    %dma_start3A_128 = tpu.memref_slice %arg4[%add3A, %dma_start3A, %dma_start3A_126, %dma_start3A_127] : memref<32x250x1x80xi32, #tpu.memory_space<hbm>> -> memref<1x1x1x80xi32, #tpu.memory_space<hbm>>
    %dma_start3A_129 = tpu.memref_squeeze %dma_start3A_128 : memref<1x1x1x80xi32, #tpu.memory_space<hbm>> -> memref<1x80xi32, #tpu.memory_space<hbm>>
    tpu.enqueue_dma source(%dma_start3A_129 : memref<1x80xi32, #tpu.memory_space<hbm>>) target(%dma_start3A_125 : memref<1x80xi32, #tpu.memory_space<vmem>>) target_semaphore(%dma_start3A_121 : memref<!tpu.dma_semaphore, #tpu.memory_space<semaphore_mem>>)
    %dma_wait3A = arith.constant 0 : i32
    %dma_wait3A_130 = arith.constant 0 : i32
    %dma_wait3A_131 = arith.constant 0 : i32
    %dma_wait3A_132 = arith.constant 0 : i32
    %dma_wait3A_133 = arith.constant 0 : i32
    %dma_wait3A_134 = tpu.memref_slice %arg6[%dma_wait3A_130, %dma_wait3A_132, %dma_wait3A_133] : memref<2x1x80xi32, #tpu.memory_space<vmem>> -> memref<1x1x80xi32, #tpu.memory_space<vmem>>
    %dma_wait3A_135 = tpu.memref_squeeze %dma_wait3A_134 : memref<1x1x80xi32, #tpu.memory_space<vmem>> -> memref<1x80xi32, #tpu.memory_space<vmem>>
    %dma_wait3A_136 = arith.constant 0 : i32
    %dma_wait3A_137 = arith.constant 0 : i32
    %dma_wait3A_138 = tpu.memref_slice %arg4[%add3A, %dma_wait3A, %dma_wait3A_136, %dma_wait3A_137] : memref<32x250x1x80xi32, #tpu.memory_space<hbm>> -> memref<1x1x1x80xi32, #tpu.memory_space<hbm>>
    %dma_wait3A_139 = tpu.memref_squeeze %dma_wait3A_138 : memref<1x1x1x80xi32, #tpu.memory_space<hbm>> -> memref<1x80xi32, #tpu.memory_space<hbm>>
    %dma_wait3A_140 = tpu.memref_slice %arg12[%dma_wait3A_131] : memref<2x!tpu.dma_semaphore, #tpu.memory_space<semaphore_mem>> -> memref<1x!tpu.dma_semaphore, #tpu.memory_space<semaphore_mem>>
    %dma_wait3A_141 = tpu.memref_squeeze %dma_wait3A_140 : memref<1x!tpu.dma_semaphore, #tpu.memory_space<semaphore_mem>> -> memref<!tpu.dma_semaphore, #tpu.memory_space<semaphore_mem>>
    %dma_wait3A_142 = arith.constant 0 : i32
    %dma_wait3A_143 = arith.constant 0 : i32
    %dma_wait3A_144 = tpu.memref_slice %arg6[%dma_wait3A_130, %dma_wait3A_142, %dma_wait3A_143] : memref<2x1x80xi32, #tpu.memory_space<vmem>> -> memref<1x1x80xi32, #tpu.memory_space<vmem>>
    %dma_wait3A_145 = tpu.memref_squeeze %dma_wait3A_144 : memref<1x1x80xi32, #tpu.memory_space<vmem>> -> memref<1x80xi32, #tpu.memory_space<vmem>>
    %dma_wait3A_146 = arith.constant 0 : i32
    %dma_wait3A_147 = arith.constant 0 : i32
    %dma_wait3A_148 = tpu.memref_slice %arg4[%add3A, %dma_wait3A, %dma_wait3A_146, %dma_wait3A_147] : memref<32x250x1x80xi32, #tpu.memory_space<hbm>> -> memref<1x1x1x80xi32, #tpu.memory_space<hbm>>
    %dma_wait3A_149 = tpu.memref_squeeze %dma_wait3A_148 : memref<1x1x1x80xi32, #tpu.memory_space<hbm>> -> memref<1x80xi32, #tpu.memory_space<hbm>>
    tpu.wait_dma2 semaphore(%dma_wait3A_141 : memref<!tpu.dma_semaphore, #tpu.memory_space<semaphore_mem>>) src(%dma_wait3A_149 : memref<1x80xi32, #tpu.memory_space<hbm>>) dst(%dma_wait3A_145 : memref<1x80xi32, #tpu.memory_space<vmem>>)
    %dma_start3A_150 = arith.constant 0 : i32
    %dma_start3A_151 = arith.constant 0 : i32
    %dma_start3A_152 = arith.constant 0 : i32
    %dma_start3A_153 = arith.constant 0 : i32
    %dma_start3A_154 = arith.constant 0 : i32
    %dma_start3A_155 = arith.constant 0 : i32
    %dma_start3A_156 = tpu.memref_slice %arg8[%dma_start3A_152, %dma_start3A_154, %dma_start3A_155] : memref<2x40x256xf32, #tpu.memory_space<vmem>> -> memref<1x40x256xf32, #tpu.memory_space<vmem>>
    %dma_start3A_157 = tpu.memref_squeeze %dma_start3A_156 : memref<1x40x256xf32, #tpu.memory_space<vmem>> -> memref<40x256xf32, #tpu.memory_space<vmem>>
    %dma_start3A_158 = arith.constant 40 : i32
    %dma_start3A_159 = tpu.memref_slice %arg6[%dma_start3A_150, %dma_start3A_151, %dma_start3A_158] : memref<2x1x80xi32, #tpu.memory_space<vmem>> -> memref<1x1x40xi32, #tpu.memory_space<vmem>>
    %dma_start3A_160 = tpu.memref_squeeze %dma_start3A_159 : memref<1x1x40xi32, #tpu.memory_space<vmem>> -> memref<40xi32, #tpu.memory_space<vmem>>
    %dma_start3A_161 = arith.constant 0 : i32
    %dma_start3A_162 = arith.constant 0 : i32
    %dma_start3A_163 = tpu.memref_slice %arg2[%dma_start3A_161, %dma_start3A_162] : memref<10000x256xf32, #tpu.memory_space<hbm>> -> memref<10000x256xf32, #tpu.memory_space<hbm>>
    %dma_start3A_164 = tpu.memref_slice %arg13[%dma_start3A_153] : memref<2x!tpu.dma_semaphore, #tpu.memory_space<semaphore_mem>> -> memref<1x!tpu.dma_semaphore, #tpu.memory_space<semaphore_mem>>
    %dma_start3A_165 = tpu.memref_squeeze %dma_start3A_164 : memref<1x!tpu.dma_semaphore, #tpu.memory_space<semaphore_mem>> -> memref<!tpu.dma_semaphore, #tpu.memory_space<semaphore_mem>>
    tpu.enqueue_indirect_dma source(%dma_start3A_163 : memref<10000x256xf32, #tpu.memory_space<hbm>>) target(%dma_start3A_157 : memref<40x256xf32, #tpu.memory_space<vmem>>) offsets(%dma_start3A_160 : memref<40xi32, #tpu.memory_space<vmem>>) semaphore(%dma_start3A_165 : memref<!tpu.dma_semaphore, #tpu.memory_space<semaphore_mem>>)
    %dma_start3A_166 = arith.constant 0 : i32
    %dma_start3A_167 = arith.constant 0 : i32
    %dma_start3A_168 = arith.constant 0 : i32
    %dma_start3A_169 = arith.constant 0 : i32
    %dma_start3A_170 = arith.constant 0 : i32
    %dma_start3A_171 = arith.constant 0 : i32
    %dma_start3A_172 = tpu.memref_slice %arg9[%dma_start3A_168, %dma_start3A_170, %dma_start3A_171] : memref<2x40x128xf32, #tpu.memory_space<vmem>> -> memref<1x40x128xf32, #tpu.memory_space<vmem>>
    %dma_start3A_173 = tpu.memref_squeeze %dma_start3A_172 : memref<1x40x128xf32, #tpu.memory_space<vmem>> -> memref<40x128xf32, #tpu.memory_space<vmem>>
    %dma_start3A_174 = arith.constant 0 : i32
    %dma_start3A_175 = tpu.memref_slice %arg6[%dma_start3A_166, %dma_start3A_167, %dma_start3A_174] : memref<2x1x80xi32, #tpu.memory_space<vmem>> -> memref<1x1x40xi32, #tpu.memory_space<vmem>>
    %dma_start3A_176 = tpu.memref_squeeze %dma_start3A_175 : memref<1x1x40xi32, #tpu.memory_space<vmem>> -> memref<40xi32, #tpu.memory_space<vmem>>
    %dma_start3A_177 = arith.constant 0 : i32
    %dma_start3A_178 = arith.constant 0 : i32
    %dma_start3A_179 = tpu.memref_slice %arg3[%dma_start3A_177, %dma_start3A_178] : memref<10000x128xf32, #tpu.memory_space<hbm>> -> memref<10000x128xf32, #tpu.memory_space<hbm>>
    %dma_start3A_180 = tpu.memref_slice %arg13[%dma_start3A_169] : memref<2x!tpu.dma_semaphore, #tpu.memory_space<semaphore_mem>> -> memref<1x!tpu.dma_semaphore, #tpu.memory_space<semaphore_mem>>
    %dma_start3A_181 = tpu.memref_squeeze %dma_start3A_180 : memref<1x!tpu.dma_semaphore, #tpu.memory_space<semaphore_mem>> -> memref<!tpu.dma_semaphore, #tpu.memory_space<semaphore_mem>>
    tpu.enqueue_indirect_dma source(%dma_start3A_179 : memref<10000x128xf32, #tpu.memory_space<hbm>>) target(%dma_start3A_173 : memref<40x128xf32, #tpu.memory_space<vmem>>) offsets(%dma_start3A_176 : memref<40xi32, #tpu.memory_space<vmem>>) semaphore(%dma_start3A_181 : memref<!tpu.dma_semaphore, #tpu.memory_space<semaphore_mem>>)
    %scan3A_182 = arith.constant 0 : i32
    %scan3A_183 = arith.constant 0 : i32
    %scan3A_184 = arith.constant 125 : i32
    %scan3A_185 = arith.addi %scan3A_183, %scan3A_184 : i32
    %scan3A_186 = arith.constant 1 : i32
    %scan3A_187 = scf.for %scan3A_226 = %scan3A_183 to %scan3A_185 step %scan3A_186 iter_args(%scan3A_227 = %scan3A_182) -> (i32)  : i32 {
      %mul3A_228 = arith.constant 2 : i32
      %mul3A_229 = arith.muli %mul3A_228, %scan3A_226 : i32
      %add3A_230 = arith.constant 0 : i32
      %add3A_231 = arith.addi %mul3A_229, %add3A_230 : i32
      %add3A_232 = arith.constant 1 : i32
      %add3A_233 = arith.addi %add3A_231, %add3A_232 : i32
      %dma_start3A_234 = arith.constant 1 : i32
      %dma_start3A_235 = arith.constant 1 : i32
      %dma_start3A_236 = arith.constant 0 : i32
      %dma_start3A_237 = arith.constant 0 : i32
      %dma_start3A_238 = tpu.memref_slice %arg6[%dma_start3A_234, %dma_start3A_236, %dma_start3A_237] : memref<2x1x80xi32, #tpu.memory_space<vmem>> -> memref<1x1x80xi32, #tpu.memory_space<vmem>>
      %dma_start3A_239 = tpu.memref_squeeze %dma_start3A_238 : memref<1x1x80xi32, #tpu.memory_space<vmem>> -> memref<1x80xi32, #tpu.memory_space<vmem>>
      %dma_start3A_240 = arith.constant 0 : i32
      %dma_start3A_241 = arith.constant 0 : i32
      %dma_start3A_242 = tpu.memref_slice %arg4[%add3A, %add3A_233, %dma_start3A_240, %dma_start3A_241] : memref<32x250x1x80xi32, #tpu.memory_space<hbm>> -> memref<1x1x1x80xi32, #tpu.memory_space<hbm>>
      %dma_start3A_243 = tpu.memref_squeeze %dma_start3A_242 : memref<1x1x1x80xi32, #tpu.memory_space<hbm>> -> memref<1x80xi32, #tpu.memory_space<hbm>>
      %dma_start3A_244 = tpu.memref_slice %arg12[%dma_start3A_235] : memref<2x!tpu.dma_semaphore, #tpu.memory_space<semaphore_mem>> -> memref<1x!tpu.dma_semaphore, #tpu.memory_space<semaphore_mem>>
      %dma_start3A_245 = tpu.memref_squeeze %dma_start3A_244 : memref<1x!tpu.dma_semaphore, #tpu.memory_space<semaphore_mem>> -> memref<!tpu.dma_semaphore, #tpu.memory_space<semaphore_mem>>
      %dma_start3A_246 = arith.constant 0 : i32
      %dma_start3A_247 = arith.constant 0 : i32
      %dma_start3A_248 = tpu.memref_slice %arg6[%dma_start3A_234, %dma_start3A_246, %dma_start3A_247] : memref<2x1x80xi32, #tpu.memory_space<vmem>> -> memref<1x1x80xi32, #tpu.memory_space<vmem>>
      %dma_start3A_249 = tpu.memref_squeeze %dma_start3A_248 : memref<1x1x80xi32, #tpu.memory_space<vmem>> -> memref<1x80xi32, #tpu.memory_space<vmem>>
      %dma_start3A_250 = arith.constant 0 : i32
      %dma_start3A_251 = arith.constant 0 : i32
      %dma_start3A_252 = tpu.memref_slice %arg4[%add3A, %add3A_233, %dma_start3A_250, %dma_start3A_251] : memref<32x250x1x80xi32, #tpu.memory_space<hbm>> -> memref<1x1x1x80xi32, #tpu.memory_space<hbm>>
      %dma_start3A_253 = tpu.memref_squeeze %dma_start3A_252 : memref<1x1x1x80xi32, #tpu.memory_space<hbm>> -> memref<1x80xi32, #tpu.memory_space<hbm>>
      tpu.enqueue_dma source(%dma_start3A_253 : memref<1x80xi32, #tpu.memory_space<hbm>>) target(%dma_start3A_249 : memref<1x80xi32, #tpu.memory_space<vmem>>) target_semaphore(%dma_start3A_245 : memref<!tpu.dma_semaphore, #tpu.memory_space<semaphore_mem>>)
      %dma_wait3A_254 = arith.constant 0 : i32
      %dma_wait3A_255 = arith.constant 0 : i32
      %dma_wait3A_256 = arith.constant 0 : i32
      %dma_wait3A_257 = arith.constant 0 : i32
      %dma_wait3A_258 = arith.constant 0 : i32
      %dma_wait3A_259 = arith.constant 0 : i32
      %dma_wait3A_260 = tpu.memref_slice %arg8[%dma_wait3A_256, %dma_wait3A_258, %dma_wait3A_259] : memref<2x40x256xf32, #tpu.memory_space<vmem>> -> memref<1x40x256xf32, #tpu.memory_space<vmem>>
      %dma_wait3A_261 = tpu.memref_squeeze %dma_wait3A_260 : memref<1x40x256xf32, #tpu.memory_space<vmem>> -> memref<40x256xf32, #tpu.memory_space<vmem>>
      %dma_wait3A_262 = arith.constant 40 : i32
      %dma_wait3A_263 = tpu.memref_slice %arg6[%dma_wait3A_254, %dma_wait3A_255, %dma_wait3A_262] : memref<2x1x80xi32, #tpu.memory_space<vmem>> -> memref<1x1x40xi32, #tpu.memory_space<vmem>>
      %dma_wait3A_264 = tpu.memref_squeeze %dma_wait3A_263 : memref<1x1x40xi32, #tpu.memory_space<vmem>> -> memref<40xi32, #tpu.memory_space<vmem>>
      %dma_wait3A_265 = arith.constant 0 : i32
      %dma_wait3A_266 = arith.constant 0 : i32
      %dma_wait3A_267 = tpu.memref_slice %arg2[%dma_wait3A_265, %dma_wait3A_266] : memref<10000x256xf32, #tpu.memory_space<hbm>> -> memref<10000x256xf32, #tpu.memory_space<hbm>>
      %dma_wait3A_268 = tpu.memref_slice %arg13[%dma_wait3A_257] : memref<2x!tpu.dma_semaphore, #tpu.memory_space<semaphore_mem>> -> memref<1x!tpu.dma_semaphore, #tpu.memory_space<semaphore_mem>>
      %dma_wait3A_269 = tpu.memref_squeeze %dma_wait3A_268 : memref<1x!tpu.dma_semaphore, #tpu.memory_space<semaphore_mem>> -> memref<!tpu.dma_semaphore, #tpu.memory_space<semaphore_mem>>
      tpu.wait_indirect_dma semaphore(%dma_wait3A_269 : memref<!tpu.dma_semaphore, #tpu.memory_space<semaphore_mem>>) src(%dma_wait3A_267 : memref<10000x256xf32, #tpu.memory_space<hbm>>) dst(%dma_wait3A_261 : memref<40x256xf32, #tpu.memory_space<vmem>>)
      %dma_wait3A_270 = arith.constant 0 : i32
      %dma_wait3A_271 = arith.constant 0 : i32
      %dma_wait3A_272 = arith.constant 0 : i32
      %dma_wait3A_273 = arith.constant 0 : i32
      %dma_wait3A_274 = arith.constant 0 : i32
      %dma_wait3A_275 = arith.constant 0 : i32
      %dma_wait3A_276 = tpu.memref_slice %arg9[%dma_wait3A_272, %dma_wait3A_274, %dma_wait3A_275] : memref<2x40x128xf32, #tpu.memory_space<vmem>> -> memref<1x40x128xf32, #tpu.memory_space<vmem>>
      %dma_wait3A_277 = tpu.memref_squeeze %dma_wait3A_276 : memref<1x40x128xf32, #tpu.memory_space<vmem>> -> memref<40x128xf32, #tpu.memory_space<vmem>>
      %dma_wait3A_278 = arith.constant 0 : i32
      %dma_wait3A_279 = tpu.memref_slice %arg6[%dma_wait3A_270, %dma_wait3A_271, %dma_wait3A_278] : memref<2x1x80xi32, #tpu.memory_space<vmem>> -> memref<1x1x40xi32, #tpu.memory_space<vmem>>
      %dma_wait3A_280 = tpu.memref_squeeze %dma_wait3A_279 : memref<1x1x40xi32, #tpu.memory_space<vmem>> -> memref<40xi32, #tpu.memory_space<vmem>>
      %dma_wait3A_281 = arith.constant 0 : i32
      %dma_wait3A_282 = arith.constant 0 : i32
      %dma_wait3A_283 = tpu.memref_slice %arg3[%dma_wait3A_281, %dma_wait3A_282] : memref<10000x128xf32, #tpu.memory_space<hbm>> -> memref<10000x128xf32, #tpu.memory_space<hbm>>
      %dma_wait3A_284 = tpu.memref_slice %arg13[%dma_wait3A_273] : memref<2x!tpu.dma_semaphore, #tpu.memory_space<semaphore_mem>> -> memref<1x!tpu.dma_semaphore, #tpu.memory_space<semaphore_mem>>
      %dma_wait3A_285 = tpu.memref_squeeze %dma_wait3A_284 : memref<1x!tpu.dma_semaphore, #tpu.memory_space<semaphore_mem>> -> memref<!tpu.dma_semaphore, #tpu.memory_space<semaphore_mem>>
      tpu.wait_indirect_dma semaphore(%dma_wait3A_285 : memref<!tpu.dma_semaphore, #tpu.memory_space<semaphore_mem>>) src(%dma_wait3A_283 : memref<10000x128xf32, #tpu.memory_space<hbm>>) dst(%dma_wait3A_277 : memref<40x128xf32, #tpu.memory_space<vmem>>)
      %add3A_286 = arith.constant 1 : i32
      %add3A_287 = arith.addi %add3A_231, %add3A_286 : i32
      %dma_wait3A_288 = arith.constant 1 : i32
      %dma_wait3A_289 = arith.constant 1 : i32
      %dma_wait3A_290 = arith.constant 0 : i32
      %dma_wait3A_291 = arith.constant 0 : i32
      %dma_wait3A_292 = tpu.memref_slice %arg6[%dma_wait3A_288, %dma_wait3A_290, %dma_wait3A_291] : memref<2x1x80xi32, #tpu.memory_space<vmem>> -> memref<1x1x80xi32, #tpu.memory_space<vmem>>
      %dma_wait3A_293 = tpu.memref_squeeze %dma_wait3A_292 : memref<1x1x80xi32, #tpu.memory_space<vmem>> -> memref<1x80xi32, #tpu.memory_space<vmem>>
      %dma_wait3A_294 = arith.constant 0 : i32
      %dma_wait3A_295 = arith.constant 0 : i32
      %dma_wait3A_296 = tpu.memref_slice %arg4[%add3A, %add3A_287, %dma_wait3A_294, %dma_wait3A_295] : memref<32x250x1x80xi32, #tpu.memory_space<hbm>> -> memref<1x1x1x80xi32, #tpu.memory_space<hbm>>
      %dma_wait3A_297 = tpu.memref_squeeze %dma_wait3A_296 : memref<1x1x1x80xi32, #tpu.memory_space<hbm>> -> memref<1x80xi32, #tpu.memory_space<hbm>>
      %dma_wait3A_298 = tpu.memref_slice %arg12[%dma_wait3A_289] : memref<2x!tpu.dma_semaphore, #tpu.memory_space<semaphore_mem>> -> memref<1x!tpu.dma_semaphore, #tpu.memory_space<semaphore_mem>>
      %dma_wait3A_299 = tpu.memref_squeeze %dma_wait3A_298 : memref<1x!tpu.dma_semaphore, #tpu.memory_space<semaphore_mem>> -> memref<!tpu.dma_semaphore, #tpu.memory_space<semaphore_mem>>
      %dma_wait3A_300 = arith.constant 0 : i32
      %dma_wait3A_301 = arith.constant 0 : i32
      %dma_wait3A_302 = tpu.memref_slice %arg6[%dma_wait3A_288, %dma_wait3A_300, %dma_wait3A_301] : memref<2x1x80xi32, #tpu.memory_space<vmem>> -> memref<1x1x80xi32, #tpu.memory_space<vmem>>
      %dma_wait3A_303 = tpu.memref_squeeze %dma_wait3A_302 : memref<1x1x80xi32, #tpu.memory_space<vmem>> -> memref<1x80xi32, #tpu.memory_space<vmem>>
      %dma_wait3A_304 = arith.constant 0 : i32
      %dma_wait3A_305 = arith.constant 0 : i32
      %dma_wait3A_306 = tpu.memref_slice %arg4[%add3A, %add3A_287, %dma_wait3A_304, %dma_wait3A_305] : memref<32x250x1x80xi32, #tpu.memory_space<hbm>> -> memref<1x1x1x80xi32, #tpu.memory_space<hbm>>
      %dma_wait3A_307 = tpu.memref_squeeze %dma_wait3A_306 : memref<1x1x1x80xi32, #tpu.memory_space<hbm>> -> memref<1x80xi32, #tpu.memory_space<hbm>>
      tpu.wait_dma2 semaphore(%dma_wait3A_299 : memref<!tpu.dma_semaphore, #tpu.memory_space<semaphore_mem>>) src(%dma_wait3A_307 : memref<1x80xi32, #tpu.memory_space<hbm>>) dst(%dma_wait3A_303 : memref<1x80xi32, #tpu.memory_space<vmem>>)
      %dma_start3A_308 = arith.constant 1 : i32
      %dma_start3A_309 = arith.constant 0 : i32
      %dma_start3A_310 = arith.constant 1 : i32
      %dma_start3A_311 = arith.constant 1 : i32
      %dma_start3A_312 = arith.constant 0 : i32
      %dma_start3A_313 = arith.constant 0 : i32
      %dma_start3A_314 = tpu.memref_slice %arg8[%dma_start3A_310, %dma_start3A_312, %dma_start3A_313] : memref<2x40x256xf32, #tpu.memory_space<vmem>> -> memref<1x40x256xf32, #tpu.memory_space<vmem>>
      %dma_start3A_315 = tpu.memref_squeeze %dma_start3A_314 : memref<1x40x256xf32, #tpu.memory_space<vmem>> -> memref<40x256xf32, #tpu.memory_space<vmem>>
      %dma_start3A_316 = arith.constant 40 : i32
      %dma_start3A_317 = tpu.memref_slice %arg6[%dma_start3A_308, %dma_start3A_309, %dma_start3A_316] : memref<2x1x80xi32, #tpu.memory_space<vmem>> -> memref<1x1x40xi32, #tpu.memory_space<vmem>>
      %dma_start3A_318 = tpu.memref_squeeze %dma_start3A_317 : memref<1x1x40xi32, #tpu.memory_space<vmem>> -> memref<40xi32, #tpu.memory_space<vmem>>
      %dma_start3A_319 = arith.constant 0 : i32
      %dma_start3A_320 = arith.constant 0 : i32
      %dma_start3A_321 = tpu.memref_slice %arg2[%dma_start3A_319, %dma_start3A_320] : memref<10000x256xf32, #tpu.memory_space<hbm>> -> memref<10000x256xf32, #tpu.memory_space<hbm>>
      %dma_start3A_322 = tpu.memref_slice %arg13[%dma_start3A_311] : memref<2x!tpu.dma_semaphore, #tpu.memory_space<semaphore_mem>> -> memref<1x!tpu.dma_semaphore, #tpu.memory_space<semaphore_mem>>
      %dma_start3A_323 = tpu.memref_squeeze %dma_start3A_322 : memref<1x!tpu.dma_semaphore, #tpu.memory_space<semaphore_mem>> -> memref<!tpu.dma_semaphore, #tpu.memory_space<semaphore_mem>>
      tpu.enqueue_indirect_dma source(%dma_start3A_321 : memref<10000x256xf32, #tpu.memory_space<hbm>>) target(%dma_start3A_315 : memref<40x256xf32, #tpu.memory_space<vmem>>) offsets(%dma_start3A_318 : memref<40xi32, #tpu.memory_space<vmem>>) semaphore(%dma_start3A_323 : memref<!tpu.dma_semaphore, #tpu.memory_space<semaphore_mem>>)
      %dma_start3A_324 = arith.constant 1 : i32
      %dma_start3A_325 = arith.constant 0 : i32
      %dma_start3A_326 = arith.constant 1 : i32
      %dma_start3A_327 = arith.constant 1 : i32
      %dma_start3A_328 = arith.constant 0 : i32
      %dma_start3A_329 = arith.constant 0 : i32
      %dma_start3A_330 = tpu.memref_slice %arg9[%dma_start3A_326, %dma_start3A_328, %dma_start3A_329] : memref<2x40x128xf32, #tpu.memory_space<vmem>> -> memref<1x40x128xf32, #tpu.memory_space<vmem>>
      %dma_start3A_331 = tpu.memref_squeeze %dma_start3A_330 : memref<1x40x128xf32, #tpu.memory_space<vmem>> -> memref<40x128xf32, #tpu.memory_space<vmem>>
      %dma_start3A_332 = arith.constant 0 : i32
      %dma_start3A_333 = tpu.memref_slice %arg6[%dma_start3A_324, %dma_start3A_325, %dma_start3A_332] : memref<2x1x80xi32, #tpu.memory_space<vmem>> -> memref<1x1x40xi32, #tpu.memory_space<vmem>>
      %dma_start3A_334 = tpu.memref_squeeze %dma_start3A_333 : memref<1x1x40xi32, #tpu.memory_space<vmem>> -> memref<40xi32, #tpu.memory_space<vmem>>
      %dma_start3A_335 = arith.constant 0 : i32
      %dma_start3A_336 = arith.constant 0 : i32
      %dma_start3A_337 = tpu.memref_slice %arg3[%dma_start3A_335, %dma_start3A_336] : memref<10000x128xf32, #tpu.memory_space<hbm>> -> memref<10000x128xf32, #tpu.memory_space<hbm>>
      %dma_start3A_338 = tpu.memref_slice %arg13[%dma_start3A_327] : memref<2x!tpu.dma_semaphore, #tpu.memory_space<semaphore_mem>> -> memref<1x!tpu.dma_semaphore, #tpu.memory_space<semaphore_mem>>
      %dma_start3A_339 = tpu.memref_squeeze %dma_start3A_338 : memref<1x!tpu.dma_semaphore, #tpu.memory_space<semaphore_mem>> -> memref<!tpu.dma_semaphore, #tpu.memory_space<semaphore_mem>>
      tpu.enqueue_indirect_dma source(%dma_start3A_337 : memref<10000x128xf32, #tpu.memory_space<hbm>>) target(%dma_start3A_331 : memref<40x128xf32, #tpu.memory_space<vmem>>) offsets(%dma_start3A_334 : memref<40xi32, #tpu.memory_space<vmem>>) semaphore(%dma_start3A_339 : memref<!tpu.dma_semaphore, #tpu.memory_space<semaphore_mem>>)
      %gt3A = arith.constant 0 : i32
      %gt3A_340 = arith.cmpi sgt, %scan3A_226, %gt3A : i32
      %convert_element_type3A = arith.extui %gt3A_340 : i1 to i32
      %cond3A = arith.constant 0 : i32
      %cond3A_341 = arith.cmpi ne, %convert_element_type3A, %cond3A : i32
      scf.if %cond3A_341 {
        %dma_wait3A_514 = arith.constant 0 : i32
        %dma_wait3A_515 = arith.constant 0 : i32
        %dma_wait3A_516 = arith.constant 0 : i32
        %dma_wait3A_517 = arith.constant 0 : i32
        %dma_wait3A_518 = arith.constant 0 : i32
        %dma_wait3A_519 = arith.constant 0 : i32
        %dma_wait3A_520 = tpu.memref_slice %arg10[%dma_wait3A_514, %dma_wait3A_518, %dma_wait3A_519] : memref<2x40x128xf32, #tpu.memory_space<vmem>> -> memref<1x40x128xf32, #tpu.memory_space<vmem>>
        %dma_wait3A_521 = tpu.memref_squeeze %dma_wait3A_520 : memref<1x40x128xf32, #tpu.memory_space<vmem>> -> memref<40x128xf32, #tpu.memory_space<vmem>>
        %dma_wait3A_522 = arith.constant 0 : i32
        %dma_wait3A_523 = tpu.memref_slice %arg7[%dma_wait3A_515, %dma_wait3A_516, %dma_wait3A_522] : memref<2x1x40xi32, #tpu.memory_space<vmem>> -> memref<1x1x40xi32, #tpu.memory_space<vmem>>
        %dma_wait3A_524 = tpu.memref_squeeze %dma_wait3A_523 : memref<1x1x40xi32, #tpu.memory_space<vmem>> -> memref<40xi32, #tpu.memory_space<vmem>>
        %dma_wait3A_525 = arith.constant 0 : i32
        %dma_wait3A_526 = arith.constant 0 : i32
        %dma_wait3A_527 = tpu.memref_slice %arg11[%dma_wait3A_525, %dma_wait3A_526] : memref<10240x128xf32, #tpu.memory_space<vmem_shared>> -> memref<10240x128xf32, #tpu.memory_space<vmem_shared>>
        %dma_wait3A_528 = tpu.memref_slice %arg14[%dma_wait3A_517] : memref<2x!tpu.dma_semaphore, #tpu.memory_space<semaphore_mem>> -> memref<1x!tpu.dma_semaphore, #tpu.memory_space<semaphore_mem>>
        %dma_wait3A_529 = tpu.memref_squeeze %dma_wait3A_528 : memref<1x!tpu.dma_semaphore, #tpu.memory_space<semaphore_mem>> -> memref<!tpu.dma_semaphore, #tpu.memory_space<semaphore_mem>>
        tpu.wait_indirect_dma semaphore(%dma_wait3A_529 : memref<!tpu.dma_semaphore, #tpu.memory_space<semaphore_mem>>) src(%dma_wait3A_521 : memref<40x128xf32, #tpu.memory_space<vmem>>) dst(%dma_wait3A_527 : memref<10240x128xf32, #tpu.memory_space<vmem_shared>>)
      } else {
      }
      %get3A = arith.constant 0 : i32
      %get3A_342 = arith.constant 0 : i32
      %get3A_343 = arith.index_cast %get3A : i32 to index
      %get3A_344 = arith.index_cast %get3A_342 : i32 to index
      %get3A_345 = arith.constant 0 : index
      %get3A_346 = tpu.vector_load %arg6[%get3A_343, %get3A_344, %get3A_345] {strides = array<i32>} : memref<2x1x80xi32, #tpu.memory_space<vmem>>, vector<1x1x16xi32>,
      %get3A_347 = vector.shape_cast %get3A_346 : vector<1x1x16xi32> to vector<16xi32>
      %swap3A = arith.constant 0 : i32
      %swap3A_348 = arith.constant 0 : i32
      %swap3A_349 = arith.index_cast %swap3A : i32 to index
      %swap3A_350 = arith.index_cast %swap3A_348 : i32 to index
      %swap3A_351 = arith.constant 0 : index
      %swap3A_352 = tpu.vector_load %arg7[%swap3A_349, %swap3A_350, %swap3A_351] {strides = array<i32>} : memref<2x1x40xi32, #tpu.memory_space<vmem>>, vector<1x1x16xi32>,
      %swap3A_353 = vector.shape_cast %swap3A_352 : vector<1x1x16xi32> to vector<16xi32>
      %swap3A_354 = vector.shape_cast %get3A_347 : vector<16xi32> to vector<1x1x16xi32>
      tpu.vector_store %arg7[%swap3A_349, %swap3A_350, %swap3A_351], %swap3A_354 {strides = array<i32>} : memref<2x1x40xi32, #tpu.memory_space<vmem>>, vector<1x1x16xi32>,
      %get3A_355 = arith.constant 0 : i32
      %get3A_356 = arith.constant 0 : i32
      %get3A_357 = arith.index_cast %get3A_355 : i32 to index
      %get3A_358 = arith.index_cast %get3A_356 : i32 to index
      %get3A_359 = arith.constant 16 : index
      %get3A_360 = tpu.vector_load %arg6[%get3A_357, %get3A_358, %get3A_359] {strides = array<i32>} : memref<2x1x80xi32, #tpu.memory_space<vmem>>, vector<1x1x16xi32>,
      %get3A_361 = vector.shape_cast %get3A_360 : vector<1x1x16xi32> to vector<16xi32>
      %swap3A_362 = arith.constant 0 : i32
      %swap3A_363 = arith.constant 0 : i32
      %swap3A_364 = arith.index_cast %swap3A_362 : i32 to index
      %swap3A_365 = arith.index_cast %swap3A_363 : i32 to index
      %swap3A_366 = arith.constant 16 : index
      %swap3A_367 = tpu.vector_load %arg7[%swap3A_364, %swap3A_365, %swap3A_366] {strides = array<i32>} : memref<2x1x40xi32, #tpu.memory_space<vmem>>, vector<1x1x16xi32>,
      %swap3A_368 = vector.shape_cast %swap3A_367 : vector<1x1x16xi32> to vector<16xi32>
      %swap3A_369 = vector.shape_cast %get3A_361 : vector<16xi32> to vector<1x1x16xi32>
      tpu.vector_store %arg7[%swap3A_364, %swap3A_365, %swap3A_366], %swap3A_369 {strides = array<i32>} : memref<2x1x40xi32, #tpu.memory_space<vmem>>, vector<1x1x16xi32>,
      %get3A_370 = arith.constant 0 : i32
      %get3A_371 = arith.constant 0 : i32
      %get3A_372 = arith.index_cast %get3A_370 : i32 to index
      %get3A_373 = arith.index_cast %get3A_371 : i32 to index
      %get3A_374 = arith.constant 24 : index
      %get3A_375 = tpu.vector_load %arg6[%get3A_372, %get3A_373, %get3A_374] {strides = array<i32>} : memref<2x1x80xi32, #tpu.memory_space<vmem>>, vector<1x1x16xi32>,
      %get3A_376 = vector.shape_cast %get3A_375 : vector<1x1x16xi32> to vector<16xi32>
      %swap3A_377 = arith.constant 0 : i32
      %swap3A_378 = arith.constant 0 : i32
      %swap3A_379 = arith.index_cast %swap3A_377 : i32 to index
      %swap3A_380 = arith.index_cast %swap3A_378 : i32 to index
      %swap3A_381 = arith.constant 24 : index
      %swap3A_382 = tpu.vector_load %arg7[%swap3A_379, %swap3A_380, %swap3A_381] {strides = array<i32>} : memref<2x1x40xi32, #tpu.memory_space<vmem>>, vector<1x1x16xi32>,
      %swap3A_383 = vector.shape_cast %swap3A_382 : vector<1x1x16xi32> to vector<16xi32>
      %swap3A_384 = vector.shape_cast %get3A_376 : vector<16xi32> to vector<1x1x16xi32>
      tpu.vector_store %arg7[%swap3A_379, %swap3A_380, %swap3A_381], %swap3A_384 {strides = array<i32>} : memref<2x1x40xi32, #tpu.memory_space<vmem>>, vector<1x1x16xi32>,
      %parallel_loop3A = arith.constant 0 : i32
      %parallel_loop3A_385 = arith.constant 40 : i32
      %parallel_loop3A_386 = arith.constant 1 : i32
      scf.for %parallel_loop3A_514 = %parallel_loop3A to %parallel_loop3A_385 step %parallel_loop3A_386  : i32 {
        %parallel_loop3A_515 = arith.constant 0 : i32
        %parallel_loop3A_516 = arith.index_cast %parallel_loop3A_515 : i32 to index
        %parallel_loop3A_517 = arith.index_cast %parallel_loop3A_514 : i32 to index
        %parallel_loop3A_518 = arith.constant 0 : index
        %parallel_loop3A_519 = tpu.vector_load %arg8[%parallel_loop3A_516, %parallel_loop3A_517, %parallel_loop3A_518] {strides = array<i32>} : memref<2x40x256xf32, #tpu.memory_space<vmem>>, vector<1x1x16xf32>,
        %parallel_loop3A_520 = vector.shape_cast %parallel_loop3A_519 : vector<1x1x16xf32> to vector<16xf32>
        %parallel_loop3A_521 = arith.constant 0 : i32
        %parallel_loop3A_522 = arith.index_cast %parallel_loop3A_521 : i32 to index
        %parallel_loop3A_523 = arith.index_cast %parallel_loop3A_514 : i32 to index
        %parallel_loop3A_524 = arith.constant 0 : index
        %parallel_loop3A_525 = tpu.vector_load %arg9[%parallel_loop3A_522, %parallel_loop3A_523, %parallel_loop3A_524] {strides = array<i32>} : memref<2x40x128xf32, #tpu.memory_space<vmem>>, vector<1x1x16xf32>,
        %parallel_loop3A_526 = vector.shape_cast %parallel_loop3A_525 : vector<1x1x16xf32> to vector<16xf32>
        %parallel_loop3A_527 = arith.mulf %parallel_loop3A_520, %parallel_loop3A_526 : vector<16xf32>
        %parallel_loop3A_528 = arith.constant 0 : i32
        %parallel_loop3A_529 = arith.index_cast %parallel_loop3A_528 : i32 to index
        %parallel_loop3A_530 = arith.index_cast %parallel_loop3A_514 : i32 to index
        %parallel_loop3A_531 = arith.constant 16 : index
        %parallel_loop3A_532 = tpu.vector_load %arg8[%parallel_loop3A_529, %parallel_loop3A_530, %parallel_loop3A_531] {strides = array<i32>} : memref<2x40x256xf32, #tpu.memory_space<vmem>>, vector<1x1x16xf32>,
        %parallel_loop3A_533 = vector.shape_cast %parallel_loop3A_532 : vector<1x1x16xf32> to vector<16xf32>
        %parallel_loop3A_534 = arith.constant 0 : i32
        %parallel_loop3A_535 = arith.index_cast %parallel_loop3A_534 : i32 to index
        %parallel_loop3A_536 = arith.index_cast %parallel_loop3A_514 : i32 to index
        %parallel_loop3A_537 = arith.constant 16 : index
        %parallel_loop3A_538 = tpu.vector_load %arg9[%parallel_loop3A_535, %parallel_loop3A_536, %parallel_loop3A_537] {strides = array<i32>} : memref<2x40x128xf32, #tpu.memory_space<vmem>>, vector<1x1x16xf32>,
        %parallel_loop3A_539 = vector.shape_cast %parallel_loop3A_538 : vector<1x1x16xf32> to vector<16xf32>
        %parallel_loop3A_540 = arith.mulf %parallel_loop3A_533, %parallel_loop3A_539 : vector<16xf32>
        %parallel_loop3A_541 = arith.constant 0 : i32
        %parallel_loop3A_542 = arith.index_cast %parallel_loop3A_541 : i32 to index
        %parallel_loop3A_543 = arith.index_cast %parallel_loop3A_514 : i32 to index
        %parallel_loop3A_544 = arith.constant 32 : index
        %parallel_loop3A_545 = tpu.vector_load %arg8[%parallel_loop3A_542, %parallel_loop3A_543, %parallel_loop3A_544] {strides = array<i32>} : memref<2x40x256xf32, #tpu.memory_space<vmem>>, vector<1x1x16xf32>,
        %parallel_loop3A_546 = vector.shape_cast %parallel_loop3A_545 : vector<1x1x16xf32> to vector<16xf32>
        %parallel_loop3A_547 = arith.constant 0 : i32
        %parallel_loop3A_548 = arith.index_cast %parallel_loop3A_547 : i32 to index
        %parallel_loop3A_549 = arith.index_cast %parallel_loop3A_514 : i32 to index
        %parallel_loop3A_550 = arith.constant 32 : index
        %parallel_loop3A_551 = tpu.vector_load %arg9[%parallel_loop3A_548, %parallel_loop3A_549, %parallel_loop3A_550] {strides = array<i32>} : memref<2x40x128xf32, #tpu.memory_space<vmem>>, vector<1x1x16xf32>,
        %parallel_loop3A_552 = vector.shape_cast %parallel_loop3A_551 : vector<1x1x16xf32> to vector<16xf32>
        %parallel_loop3A_553 = arith.mulf %parallel_loop3A_546, %parallel_loop3A_552 : vector<16xf32>
        %parallel_loop3A_554 = arith.constant 0 : i32
        %parallel_loop3A_555 = arith.index_cast %parallel_loop3A_554 : i32 to index
        %parallel_loop3A_556 = arith.index_cast %parallel_loop3A_514 : i32 to index
        %parallel_loop3A_557 = arith.constant 48 : index
        %parallel_loop3A_558 = tpu.vector_load %arg8[%parallel_loop3A_555, %parallel_loop3A_556, %parallel_loop3A_557] {strides = array<i32>} : memref<2x40x256xf32, #tpu.memory_space<vmem>>, vector<1x1x16xf32>,
        %parallel_loop3A_559 = vector.shape_cast %parallel_loop3A_558 : vector<1x1x16xf32> to vector<16xf32>
        %parallel_loop3A_560 = arith.constant 0 : i32
        %parallel_loop3A_561 = arith.index_cast %parallel_loop3A_560 : i32 to index
        %parallel_loop3A_562 = arith.index_cast %parallel_loop3A_514 : i32 to index
        %parallel_loop3A_563 = arith.constant 48 : index
        %parallel_loop3A_564 = tpu.vector_load %arg9[%parallel_loop3A_561, %parallel_loop3A_562, %parallel_loop3A_563] {strides = array<i32>} : memref<2x40x128xf32, #tpu.memory_space<vmem>>, vector<1x1x16xf32>,
        %parallel_loop3A_565 = vector.shape_cast %parallel_loop3A_564 : vector<1x1x16xf32> to vector<16xf32>
        %parallel_loop3A_566 = arith.mulf %parallel_loop3A_559, %parallel_loop3A_565 : vector<16xf32>
        %parallel_loop3A_567 = arith.constant 0 : i32
        %parallel_loop3A_568 = arith.index_cast %parallel_loop3A_567 : i32 to index
        %parallel_loop3A_569 = arith.index_cast %parallel_loop3A_514 : i32 to index
        %parallel_loop3A_570 = arith.constant 64 : index
        %parallel_loop3A_571 = tpu.vector_load %arg8[%parallel_loop3A_568, %parallel_loop3A_569, %parallel_loop3A_570] {strides = array<i32>} : memref<2x40x256xf32, #tpu.memory_space<vmem>>, vector<1x1x16xf32>,
        %parallel_loop3A_572 = vector.shape_cast %parallel_loop3A_571 : vector<1x1x16xf32> to vector<16xf32>
        %parallel_loop3A_573 = arith.constant 0 : i32
        %parallel_loop3A_574 = arith.index_cast %parallel_loop3A_573 : i32 to index
        %parallel_loop3A_575 = arith.index_cast %parallel_loop3A_514 : i32 to index
        %parallel_loop3A_576 = arith.constant 64 : index
        %parallel_loop3A_577 = tpu.vector_load %arg9[%parallel_loop3A_574, %parallel_loop3A_575, %parallel_loop3A_576] {strides = array<i32>} : memref<2x40x128xf32, #tpu.memory_space<vmem>>, vector<1x1x16xf32>,
        %parallel_loop3A_578 = vector.shape_cast %parallel_loop3A_577 : vector<1x1x16xf32> to vector<16xf32>
        %parallel_loop3A_579 = arith.mulf %parallel_loop3A_572, %parallel_loop3A_578 : vector<16xf32>
        %parallel_loop3A_580 = arith.constant 0 : i32
        %parallel_loop3A_581 = arith.index_cast %parallel_loop3A_580 : i32 to index
        %parallel_loop3A_582 = arith.index_cast %parallel_loop3A_514 : i32 to index
        %parallel_loop3A_583 = arith.constant 80 : index
        %parallel_loop3A_584 = tpu.vector_load %arg8[%parallel_loop3A_581, %parallel_loop3A_582, %parallel_loop3A_583] {strides = array<i32>} : memref<2x40x256xf32, #tpu.memory_space<vmem>>, vector<1x1x16xf32>,
        %parallel_loop3A_585 = vector.shape_cast %parallel_loop3A_584 : vector<1x1x16xf32> to vector<16xf32>
        %parallel_loop3A_586 = arith.constant 0 : i32
        %parallel_loop3A_587 = arith.index_cast %parallel_loop3A_586 : i32 to index
        %parallel_loop3A_588 = arith.index_cast %parallel_loop3A_514 : i32 to index
        %parallel_loop3A_589 = arith.constant 80 : index
        %parallel_loop3A_590 = tpu.vector_load %arg9[%parallel_loop3A_587, %parallel_loop3A_588, %parallel_loop3A_589] {strides = array<i32>} : memref<2x40x128xf32, #tpu.memory_space<vmem>>, vector<1x1x16xf32>,
        %parallel_loop3A_591 = vector.shape_cast %parallel_loop3A_590 : vector<1x1x16xf32> to vector<16xf32>
        %parallel_loop3A_592 = arith.mulf %parallel_loop3A_585, %parallel_loop3A_591 : vector<16xf32>
        %parallel_loop3A_593 = arith.constant 0 : i32
        %parallel_loop3A_594 = arith.index_cast %parallel_loop3A_593 : i32 to index
        %parallel_loop3A_595 = arith.index_cast %parallel_loop3A_514 : i32 to index
        %parallel_loop3A_596 = arith.constant 96 : index
        %parallel_loop3A_597 = tpu.vector_load %arg8[%parallel_loop3A_594, %parallel_loop3A_595, %parallel_loop3A_596] {strides = array<i32>} : memref<2x40x256xf32, #tpu.memory_space<vmem>>, vector<1x1x16xf32>,
        %parallel_loop3A_598 = vector.shape_cast %parallel_loop3A_597 : vector<1x1x16xf32> to vector<16xf32>
        %parallel_loop3A_599 = arith.constant 0 : i32
        %parallel_loop3A_600 = arith.index_cast %parallel_loop3A_599 : i32 to index
        %parallel_loop3A_601 = arith.index_cast %parallel_loop3A_514 : i32 to index
        %parallel_loop3A_602 = arith.constant 96 : index
        %parallel_loop3A_603 = tpu.vector_load %arg9[%parallel_loop3A_600, %parallel_loop3A_601, %parallel_loop3A_602] {strides = array<i32>} : memref<2x40x128xf32, #tpu.memory_space<vmem>>, vector<1x1x16xf32>,
        %parallel_loop3A_604 = vector.shape_cast %parallel_loop3A_603 : vector<1x1x16xf32> to vector<16xf32>
        %parallel_loop3A_605 = arith.mulf %parallel_loop3A_598, %parallel_loop3A_604 : vector<16xf32>
        %parallel_loop3A_606 = arith.constant 0 : i32
        %parallel_loop3A_607 = arith.index_cast %parallel_loop3A_606 : i32 to index
        %parallel_loop3A_608 = arith.index_cast %parallel_loop3A_514 : i32 to index
        %parallel_loop3A_609 = arith.constant 112 : index
        %parallel_loop3A_610 = tpu.vector_load %arg8[%parallel_loop3A_607, %parallel_loop3A_608, %parallel_loop3A_609] {strides = array<i32>} : memref<2x40x256xf32, #tpu.memory_space<vmem>>, vector<1x1x16xf32>,
        %parallel_loop3A_611 = vector.shape_cast %parallel_loop3A_610 : vector<1x1x16xf32> to vector<16xf32>
        %parallel_loop3A_612 = arith.constant 0 : i32
        %parallel_loop3A_613 = arith.index_cast %parallel_loop3A_612 : i32 to index
        %parallel_loop3A_614 = arith.index_cast %parallel_loop3A_514 : i32 to index
        %parallel_loop3A_615 = arith.constant 112 : index
        %parallel_loop3A_616 = tpu.vector_load %arg9[%parallel_loop3A_613, %parallel_loop3A_614, %parallel_loop3A_615] {strides = array<i32>} : memref<2x40x128xf32, #tpu.memory_space<vmem>>, vector<1x1x16xf32>,
        %parallel_loop3A_617 = vector.shape_cast %parallel_loop3A_616 : vector<1x1x16xf32> to vector<16xf32>
        %parallel_loop3A_618 = arith.mulf %parallel_loop3A_611, %parallel_loop3A_617 : vector<16xf32>
        %parallel_loop3A_619 = vector.shape_cast %xor3A_88 : vector<16xi32> to vector<16x1xi32>
        %parallel_loop3A_620 = vector.shape_cast %parallel_loop3A_619 : vector<16x1xi32> to vector<16xi32>
        %parallel_loop3A_621 = tpu.dynamic_gather %parallel_loop3A_527[%parallel_loop3A_620] in [0] : vector<16xf32>, vector<16xi32> -> vector<16xf32>
        %parallel_loop3A_622 = arith.addf %parallel_loop3A_527, %parallel_loop3A_621 : vector<16xf32>
        %parallel_loop3A_623 = vector.shape_cast %xor3A_88 : vector<16xi32> to vector<16x1xi32>
        %parallel_loop3A_624 = vector.shape_cast %parallel_loop3A_623 : vector<16x1xi32> to vector<16xi32>
        %parallel_loop3A_625 = tpu.dynamic_gather %parallel_loop3A_540[%parallel_loop3A_624] in [0] : vector<16xf32>, vector<16xi32> -> vector<16xf32>
        %parallel_loop3A_626 = arith.addf %parallel_loop3A_540, %parallel_loop3A_625 : vector<16xf32>
        %parallel_loop3A_627 = vector.shape_cast %xor3A_88 : vector<16xi32> to vector<16x1xi32>
        %parallel_loop3A_628 = vector.shape_cast %parallel_loop3A_627 : vector<16x1xi32> to vector<16xi32>
        %parallel_loop3A_629 = tpu.dynamic_gather %parallel_loop3A_553[%parallel_loop3A_628] in [0] : vector<16xf32>, vector<16xi32> -> vector<16xf32>
        %parallel_loop3A_630 = arith.addf %parallel_loop3A_553, %parallel_loop3A_629 : vector<16xf32>
        %parallel_loop3A_631 = vector.shape_cast %xor3A_88 : vector<16xi32> to vector<16x1xi32>
        %parallel_loop3A_632 = vector.shape_cast %parallel_loop3A_631 : vector<16x1xi32> to vector<16xi32>
        %parallel_loop3A_633 = tpu.dynamic_gather %parallel_loop3A_566[%parallel_loop3A_632] in [0] : vector<16xf32>, vector<16xi32> -> vector<16xf32>
        %parallel_loop3A_634 = arith.addf %parallel_loop3A_566, %parallel_loop3A_633 : vector<16xf32>
        %parallel_loop3A_635 = vector.shape_cast %xor3A_88 : vector<16xi32> to vector<16x1xi32>
        %parallel_loop3A_636 = vector.shape_cast %parallel_loop3A_635 : vector<16x1xi32> to vector<16xi32>
        %parallel_loop3A_637 = tpu.dynamic_gather %parallel_loop3A_579[%parallel_loop3A_636] in [0] : vector<16xf32>, vector<16xi32> -> vector<16xf32>
        %parallel_loop3A_638 = arith.addf %parallel_loop3A_579, %parallel_loop3A_637 : vector<16xf32>
        %parallel_loop3A_639 = vector.shape_cast %xor3A_88 : vector<16xi32> to vector<16x1xi32>
        %parallel_loop3A_640 = vector.shape_cast %parallel_loop3A_639 : vector<16x1xi32> to vector<16xi32>
        %parallel_loop3A_641 = tpu.dynamic_gather %parallel_loop3A_592[%parallel_loop3A_640] in [0] : vector<16xf32>, vector<16xi32> -> vector<16xf32>
        %parallel_loop3A_642 = arith.addf %parallel_loop3A_592, %parallel_loop3A_641 : vector<16xf32>
        %parallel_loop3A_643 = vector.shape_cast %xor3A_88 : vector<16xi32> to vector<16x1xi32>
        %parallel_loop3A_644 = vector.shape_cast %parallel_loop3A_643 : vector<16x1xi32> to vector<16xi32>
        %parallel_loop3A_645 = tpu.dynamic_gather %parallel_loop3A_605[%parallel_loop3A_644] in [0] : vector<16xf32>, vector<16xi32> -> vector<16xf32>
        %parallel_loop3A_646 = arith.addf %parallel_loop3A_605, %parallel_loop3A_645 : vector<16xf32>
        %parallel_loop3A_647 = vector.shape_cast %xor3A_88 : vector<16xi32> to vector<16x1xi32>
        %parallel_loop3A_648 = vector.shape_cast %parallel_loop3A_647 : vector<16x1xi32> to vector<16xi32>
        %parallel_loop3A_649 = tpu.dynamic_gather %parallel_loop3A_618[%parallel_loop3A_648] in [0] : vector<16xf32>, vector<16xi32> -> vector<16xf32>
        %parallel_loop3A_650 = arith.addf %parallel_loop3A_618, %parallel_loop3A_649 : vector<16xf32>
        %parallel_loop3A_651 = arith.select %lt3A_99, %parallel_loop3A_622, %parallel_loop3A_626 : vector<16xi1>, vector<16xf32>
        %parallel_loop3A_652 = arith.select %lt3A_99, %parallel_loop3A_630, %parallel_loop3A_634 : vector<16xi1>, vector<16xf32>
        %parallel_loop3A_653 = arith.select %lt3A_99, %parallel_loop3A_638, %parallel_loop3A_642 : vector<16xi1>, vector<16xf32>
        %parallel_loop3A_654 = arith.select %lt3A_99, %parallel_loop3A_646, %parallel_loop3A_650 : vector<16xi1>, vector<16xf32>
        %parallel_loop3A_655 = vector.shape_cast %xor3A_91 : vector<16xi32> to vector<16x1xi32>
        %parallel_loop3A_656 = vector.shape_cast %parallel_loop3A_655 : vector<16x1xi32> to vector<16xi32>
        %parallel_loop3A_657 = tpu.dynamic_gather %parallel_loop3A_651[%parallel_loop3A_656] in [0] : vector<16xf32>, vector<16xi32> -> vector<16xf32>
        %parallel_loop3A_658 = arith.addf %parallel_loop3A_651, %parallel_loop3A_657 : vector<16xf32>
        %parallel_loop3A_659 = vector.shape_cast %xor3A_91 : vector<16xi32> to vector<16x1xi32>
        %parallel_loop3A_660 = vector.shape_cast %parallel_loop3A_659 : vector<16x1xi32> to vector<16xi32>
        %parallel_loop3A_661 = tpu.dynamic_gather %parallel_loop3A_652[%parallel_loop3A_660] in [0] : vector<16xf32>, vector<16xi32> -> vector<16xf32>
        %parallel_loop3A_662 = arith.addf %parallel_loop3A_652, %parallel_loop3A_661 : vector<16xf32>
        %parallel_loop3A_663 = vector.shape_cast %xor3A_91 : vector<16xi32> to vector<16x1xi32>
        %parallel_loop3A_664 = vector.shape_cast %parallel_loop3A_663 : vector<16x1xi32> to vector<16xi32>
        %parallel_loop3A_665 = tpu.dynamic_gather %parallel_loop3A_653[%parallel_loop3A_664] in [0] : vector<16xf32>, vector<16xi32> -> vector<16xf32>
        %parallel_loop3A_666 = arith.addf %parallel_loop3A_653, %parallel_loop3A_665 : vector<16xf32>
        %parallel_loop3A_667 = vector.shape_cast %xor3A_91 : vector<16xi32> to vector<16x1xi32>
        %parallel_loop3A_668 = vector.shape_cast %parallel_loop3A_667 : vector<16x1xi32> to vector<16xi32>
        %parallel_loop3A_669 = tpu.dynamic_gather %parallel_loop3A_654[%parallel_loop3A_668] in [0] : vector<16xf32>, vector<16xi32> -> vector<16xf32>
        %parallel_loop3A_670 = arith.addf %parallel_loop3A_654, %parallel_loop3A_669 : vector<16xf32>
        %parallel_loop3A_671 = arith.select %eq3A_103, %parallel_loop3A_658, %parallel_loop3A_662 : vector<16xi1>, vector<16xf32>
        %parallel_loop3A_672 = arith.select %eq3A_103, %parallel_loop3A_666, %parallel_loop3A_670 : vector<16xi1>, vector<16xf32>
        %parallel_loop3A_673 = vector.shape_cast %xor3A_94 : vector<16xi32> to vector<16x1xi32>
        %parallel_loop3A_674 = vector.shape_cast %parallel_loop3A_673 : vector<16x1xi32> to vector<16xi32>
        %parallel_loop3A_675 = tpu.dynamic_gather %parallel_loop3A_671[%parallel_loop3A_674] in [0] : vector<16xf32>, vector<16xi32> -> vector<16xf32>
        %parallel_loop3A_676 = arith.addf %parallel_loop3A_671, %parallel_loop3A_675 : vector<16xf32>
        %parallel_loop3A_677 = vector.shape_cast %xor3A_94 : vector<16xi32> to vector<16x1xi32>
        %parallel_loop3A_678 = vector.shape_cast %parallel_loop3A_677 : vector<16x1xi32> to vector<16xi32>
        %parallel_loop3A_679 = tpu.dynamic_gather %parallel_loop3A_672[%parallel_loop3A_678] in [0] : vector<16xf32>, vector<16xi32> -> vector<16xf32>
        %parallel_loop3A_680 = arith.addf %parallel_loop3A_672, %parallel_loop3A_679 : vector<16xf32>
        %parallel_loop3A_681 = arith.select %eq3A_109, %parallel_loop3A_676, %parallel_loop3A_680 : vector<16xi1>, vector<16xf32>
        %parallel_loop3A_682 = vector.shape_cast %xor3A_97 : vector<16xi32> to vector<16x1xi32>
        %parallel_loop3A_683 = vector.shape_cast %parallel_loop3A_682 : vector<16x1xi32> to vector<16xi32>
        %parallel_loop3A_684 = tpu.dynamic_gather %parallel_loop3A_681[%parallel_loop3A_683] in [0] : vector<16xf32>, vector<16xi32> -> vector<16xf32>
        %parallel_loop3A_685 = arith.addf %parallel_loop3A_681, %parallel_loop3A_684 : vector<16xf32>
        %parallel_loop3A_686 = arith.constant 9.99999997E-7 : f32
        %parallel_loop3A_687 = vector.broadcast %parallel_loop3A_686 : f32 to vector<16xf32>
        %parallel_loop3A_688 = arith.maximumf %parallel_loop3A_685, %parallel_loop3A_687 : vector<16xf32>
        %parallel_loop3A_689 = arith.constant 1.000000e+00 : f32
        %parallel_loop3A_690 = vector.broadcast %parallel_loop3A_689 : f32 to vector<16xf32>
        %parallel_loop3A_691 = arith.minimumf %parallel_loop3A_688, %parallel_loop3A_690 : vector<16xf32>
        %parallel_loop3A_692 = arith.constant 0 : i32
        %parallel_loop3A_693 = arith.index_cast %parallel_loop3A_692 : i32 to index
        %parallel_loop3A_694 = arith.index_cast %parallel_loop3A_514 : i32 to index
        %parallel_loop3A_695 = arith.constant 128 : index
        %parallel_loop3A_696 = tpu.vector_load %arg8[%parallel_loop3A_693, %parallel_loop3A_694, %parallel_loop3A_695] {strides = array<i32>} : memref<2x40x256xf32, #tpu.memory_space<vmem>>, vector<1x1x16xf32>,
        %parallel_loop3A_697 = vector.shape_cast %parallel_loop3A_696 : vector<1x1x16xf32> to vector<16xf32>
        %parallel_loop3A_698 = vector.extract_strided_slice %parallel_loop3A_691 {offsets = [0], sizes = [1], strides = [1]} : vector<16xf32> to vector<1xf32>
        %parallel_loop3A_699 = vector.extract %parallel_loop3A_698[0] : f32 from vector<1xf32>
        %parallel_loop3A_700 = vector.broadcast %parallel_loop3A_699 : f32 to vector<16xf32>
        %parallel_loop3A_701 = arith.mulf %parallel_loop3A_697, %parallel_loop3A_700 : vector<16xf32>
        %parallel_loop3A_702 = arith.constant 0 : i32
        %parallel_loop3A_703 = arith.index_cast %parallel_loop3A_702 : i32 to index
        %parallel_loop3A_704 = arith.index_cast %parallel_loop3A_514 : i32 to index
        %parallel_loop3A_705 = arith.constant 0 : index
        %parallel_loop3A_706 = tpu.vector_load %arg10[%parallel_loop3A_703, %parallel_loop3A_704, %parallel_loop3A_705] {strides = array<i32>} : memref<2x40x128xf32, #tpu.memory_space<vmem>>, vector<1x1x16xf32>,
        %parallel_loop3A_707 = vector.shape_cast %parallel_loop3A_706 : vector<1x1x16xf32> to vector<16xf32>
        %parallel_loop3A_708 = vector.shape_cast %parallel_loop3A_701 : vector<16xf32> to vector<1x1x16xf32>
        tpu.vector_store %arg10[%parallel_loop3A_703, %parallel_loop3A_704, %parallel_loop3A_705], %parallel_loop3A_708 {strides = array<i32>} : memref<2x40x128xf32, #tpu.memory_space<vmem>>, vector<1x1x16xf32>,
        %parallel_loop3A_709 = arith.constant 0 : i32
        %parallel_loop3A_710 = arith.index_cast %parallel_loop3A_709 : i32 to index
        %parallel_loop3A_711 = arith.index_cast %parallel_loop3A_514 : i32 to index
        %parallel_loop3A_712 = arith.constant 144 : index
        %parallel_loop3A_713 = tpu.vector_load %arg8[%parallel_loop3A_710, %parallel_loop3A_711, %parallel_loop3A_712] {strides = array<i32>} : memref<2x40x256xf32, #tpu.memory_space<vmem>>, vector<1x1x16xf32>,
        %parallel_loop3A_714 = vector.shape_cast %parallel_loop3A_713 : vector<1x1x16xf32> to vector<16xf32>
        %parallel_loop3A_715 = vector.extract_strided_slice %parallel_loop3A_691 {offsets = [8], sizes = [1], strides = [1]} : vector<16xf32> to vector<1xf32>
        %parallel_loop3A_716 = vector.extract %parallel_loop3A_715[0] : f32 from vector<1xf32>
        %parallel_loop3A_717 = vector.broadcast %parallel_loop3A_716 : f32 to vector<16xf32>
        %parallel_loop3A_718 = arith.mulf %parallel_loop3A_714, %parallel_loop3A_717 : vector<16xf32>
        %parallel_loop3A_719 = arith.constant 0 : i32
        %parallel_loop3A_720 = arith.index_cast %parallel_loop3A_719 : i32 to index
        %parallel_loop3A_721 = arith.index_cast %parallel_loop3A_514 : i32 to index
        %parallel_loop3A_722 = arith.constant 16 : index
        %parallel_loop3A_723 = tpu.vector_load %arg10[%parallel_loop3A_720, %parallel_loop3A_721, %parallel_loop3A_722] {strides = array<i32>} : memref<2x40x128xf32, #tpu.memory_space<vmem>>, vector<1x1x16xf32>,
        %parallel_loop3A_724 = vector.shape_cast %parallel_loop3A_723 : vector<1x1x16xf32> to vector<16xf32>
        %parallel_loop3A_725 = vector.shape_cast %parallel_loop3A_718 : vector<16xf32> to vector<1x1x16xf32>
        tpu.vector_store %arg10[%parallel_loop3A_720, %parallel_loop3A_721, %parallel_loop3A_722], %parallel_loop3A_725 {strides = array<i32>} : memref<2x40x128xf32, #tpu.memory_space<vmem>>, vector<1x1x16xf32>,
        %parallel_loop3A_726 = arith.constant 0 : i32
        %parallel_loop3A_727 = arith.index_cast %parallel_loop3A_726 : i32 to index
        %parallel_loop3A_728 = arith.index_cast %parallel_loop3A_514 : i32 to index
        %parallel_loop3A_729 = arith.constant 160 : index
        %parallel_loop3A_730 = tpu.vector_load %arg8[%parallel_loop3A_727, %parallel_loop3A_728, %parallel_loop3A_729] {strides = array<i32>} : memref<2x40x256xf32, #tpu.memory_space<vmem>>, vector<1x1x16xf32>,
        %parallel_loop3A_731 = vector.shape_cast %parallel_loop3A_730 : vector<1x1x16xf32> to vector<16xf32>
        %parallel_loop3A_732 = vector.extract_strided_slice %parallel_loop3A_691 {offsets = [4], sizes = [1], strides = [1]} : vector<16xf32> to vector<1xf32>
        %parallel_loop3A_733 = vector.extract %parallel_loop3A_732[0] : f32 from vector<1xf32>
        %parallel_loop3A_734 = vector.broadcast %parallel_loop3A_733 : f32 to vector<16xf32>
        %parallel_loop3A_735 = arith.mulf %parallel_loop3A_731, %parallel_loop3A_734 : vector<16xf32>
        %parallel_loop3A_736 = arith.constant 0 : i32
        %parallel_loop3A_737 = arith.index_cast %parallel_loop3A_736 : i32 to index
        %parallel_loop3A_738 = arith.index_cast %parallel_loop3A_514 : i32 to index
        %parallel_loop3A_739 = arith.constant 32 : index
        %parallel_loop3A_740 = tpu.vector_load %arg10[%parallel_loop3A_737, %parallel_loop3A_738, %parallel_loop3A_739] {strides = array<i32>} : memref<2x40x128xf32, #tpu.memory_space<vmem>>, vector<1x1x16xf32>,
        %parallel_loop3A_741 = vector.shape_cast %parallel_loop3A_740 : vector<1x1x16xf32> to vector<16xf32>
        %parallel_loop3A_742 = vector.shape_cast %parallel_loop3A_735 : vector<16xf32> to vector<1x1x16xf32>
        tpu.vector_store %arg10[%parallel_loop3A_737, %parallel_loop3A_738, %parallel_loop3A_739], %parallel_loop3A_742 {strides = array<i32>} : memref<2x40x128xf32, #tpu.memory_space<vmem>>, vector<1x1x16xf32>,
        %parallel_loop3A_743 = arith.constant 0 : i32
        %parallel_loop3A_744 = arith.index_cast %parallel_loop3A_743 : i32 to index
        %parallel_loop3A_745 = arith.index_cast %parallel_loop3A_514 : i32 to index
        %parallel_loop3A_746 = arith.constant 176 : index
        %parallel_loop3A_747 = tpu.vector_load %arg8[%parallel_loop3A_744, %parallel_loop3A_745, %parallel_loop3A_746] {strides = array<i32>} : memref<2x40x256xf32, #tpu.memory_space<vmem>>, vector<1x1x16xf32>,
        %parallel_loop3A_748 = vector.shape_cast %parallel_loop3A_747 : vector<1x1x16xf32> to vector<16xf32>
        %parallel_loop3A_749 = vector.extract_strided_slice %parallel_loop3A_691 {offsets = [12], sizes = [1], strides = [1]} : vector<16xf32> to vector<1xf32>
        %parallel_loop3A_750 = vector.extract %parallel_loop3A_749[0] : f32 from vector<1xf32>
        %parallel_loop3A_751 = vector.broadcast %parallel_loop3A_750 : f32 to vector<16xf32>
        %parallel_loop3A_752 = arith.mulf %parallel_loop3A_748, %parallel_loop3A_751 : vector<16xf32>
        %parallel_loop3A_753 = arith.constant 0 : i32
        %parallel_loop3A_754 = arith.index_cast %parallel_loop3A_753 : i32 to index
        %parallel_loop3A_755 = arith.index_cast %parallel_loop3A_514 : i32 to index
        %parallel_loop3A_756 = arith.constant 48 : index
        %parallel_loop3A_757 = tpu.vector_load %arg10[%parallel_loop3A_754, %parallel_loop3A_755, %parallel_loop3A_756] {strides = array<i32>} : memref<2x40x128xf32, #tpu.memory_space<vmem>>, vector<1x1x16xf32>,
        %parallel_loop3A_758 = vector.shape_cast %parallel_loop3A_757 : vector<1x1x16xf32> to vector<16xf32>
        %parallel_loop3A_759 = vector.shape_cast %parallel_loop3A_752 : vector<16xf32> to vector<1x1x16xf32>
        tpu.vector_store %arg10[%parallel_loop3A_754, %parallel_loop3A_755, %parallel_loop3A_756], %parallel_loop3A_759 {strides = array<i32>} : memref<2x40x128xf32, #tpu.memory_space<vmem>>, vector<1x1x16xf32>,
        %parallel_loop3A_760 = arith.constant 0 : i32
        %parallel_loop3A_761 = arith.index_cast %parallel_loop3A_760 : i32 to index
        %parallel_loop3A_762 = arith.index_cast %parallel_loop3A_514 : i32 to index
        %parallel_loop3A_763 = arith.constant 192 : index
        %parallel_loop3A_764 = tpu.vector_load %arg8[%parallel_loop3A_761, %parallel_loop3A_762, %parallel_loop3A_763] {strides = array<i32>} : memref<2x40x256xf32, #tpu.memory_space<vmem>>, vector<1x1x16xf32>,
        %parallel_loop3A_765 = vector.shape_cast %parallel_loop3A_764 : vector<1x1x16xf32> to vector<16xf32>
        %parallel_loop3A_766 = vector.extract_strided_slice %parallel_loop3A_691 {offsets = [2], sizes = [1], strides = [1]} : vector<16xf32> to vector<1xf32>
        %parallel_loop3A_767 = vector.extract %parallel_loop3A_766[0] : f32 from vector<1xf32>
        %parallel_loop3A_768 = vector.broadcast %parallel_loop3A_767 : f32 to vector<16xf32>
        %parallel_loop3A_769 = arith.mulf %parallel_loop3A_765, %parallel_loop3A_768 : vector<16xf32>
        %parallel_loop3A_770 = arith.constant 0 : i32
        %parallel_loop3A_771 = arith.index_cast %parallel_loop3A_770 : i32 to index
        %parallel_loop3A_772 = arith.index_cast %parallel_loop3A_514 : i32 to index
        %parallel_loop3A_773 = arith.constant 64 : index
        %parallel_loop3A_774 = tpu.vector_load %arg10[%parallel_loop3A_771, %parallel_loop3A_772, %parallel_loop3A_773] {strides = array<i32>} : memref<2x40x128xf32, #tpu.memory_space<vmem>>, vector<1x1x16xf32>,
        %parallel_loop3A_775 = vector.shape_cast %parallel_loop3A_774 : vector<1x1x16xf32> to vector<16xf32>
        %parallel_loop3A_776 = vector.shape_cast %parallel_loop3A_769 : vector<16xf32> to vector<1x1x16xf32>
        tpu.vector_store %arg10[%parallel_loop3A_771, %parallel_loop3A_772, %parallel_loop3A_773], %parallel_loop3A_776 {strides = array<i32>} : memref<2x40x128xf32, #tpu.memory_space<vmem>>, vector<1x1x16xf32>,
        %parallel_loop3A_777 = arith.constant 0 : i32
        %parallel_loop3A_778 = arith.index_cast %parallel_loop3A_777 : i32 to index
        %parallel_loop3A_779 = arith.index_cast %parallel_loop3A_514 : i32 to index
        %parallel_loop3A_780 = arith.constant 208 : index
        %parallel_loop3A_781 = tpu.vector_load %arg8[%parallel_loop3A_778, %parallel_loop3A_779, %parallel_loop3A_780] {strides = array<i32>} : memref<2x40x256xf32, #tpu.memory_space<vmem>>, vector<1x1x16xf32>,
        %parallel_loop3A_782 = vector.shape_cast %parallel_loop3A_781 : vector<1x1x16xf32> to vector<16xf32>
        %parallel_loop3A_783 = vector.extract_strided_slice %parallel_loop3A_691 {offsets = [10], sizes = [1], strides = [1]} : vector<16xf32> to vector<1xf32>
        %parallel_loop3A_784 = vector.extract %parallel_loop3A_783[0] : f32 from vector<1xf32>
        %parallel_loop3A_785 = vector.broadcast %parallel_loop3A_784 : f32 to vector<16xf32>
        %parallel_loop3A_786 = arith.mulf %parallel_loop3A_782, %parallel_loop3A_785 : vector<16xf32>
        %parallel_loop3A_787 = arith.constant 0 : i32
        %parallel_loop3A_788 = arith.index_cast %parallel_loop3A_787 : i32 to index
        %parallel_loop3A_789 = arith.index_cast %parallel_loop3A_514 : i32 to index
        %parallel_loop3A_790 = arith.constant 80 : index
        %parallel_loop3A_791 = tpu.vector_load %arg10[%parallel_loop3A_788, %parallel_loop3A_789, %parallel_loop3A_790] {strides = array<i32>} : memref<2x40x128xf32, #tpu.memory_space<vmem>>, vector<1x1x16xf32>,
        %parallel_loop3A_792 = vector.shape_cast %parallel_loop3A_791 : vector<1x1x16xf32> to vector<16xf32>
        %parallel_loop3A_793 = vector.shape_cast %parallel_loop3A_786 : vector<16xf32> to vector<1x1x16xf32>
        tpu.vector_store %arg10[%parallel_loop3A_788, %parallel_loop3A_789, %parallel_loop3A_790], %parallel_loop3A_793 {strides = array<i32>} : memref<2x40x128xf32, #tpu.memory_space<vmem>>, vector<1x1x16xf32>,
        %parallel_loop3A_794 = arith.constant 0 : i32
        %parallel_loop3A_795 = arith.index_cast %parallel_loop3A_794 : i32 to index
        %parallel_loop3A_796 = arith.index_cast %parallel_loop3A_514 : i32 to index
        %parallel_loop3A_797 = arith.constant 224 : index
        %parallel_loop3A_798 = tpu.vector_load %arg8[%parallel_loop3A_795, %parallel_loop3A_796, %parallel_loop3A_797] {strides = array<i32>} : memref<2x40x256xf32, #tpu.memory_space<vmem>>, vector<1x1x16xf32>,
        %parallel_loop3A_799 = vector.shape_cast %parallel_loop3A_798 : vector<1x1x16xf32> to vector<16xf32>
        %parallel_loop3A_800 = vector.extract_strided_slice %parallel_loop3A_691 {offsets = [6], sizes = [1], strides = [1]} : vector<16xf32> to vector<1xf32>
        %parallel_loop3A_801 = vector.extract %parallel_loop3A_800[0] : f32 from vector<1xf32>
        %parallel_loop3A_802 = vector.broadcast %parallel_loop3A_801 : f32 to vector<16xf32>
        %parallel_loop3A_803 = arith.mulf %parallel_loop3A_799, %parallel_loop3A_802 : vector<16xf32>
        %parallel_loop3A_804 = arith.constant 0 : i32
        %parallel_loop3A_805 = arith.index_cast %parallel_loop3A_804 : i32 to index
        %parallel_loop3A_806 = arith.index_cast %parallel_loop3A_514 : i32 to index
        %parallel_loop3A_807 = arith.constant 96 : index
        %parallel_loop3A_808 = tpu.vector_load %arg10[%parallel_loop3A_805, %parallel_loop3A_806, %parallel_loop3A_807] {strides = array<i32>} : memref<2x40x128xf32, #tpu.memory_space<vmem>>, vector<1x1x16xf32>,
        %parallel_loop3A_809 = vector.shape_cast %parallel_loop3A_808 : vector<1x1x16xf32> to vector<16xf32>
        %parallel_loop3A_810 = vector.shape_cast %parallel_loop3A_803 : vector<16xf32> to vector<1x1x16xf32>
        tpu.vector_store %arg10[%parallel_loop3A_805, %parallel_loop3A_806, %parallel_loop3A_807], %parallel_loop3A_810 {strides = array<i32>} : memref<2x40x128xf32, #tpu.memory_space<vmem>>, vector<1x1x16xf32>,
        %parallel_loop3A_811 = arith.constant 0 : i32
        %parallel_loop3A_812 = arith.index_cast %parallel_loop3A_811 : i32 to index
        %parallel_loop3A_813 = arith.index_cast %parallel_loop3A_514 : i32 to index
        %parallel_loop3A_814 = arith.constant 240 : index
        %parallel_loop3A_815 = tpu.vector_load %arg8[%parallel_loop3A_812, %parallel_loop3A_813, %parallel_loop3A_814] {strides = array<i32>} : memref<2x40x256xf32, #tpu.memory_space<vmem>>, vector<1x1x16xf32>,
        %parallel_loop3A_816 = vector.shape_cast %parallel_loop3A_815 : vector<1x1x16xf32> to vector<16xf32>
        %parallel_loop3A_817 = vector.extract_strided_slice %parallel_loop3A_691 {offsets = [14], sizes = [1], strides = [1]} : vector<16xf32> to vector<1xf32>
        %parallel_loop3A_818 = vector.extract %parallel_loop3A_817[0] : f32 from vector<1xf32>
        %parallel_loop3A_819 = vector.broadcast %parallel_loop3A_818 : f32 to vector<16xf32>
        %parallel_loop3A_820 = arith.mulf %parallel_loop3A_816, %parallel_loop3A_819 : vector<16xf32>
        %parallel_loop3A_821 = arith.constant 0 : i32
        %parallel_loop3A_822 = arith.index_cast %parallel_loop3A_821 : i32 to index
        %parallel_loop3A_823 = arith.index_cast %parallel_loop3A_514 : i32 to index
        %parallel_loop3A_824 = arith.constant 112 : index
        %parallel_loop3A_825 = tpu.vector_load %arg10[%parallel_loop3A_822, %parallel_loop3A_823, %parallel_loop3A_824] {strides = array<i32>} : memref<2x40x128xf32, #tpu.memory_space<vmem>>, vector<1x1x16xf32>,
        %parallel_loop3A_826 = vector.shape_cast %parallel_loop3A_825 : vector<1x1x16xf32> to vector<16xf32>
        %parallel_loop3A_827 = vector.shape_cast %parallel_loop3A_820 : vector<16xf32> to vector<1x1x16xf32>
        tpu.vector_store %arg10[%parallel_loop3A_822, %parallel_loop3A_823, %parallel_loop3A_824], %parallel_loop3A_827 {strides = array<i32>} : memref<2x40x128xf32, #tpu.memory_space<vmem>>, vector<1x1x16xf32>,
      } {sc.loop_unroll_factor = 2 : i64, sc.parallel_access}
      %dma_start3A_387 = arith.constant 0 : i32
      %dma_start3A_388 = arith.constant 0 : i32
      %dma_start3A_389 = arith.constant 0 : i32
      %dma_start3A_390 = arith.constant 0 : i32
      %dma_start3A_391 = arith.constant 0 : i32
      %dma_start3A_392 = arith.constant 0 : i32
      %dma_start3A_393 = tpu.memref_slice %arg10[%dma_start3A_387, %dma_start3A_391, %dma_start3A_392] : memref<2x40x128xf32, #tpu.memory_space<vmem>> -> memref<1x40x128xf32, #tpu.memory_space<vmem>>
      %dma_start3A_394 = tpu.memref_squeeze %dma_start3A_393 : memref<1x40x128xf32, #tpu.memory_space<vmem>> -> memref<40x128xf32, #tpu.memory_space<vmem>>
      %dma_start3A_395 = arith.constant 0 : i32
      %dma_start3A_396 = tpu.memref_slice %arg7[%dma_start3A_388, %dma_start3A_389, %dma_start3A_395] : memref<2x1x40xi32, #tpu.memory_space<vmem>> -> memref<1x1x40xi32, #tpu.memory_space<vmem>>
      %dma_start3A_397 = tpu.memref_squeeze %dma_start3A_396 : memref<1x1x40xi32, #tpu.memory_space<vmem>> -> memref<40xi32, #tpu.memory_space<vmem>>
      %dma_start3A_398 = arith.constant 0 : i32
      %dma_start3A_399 = arith.constant 0 : i32
      %dma_start3A_400 = tpu.memref_slice %arg11[%dma_start3A_398, %dma_start3A_399] : memref<10240x128xf32, #tpu.memory_space<vmem_shared>> -> memref<10240x128xf32, #tpu.memory_space<vmem_shared>>
      %dma_start3A_401 = tpu.memref_slice %arg14[%dma_start3A_390] : memref<2x!tpu.dma_semaphore, #tpu.memory_space<semaphore_mem>> -> memref<1x!tpu.dma_semaphore, #tpu.memory_space<semaphore_mem>>
      %dma_start3A_402 = tpu.memref_squeeze %dma_start3A_401 : memref<1x!tpu.dma_semaphore, #tpu.memory_space<semaphore_mem>> -> memref<!tpu.dma_semaphore, #tpu.memory_space<semaphore_mem>>
      tpu.enqueue_indirect_dma source(%dma_start3A_394 : memref<40x128xf32, #tpu.memory_space<vmem>>) target(%dma_start3A_400 : memref<10240x128xf32, #tpu.memory_space<vmem_shared>>) offsets(%dma_start3A_397 : memref<40xi32, #tpu.memory_space<vmem>>) semaphore(%dma_start3A_402 : memref<!tpu.dma_semaphore, #tpu.memory_space<semaphore_mem>>) {add = true}
      %mul3A_403 = arith.constant 2 : i32
      %mul3A_404 = arith.muli %mul3A_403, %scan3A_226 : i32
      %add3A_405 = arith.constant 1 : i32
      %add3A_406 = arith.addi %mul3A_404, %add3A_405 : i32
      %lt3A_407 = arith.constant 124 : i32
      %lt3A_408 = arith.cmpi slt, %scan3A_226, %lt3A_407 : i32
      %convert_element_type3A_409 = arith.extui %lt3A_408 : i1 to i32
      %cond3A_410 = arith.constant 0 : i32
      %cond3A_411 = arith.cmpi ne, %convert_element_type3A_409, %cond3A_410 : i32
      scf.if %cond3A_411 {
        %add3A_514 = arith.constant 1 : i32
        %add3A_515 = arith.addi %add3A_406, %add3A_514 : i32
        %dma_start3A_516 = arith.constant 0 : i32
        %dma_start3A_517 = arith.constant 0 : i32
        %dma_start3A_518 = arith.constant 0 : i32
        %dma_start3A_519 = arith.constant 0 : i32
        %dma_start3A_520 = tpu.memref_slice %arg6[%dma_start3A_516, %dma_start3A_518, %dma_start3A_519] : memref<2x1x80xi32, #tpu.memory_space<vmem>> -> memref<1x1x80xi32, #tpu.memory_space<vmem>>
        %dma_start3A_521 = tpu.memref_squeeze %dma_start3A_520 : memref<1x1x80xi32, #tpu.memory_space<vmem>> -> memref<1x80xi32, #tpu.memory_space<vmem>>
        %dma_start3A_522 = arith.constant 0 : i32
        %dma_start3A_523 = arith.constant 0 : i32
        %dma_start3A_524 = tpu.memref_slice %arg4[%add3A, %add3A_515, %dma_start3A_522, %dma_start3A_523] : memref<32x250x1x80xi32, #tpu.memory_space<hbm>> -> memref<1x1x1x80xi32, #tpu.memory_space<hbm>>
        %dma_start3A_525 = tpu.memref_squeeze %dma_start3A_524 : memref<1x1x1x80xi32, #tpu.memory_space<hbm>> -> memref<1x80xi32, #tpu.memory_space<hbm>>
        %dma_start3A_526 = tpu.memref_slice %arg12[%dma_start3A_517] : memref<2x!tpu.dma_semaphore, #tpu.memory_space<semaphore_mem>> -> memref<1x!tpu.dma_semaphore, #tpu.memory_space<semaphore_mem>>
        %dma_start3A_527 = tpu.memref_squeeze %dma_start3A_526 : memref<1x!tpu.dma_semaphore, #tpu.memory_space<semaphore_mem>> -> memref<!tpu.dma_semaphore, #tpu.memory_space<semaphore_mem>>
        %dma_start3A_528 = arith.constant 0 : i32
        %dma_start3A_529 = arith.constant 0 : i32
        %dma_start3A_530 = tpu.memref_slice %arg6[%dma_start3A_516, %dma_start3A_528, %dma_start3A_529] : memref<2x1x80xi32, #tpu.memory_space<vmem>> -> memref<1x1x80xi32, #tpu.memory_space<vmem>>
        %dma_start3A_531 = tpu.memref_squeeze %dma_start3A_530 : memref<1x1x80xi32, #tpu.memory_space<vmem>> -> memref<1x80xi32, #tpu.memory_space<vmem>>
        %dma_start3A_532 = arith.constant 0 : i32
        %dma_start3A_533 = arith.constant 0 : i32
        %dma_start3A_534 = tpu.memref_slice %arg4[%add3A, %add3A_515, %dma_start3A_532, %dma_start3A_533] : memref<32x250x1x80xi32, #tpu.memory_space<hbm>> -> memref<1x1x1x80xi32, #tpu.memory_space<hbm>>
        %dma_start3A_535 = tpu.memref_squeeze %dma_start3A_534 : memref<1x1x1x80xi32, #tpu.memory_space<hbm>> -> memref<1x80xi32, #tpu.memory_space<hbm>>
        tpu.enqueue_dma source(%dma_start3A_535 : memref<1x80xi32, #tpu.memory_space<hbm>>) target(%dma_start3A_531 : memref<1x80xi32, #tpu.memory_space<vmem>>) target_semaphore(%dma_start3A_527 : memref<!tpu.dma_semaphore, #tpu.memory_space<semaphore_mem>>)
        %add3A_536 = arith.constant 1 : i32
        %add3A_537 = arith.addi %add3A_406, %add3A_536 : i32
        %dma_wait3A_538 = arith.constant 0 : i32
        %dma_wait3A_539 = arith.constant 0 : i32
        %dma_wait3A_540 = arith.constant 0 : i32
        %dma_wait3A_541 = arith.constant 0 : i32
        %dma_wait3A_542 = tpu.memref_slice %arg6[%dma_wait3A_538, %dma_wait3A_540, %dma_wait3A_541] : memref<2x1x80xi32, #tpu.memory_space<vmem>> -> memref<1x1x80xi32, #tpu.memory_space<vmem>>
        %dma_wait3A_543 = tpu.memref_squeeze %dma_wait3A_542 : memref<1x1x80xi32, #tpu.memory_space<vmem>> -> memref<1x80xi32, #tpu.memory_space<vmem>>
        %dma_wait3A_544 = arith.constant 0 : i32
        %dma_wait3A_545 = arith.constant 0 : i32
        %dma_wait3A_546 = tpu.memref_slice %arg4[%add3A, %add3A_537, %dma_wait3A_544, %dma_wait3A_545] : memref<32x250x1x80xi32, #tpu.memory_space<hbm>> -> memref<1x1x1x80xi32, #tpu.memory_space<hbm>>
        %dma_wait3A_547 = tpu.memref_squeeze %dma_wait3A_546 : memref<1x1x1x80xi32, #tpu.memory_space<hbm>> -> memref<1x80xi32, #tpu.memory_space<hbm>>
        %dma_wait3A_548 = tpu.memref_slice %arg12[%dma_wait3A_539] : memref<2x!tpu.dma_semaphore, #tpu.memory_space<semaphore_mem>> -> memref<1x!tpu.dma_semaphore, #tpu.memory_space<semaphore_mem>>
        %dma_wait3A_549 = tpu.memref_squeeze %dma_wait3A_548 : memref<1x!tpu.dma_semaphore, #tpu.memory_space<semaphore_mem>> -> memref<!tpu.dma_semaphore, #tpu.memory_space<semaphore_mem>>
        %dma_wait3A_550 = arith.constant 0 : i32
        %dma_wait3A_551 = arith.constant 0 : i32
        %dma_wait3A_552 = tpu.memref_slice %arg6[%dma_wait3A_538, %dma_wait3A_550, %dma_wait3A_551] : memref<2x1x80xi32, #tpu.memory_space<vmem>> -> memref<1x1x80xi32, #tpu.memory_space<vmem>>
        %dma_wait3A_553 = tpu.memref_squeeze %dma_wait3A_552 : memref<1x1x80xi32, #tpu.memory_space<vmem>> -> memref<1x80xi32, #tpu.memory_space<vmem>>
        %dma_wait3A_554 = arith.constant 0 : i32
        %dma_wait3A_555 = arith.constant 0 : i32
        %dma_wait3A_556 = tpu.memref_slice %arg4[%add3A, %add3A_537, %dma_wait3A_554, %dma_wait3A_555] : memref<32x250x1x80xi32, #tpu.memory_space<hbm>> -> memref<1x1x1x80xi32, #tpu.memory_space<hbm>>
        %dma_wait3A_557 = tpu.memref_squeeze %dma_wait3A_556 : memref<1x1x1x80xi32, #tpu.memory_space<hbm>> -> memref<1x80xi32, #tpu.memory_space<hbm>>
        tpu.wait_dma2 semaphore(%dma_wait3A_549 : memref<!tpu.dma_semaphore, #tpu.memory_space<semaphore_mem>>) src(%dma_wait3A_557 : memref<1x80xi32, #tpu.memory_space<hbm>>) dst(%dma_wait3A_553 : memref<1x80xi32, #tpu.memory_space<vmem>>)
        %dma_start3A_558 = arith.constant 0 : i32
        %dma_start3A_559 = arith.constant 0 : i32
        %dma_start3A_560 = arith.constant 0 : i32
        %dma_start3A_561 = arith.constant 0 : i32
        %dma_start3A_562 = arith.constant 0 : i32
        %dma_start3A_563 = arith.constant 0 : i32
        %dma_start3A_564 = tpu.memref_slice %arg8[%dma_start3A_560, %dma_start3A_562, %dma_start3A_563] : memref<2x40x256xf32, #tpu.memory_space<vmem>> -> memref<1x40x256xf32, #tpu.memory_space<vmem>>
        %dma_start3A_565 = tpu.memref_squeeze %dma_start3A_564 : memref<1x40x256xf32, #tpu.memory_space<vmem>> -> memref<40x256xf32, #tpu.memory_space<vmem>>
        %dma_start3A_566 = arith.constant 40 : i32
        %dma_start3A_567 = tpu.memref_slice %arg6[%dma_start3A_558, %dma_start3A_559, %dma_start3A_566] : memref<2x1x80xi32, #tpu.memory_space<vmem>> -> memref<1x1x40xi32, #tpu.memory_space<vmem>>
        %dma_start3A_568 = tpu.memref_squeeze %dma_start3A_567 : memref<1x1x40xi32, #tpu.memory_space<vmem>> -> memref<40xi32, #tpu.memory_space<vmem>>
        %dma_start3A_569 = arith.constant 0 : i32
        %dma_start3A_570 = arith.constant 0 : i32
        %dma_start3A_571 = tpu.memref_slice %arg2[%dma_start3A_569, %dma_start3A_570] : memref<10000x256xf32, #tpu.memory_space<hbm>> -> memref<10000x256xf32, #tpu.memory_space<hbm>>
        %dma_start3A_572 = tpu.memref_slice %arg13[%dma_start3A_561] : memref<2x!tpu.dma_semaphore, #tpu.memory_space<semaphore_mem>> -> memref<1x!tpu.dma_semaphore, #tpu.memory_space<semaphore_mem>>
        %dma_start3A_573 = tpu.memref_squeeze %dma_start3A_572 : memref<1x!tpu.dma_semaphore, #tpu.memory_space<semaphore_mem>> -> memref<!tpu.dma_semaphore, #tpu.memory_space<semaphore_mem>>
        tpu.enqueue_indirect_dma source(%dma_start3A_571 : memref<10000x256xf32, #tpu.memory_space<hbm>>) target(%dma_start3A_565 : memref<40x256xf32, #tpu.memory_space<vmem>>) offsets(%dma_start3A_568 : memref<40xi32, #tpu.memory_space<vmem>>) semaphore(%dma_start3A_573 : memref<!tpu.dma_semaphore, #tpu.memory_space<semaphore_mem>>)
        %dma_start3A_574 = arith.constant 0 : i32
        %dma_start3A_575 = arith.constant 0 : i32
        %dma_start3A_576 = arith.constant 0 : i32
        %dma_start3A_577 = arith.constant 0 : i32
        %dma_start3A_578 = arith.constant 0 : i32
        %dma_start3A_579 = arith.constant 0 : i32
        %dma_start3A_580 = tpu.memref_slice %arg9[%dma_start3A_576, %dma_start3A_578, %dma_start3A_579] : memref<2x40x128xf32, #tpu.memory_space<vmem>> -> memref<1x40x128xf32, #tpu.memory_space<vmem>>
        %dma_start3A_581 = tpu.memref_squeeze %dma_start3A_580 : memref<1x40x128xf32, #tpu.memory_space<vmem>> -> memref<40x128xf32, #tpu.memory_space<vmem>>
        %dma_start3A_582 = arith.constant 0 : i32
        %dma_start3A_583 = tpu.memref_slice %arg6[%dma_start3A_574, %dma_start3A_575, %dma_start3A_582] : memref<2x1x80xi32, #tpu.memory_space<vmem>> -> memref<1x1x40xi32, #tpu.memory_space<vmem>>
        %dma_start3A_584 = tpu.memref_squeeze %dma_start3A_583 : memref<1x1x40xi32, #tpu.memory_space<vmem>> -> memref<40xi32, #tpu.memory_space<vmem>>
        %dma_start3A_585 = arith.constant 0 : i32
        %dma_start3A_586 = arith.constant 0 : i32
        %dma_start3A_587 = tpu.memref_slice %arg3[%dma_start3A_585, %dma_start3A_586] : memref<10000x128xf32, #tpu.memory_space<hbm>> -> memref<10000x128xf32, #tpu.memory_space<hbm>>
        %dma_start3A_588 = tpu.memref_slice %arg13[%dma_start3A_577] : memref<2x!tpu.dma_semaphore, #tpu.memory_space<semaphore_mem>> -> memref<1x!tpu.dma_semaphore, #tpu.memory_space<semaphore_mem>>
        %dma_start3A_589 = tpu.memref_squeeze %dma_start3A_588 : memref<1x!tpu.dma_semaphore, #tpu.memory_space<semaphore_mem>> -> memref<!tpu.dma_semaphore, #tpu.memory_space<semaphore_mem>>
        tpu.enqueue_indirect_dma source(%dma_start3A_587 : memref<10000x128xf32, #tpu.memory_space<hbm>>) target(%dma_start3A_581 : memref<40x128xf32, #tpu.memory_space<vmem>>) offsets(%dma_start3A_584 : memref<40xi32, #tpu.memory_space<vmem>>) semaphore(%dma_start3A_589 : memref<!tpu.dma_semaphore, #tpu.memory_space<semaphore_mem>>)
      } else {
      }
      %dma_wait3A_412 = arith.constant 1 : i32
      %dma_wait3A_413 = arith.constant 0 : i32
      %dma_wait3A_414 = arith.constant 1 : i32
      %dma_wait3A_415 = arith.constant 1 : i32
      %dma_wait3A_416 = arith.constant 0 : i32
      %dma_wait3A_417 = arith.constant 0 : i32
      %dma_wait3A_418 = tpu.memref_slice %arg8[%dma_wait3A_414, %dma_wait3A_416, %dma_wait3A_417] : memref<2x40x256xf32, #tpu.memory_space<vmem>> -> memref<1x40x256xf32, #tpu.memory_space<vmem>>
      %dma_wait3A_419 = tpu.memref_squeeze %dma_wait3A_418 : memref<1x40x256xf32, #tpu.memory_space<vmem>> -> memref<40x256xf32, #tpu.memory_space<vmem>>
      %dma_wait3A_420 = arith.constant 40 : i32
      %dma_wait3A_421 = tpu.memref_slice %arg6[%dma_wait3A_412, %dma_wait3A_413, %dma_wait3A_420] : memref<2x1x80xi32, #tpu.memory_space<vmem>> -> memref<1x1x40xi32, #tpu.memory_space<vmem>>
      %dma_wait3A_422 = tpu.memref_squeeze %dma_wait3A_421 : memref<1x1x40xi32, #tpu.memory_space<vmem>> -> memref<40xi32, #tpu.memory_space<vmem>>
      %dma_wait3A_423 = arith.constant 0 : i32
      %dma_wait3A_424 = arith.constant 0 : i32
      %dma_wait3A_425 = tpu.memref_slice %arg2[%dma_wait3A_423, %dma_wait3A_424] : memref<10000x256xf32, #tpu.memory_space<hbm>> -> memref<10000x256xf32, #tpu.memory_space<hbm>>
      %dma_wait3A_426 = tpu.memref_slice %arg13[%dma_wait3A_415] : memref<2x!tpu.dma_semaphore, #tpu.memory_space<semaphore_mem>> -> memref<1x!tpu.dma_semaphore, #tpu.memory_space<semaphore_mem>>
      %dma_wait3A_427 = tpu.memref_squeeze %dma_wait3A_426 : memref<1x!tpu.dma_semaphore, #tpu.memory_space<semaphore_mem>> -> memref<!tpu.dma_semaphore, #tpu.memory_space<semaphore_mem>>
      tpu.wait_indirect_dma semaphore(%dma_wait3A_427 : memref<!tpu.dma_semaphore, #tpu.memory_space<semaphore_mem>>) src(%dma_wait3A_425 : memref<10000x256xf32, #tpu.memory_space<hbm>>) dst(%dma_wait3A_419 : memref<40x256xf32, #tpu.memory_space<vmem>>)
      %dma_wait3A_428 = arith.constant 1 : i32
      %dma_wait3A_429 = arith.constant 0 : i32
      %dma_wait3A_430 = arith.constant 1 : i32
      %dma_wait3A_431 = arith.constant 1 : i32
      %dma_wait3A_432 = arith.constant 0 : i32
      %dma_wait3A_433 = arith.constant 0 : i32
      %dma_wait3A_434 = tpu.memref_slice %arg9[%dma_wait3A_430, %dma_wait3A_432, %dma_wait3A_433] : memref<2x40x128xf32, #tpu.memory_space<vmem>> -> memref<1x40x128xf32, #tpu.memory_space<vmem>>
      %dma_wait3A_435 = tpu.memref_squeeze %dma_wait3A_434 : memref<1x40x128xf32, #tpu.memory_space<vmem>> -> memref<40x128xf32, #tpu.memory_space<vmem>>
      %dma_wait3A_436 = arith.constant 0 : i32
      %dma_wait3A_437 = tpu.memref_slice %arg6[%dma_wait3A_428, %dma_wait3A_429, %dma_wait3A_436] : memref<2x1x80xi32, #tpu.memory_space<vmem>> -> memref<1x1x40xi32, #tpu.memory_space<vmem>>
      %dma_wait3A_438 = tpu.memref_squeeze %dma_wait3A_437 : memref<1x1x40xi32, #tpu.memory_space<vmem>> -> memref<40xi32, #tpu.memory_space<vmem>>
      %dma_wait3A_439 = arith.constant 0 : i32
      %dma_wait3A_440 = arith.constant 0 : i32
      %dma_wait3A_441 = tpu.memref_slice %arg3[%dma_wait3A_439, %dma_wait3A_440] : memref<10000x128xf32, #tpu.memory_space<hbm>> -> memref<10000x128xf32, #tpu.memory_space<hbm>>
      %dma_wait3A_442 = tpu.memref_slice %arg13[%dma_wait3A_431] : memref<2x!tpu.dma_semaphore, #tpu.memory_space<semaphore_mem>> -> memref<1x!tpu.dma_semaphore, #tpu.memory_space<semaphore_mem>>
      %dma_wait3A_443 = tpu.memref_squeeze %dma_wait3A_442 : memref<1x!tpu.dma_semaphore, #tpu.memory_space<semaphore_mem>> -> memref<!tpu.dma_semaphore, #tpu.memory_space<semaphore_mem>>
      tpu.wait_indirect_dma semaphore(%dma_wait3A_443 : memref<!tpu.dma_semaphore, #tpu.memory_space<semaphore_mem>>) src(%dma_wait3A_441 : memref<10000x128xf32, #tpu.memory_space<hbm>>) dst(%dma_wait3A_435 : memref<40x128xf32, #tpu.memory_space<vmem>>)
      %gt3A_444 = arith.constant 0 : i32
      %gt3A_445 = arith.cmpi sgt, %scan3A_226, %gt3A_444 : i32
      %convert_element_type3A_446 = arith.extui %gt3A_445 : i1 to i32
      %cond3A_447 = arith.constant 0 : i32
      %cond3A_448 = arith.cmpi ne, %convert_element_type3A_446, %cond3A_447 : i32
      scf.if %cond3A_448 {
        %dma_wait3A_514 = arith.constant 1 : i32
        %dma_wait3A_515 = arith.constant 1 : i32
        %dma_wait3A_516 = arith.constant 0 : i32
        %dma_wait3A_517 = arith.constant 1 : i32
        %dma_wait3A_518 = arith.constant 0 : i32
        %dma_wait3A_519 = arith.constant 0 : i32
        %dma_wait3A_520 = tpu.memref_slice %arg10[%dma_wait3A_514, %dma_wait3A_518, %dma_wait3A_519] : memref<2x40x128xf32, #tpu.memory_space<vmem>> -> memref<1x40x128xf32, #tpu.memory_space<vmem>>
        %dma_wait3A_521 = tpu.memref_squeeze %dma_wait3A_520 : memref<1x40x128xf32, #tpu.memory_space<vmem>> -> memref<40x128xf32, #tpu.memory_space<vmem>>
        %dma_wait3A_522 = arith.constant 0 : i32
        %dma_wait3A_523 = tpu.memref_slice %arg7[%dma_wait3A_515, %dma_wait3A_516, %dma_wait3A_522] : memref<2x1x40xi32, #tpu.memory_space<vmem>> -> memref<1x1x40xi32, #tpu.memory_space<vmem>>
        %dma_wait3A_524 = tpu.memref_squeeze %dma_wait3A_523 : memref<1x1x40xi32, #tpu.memory_space<vmem>> -> memref<40xi32, #tpu.memory_space<vmem>>
        %dma_wait3A_525 = arith.constant 0 : i32
        %dma_wait3A_526 = arith.constant 0 : i32
        %dma_wait3A_527 = tpu.memref_slice %arg11[%dma_wait3A_525, %dma_wait3A_526] : memref<10240x128xf32, #tpu.memory_space<vmem_shared>> -> memref<10240x128xf32, #tpu.memory_space<vmem_shared>>
        %dma_wait3A_528 = tpu.memref_slice %arg14[%dma_wait3A_517] : memref<2x!tpu.dma_semaphore, #tpu.memory_space<semaphore_mem>> -> memref<1x!tpu.dma_semaphore, #tpu.memory_space<semaphore_mem>>
        %dma_wait3A_529 = tpu.memref_squeeze %dma_wait3A_528 : memref<1x!tpu.dma_semaphore, #tpu.memory_space<semaphore_mem>> -> memref<!tpu.dma_semaphore, #tpu.memory_space<semaphore_mem>>
        tpu.wait_indirect_dma semaphore(%dma_wait3A_529 : memref<!tpu.dma_semaphore, #tpu.memory_space<semaphore_mem>>) src(%dma_wait3A_521 : memref<40x128xf32, #tpu.memory_space<vmem>>) dst(%dma_wait3A_527 : memref<10240x128xf32, #tpu.memory_space<vmem_shared>>)
      } else {
      }
      %get3A_449 = arith.constant 1 : i32
      %get3A_450 = arith.constant 0 : i32
      %get3A_451 = arith.index_cast %get3A_449 : i32 to index
      %get3A_452 = arith.index_cast %get3A_450 : i32 to index
      %get3A_453 = arith.constant 0 : index
      %get3A_454 = tpu.vector_load %arg6[%get3A_451, %get3A_452, %get3A_453] {strides = array<i32>} : memref<2x1x80xi32, #tpu.memory_space<vmem>>, vector<1x1x16xi32>,
      %get3A_455 = vector.shape_cast %get3A_454 : vector<1x1x16xi32> to vector<16xi32>
      %swap3A_456 = arith.constant 1 : i32
      %swap3A_457 = arith.constant 0 : i32
      %swap3A_458 = arith.index_cast %swap3A_456 : i32 to index
      %swap3A_459 = arith.index_cast %swap3A_457 : i32 to index
      %swap3A_460 = arith.constant 0 : index
      %swap3A_461 = tpu.vector_load %arg7[%swap3A_458, %swap3A_459, %swap3A_460] {strides = array<i32>} : memref<2x1x40xi32, #tpu.memory_space<vmem>>, vector<1x1x16xi32>,
      %swap3A_462 = vector.shape_cast %swap3A_461 : vector<1x1x16xi32> to vector<16xi32>
      %swap3A_463 = vector.shape_cast %get3A_455 : vector<16xi32> to vector<1x1x16xi32>
      tpu.vector_store %arg7[%swap3A_458, %swap3A_459, %swap3A_460], %swap3A_463 {strides = array<i32>} : memref<2x1x40xi32, #tpu.memory_space<vmem>>, vector<1x1x16xi32>,
      %get3A_464 = arith.constant 1 : i32
      %get3A_465 = arith.constant 0 : i32
      %get3A_466 = arith.index_cast %get3A_464 : i32 to index
      %get3A_467 = arith.index_cast %get3A_465 : i32 to index
      %get3A_468 = arith.constant 16 : index
      %get3A_469 = tpu.vector_load %arg6[%get3A_466, %get3A_467, %get3A_468] {strides = array<i32>} : memref<2x1x80xi32, #tpu.memory_space<vmem>>, vector<1x1x16xi32>,
      %get3A_470 = vector.shape_cast %get3A_469 : vector<1x1x16xi32> to vector<16xi32>
      %swap3A_471 = arith.constant 1 : i32
      %swap3A_472 = arith.constant 0 : i32
      %swap3A_473 = arith.index_cast %swap3A_471 : i32 to index
      %swap3A_474 = arith.index_cast %swap3A_472 : i32 to index
      %swap3A_475 = arith.constant 16 : index
      %swap3A_476 = tpu.vector_load %arg7[%swap3A_473, %swap3A_474, %swap3A_475] {strides = array<i32>} : memref<2x1x40xi32, #tpu.memory_space<vmem>>, vector<1x1x16xi32>,
      %swap3A_477 = vector.shape_cast %swap3A_476 : vector<1x1x16xi32> to vector<16xi32>
      %swap3A_478 = vector.shape_cast %get3A_470 : vector<16xi32> to vector<1x1x16xi32>
      tpu.vector_store %arg7[%swap3A_473, %swap3A_474, %swap3A_475], %swap3A_478 {strides = array<i32>} : memref<2x1x40xi32, #tpu.memory_space<vmem>>, vector<1x1x16xi32>,
      %get3A_479 = arith.constant 1 : i32
      %get3A_480 = arith.constant 0 : i32
      %get3A_481 = arith.index_cast %get3A_479 : i32 to index
      %get3A_482 = arith.index_cast %get3A_480 : i32 to index
      %get3A_483 = arith.constant 24 : index
      %get3A_484 = tpu.vector_load %arg6[%get3A_481, %get3A_482, %get3A_483] {strides = array<i32>} : memref<2x1x80xi32, #tpu.memory_space<vmem>>, vector<1x1x16xi32>,
      %get3A_485 = vector.shape_cast %get3A_484 : vector<1x1x16xi32> to vector<16xi32>
      %swap3A_486 = arith.constant 1 : i32
      %swap3A_487 = arith.constant 0 : i32
      %swap3A_488 = arith.index_cast %swap3A_486 : i32 to index
      %swap3A_489 = arith.index_cast %swap3A_487 : i32 to index
      %swap3A_490 = arith.constant 24 : index
      %swap3A_491 = tpu.vector_load %arg7[%swap3A_488, %swap3A_489, %swap3A_490] {strides = array<i32>} : memref<2x1x40xi32, #tpu.memory_space<vmem>>, vector<1x1x16xi32>,
      %swap3A_492 = vector.shape_cast %swap3A_491 : vector<1x1x16xi32> to vector<16xi32>
      %swap3A_493 = vector.shape_cast %get3A_485 : vector<16xi32> to vector<1x1x16xi32>
      tpu.vector_store %arg7[%swap3A_488, %swap3A_489, %swap3A_490], %swap3A_493 {strides = array<i32>} : memref<2x1x40xi32, #tpu.memory_space<vmem>>, vector<1x1x16xi32>,
      %parallel_loop3A_494 = arith.constant 0 : i32
      %parallel_loop3A_495 = arith.constant 40 : i32
      %parallel_loop3A_496 = arith.constant 1 : i32
      scf.for %parallel_loop3A_514 = %parallel_loop3A_494 to %parallel_loop3A_495 step %parallel_loop3A_496  : i32 {
        %parallel_loop3A_515 = arith.constant 1 : i32
        %parallel_loop3A_516 = arith.index_cast %parallel_loop3A_515 : i32 to index
        %parallel_loop3A_517 = arith.index_cast %parallel_loop3A_514 : i32 to index
        %parallel_loop3A_518 = arith.constant 0 : index
        %parallel_loop3A_519 = tpu.vector_load %arg8[%parallel_loop3A_516, %parallel_loop3A_517, %parallel_loop3A_518] {strides = array<i32>} : memref<2x40x256xf32, #tpu.memory_space<vmem>>, vector<1x1x16xf32>,
        %parallel_loop3A_520 = vector.shape_cast %parallel_loop3A_519 : vector<1x1x16xf32> to vector<16xf32>
        %parallel_loop3A_521 = arith.constant 1 : i32
        %parallel_loop3A_522 = arith.index_cast %parallel_loop3A_521 : i32 to index
        %parallel_loop3A_523 = arith.index_cast %parallel_loop3A_514 : i32 to index
        %parallel_loop3A_524 = arith.constant 0 : index
        %parallel_loop3A_525 = tpu.vector_load %arg9[%parallel_loop3A_522, %parallel_loop3A_523, %parallel_loop3A_524] {strides = array<i32>} : memref<2x40x128xf32, #tpu.memory_space<vmem>>, vector<1x1x16xf32>,
        %parallel_loop3A_526 = vector.shape_cast %parallel_loop3A_525 : vector<1x1x16xf32> to vector<16xf32>
        %parallel_loop3A_527 = arith.mulf %parallel_loop3A_520, %parallel_loop3A_526 : vector<16xf32>
        %parallel_loop3A_528 = arith.constant 1 : i32
        %parallel_loop3A_529 = arith.index_cast %parallel_loop3A_528 : i32 to index
        %parallel_loop3A_530 = arith.index_cast %parallel_loop3A_514 : i32 to index
        %parallel_loop3A_531 = arith.constant 16 : index
        %parallel_loop3A_532 = tpu.vector_load %arg8[%parallel_loop3A_529, %parallel_loop3A_530, %parallel_loop3A_531] {strides = array<i32>} : memref<2x40x256xf32, #tpu.memory_space<vmem>>, vector<1x1x16xf32>,
        %parallel_loop3A_533 = vector.shape_cast %parallel_loop3A_532 : vector<1x1x16xf32> to vector<16xf32>
        %parallel_loop3A_534 = arith.constant 1 : i32
        %parallel_loop3A_535 = arith.index_cast %parallel_loop3A_534 : i32 to index
        %parallel_loop3A_536 = arith.index_cast %parallel_loop3A_514 : i32 to index
        %parallel_loop3A_537 = arith.constant 16 : index
        %parallel_loop3A_538 = tpu.vector_load %arg9[%parallel_loop3A_535, %parallel_loop3A_536, %parallel_loop3A_537] {strides = array<i32>} : memref<2x40x128xf32, #tpu.memory_space<vmem>>, vector<1x1x16xf32>,
        %parallel_loop3A_539 = vector.shape_cast %parallel_loop3A_538 : vector<1x1x16xf32> to vector<16xf32>
        %parallel_loop3A_540 = arith.mulf %parallel_loop3A_533, %parallel_loop3A_539 : vector<16xf32>
        %parallel_loop3A_541 = arith.constant 1 : i32
        %parallel_loop3A_542 = arith.index_cast %parallel_loop3A_541 : i32 to index
        %parallel_loop3A_543 = arith.index_cast %parallel_loop3A_514 : i32 to index
        %parallel_loop3A_544 = arith.constant 32 : index
        %parallel_loop3A_545 = tpu.vector_load %arg8[%parallel_loop3A_542, %parallel_loop3A_543, %parallel_loop3A_544] {strides = array<i32>} : memref<2x40x256xf32, #tpu.memory_space<vmem>>, vector<1x1x16xf32>,
        %parallel_loop3A_546 = vector.shape_cast %parallel_loop3A_545 : vector<1x1x16xf32> to vector<16xf32>
        %parallel_loop3A_547 = arith.constant 1 : i32
        %parallel_loop3A_548 = arith.index_cast %parallel_loop3A_547 : i32 to index
        %parallel_loop3A_549 = arith.index_cast %parallel_loop3A_514 : i32 to index
        %parallel_loop3A_550 = arith.constant 32 : index
        %parallel_loop3A_551 = tpu.vector_load %arg9[%parallel_loop3A_548, %parallel_loop3A_549, %parallel_loop3A_550] {strides = array<i32>} : memref<2x40x128xf32, #tpu.memory_space<vmem>>, vector<1x1x16xf32>,
        %parallel_loop3A_552 = vector.shape_cast %parallel_loop3A_551 : vector<1x1x16xf32> to vector<16xf32>
        %parallel_loop3A_553 = arith.mulf %parallel_loop3A_546, %parallel_loop3A_552 : vector<16xf32>
        %parallel_loop3A_554 = arith.constant 1 : i32
        %parallel_loop3A_555 = arith.index_cast %parallel_loop3A_554 : i32 to index
        %parallel_loop3A_556 = arith.index_cast %parallel_loop3A_514 : i32 to index
        %parallel_loop3A_557 = arith.constant 48 : index
        %parallel_loop3A_558 = tpu.vector_load %arg8[%parallel_loop3A_555, %parallel_loop3A_556, %parallel_loop3A_557] {strides = array<i32>} : memref<2x40x256xf32, #tpu.memory_space<vmem>>, vector<1x1x16xf32>,
        %parallel_loop3A_559 = vector.shape_cast %parallel_loop3A_558 : vector<1x1x16xf32> to vector<16xf32>
        %parallel_loop3A_560 = arith.constant 1 : i32
        %parallel_loop3A_561 = arith.index_cast %parallel_loop3A_560 : i32 to index
        %parallel_loop3A_562 = arith.index_cast %parallel_loop3A_514 : i32 to index
        %parallel_loop3A_563 = arith.constant 48 : index
        %parallel_loop3A_564 = tpu.vector_load %arg9[%parallel_loop3A_561, %parallel_loop3A_562, %parallel_loop3A_563] {strides = array<i32>} : memref<2x40x128xf32, #tpu.memory_space<vmem>>, vector<1x1x16xf32>,
        %parallel_loop3A_565 = vector.shape_cast %parallel_loop3A_564 : vector<1x1x16xf32> to vector<16xf32>
        %parallel_loop3A_566 = arith.mulf %parallel_loop3A_559, %parallel_loop3A_565 : vector<16xf32>
        %parallel_loop3A_567 = arith.constant 1 : i32
        %parallel_loop3A_568 = arith.index_cast %parallel_loop3A_567 : i32 to index
        %parallel_loop3A_569 = arith.index_cast %parallel_loop3A_514 : i32 to index
        %parallel_loop3A_570 = arith.constant 64 : index
        %parallel_loop3A_571 = tpu.vector_load %arg8[%parallel_loop3A_568, %parallel_loop3A_569, %parallel_loop3A_570] {strides = array<i32>} : memref<2x40x256xf32, #tpu.memory_space<vmem>>, vector<1x1x16xf32>,
        %parallel_loop3A_572 = vector.shape_cast %parallel_loop3A_571 : vector<1x1x16xf32> to vector<16xf32>
        %parallel_loop3A_573 = arith.constant 1 : i32
        %parallel_loop3A_574 = arith.index_cast %parallel_loop3A_573 : i32 to index
        %parallel_loop3A_575 = arith.index_cast %parallel_loop3A_514 : i32 to index
        %parallel_loop3A_576 = arith.constant 64 : index
        %parallel_loop3A_577 = tpu.vector_load %arg9[%parallel_loop3A_574, %parallel_loop3A_575, %parallel_loop3A_576] {strides = array<i32>} : memref<2x40x128xf32, #tpu.memory_space<vmem>>, vector<1x1x16xf32>,
        %parallel_loop3A_578 = vector.shape_cast %parallel_loop3A_577 : vector<1x1x16xf32> to vector<16xf32>
        %parallel_loop3A_579 = arith.mulf %parallel_loop3A_572, %parallel_loop3A_578 : vector<16xf32>
        %parallel_loop3A_580 = arith.constant 1 : i32
        %parallel_loop3A_581 = arith.index_cast %parallel_loop3A_580 : i32 to index
        %parallel_loop3A_582 = arith.index_cast %parallel_loop3A_514 : i32 to index
        %parallel_loop3A_583 = arith.constant 80 : index
        %parallel_loop3A_584 = tpu.vector_load %arg8[%parallel_loop3A_581, %parallel_loop3A_582, %parallel_loop3A_583] {strides = array<i32>} : memref<2x40x256xf32, #tpu.memory_space<vmem>>, vector<1x1x16xf32>,
        %parallel_loop3A_585 = vector.shape_cast %parallel_loop3A_584 : vector<1x1x16xf32> to vector<16xf32>
        %parallel_loop3A_586 = arith.constant 1 : i32
        %parallel_loop3A_587 = arith.index_cast %parallel_loop3A_586 : i32 to index
        %parallel_loop3A_588 = arith.index_cast %parallel_loop3A_514 : i32 to index
        %parallel_loop3A_589 = arith.constant 80 : index
        %parallel_loop3A_590 = tpu.vector_load %arg9[%parallel_loop3A_587, %parallel_loop3A_588, %parallel_loop3A_589] {strides = array<i32>} : memref<2x40x128xf32, #tpu.memory_space<vmem>>, vector<1x1x16xf32>,
        %parallel_loop3A_591 = vector.shape_cast %parallel_loop3A_590 : vector<1x1x16xf32> to vector<16xf32>
        %parallel_loop3A_592 = arith.mulf %parallel_loop3A_585, %parallel_loop3A_591 : vector<16xf32>
        %parallel_loop3A_593 = arith.constant 1 : i32
        %parallel_loop3A_594 = arith.index_cast %parallel_loop3A_593 : i32 to index
        %parallel_loop3A_595 = arith.index_cast %parallel_loop3A_514 : i32 to index
        %parallel_loop3A_596 = arith.constant 96 : index
        %parallel_loop3A_597 = tpu.vector_load %arg8[%parallel_loop3A_594, %parallel_loop3A_595, %parallel_loop3A_596] {strides = array<i32>} : memref<2x40x256xf32, #tpu.memory_space<vmem>>, vector<1x1x16xf32>,
        %parallel_loop3A_598 = vector.shape_cast %parallel_loop3A_597 : vector<1x1x16xf32> to vector<16xf32>
        %parallel_loop3A_599 = arith.constant 1 : i32
        %parallel_loop3A_600 = arith.index_cast %parallel_loop3A_599 : i32 to index
        %parallel_loop3A_601 = arith.index_cast %parallel_loop3A_514 : i32 to index
        %parallel_loop3A_602 = arith.constant 96 : index
        %parallel_loop3A_603 = tpu.vector_load %arg9[%parallel_loop3A_600, %parallel_loop3A_601, %parallel_loop3A_602] {strides = array<i32>} : memref<2x40x128xf32, #tpu.memory_space<vmem>>, vector<1x1x16xf32>,
        %parallel_loop3A_604 = vector.shape_cast %parallel_loop3A_603 : vector<1x1x16xf32> to vector<16xf32>
        %parallel_loop3A_605 = arith.mulf %parallel_loop3A_598, %parallel_loop3A_604 : vector<16xf32>
        %parallel_loop3A_606 = arith.constant 1 : i32
        %parallel_loop3A_607 = arith.index_cast %parallel_loop3A_606 : i32 to index
        %parallel_loop3A_608 = arith.index_cast %parallel_loop3A_514 : i32 to index
        %parallel_loop3A_609 = arith.constant 112 : index
        %parallel_loop3A_610 = tpu.vector_load %arg8[%parallel_loop3A_607, %parallel_loop3A_608, %parallel_loop3A_609] {strides = array<i32>} : memref<2x40x256xf32, #tpu.memory_space<vmem>>, vector<1x1x16xf32>,
        %parallel_loop3A_611 = vector.shape_cast %parallel_loop3A_610 : vector<1x1x16xf32> to vector<16xf32>
        %parallel_loop3A_612 = arith.constant 1 : i32
        %parallel_loop3A_613 = arith.index_cast %parallel_loop3A_612 : i32 to index
        %parallel_loop3A_614 = arith.index_cast %parallel_loop3A_514 : i32 to index
        %parallel_loop3A_615 = arith.constant 112 : index
        %parallel_loop3A_616 = tpu.vector_load %arg9[%parallel_loop3A_613, %parallel_loop3A_614, %parallel_loop3A_615] {strides = array<i32>} : memref<2x40x128xf32, #tpu.memory_space<vmem>>, vector<1x1x16xf32>,
        %parallel_loop3A_617 = vector.shape_cast %parallel_loop3A_616 : vector<1x1x16xf32> to vector<16xf32>
        %parallel_loop3A_618 = arith.mulf %parallel_loop3A_611, %parallel_loop3A_617 : vector<16xf32>
        %parallel_loop3A_619 = vector.shape_cast %xor3A_88 : vector<16xi32> to vector<16x1xi32>
        %parallel_loop3A_620 = vector.shape_cast %parallel_loop3A_619 : vector<16x1xi32> to vector<16xi32>
        %parallel_loop3A_621 = tpu.dynamic_gather %parallel_loop3A_527[%parallel_loop3A_620] in [0] : vector<16xf32>, vector<16xi32> -> vector<16xf32>
        %parallel_loop3A_622 = arith.addf %parallel_loop3A_527, %parallel_loop3A_621 : vector<16xf32>
        %parallel_loop3A_623 = vector.shape_cast %xor3A_88 : vector<16xi32> to vector<16x1xi32>
        %parallel_loop3A_624 = vector.shape_cast %parallel_loop3A_623 : vector<16x1xi32> to vector<16xi32>
        %parallel_loop3A_625 = tpu.dynamic_gather %parallel_loop3A_540[%parallel_loop3A_624] in [0] : vector<16xf32>, vector<16xi32> -> vector<16xf32>
        %parallel_loop3A_626 = arith.addf %parallel_loop3A_540, %parallel_loop3A_625 : vector<16xf32>
        %parallel_loop3A_627 = vector.shape_cast %xor3A_88 : vector<16xi32> to vector<16x1xi32>
        %parallel_loop3A_628 = vector.shape_cast %parallel_loop3A_627 : vector<16x1xi32> to vector<16xi32>
        %parallel_loop3A_629 = tpu.dynamic_gather %parallel_loop3A_553[%parallel_loop3A_628] in [0] : vector<16xf32>, vector<16xi32> -> vector<16xf32>
        %parallel_loop3A_630 = arith.addf %parallel_loop3A_553, %parallel_loop3A_629 : vector<16xf32>
        %parallel_loop3A_631 = vector.shape_cast %xor3A_88 : vector<16xi32> to vector<16x1xi32>
        %parallel_loop3A_632 = vector.shape_cast %parallel_loop3A_631 : vector<16x1xi32> to vector<16xi32>
        %parallel_loop3A_633 = tpu.dynamic_gather %parallel_loop3A_566[%parallel_loop3A_632] in [0] : vector<16xf32>, vector<16xi32> -> vector<16xf32>
        %parallel_loop3A_634 = arith.addf %parallel_loop3A_566, %parallel_loop3A_633 : vector<16xf32>
        %parallel_loop3A_635 = vector.shape_cast %xor3A_88 : vector<16xi32> to vector<16x1xi32>
        %parallel_loop3A_636 = vector.shape_cast %parallel_loop3A_635 : vector<16x1xi32> to vector<16xi32>
        %parallel_loop3A_637 = tpu.dynamic_gather %parallel_loop3A_579[%parallel_loop3A_636] in [0] : vector<16xf32>, vector<16xi32> -> vector<16xf32>
        %parallel_loop3A_638 = arith.addf %parallel_loop3A_579, %parallel_loop3A_637 : vector<16xf32>
        %parallel_loop3A_639 = vector.shape_cast %xor3A_88 : vector<16xi32> to vector<16x1xi32>
        %parallel_loop3A_640 = vector.shape_cast %parallel_loop3A_639 : vector<16x1xi32> to vector<16xi32>
        %parallel_loop3A_641 = tpu.dynamic_gather %parallel_loop3A_592[%parallel_loop3A_640] in [0] : vector<16xf32>, vector<16xi32> -> vector<16xf32>
        %parallel_loop3A_642 = arith.addf %parallel_loop3A_592, %parallel_loop3A_641 : vector<16xf32>
        %parallel_loop3A_643 = vector.shape_cast %xor3A_88 : vector<16xi32> to vector<16x1xi32>
        %parallel_loop3A_644 = vector.shape_cast %parallel_loop3A_643 : vector<16x1xi32> to vector<16xi32>
        %parallel_loop3A_645 = tpu.dynamic_gather %parallel_loop3A_605[%parallel_loop3A_644] in [0] : vector<16xf32>, vector<16xi32> -> vector<16xf32>
        %parallel_loop3A_646 = arith.addf %parallel_loop3A_605, %parallel_loop3A_645 : vector<16xf32>
        %parallel_loop3A_647 = vector.shape_cast %xor3A_88 : vector<16xi32> to vector<16x1xi32>
        %parallel_loop3A_648 = vector.shape_cast %parallel_loop3A_647 : vector<16x1xi32> to vector<16xi32>
        %parallel_loop3A_649 = tpu.dynamic_gather %parallel_loop3A_618[%parallel_loop3A_648] in [0] : vector<16xf32>, vector<16xi32> -> vector<16xf32>
        %parallel_loop3A_650 = arith.addf %parallel_loop3A_618, %parallel_loop3A_649 : vector<16xf32>
        %parallel_loop3A_651 = arith.select %lt3A_99, %parallel_loop3A_622, %parallel_loop3A_626 : vector<16xi1>, vector<16xf32>
        %parallel_loop3A_652 = arith.select %lt3A_99, %parallel_loop3A_630, %parallel_loop3A_634 : vector<16xi1>, vector<16xf32>
        %parallel_loop3A_653 = arith.select %lt3A_99, %parallel_loop3A_638, %parallel_loop3A_642 : vector<16xi1>, vector<16xf32>
        %parallel_loop3A_654 = arith.select %lt3A_99, %parallel_loop3A_646, %parallel_loop3A_650 : vector<16xi1>, vector<16xf32>
        %parallel_loop3A_655 = vector.shape_cast %xor3A_91 : vector<16xi32> to vector<16x1xi32>
        %parallel_loop3A_656 = vector.shape_cast %parallel_loop3A_655 : vector<16x1xi32> to vector<16xi32>
        %parallel_loop3A_657 = tpu.dynamic_gather %parallel_loop3A_651[%parallel_loop3A_656] in [0] : vector<16xf32>, vector<16xi32> -> vector<16xf32>
        %parallel_loop3A_658 = arith.addf %parallel_loop3A_651, %parallel_loop3A_657 : vector<16xf32>
        %parallel_loop3A_659 = vector.shape_cast %xor3A_91 : vector<16xi32> to vector<16x1xi32>
        %parallel_loop3A_660 = vector.shape_cast %parallel_loop3A_659 : vector<16x1xi32> to vector<16xi32>
        %parallel_loop3A_661 = tpu.dynamic_gather %parallel_loop3A_652[%parallel_loop3A_660] in [0] : vector<16xf32>, vector<16xi32> -> vector<16xf32>
        %parallel_loop3A_662 = arith.addf %parallel_loop3A_652, %parallel_loop3A_661 : vector<16xf32>
        %parallel_loop3A_663 = vector.shape_cast %xor3A_91 : vector<16xi32> to vector<16x1xi32>
        %parallel_loop3A_664 = vector.shape_cast %parallel_loop3A_663 : vector<16x1xi32> to vector<16xi32>
        %parallel_loop3A_665 = tpu.dynamic_gather %parallel_loop3A_653[%parallel_loop3A_664] in [0] : vector<16xf32>, vector<16xi32> -> vector<16xf32>
        %parallel_loop3A_666 = arith.addf %parallel_loop3A_653, %parallel_loop3A_665 : vector<16xf32>
        %parallel_loop3A_667 = vector.shape_cast %xor3A_91 : vector<16xi32> to vector<16x1xi32>
        %parallel_loop3A_668 = vector.shape_cast %parallel_loop3A_667 : vector<16x1xi32> to vector<16xi32>
        %parallel_loop3A_669 = tpu.dynamic_gather %parallel_loop3A_654[%parallel_loop3A_668] in [0] : vector<16xf32>, vector<16xi32> -> vector<16xf32>
        %parallel_loop3A_670 = arith.addf %parallel_loop3A_654, %parallel_loop3A_669 : vector<16xf32>
        %parallel_loop3A_671 = arith.select %eq3A_103, %parallel_loop3A_658, %parallel_loop3A_662 : vector<16xi1>, vector<16xf32>
        %parallel_loop3A_672 = arith.select %eq3A_103, %parallel_loop3A_666, %parallel_loop3A_670 : vector<16xi1>, vector<16xf32>
        %parallel_loop3A_673 = vector.shape_cast %xor3A_94 : vector<16xi32> to vector<16x1xi32>
        %parallel_loop3A_674 = vector.shape_cast %parallel_loop3A_673 : vector<16x1xi32> to vector<16xi32>
        %parallel_loop3A_675 = tpu.dynamic_gather %parallel_loop3A_671[%parallel_loop3A_674] in [0] : vector<16xf32>, vector<16xi32> -> vector<16xf32>
        %parallel_loop3A_676 = arith.addf %parallel_loop3A_671, %parallel_loop3A_675 : vector<16xf32>
        %parallel_loop3A_677 = vector.shape_cast %xor3A_94 : vector<16xi32> to vector<16x1xi32>
        %parallel_loop3A_678 = vector.shape_cast %parallel_loop3A_677 : vector<16x1xi32> to vector<16xi32>
        %parallel_loop3A_679 = tpu.dynamic_gather %parallel_loop3A_672[%parallel_loop3A_678] in [0] : vector<16xf32>, vector<16xi32> -> vector<16xf32>
        %parallel_loop3A_680 = arith.addf %parallel_loop3A_672, %parallel_loop3A_679 : vector<16xf32>
        %parallel_loop3A_681 = arith.select %eq3A_109, %parallel_loop3A_676, %parallel_loop3A_680 : vector<16xi1>, vector<16xf32>
        %parallel_loop3A_682 = vector.shape_cast %xor3A_97 : vector<16xi32> to vector<16x1xi32>
        %parallel_loop3A_683 = vector.shape_cast %parallel_loop3A_682 : vector<16x1xi32> to vector<16xi32>
        %parallel_loop3A_684 = tpu.dynamic_gather %parallel_loop3A_681[%parallel_loop3A_683] in [0] : vector<16xf32>, vector<16xi32> -> vector<16xf32>
        %parallel_loop3A_685 = arith.addf %parallel_loop3A_681, %parallel_loop3A_684 : vector<16xf32>
        %parallel_loop3A_686 = arith.constant 9.99999997E-7 : f32
        %parallel_loop3A_687 = vector.broadcast %parallel_loop3A_686 : f32 to vector<16xf32>
        %parallel_loop3A_688 = arith.maximumf %parallel_loop3A_685, %parallel_loop3A_687 : vector<16xf32>
        %parallel_loop3A_689 = arith.constant 1.000000e+00 : f32
        %parallel_loop3A_690 = vector.broadcast %parallel_loop3A_689 : f32 to vector<16xf32>
        %parallel_loop3A_691 = arith.minimumf %parallel_loop3A_688, %parallel_loop3A_690 : vector<16xf32>
        %parallel_loop3A_692 = arith.constant 1 : i32
        %parallel_loop3A_693 = arith.index_cast %parallel_loop3A_692 : i32 to index
        %parallel_loop3A_694 = arith.index_cast %parallel_loop3A_514 : i32 to index
        %parallel_loop3A_695 = arith.constant 128 : index
        %parallel_loop3A_696 = tpu.vector_load %arg8[%parallel_loop3A_693, %parallel_loop3A_694, %parallel_loop3A_695] {strides = array<i32>} : memref<2x40x256xf32, #tpu.memory_space<vmem>>, vector<1x1x16xf32>,
        %parallel_loop3A_697 = vector.shape_cast %parallel_loop3A_696 : vector<1x1x16xf32> to vector<16xf32>
        %parallel_loop3A_698 = vector.extract_strided_slice %parallel_loop3A_691 {offsets = [0], sizes = [1], strides = [1]} : vector<16xf32> to vector<1xf32>
        %parallel_loop3A_699 = vector.extract %parallel_loop3A_698[0] : f32 from vector<1xf32>
        %parallel_loop3A_700 = vector.broadcast %parallel_loop3A_699 : f32 to vector<16xf32>
        %parallel_loop3A_701 = arith.mulf %parallel_loop3A_697, %parallel_loop3A_700 : vector<16xf32>
        %parallel_loop3A_702 = arith.constant 1 : i32
        %parallel_loop3A_703 = arith.index_cast %parallel_loop3A_702 : i32 to index
        %parallel_loop3A_704 = arith.index_cast %parallel_loop3A_514 : i32 to index
        %parallel_loop3A_705 = arith.constant 0 : index
        %parallel_loop3A_706 = tpu.vector_load %arg10[%parallel_loop3A_703, %parallel_loop3A_704, %parallel_loop3A_705] {strides = array<i32>} : memref<2x40x128xf32, #tpu.memory_space<vmem>>, vector<1x1x16xf32>,
        %parallel_loop3A_707 = vector.shape_cast %parallel_loop3A_706 : vector<1x1x16xf32> to vector<16xf32>
        %parallel_loop3A_708 = vector.shape_cast %parallel_loop3A_701 : vector<16xf32> to vector<1x1x16xf32>
        tpu.vector_store %arg10[%parallel_loop3A_703, %parallel_loop3A_704, %parallel_loop3A_705], %parallel_loop3A_708 {strides = array<i32>} : memref<2x40x128xf32, #tpu.memory_space<vmem>>, vector<1x1x16xf32>,
        %parallel_loop3A_709 = arith.constant 1 : i32
        %parallel_loop3A_710 = arith.index_cast %parallel_loop3A_709 : i32 to index
        %parallel_loop3A_711 = arith.index_cast %parallel_loop3A_514 : i32 to index
        %parallel_loop3A_712 = arith.constant 144 : index
        %parallel_loop3A_713 = tpu.vector_load %arg8[%parallel_loop3A_710, %parallel_loop3A_711, %parallel_loop3A_712] {strides = array<i32>} : memref<2x40x256xf32, #tpu.memory_space<vmem>>, vector<1x1x16xf32>,
        %parallel_loop3A_714 = vector.shape_cast %parallel_loop3A_713 : vector<1x1x16xf32> to vector<16xf32>
        %parallel_loop3A_715 = vector.extract_strided_slice %parallel_loop3A_691 {offsets = [8], sizes = [1], strides = [1]} : vector<16xf32> to vector<1xf32>
        %parallel_loop3A_716 = vector.extract %parallel_loop3A_715[0] : f32 from vector<1xf32>
        %parallel_loop3A_717 = vector.broadcast %parallel_loop3A_716 : f32 to vector<16xf32>
        %parallel_loop3A_718 = arith.mulf %parallel_loop3A_714, %parallel_loop3A_717 : vector<16xf32>
        %parallel_loop3A_719 = arith.constant 1 : i32
        %parallel_loop3A_720 = arith.index_cast %parallel_loop3A_719 : i32 to index
        %parallel_loop3A_721 = arith.index_cast %parallel_loop3A_514 : i32 to index
        %parallel_loop3A_722 = arith.constant 16 : index
        %parallel_loop3A_723 = tpu.vector_load %arg10[%parallel_loop3A_720, %parallel_loop3A_721, %parallel_loop3A_722] {strides = array<i32>} : memref<2x40x128xf32, #tpu.memory_space<vmem>>, vector<1x1x16xf32>,
        %parallel_loop3A_724 = vector.shape_cast %parallel_loop3A_723 : vector<1x1x16xf32> to vector<16xf32>
        %parallel_loop3A_725 = vector.shape_cast %parallel_loop3A_718 : vector<16xf32> to vector<1x1x16xf32>
        tpu.vector_store %arg10[%parallel_loop3A_720, %parallel_loop3A_721, %parallel_loop3A_722], %parallel_loop3A_725 {strides = array<i32>} : memref<2x40x128xf32, #tpu.memory_space<vmem>>, vector<1x1x16xf32>,
        %parallel_loop3A_726 = arith.constant 1 : i32
        %parallel_loop3A_727 = arith.index_cast %parallel_loop3A_726 : i32 to index
        %parallel_loop3A_728 = arith.index_cast %parallel_loop3A_514 : i32 to index
        %parallel_loop3A_729 = arith.constant 160 : index
        %parallel_loop3A_730 = tpu.vector_load %arg8[%parallel_loop3A_727, %parallel_loop3A_728, %parallel_loop3A_729] {strides = array<i32>} : memref<2x40x256xf32, #tpu.memory_space<vmem>>, vector<1x1x16xf32>,
        %parallel_loop3A_731 = vector.shape_cast %parallel_loop3A_730 : vector<1x1x16xf32> to vector<16xf32>
        %parallel_loop3A_732 = vector.extract_strided_slice %parallel_loop3A_691 {offsets = [4], sizes = [1], strides = [1]} : vector<16xf32> to vector<1xf32>
        %parallel_loop3A_733 = vector.extract %parallel_loop3A_732[0] : f32 from vector<1xf32>
        %parallel_loop3A_734 = vector.broadcast %parallel_loop3A_733 : f32 to vector<16xf32>
        %parallel_loop3A_735 = arith.mulf %parallel_loop3A_731, %parallel_loop3A_734 : vector<16xf32>
        %parallel_loop3A_736 = arith.constant 1 : i32
        %parallel_loop3A_737 = arith.index_cast %parallel_loop3A_736 : i32 to index
        %parallel_loop3A_738 = arith.index_cast %parallel_loop3A_514 : i32 to index
        %parallel_loop3A_739 = arith.constant 32 : index
        %parallel_loop3A_740 = tpu.vector_load %arg10[%parallel_loop3A_737, %parallel_loop3A_738, %parallel_loop3A_739] {strides = array<i32>} : memref<2x40x128xf32, #tpu.memory_space<vmem>>, vector<1x1x16xf32>,
        %parallel_loop3A_741 = vector.shape_cast %parallel_loop3A_740 : vector<1x1x16xf32> to vector<16xf32>
        %parallel_loop3A_742 = vector.shape_cast %parallel_loop3A_735 : vector<16xf32> to vector<1x1x16xf32>
        tpu.vector_store %arg10[%parallel_loop3A_737, %parallel_loop3A_738, %parallel_loop3A_739], %parallel_loop3A_742 {strides = array<i32>} : memref<2x40x128xf32, #tpu.memory_space<vmem>>, vector<1x1x16xf32>,
        %parallel_loop3A_743 = arith.constant 1 : i32
        %parallel_loop3A_744 = arith.index_cast %parallel_loop3A_743 : i32 to index
        %parallel_loop3A_745 = arith.index_cast %parallel_loop3A_514 : i32 to index
        %parallel_loop3A_746 = arith.constant 176 : index
        %parallel_loop3A_747 = tpu.vector_load %arg8[%parallel_loop3A_744, %parallel_loop3A_745, %parallel_loop3A_746] {strides = array<i32>} : memref<2x40x256xf32, #tpu.memory_space<vmem>>, vector<1x1x16xf32>,
        %parallel_loop3A_748 = vector.shape_cast %parallel_loop3A_747 : vector<1x1x16xf32> to vector<16xf32>
        %parallel_loop3A_749 = vector.extract_strided_slice %parallel_loop3A_691 {offsets = [12], sizes = [1], strides = [1]} : vector<16xf32> to vector<1xf32>
        %parallel_loop3A_750 = vector.extract %parallel_loop3A_749[0] : f32 from vector<1xf32>
        %parallel_loop3A_751 = vector.broadcast %parallel_loop3A_750 : f32 to vector<16xf32>
        %parallel_loop3A_752 = arith.mulf %parallel_loop3A_748, %parallel_loop3A_751 : vector<16xf32>
        %parallel_loop3A_753 = arith.constant 1 : i32
        %parallel_loop3A_754 = arith.index_cast %parallel_loop3A_753 : i32 to index
        %parallel_loop3A_755 = arith.index_cast %parallel_loop3A_514 : i32 to index
        %parallel_loop3A_756 = arith.constant 48 : index
        %parallel_loop3A_757 = tpu.vector_load %arg10[%parallel_loop3A_754, %parallel_loop3A_755, %parallel_loop3A_756] {strides = array<i32>} : memref<2x40x128xf32, #tpu.memory_space<vmem>>, vector<1x1x16xf32>,
        %parallel_loop3A_758 = vector.shape_cast %parallel_loop3A_757 : vector<1x1x16xf32> to vector<16xf32>
        %parallel_loop3A_759 = vector.shape_cast %parallel_loop3A_752 : vector<16xf32> to vector<1x1x16xf32>
        tpu.vector_store %arg10[%parallel_loop3A_754, %parallel_loop3A_755, %parallel_loop3A_756], %parallel_loop3A_759 {strides = array<i32>} : memref<2x40x128xf32, #tpu.memory_space<vmem>>, vector<1x1x16xf32>,
        %parallel_loop3A_760 = arith.constant 1 : i32
        %parallel_loop3A_761 = arith.index_cast %parallel_loop3A_760 : i32 to index
        %parallel_loop3A_762 = arith.index_cast %parallel_loop3A_514 : i32 to index
        %parallel_loop3A_763 = arith.constant 192 : index
        %parallel_loop3A_764 = tpu.vector_load %arg8[%parallel_loop3A_761, %parallel_loop3A_762, %parallel_loop3A_763] {strides = array<i32>} : memref<2x40x256xf32, #tpu.memory_space<vmem>>, vector<1x1x16xf32>,
        %parallel_loop3A_765 = vector.shape_cast %parallel_loop3A_764 : vector<1x1x16xf32> to vector<16xf32>
        %parallel_loop3A_766 = vector.extract_strided_slice %parallel_loop3A_691 {offsets = [2], sizes = [1], strides = [1]} : vector<16xf32> to vector<1xf32>
        %parallel_loop3A_767 = vector.extract %parallel_loop3A_766[0] : f32 from vector<1xf32>
        %parallel_loop3A_768 = vector.broadcast %parallel_loop3A_767 : f32 to vector<16xf32>
        %parallel_loop3A_769 = arith.mulf %parallel_loop3A_765, %parallel_loop3A_768 : vector<16xf32>
        %parallel_loop3A_770 = arith.constant 1 : i32
        %parallel_loop3A_771 = arith.index_cast %parallel_loop3A_770 : i32 to index
        %parallel_loop3A_772 = arith.index_cast %parallel_loop3A_514 : i32 to index
        %parallel_loop3A_773 = arith.constant 64 : index
        %parallel_loop3A_774 = tpu.vector_load %arg10[%parallel_loop3A_771, %parallel_loop3A_772, %parallel_loop3A_773] {strides = array<i32>} : memref<2x40x128xf32, #tpu.memory_space<vmem>>, vector<1x1x16xf32>,
        %parallel_loop3A_775 = vector.shape_cast %parallel_loop3A_774 : vector<1x1x16xf32> to vector<16xf32>
        %parallel_loop3A_776 = vector.shape_cast %parallel_loop3A_769 : vector<16xf32> to vector<1x1x16xf32>
        tpu.vector_store %arg10[%parallel_loop3A_771, %parallel_loop3A_772, %parallel_loop3A_773], %parallel_loop3A_776 {strides = array<i32>} : memref<2x40x128xf32, #tpu.memory_space<vmem>>, vector<1x1x16xf32>,
        %parallel_loop3A_777 = arith.constant 1 : i32
        %parallel_loop3A_778 = arith.index_cast %parallel_loop3A_777 : i32 to index
        %parallel_loop3A_779 = arith.index_cast %parallel_loop3A_514 : i32 to index
        %parallel_loop3A_780 = arith.constant 208 : index
        %parallel_loop3A_781 = tpu.vector_load %arg8[%parallel_loop3A_778, %parallel_loop3A_779, %parallel_loop3A_780] {strides = array<i32>} : memref<2x40x256xf32, #tpu.memory_space<vmem>>, vector<1x1x16xf32>,
        %parallel_loop3A_782 = vector.shape_cast %parallel_loop3A_781 : vector<1x1x16xf32> to vector<16xf32>
        %parallel_loop3A_783 = vector.extract_strided_slice %parallel_loop3A_691 {offsets = [10], sizes = [1], strides = [1]} : vector<16xf32> to vector<1xf32>
        %parallel_loop3A_784 = vector.extract %parallel_loop3A_783[0] : f32 from vector<1xf32>
        %parallel_loop3A_785 = vector.broadcast %parallel_loop3A_784 : f32 to vector<16xf32>
        %parallel_loop3A_786 = arith.mulf %parallel_loop3A_782, %parallel_loop3A_785 : vector<16xf32>
        %parallel_loop3A_787 = arith.constant 1 : i32
        %parallel_loop3A_788 = arith.index_cast %parallel_loop3A_787 : i32 to index
        %parallel_loop3A_789 = arith.index_cast %parallel_loop3A_514 : i32 to index
        %parallel_loop3A_790 = arith.constant 80 : index
        %parallel_loop3A_791 = tpu.vector_load %arg10[%parallel_loop3A_788, %parallel_loop3A_789, %parallel_loop3A_790] {strides = array<i32>} : memref<2x40x128xf32, #tpu.memory_space<vmem>>, vector<1x1x16xf32>,
        %parallel_loop3A_792 = vector.shape_cast %parallel_loop3A_791 : vector<1x1x16xf32> to vector<16xf32>
        %parallel_loop3A_793 = vector.shape_cast %parallel_loop3A_786 : vector<16xf32> to vector<1x1x16xf32>
        tpu.vector_store %arg10[%parallel_loop3A_788, %parallel_loop3A_789, %parallel_loop3A_790], %parallel_loop3A_793 {strides = array<i32>} : memref<2x40x128xf32, #tpu.memory_space<vmem>>, vector<1x1x16xf32>,
        %parallel_loop3A_794 = arith.constant 1 : i32
        %parallel_loop3A_795 = arith.index_cast %parallel_loop3A_794 : i32 to index
        %parallel_loop3A_796 = arith.index_cast %parallel_loop3A_514 : i32 to index
        %parallel_loop3A_797 = arith.constant 224 : index
        %parallel_loop3A_798 = tpu.vector_load %arg8[%parallel_loop3A_795, %parallel_loop3A_796, %parallel_loop3A_797] {strides = array<i32>} : memref<2x40x256xf32, #tpu.memory_space<vmem>>, vector<1x1x16xf32>,
        %parallel_loop3A_799 = vector.shape_cast %parallel_loop3A_798 : vector<1x1x16xf32> to vector<16xf32>
        %parallel_loop3A_800 = vector.extract_strided_slice %parallel_loop3A_691 {offsets = [6], sizes = [1], strides = [1]} : vector<16xf32> to vector<1xf32>
        %parallel_loop3A_801 = vector.extract %parallel_loop3A_800[0] : f32 from vector<1xf32>
        %parallel_loop3A_802 = vector.broadcast %parallel_loop3A_801 : f32 to vector<16xf32>
        %parallel_loop3A_803 = arith.mulf %parallel_loop3A_799, %parallel_loop3A_802 : vector<16xf32>
        %parallel_loop3A_804 = arith.constant 1 : i32
        %parallel_loop3A_805 = arith.index_cast %parallel_loop3A_804 : i32 to index
        %parallel_loop3A_806 = arith.index_cast %parallel_loop3A_514 : i32 to index
        %parallel_loop3A_807 = arith.constant 96 : index
        %parallel_loop3A_808 = tpu.vector_load %arg10[%parallel_loop3A_805, %parallel_loop3A_806, %parallel_loop3A_807] {strides = array<i32>} : memref<2x40x128xf32, #tpu.memory_space<vmem>>, vector<1x1x16xf32>,
        %parallel_loop3A_809 = vector.shape_cast %parallel_loop3A_808 : vector<1x1x16xf32> to vector<16xf32>
        %parallel_loop3A_810 = vector.shape_cast %parallel_loop3A_803 : vector<16xf32> to vector<1x1x16xf32>
        tpu.vector_store %arg10[%parallel_loop3A_805, %parallel_loop3A_806, %parallel_loop3A_807], %parallel_loop3A_810 {strides = array<i32>} : memref<2x40x128xf32, #tpu.memory_space<vmem>>, vector<1x1x16xf32>,
        %parallel_loop3A_811 = arith.constant 1 : i32
        %parallel_loop3A_812 = arith.index_cast %parallel_loop3A_811 : i32 to index
        %parallel_loop3A_813 = arith.index_cast %parallel_loop3A_514 : i32 to index
        %parallel_loop3A_814 = arith.constant 240 : index
        %parallel_loop3A_815 = tpu.vector_load %arg8[%parallel_loop3A_812, %parallel_loop3A_813, %parallel_loop3A_814] {strides = array<i32>} : memref<2x40x256xf32, #tpu.memory_space<vmem>>, vector<1x1x16xf32>,
        %parallel_loop3A_816 = vector.shape_cast %parallel_loop3A_815 : vector<1x1x16xf32> to vector<16xf32>
        %parallel_loop3A_817 = vector.extract_strided_slice %parallel_loop3A_691 {offsets = [14], sizes = [1], strides = [1]} : vector<16xf32> to vector<1xf32>
        %parallel_loop3A_818 = vector.extract %parallel_loop3A_817[0] : f32 from vector<1xf32>
        %parallel_loop3A_819 = vector.broadcast %parallel_loop3A_818 : f32 to vector<16xf32>
        %parallel_loop3A_820 = arith.mulf %parallel_loop3A_816, %parallel_loop3A_819 : vector<16xf32>
        %parallel_loop3A_821 = arith.constant 1 : i32
        %parallel_loop3A_822 = arith.index_cast %parallel_loop3A_821 : i32 to index
        %parallel_loop3A_823 = arith.index_cast %parallel_loop3A_514 : i32 to index
        %parallel_loop3A_824 = arith.constant 112 : index
        %parallel_loop3A_825 = tpu.vector_load %arg10[%parallel_loop3A_822, %parallel_loop3A_823, %parallel_loop3A_824] {strides = array<i32>} : memref<2x40x128xf32, #tpu.memory_space<vmem>>, vector<1x1x16xf32>,
        %parallel_loop3A_826 = vector.shape_cast %parallel_loop3A_825 : vector<1x1x16xf32> to vector<16xf32>
        %parallel_loop3A_827 = vector.shape_cast %parallel_loop3A_820 : vector<16xf32> to vector<1x1x16xf32>
        tpu.vector_store %arg10[%parallel_loop3A_822, %parallel_loop3A_823, %parallel_loop3A_824], %parallel_loop3A_827 {strides = array<i32>} : memref<2x40x128xf32, #tpu.memory_space<vmem>>, vector<1x1x16xf32>,
      } {sc.loop_unroll_factor = 2 : i64, sc.parallel_access}
      %dma_start3A_497 = arith.constant 1 : i32
      %dma_start3A_498 = arith.constant 1 : i32
      %dma_start3A_499 = arith.constant 0 : i32
      %dma_start3A_500 = arith.constant 1 : i32
      %dma_start3A_501 = arith.constant 0 : i32
      %dma_start3A_502 = arith.constant 0 : i32
      %dma_start3A_503 = tpu.memref_slice %arg10[%dma_start3A_497, %dma_start3A_501, %dma_start3A_502] : memref<2x40x128xf32, #tpu.memory_space<vmem>> -> memref<1x40x128xf32, #tpu.memory_space<vmem>>
      %dma_start3A_504 = tpu.memref_squeeze %dma_start3A_503 : memref<1x40x128xf32, #tpu.memory_space<vmem>> -> memref<40x128xf32, #tpu.memory_space<vmem>>
      %dma_start3A_505 = arith.constant 0 : i32
      %dma_start3A_506 = tpu.memref_slice %arg7[%dma_start3A_498, %dma_start3A_499, %dma_start3A_505] : memref<2x1x40xi32, #tpu.memory_space<vmem>> -> memref<1x1x40xi32, #tpu.memory_space<vmem>>
      %dma_start3A_507 = tpu.memref_squeeze %dma_start3A_506 : memref<1x1x40xi32, #tpu.memory_space<vmem>> -> memref<40xi32, #tpu.memory_space<vmem>>
      %dma_start3A_508 = arith.constant 0 : i32
      %dma_start3A_509 = arith.constant 0 : i32
      %dma_start3A_510 = tpu.memref_slice %arg11[%dma_start3A_508, %dma_start3A_509] : memref<10240x128xf32, #tpu.memory_space<vmem_shared>> -> memref<10240x128xf32, #tpu.memory_space<vmem_shared>>
      %dma_start3A_511 = tpu.memref_slice %arg14[%dma_start3A_500] : memref<2x!tpu.dma_semaphore, #tpu.memory_space<semaphore_mem>> -> memref<1x!tpu.dma_semaphore, #tpu.memory_space<semaphore_mem>>
      %dma_start3A_512 = tpu.memref_squeeze %dma_start3A_511 : memref<1x!tpu.dma_semaphore, #tpu.memory_space<semaphore_mem>> -> memref<!tpu.dma_semaphore, #tpu.memory_space<semaphore_mem>>
      tpu.enqueue_indirect_dma source(%dma_start3A_504 : memref<40x128xf32, #tpu.memory_space<vmem>>) target(%dma_start3A_510 : memref<10240x128xf32, #tpu.memory_space<vmem_shared>>) offsets(%dma_start3A_507 : memref<40xi32, #tpu.memory_space<vmem>>) semaphore(%dma_start3A_512 : memref<!tpu.dma_semaphore, #tpu.memory_space<semaphore_mem>>) {add = true}
      %scan3A_513 = arith.constant 0 : i32
      scf.yield %scan3A_513 : i32
    }
    %scan3A_188 = arith.constant 125 : i32
    %dma_wait3A_189 = arith.constant 0 : i32
    %dma_wait3A_190 = arith.constant 0 : i32
    %dma_wait3A_191 = arith.constant 0 : i32
    %dma_wait3A_192 = arith.constant 0 : i32
    %dma_wait3A_193 = arith.constant 0 : i32
    %dma_wait3A_194 = arith.constant 0 : i32
    %dma_wait3A_195 = tpu.memref_slice %arg10[%dma_wait3A_189, %dma_wait3A_193, %dma_wait3A_194] : memref<2x40x128xf32, #tpu.memory_space<vmem>> -> memref<1x40x128xf32, #tpu.memory_space<vmem>>
    %dma_wait3A_196 = tpu.memref_squeeze %dma_wait3A_195 : memref<1x40x128xf32, #tpu.memory_space<vmem>> -> memref<40x128xf32, #tpu.memory_space<vmem>>
    %dma_wait3A_197 = arith.constant 0 : i32
    %dma_wait3A_198 = tpu.memref_slice %arg7[%dma_wait3A_190, %dma_wait3A_191, %dma_wait3A_197] : memref<2x1x40xi32, #tpu.memory_space<vmem>> -> memref<1x1x40xi32, #tpu.memory_space<vmem>>
    %dma_wait3A_199 = tpu.memref_squeeze %dma_wait3A_198 : memref<1x1x40xi32, #tpu.memory_space<vmem>> -> memref<40xi32, #tpu.memory_space<vmem>>
    %dma_wait3A_200 = arith.constant 0 : i32
    %dma_wait3A_201 = arith.constant 0 : i32
    %dma_wait3A_202 = tpu.memref_slice %arg11[%dma_wait3A_200, %dma_wait3A_201] : memref<10240x128xf32, #tpu.memory_space<vmem_shared>> -> memref<10240x128xf32, #tpu.memory_space<vmem_shared>>
    %dma_wait3A_203 = tpu.memref_slice %arg14[%dma_wait3A_192] : memref<2x!tpu.dma_semaphore, #tpu.memory_space<semaphore_mem>> -> memref<1x!tpu.dma_semaphore, #tpu.memory_space<semaphore_mem>>
    %dma_wait3A_204 = tpu.memref_squeeze %dma_wait3A_203 : memref<1x!tpu.dma_semaphore, #tpu.memory_space<semaphore_mem>> -> memref<!tpu.dma_semaphore, #tpu.memory_space<semaphore_mem>>
    tpu.wait_indirect_dma semaphore(%dma_wait3A_204 : memref<!tpu.dma_semaphore, #tpu.memory_space<semaphore_mem>>) src(%dma_wait3A_196 : memref<40x128xf32, #tpu.memory_space<vmem>>) dst(%dma_wait3A_202 : memref<10240x128xf32, #tpu.memory_space<vmem_shared>>)
    %dma_wait3A_205 = arith.constant 1 : i32
    %dma_wait3A_206 = arith.constant 1 : i32
    %dma_wait3A_207 = arith.constant 0 : i32
    %dma_wait3A_208 = arith.constant 1 : i32
    %dma_wait3A_209 = arith.constant 0 : i32
    %dma_wait3A_210 = arith.constant 0 : i32
    %dma_wait3A_211 = tpu.memref_slice %arg10[%dma_wait3A_205, %dma_wait3A_209, %dma_wait3A_210] : memref<2x40x128xf32, #tpu.memory_space<vmem>> -> memref<1x40x128xf32, #tpu.memory_space<vmem>>
    %dma_wait3A_212 = tpu.memref_squeeze %dma_wait3A_211 : memref<1x40x128xf32, #tpu.memory_space<vmem>> -> memref<40x128xf32, #tpu.memory_space<vmem>>
    %dma_wait3A_213 = arith.constant 0 : i32
    %dma_wait3A_214 = tpu.memref_slice %arg7[%dma_wait3A_206, %dma_wait3A_207, %dma_wait3A_213] : memref<2x1x40xi32, #tpu.memory_space<vmem>> -> memref<1x1x40xi32, #tpu.memory_space<vmem>>
    %dma_wait3A_215 = tpu.memref_squeeze %dma_wait3A_214 : memref<1x1x40xi32, #tpu.memory_space<vmem>> -> memref<40xi32, #tpu.memory_space<vmem>>
    %dma_wait3A_216 = arith.constant 0 : i32
    %dma_wait3A_217 = arith.constant 0 : i32
    %dma_wait3A_218 = tpu.memref_slice %arg11[%dma_wait3A_216, %dma_wait3A_217] : memref<10240x128xf32, #tpu.memory_space<vmem_shared>> -> memref<10240x128xf32, #tpu.memory_space<vmem_shared>>
    %dma_wait3A_219 = tpu.memref_slice %arg14[%dma_wait3A_208] : memref<2x!tpu.dma_semaphore, #tpu.memory_space<semaphore_mem>> -> memref<1x!tpu.dma_semaphore, #tpu.memory_space<semaphore_mem>>
    %dma_wait3A_220 = tpu.memref_squeeze %dma_wait3A_219 : memref<1x!tpu.dma_semaphore, #tpu.memory_space<semaphore_mem>> -> memref<!tpu.dma_semaphore, #tpu.memory_space<semaphore_mem>>
    tpu.wait_indirect_dma semaphore(%dma_wait3A_220 : memref<!tpu.dma_semaphore, #tpu.memory_space<semaphore_mem>>) src(%dma_wait3A_212 : memref<40x128xf32, #tpu.memory_space<vmem>>) dst(%dma_wait3A_218 : memref<10240x128xf32, #tpu.memory_space<vmem_shared>>)
    %barrier3A_221 = arith.constant 0 : index
    tpu.barrier barrier_id(%barrier3A_221)
    %mul3A_222 = arith.constant 640 : i32
    %mul3A_223 = arith.muli %arg1, %mul3A_222 : i32
    %mul3A_224 = arith.constant 640 : i32
    %mul3A_225 = arith.muli %arg1, %mul3A_224 : i32
    "tpu.region"() ({
      %run_scoped3A_226 = tpu.sem_alloc : memref<!tpu.dma_semaphore, #tpu.memory_space<semaphore_mem>>
      %dma_start3A_227 = arith.constant 0 : i32
      %dma_start3A_228 = tpu.memref_slice %arg5[%arg0, %mul3A_225, %dma_start3A_227] : memref<2x10240x128xf32, #tpu.memory_space<hbm>> -> memref<1x640x128xf32, #tpu.memory_space<hbm>>
      %dma_start3A_229 = tpu.memref_squeeze %dma_start3A_228 : memref<1x640x128xf32, #tpu.memory_space<hbm>> -> memref<640x128xf32, #tpu.memory_space<hbm>>
      %dma_start3A_230 = arith.constant 0 : i32
      %dma_start3A_231 = tpu.memref_slice %arg11[%mul3A_223, %dma_start3A_230] : memref<10240x128xf32, #tpu.memory_space<vmem_shared>> -> memref<640x128xf32, #tpu.memory_space<vmem_shared>>
      tpu.enqueue_dma source(%dma_start3A_231 : memref<640x128xf32, #tpu.memory_space<vmem_shared>>) target(%dma_start3A_229 : memref<640x128xf32, #tpu.memory_space<hbm>>) target_semaphore(%run_scoped3A_226 : memref<!tpu.dma_semaphore, #tpu.memory_space<semaphore_mem>>)
      %dma_wait3A_232 = arith.constant 0 : i32
      %dma_wait3A_233 = tpu.memref_slice %arg5[%arg0, %mul3A_225, %dma_wait3A_232] : memref<2x10240x128xf32, #tpu.memory_space<hbm>> -> memref<1x640x128xf32, #tpu.memory_space<hbm>>
      %dma_wait3A_234 = tpu.memref_squeeze %dma_wait3A_233 : memref<1x640x128xf32, #tpu.memory_space<hbm>> -> memref<640x128xf32, #tpu.memory_space<hbm>>
      %dma_wait3A_235 = arith.constant 0 : i32
      %dma_wait3A_236 = tpu.memref_slice %arg11[%mul3A_223, %dma_wait3A_235] : memref<10240x128xf32, #tpu.memory_space<vmem_shared>> -> memref<640x128xf32, #tpu.memory_space<vmem_shared>>
      tpu.wait_dma2 semaphore(%run_scoped3A_226 : memref<!tpu.dma_semaphore, #tpu.memory_space<semaphore_mem>>) src(%dma_wait3A_236 : memref<640x128xf32, #tpu.memory_space<vmem_shared>>) dst(%dma_wait3A_234 : memref<640x128xf32, #tpu.memory_space<hbm>>)
      tpu.yield
    }) : () -> ()
    return
  }
}

module attributes {stable_mosaic.version = 14 : i64} {
  func.func @_prep_body(%arg0: i32, %arg1: memref<1000x128xf32, #tpu.memory_space<vmem>>, %arg2: memref<128x128xf32, #tpu.memory_space<vmem>>, %arg3: memref<128x8xf32, #tpu.memory_space<vmem>>, %arg4: memref<8x128xf32, #tpu.memory_space<vmem>>, %arg5: memref<1000x128xf32, #tpu.memory_space<vmem>>, %arg6: memref<1000x256xf32, #tpu.memory_space<vmem>>) attributes {dimension_semantics = [#tpu.dimension_semantics<arbitrary>], iteration_bounds = array<i64: 10>, scalar_prefetch = 0 : i64, scratch_operands = 0 : i64, tpu.core_type = #tpu.core_type<tc>, window_params = [{transform_indices = @transform_0, window_bounds = array<i64: 1000, 128>}, {pipeline_mode = #tpu.pipeline_mode<synchronous>, transform_indices = @transform_1, window_bounds = array<i64: 128, 128>}, {pipeline_mode = #tpu.pipeline_mode<synchronous>, transform_indices = @transform_2, window_bounds = array<i64: 128, 8>}, {pipeline_mode = #tpu.pipeline_mode<synchronous>, transform_indices = @transform_3, window_bounds = array<i64: 8, 128>}, {transform_indices = @transform_4, window_bounds = array<i64: 1000, 128>}, {transform_indices = @transform_5, window_bounds = array<i64: 1000, 256>}]} {
    %get3A = arith.constant 0 : index
    %get3A_0 = arith.constant 0 : index
    %get3A_1 = vector.load %arg1[%get3A, %get3A_0] : memref<1000x128xf32, #tpu.memory_space<vmem>>, vector<1000x128xf32>
    %get3A_2 = arith.constant 0 : index
    %get3A_3 = arith.constant 0 : index
    %get3A_4 = vector.load %arg2[%get3A_2, %get3A_3] : memref<128x128xf32, #tpu.memory_space<vmem>>, vector<128x128xf32>
    %dot_general3A = arith.constant dense<0.000000e+00> : vector<1000x128xf32>
    %dot_general3A_5 = tpu.matmul %get3A_1, %get3A_4, %dot_general3A {dimension_numbers = #tpu.dot_dimension_numbers<[1], [1], [0], [0], [0, 0, 1, 0], [], []>, precision = #tpu.contract_precision<fp32>, transpose_lhs_hint = false} : vector<1000x128xf32>, vector<128x128xf32>, vector<1000x128xf32> -> vector<1000x128xf32>
    %mul3A = arith.mulf %dot_general3A_5, %dot_general3A_5 : vector<1000x128xf32>
    %get3A_6 = arith.constant 0 : index
    %get3A_7 = arith.constant 0 : index
    %get3A_8 = vector.load %arg3[%get3A_6, %get3A_7] : memref<128x8xf32, #tpu.memory_space<vmem>>, vector<128x8xf32>
    %dot_general3A_9 = arith.constant dense<0.000000e+00> : vector<1000x8xf32>
    %dot_general3A_10 = tpu.matmul %mul3A, %get3A_8, %dot_general3A_9 {dimension_numbers = #tpu.dot_dimension_numbers<[1], [0], [0], [1], [0, 0, 1, 1], [], []>, precision = #tpu.contract_precision<fp32>, transpose_lhs_hint = false} : vector<1000x128xf32>, vector<128x8xf32>, vector<1000x8xf32> -> vector<1000x8xf32>
    %sqrt3A = math.sqrt %dot_general3A_10 : vector<1000x8xf32>
    %max3A = arith.constant 9.99999996E-13 : f32
    %max3A_11 = vector.broadcast %max3A : f32 to vector<1000x8xf32>
    %max3A_12 = arith.maximumf %sqrt3A, %max3A_11 : vector<1000x8xf32>
    %get3A_13 = arith.constant 0 : index
    %get3A_14 = arith.constant 0 : index
    %get3A_15 = vector.load %arg4[%get3A_13, %get3A_14] : memref<8x128xf32, #tpu.memory_space<vmem>>, vector<8x128xf32>
    %dot_general3A_16 = arith.constant dense<0.000000e+00> : vector<1000x128xf32>
    %dot_general3A_17 = tpu.matmul %max3A_12, %get3A_15, %dot_general3A_16 {dimension_numbers = #tpu.dot_dimension_numbers<[1], [0], [0], [1], [0, 0, 1, 1], [], []>, precision = #tpu.contract_precision<fp32>, transpose_lhs_hint = false} : vector<1000x8xf32>, vector<8x128xf32>, vector<1000x128xf32> -> vector<1000x128xf32>
    %div3A = arith.divf %dot_general3A_5, %dot_general3A_17 : vector<1000x128xf32>
    %swap3A = arith.constant 0 : index
    %swap3A_18 = arith.constant 0 : index
    %swap3A_19 = vector.load %arg5[%swap3A, %swap3A_18] : memref<1000x128xf32, #tpu.memory_space<vmem>>, vector<1000x128xf32>
    tpu.vector_store %arg5[%swap3A, %swap3A_18], %div3A {strides = array<i32>} : memref<1000x128xf32, #tpu.memory_space<vmem>>, vector<1000x128xf32>,
    %swap3A_20 = arith.constant 0 : index
    %swap3A_21 = arith.constant 0 : index
    %swap3A_22 = vector.load %arg6[%swap3A_20, %swap3A_21] : memref<1000x256xf32, #tpu.memory_space<vmem>>, vector<1000x128xf32>
    tpu.vector_store %arg6[%swap3A_20, %swap3A_21], %div3A {strides = array<i32>} : memref<1000x256xf32, #tpu.memory_space<vmem>>, vector<1000x128xf32>,
    %swap3A_23 = arith.constant 0 : index
    %swap3A_24 = arith.constant 128 : index
    %swap3A_25 = vector.load %arg6[%swap3A_23, %swap3A_24] : memref<1000x256xf32, #tpu.memory_space<vmem>>, vector<1000x128xf32>
    tpu.vector_store %arg6[%swap3A_23, %swap3A_24], %dot_general3A_5 {strides = array<i32>} : memref<1000x256xf32, #tpu.memory_space<vmem>>, vector<1000x128xf32>,
    return
  }
  func.func @transform_0(%arg0: i32) -> (i32, i32) {
    %c0_i32 = arith.constant 0 : i32
    %c0_i32_0 = arith.constant 0 : i32
    return %arg0, %c0_i32 : i32, i32
  }
  func.func @transform_1(%arg0: i32) -> (i32, i32) {
    %c0_i32 = arith.constant 0 : i32
    %c0_i32_0 = arith.constant 0 : i32
    %c0_i32_1 = arith.constant 0 : i32
    return %c0_i32, %c0_i32_0 : i32, i32
  }
  func.func @transform_2(%arg0: i32) -> (i32, i32) {
    %c0_i32 = arith.constant 0 : i32
    %c0_i32_0 = arith.constant 0 : i32
    %c0_i32_1 = arith.constant 0 : i32
    return %c0_i32, %c0_i32_0 : i32, i32
  }
  func.func @transform_3(%arg0: i32) -> (i32, i32) {
    %c0_i32 = arith.constant 0 : i32
    %c0_i32_0 = arith.constant 0 : i32
    %c0_i32_1 = arith.constant 0 : i32
    return %c0_i32, %c0_i32_0 : i32, i32
  }
  func.func @transform_4(%arg0: i32) -> (i32, i32) {
    %c0_i32 = arith.constant 0 : i32
    %c0_i32_0 = arith.constant 0 : i32
    return %arg0, %c0_i32 : i32, i32
  }
  func.func @transform_5(%arg0: i32) -> (i32, i32) {
    %c0_i32 = arith.constant 0 : i32
    %c0_i32_0 = arith.constant 0 : i32
    return %arg0, %c0_i32 : i32, i32
  }
}

module attributes {stable_mosaic.version = 14 : i64} {
  func.func @_fin_body(%arg0: i32, %arg1: memref<2x1000x128xf32, #tpu.memory_space<vmem>>, %arg2: memref<128x128xf32, #tpu.memory_space<vmem>>, %arg3: memref<1x128xf32, #tpu.memory_space<vmem>>, %arg4: memref<1x128xf32, #tpu.memory_space<vmem>>, %arg5: memref<1000x128xf32, #tpu.memory_space<vmem>>) attributes {dimension_semantics = [#tpu.dimension_semantics<arbitrary>], iteration_bounds = array<i64: 10>, scalar_prefetch = 0 : i64, scratch_operands = 0 : i64, tpu.core_type = #tpu.core_type<tc>, window_params = [{transform_indices = @transform_0, window_bounds = array<i64: 2, 1000, 128>}, {pipeline_mode = #tpu.pipeline_mode<synchronous>, transform_indices = @transform_1, window_bounds = array<i64: 128, 128>}, {pipeline_mode = #tpu.pipeline_mode<synchronous>, transform_indices = @transform_2, window_bounds = array<i64: 1, 128>}, {pipeline_mode = #tpu.pipeline_mode<synchronous>, transform_indices = @transform_3, window_bounds = array<i64: 1, 128>}, {transform_indices = @transform_4, window_bounds = array<i64: 1000, 128>}]} {
    %get3A = arith.constant 0 : index
    %get3A_0 = arith.constant 0 : index
    %get3A_1 = arith.constant 0 : index
    %get3A_2 = vector.load %arg1[%get3A, %get3A_0, %get3A_1] : memref<2x1000x128xf32, #tpu.memory_space<vmem>>, vector<1x1000x128xf32>
    %get3A_3 = vector.shape_cast %get3A_2 : vector<1x1000x128xf32> to vector<1000x128xf32>
    %get3A_4 = arith.constant 1 : index
    %get3A_5 = arith.constant 0 : index
    %get3A_6 = arith.constant 0 : index
    %get3A_7 = vector.load %arg1[%get3A_4, %get3A_5, %get3A_6] : memref<2x1000x128xf32, #tpu.memory_space<vmem>>, vector<1x1000x128xf32>
    %get3A_8 = vector.shape_cast %get3A_7 : vector<1x1000x128xf32> to vector<1000x128xf32>
    %add3A = arith.addf %get3A_3, %get3A_8 : vector<1000x128xf32>
    %get3A_9 = arith.constant 0 : index
    %get3A_10 = arith.constant 0 : index
    %get3A_11 = vector.load %arg2[%get3A_9, %get3A_10] : memref<128x128xf32, #tpu.memory_space<vmem>>, vector<128x128xf32>
    %dot_general3A = arith.constant dense<0.000000e+00> : vector<1000x128xf32>
    %dot_general3A_12 = tpu.matmul %add3A, %get3A_11, %dot_general3A {dimension_numbers = #tpu.dot_dimension_numbers<[1], [1], [0], [0], [0, 0, 1, 0], [], []>, precision = #tpu.contract_precision<fp32>, transpose_lhs_hint = false} : vector<1000x128xf32>, vector<128x128xf32>, vector<1000x128xf32> -> vector<1000x128xf32>
    %broadcast_in_dim3A = arith.constant 1.000000e+00 : f32
    %broadcast_in_dim3A_13 = vector.broadcast %broadcast_in_dim3A : f32 to vector<1x128xf32>
    %mul3A = arith.mulf %get3A_11, %get3A_11 : vector<128x128xf32>
    %dot_general3A_14 = arith.constant dense<0.000000e+00> : vector<1x128xf32>
    %dot_general3A_15 = tpu.matmul %broadcast_in_dim3A_13, %mul3A, %dot_general3A_14 {dimension_numbers = #tpu.dot_dimension_numbers<[1], [1], [0], [0], [0, 0, 1, 0], [], []>, precision = #tpu.contract_precision<fp32>, transpose_lhs_hint = false} : vector<1x128xf32>, vector<128x128xf32>, vector<1x128xf32> -> vector<1x128xf32>
    %sqrt3A = math.sqrt %dot_general3A_15 : vector<1x128xf32>
    %max3A = arith.constant 9.99999996E-13 : f32
    %max3A_16 = vector.broadcast %max3A : f32 to vector<1x128xf32>
    %max3A_17 = arith.maximumf %sqrt3A, %max3A_16 : vector<1x128xf32>
    %div3A = arith.constant 1.000000e+00 : f32
    %div3A_18 = vector.broadcast %div3A : f32 to vector<1x128xf32>
    %div3A_19 = arith.divf %div3A_18, %max3A_17 : vector<1x128xf32>
    %mul3A_20 = arith.mulf %add3A, %add3A : vector<1000x128xf32>
    %reduce_sum3A = arith.constant dense<0.000000e+00> : vector<1000xf32>
    %reduce_sum3A_21 = vector.multi_reduction <add>, %mul3A_20, %reduce_sum3A [1] : vector<1000x128xf32> to vector<1000xf32>
    %broadcast_in_dim3A_22 = vector.shape_cast %reduce_sum3A_21 : vector<1000xf32> to vector<1000x1xf32>
    %sqrt3A_23 = math.sqrt %broadcast_in_dim3A_22 : vector<1000x1xf32>
    %max3A_24 = arith.constant 9.99999996E-13 : f32
    %max3A_25 = vector.broadcast %max3A_24 : f32 to vector<1000x1xf32>
    %max3A_26 = arith.maximumf %sqrt3A_23, %max3A_25 : vector<1000x1xf32>
    %div3A_27 = arith.constant 1.000000e+00 : f32
    %div3A_28 = vector.broadcast %div3A_27 : f32 to vector<1000x1xf32>
    %div3A_29 = arith.divf %div3A_28, %max3A_26 : vector<1000x1xf32>
    %mul3A_30 = vector.broadcast %div3A_29 : vector<1000x1xf32> to vector<1000x128xf32>
    %mul3A_31 = arith.mulf %dot_general3A_12, %mul3A_30 : vector<1000x128xf32>
    %mul3A_32 = vector.broadcast %div3A_19 : vector<1x128xf32> to vector<1000x128xf32>
    %mul3A_33 = arith.mulf %mul3A_31, %mul3A_32 : vector<1000x128xf32>
    %jit3A = arith.constant 9.99999997E-7 : f32
    %jit3A_34 = arith.constant 1.000000e+00 : f32
    %max3A_35 = vector.broadcast %jit3A : f32 to vector<1000x128xf32>
    %max3A_36 = arith.maximumf %max3A_35, %mul3A_33 : vector<1000x128xf32>
    %min3A = vector.broadcast %jit3A_34 : f32 to vector<1000x128xf32>
    %min3A_37 = arith.minimumf %min3A, %max3A_36 : vector<1000x128xf32>
    %mul3A_38 = arith.mulf %dot_general3A_12, %min3A_37 : vector<1000x128xf32>
    %reduce_sum3A_39 = arith.constant dense<0.000000e+00> : vector<1000xf32>
    %reduce_sum3A_40 = vector.multi_reduction <add>, %mul3A_38, %reduce_sum3A_39 [1] : vector<1000x128xf32> to vector<1000xf32>
    %broadcast_in_dim3A_41 = vector.shape_cast %reduce_sum3A_40 : vector<1000xf32> to vector<1000x1xf32>
    %div3A_42 = arith.constant 1.280000e+02 : f32
    %div3A_43 = vector.broadcast %div3A_42 : f32 to vector<1000x1xf32>
    %div3A_44 = arith.divf %broadcast_in_dim3A_41, %div3A_43 : vector<1000x1xf32>
    %sub3A = vector.broadcast %div3A_44 : vector<1000x1xf32> to vector<1000x128xf32>
    %sub3A_45 = arith.subf %mul3A_38, %sub3A : vector<1000x128xf32>
    %mul3A_46 = arith.mulf %sub3A_45, %sub3A_45 : vector<1000x128xf32>
    %reduce_sum3A_47 = arith.constant dense<0.000000e+00> : vector<1000xf32>
    %reduce_sum3A_48 = vector.multi_reduction <add>, %mul3A_46, %reduce_sum3A_47 [1] : vector<1000x128xf32> to vector<1000xf32>
    %broadcast_in_dim3A_49 = vector.shape_cast %reduce_sum3A_48 : vector<1000xf32> to vector<1000x1xf32>
    %div3A_50 = arith.constant 1.280000e+02 : f32
    %div3A_51 = vector.broadcast %div3A_50 : f32 to vector<1000x1xf32>
    %div3A_52 = arith.divf %broadcast_in_dim3A_49, %div3A_51 : vector<1000x1xf32>
    %add3A_53 = arith.constant 9.99999974E-6 : f32
    %add3A_54 = vector.broadcast %add3A_53 : f32 to vector<1000x1xf32>
    %add3A_55 = arith.addf %div3A_52, %add3A_54 : vector<1000x1xf32>
    %rsqrt3A = math.rsqrt %add3A_55 : vector<1000x1xf32>
    %mul3A_56 = vector.broadcast %rsqrt3A : vector<1000x1xf32> to vector<1000x128xf32>
    %mul3A_57 = arith.mulf %sub3A_45, %mul3A_56 : vector<1000x128xf32>
    %get3A_58 = arith.constant 0 : index
    %get3A_59 = arith.constant 0 : index
    %get3A_60 = vector.load %arg3[%get3A_58, %get3A_59] : memref<1x128xf32, #tpu.memory_space<vmem>>, vector<1x128xf32>
    %mul3A_61 = vector.broadcast %get3A_60 : vector<1x128xf32> to vector<1000x128xf32>
    %mul3A_62 = arith.mulf %mul3A_57, %mul3A_61 : vector<1000x128xf32>
    %get3A_63 = arith.constant 0 : index
    %get3A_64 = arith.constant 0 : index
    %get3A_65 = vector.load %arg4[%get3A_63, %get3A_64] : memref<1x128xf32, #tpu.memory_space<vmem>>, vector<1x128xf32>
    %add3A_66 = vector.broadcast %get3A_65 : vector<1x128xf32> to vector<1000x128xf32>
    %add3A_67 = arith.addf %mul3A_62, %add3A_66 : vector<1000x128xf32>
    %swap3A = arith.constant 0 : index
    %swap3A_68 = arith.constant 0 : index
    %swap3A_69 = vector.load %arg5[%swap3A, %swap3A_68] : memref<1000x128xf32, #tpu.memory_space<vmem>>, vector<1000x128xf32>
    tpu.vector_store %arg5[%swap3A, %swap3A_68], %add3A_67 {strides = array<i32>} : memref<1000x128xf32, #tpu.memory_space<vmem>>, vector<1000x128xf32>,
    return
  }
  func.func @transform_0(%arg0: i32) -> (i32, i32, i32) {
    %c0_i32 = arith.constant 0 : i32
    %c0_i32_0 = arith.constant 0 : i32
    %c0_i32_1 = arith.constant 0 : i32
    return %c0_i32, %arg0, %c0_i32_0 : i32, i32, i32
  }
  func.func @transform_1(%arg0: i32) -> (i32, i32) {
    %c0_i32 = arith.constant 0 : i32
    %c0_i32_0 = arith.constant 0 : i32
    %c0_i32_1 = arith.constant 0 : i32
    return %c0_i32, %c0_i32_0 : i32, i32
  }
  func.func @transform_2(%arg0: i32) -> (i32, i32) {
    %c0_i32 = arith.constant 0 : i32
    %c0_i32_0 = arith.constant 0 : i32
    %c0_i32_1 = arith.constant 0 : i32
    return %c0_i32, %c0_i32_0 : i32, i32
  }
  func.func @transform_3(%arg0: i32) -> (i32, i32) {
    %c0_i32 = arith.constant 0 : i32
    %c0_i32_0 = arith.constant 0 : i32
    %c0_i32_1 = arith.constant 0 : i32
    return %c0_i32, %c0_i32_0 : i32, i32
  }
  func.func @transform_4(%arg0: i32) -> (i32, i32) {
    %c0_i32 = arith.constant 0 : i32
    %c0_i32_0 = arith.constant 0 : i32
    return %arg0, %c0_i32 : i32, i32
  }
}

</mosaic_0001>

<sc_bundles>
// kernel: kernel.5.cloned.1.call-start
scs
__scs_entry_jumppad:
0x0: {  	(pc) =	sbr.rel $0x88, $3  }
0x1: {  	(tag) =	ssettag $0x0;
	lr =	simm.s32 $0x1  }
0x2: {  	[smem:$0x3F9B] =	sst lr;
	_ =	strace $0xD0000000  }
0x3: {  	_ = 	snop  }
0x4: {  	_ = 	snop  }
0x5: {  	_ = 	snop  }
0x6: {  	_ = 	snop  }
0x7: {  	_ = 	snop  }
__scs_overlays_trampoline_lowered:
0x8: {  	[smem:$0x3FAA] =	sst s0  }
0x9: {  	[smem:$0x3FAB] =	sst s1  }
0xa: {  	[smem:$0x3FAC] =	sst s2  }
0xb: {  	[smem:$0x3FAD] =	sst s3  }
0xc: {  	[smem:$0x3FAE] =	sst s4  }
0xd: {  	[smem:$0x3FAF] =	sst s5  }
0xe: {  	[smem:$0x3FB0] =	sst s6  }
0xf: {  	[smem:$0x3FB1] =	sst s7  }
0x10: {  	[smem:$0x3FB2] =	sst s8  }
0x11: {  	[smem:$0x3FB3] =	sst s9;
	s0 =	simm.s32 @!p0 $0x0  }
0x12: {  	s1 =	sld [smem:$0x3F99];
	s0 =	simm.s32 @p0 $0x1  }
0x13: {  	[smem:$0x3FB4] =	sst s0;
	s0 =	simm.s32 @!p1 $0x0  }
0x14: {  	s2 =	sld [smem:$0x3F98];
	s0 =	simm.s32 @p1 $0x1  }
0x15: {  	[smem:$0x3FB5] =	sst s0;
	s0 =	simm.s32 @!p2 $0x0  }
0x16: {  	s3 =	sld [smem:$0x3FDB];
	s0 =	simm.s32 @p2 $0x1  }
0x17: {  	s4 =	simm.s32 $0x1BF5;
	[smem:$0x3FB7] =	sst s0  }
0x18: {  	s0 =	sld [smem:$0x3F9A];
	_ =	swait.ge [sflag:s4], $0x0  }
0x19: {  	s7 =	sld [smem:$0x3F9B]  }
0x1a: {  	s8 =	sadd.s32 $0xFFFFE003, lr  }
0x1b: {  	s9 =	sadd.s32 $0xFFFFFEF7, lr;
	s5 =	simm.s32 $0xFFFFFFFF;
	p2 =	slt.u32 s8, $0xFFFFF086  }
0x1c: {  	p1 =	slt.u32 s9, $0xF7A;
	s5 =	simm.s32 @!p2 $0x0  }
0x1d: {  	s5 =	simm.s32 @p1 $0x1;
	p0 =	seq.s32 s7, s2  }
0x1e: {  	s7 =	smul.u32 @!p0 $0xF7A, s2;
	p2 =	seq.s32 @!p0 s5, $0x0  }
0x1f: {  	s9 =	smul.u32 $0xF7A, s1;
	s8 =	simm.s32 @!p0 $0x1BF5;
	p2 =	por !p2, p0  }
0x20: {  	[sflag:s8] =	ssyncset.s32 @!p0 $0xFFFFF086;
	s6 =	sadd.s32 @!p0 s3, s7;
	s7 =	simm.s32 @!p0 $0x108  }
0x21: {  	s3 =	sadd.s32 s3, s9;
	s6 =	sadd.s32 @!p0 $0x88, s6;
	s7 =	simm.s32 @p2 $0x1082  }
0x22: {  	[simem:s7], [sflag:s8] =	dma.local @!p0 [hbm:s6], $0xF7A  }
0x23: {  	s9 =	sor.u32 $0xD0000000, s2;
	s6 =	simm.s32 $0x108;
	_ =	swait.ge @!p0 [sflag:s8], $0x0  }
0x24: {  	s3 =	sadd.s32 $0x88, s3;
	s6 =	simm.s32 @!p1 $0x1082;
	[sflag:s4] =	ssyncset.s32 $0xFFFFF086  }
0x25: {  	[simem:s6], [sflag:s4] =	dma.local [hbm:s3], $0xF7A  }
0x26: {  	[smem:$0x3F9B] =	sst s1;
	(tag) =	ssettag s2;
	_ =	strace s9  }
0x27: {  	s1 =	sld [smem:$0x3FAB]  }
0x28: {  	s2 =	sld [smem:$0x3FAC]  }
0x29: {  	s4 =	sld [smem:$0x3FAE]  }
0x2a: {  	p0 =	seq.s32 s5, $0x0;
	s5 =	sld [smem:$0x3FAF]  }
0x2b: {  	s6 =	sld [smem:$0x3FB0]  }
0x2c: {  	s7 =	sld [smem:$0x3FB1]  }
0x2d: {  	s3 =	simm.s32 $0x108;
	s8 =	sld [smem:$0x3FB2]  }
0x2e: {  	s3 =	simm.s32 @!p0 $0x1082;
	s9 =	sld [smem:$0x3FB3]  }
0x2f: {  	lr =	sadd.s32 s0, s3;
	s0 =	sld [smem:$0x3FAA]  }
0x30: {  	s3 =	sld [smem:$0x3FAD]  }
0x31: {  	[smem:$0x3FB6] =	sst s10  }
0x32: {  	s10 =	sld [smem:$0x3FB4];
	_ =	sdelay $0x3  }
0x33: {  	p0 =	seq.s32 s10, $0x1;
	s10 =	sld [smem:$0x3FB6];
	_ =	sdelay $0x3  }
0x34: {  	[smem:$0x3FB6] =	sst s10  }
0x35: {  	s10 =	sld [smem:$0x3FB5];
	_ =	sdelay $0x3  }
0x36: {  	p1 =	seq.s32 s10, $0x1;
	s10 =	sld [smem:$0x3FB6];
	_ =	sdelay $0x3  }
0x37: {  	[smem:$0x3FB6] =	sst s10  }
0x38: {  	s10 =	sld [smem:$0x3FB7]  }
0x39: {  	_ = 	snop;
	(pc) =	sbr.ind lr, $3  }
0x3a: {  	_ = 	snop  }
0x3b: {  	_ = 	snop  }
0x3c: {  	p2 =	seq.s32 s10, $0x1;
	s10 =	sld [smem:$0x3FB6]  }
0x3d: {  	_ =	shalt  }
0x3e: {  	_ =	shalt  }
0x3f: {  	_ =	shalt  }
0x40: {  	_ =	shalt  }
0x41: {  	_ =	shalt  }
0x42: {  	_ =	shalt  }
0x43: {  	_ =	shalt  }
0x44: {  	_ =	shalt  }
0x45: {  	_ =	shalt  }
0x46: {  	_ =	shalt  }
0x47: {  	_ =	shalt  }
0x48: {  	_ =	shalt  }
0x49: {  	_ =	shalt  }
0x4a: {  	_ =	shalt  }
0x4b: {  	_ =	shalt  }
0x4c: {  	_ =	shalt  }
0x4d: {  	_ =	shalt  }
0x4e: {  	_ =	shalt  }
0x4f: {  	_ =	shalt  }
0x50: {  	_ =	shalt  }
0x51: {  	_ =	shalt  }
0x52: {  	_ =	shalt  }
0x53: {  	_ =	shalt  }
0x54: {  	_ =	shalt  }
0x55: {  	_ =	shalt  }
0x56: {  	_ =	shalt  }
0x57: {  	_ =	shalt  }
0x58: {  	_ =	shalt  }
0x59: {  	_ =	shalt  }
0x5a: {  	_ =	shalt  }
0x5b: {  	_ =	shalt  }
0x5c: {  	_ =	shalt  }
0x5d: {  	_ =	shalt  }
0x5e: {  	_ =	shalt  }
0x5f: {  	_ =	shalt  }
0x60: {  	_ =	shalt  }
0x61: {  	_ =	shalt  }
0x62: {  	_ =	shalt  }
0x63: {  	_ =	shalt  }
0x64: {  	_ =	shalt  }
0x65: {  	_ =	shalt  }
0x66: {  	_ =	shalt  }
0x67: {  	_ =	shalt  }
0x68: {  	_ =	shalt  }
0x69: {  	_ =	shalt  }
0x6a: {  	_ =	shalt  }
0x6b: {  	_ =	shalt  }
0x6c: {  	_ =	shalt  }
0x6d: {  	_ =	shalt  }
0x6e: {  	_ =	shalt  }
0x6f: {  	_ =	shalt  }
0x70: {  	_ =	shalt  }
0x71: {  	_ =	shalt  }
0x72: {  	_ =	shalt  }
0x73: {  	_ =	shalt  }
0x74: {  	_ =	shalt  }
0x75: {  	_ =	shalt  }
0x76: {  	_ =	shalt  }
0x77: {  	_ =	shalt  }
0x78: {  	_ =	shalt  }
0x79: {  	_ =	shalt  }
0x7a: {  	_ =	shalt  }
0x7b: {  	_ =	shalt  }
0x7c: {  	_ =	shalt  }
0x7d: {  	_ =	shalt  }
0x7e: {  	_ =	shalt  }
0x7f: {  	_ =	shalt  }
0x80: {  	_ =	shalt  }
0x81: {  	_ =	shalt  }
0x82: {  	_ =	shalt  }
0x83: {  	_ =	shalt  }
0x84: {  	_ =	shalt  }
0x85: {  	_ =	shalt  }
0x86: {  	_ =	shalt  }
0x87: {  	_ =	shalt  }
.Lfunc_end0:
.L_simem_size_0:
called_computation_lowered:
.L_overlay_start_0:
0x88: {  	s2 =	sld [smem:$0x3FD9]  }
0x89: {  	s3 =	sld [smem:$0x3FFE];
	_ =	sdelay $0x1  }
0x8a: {  	s1 =	srdreg.scid  }
0x8b: {  	s0 =	sand.u32 $0x1, s1  }
0x8c: {  	s17 =	sshll.u32 s0, $0xA;
	s2 =	sadd.s32 s3, s2  }
0x8d: {  	s2 =	sadd.s32 s2, s17  }
0x8e: {  	[smem:$0x3FC2] =	sst s2  }
0x8f: {  	_ = 	snop  }
0x90: {  	s2 =	sld [smem:$0x3FD0];
	(tm) =	ssettm $0x1  }
0x91: {  	s18 =	sld [smem:$0x3FFB];
	_ =	sdelay $0x3  }
0x92: {  	_ =	strace s18  }
0x93: {  	s3 =	sld [smem:$0x3FFC];
	_ =	sdelay $0x3  }
0x94: {  	_ =	strace s3  }
0x95: {  	s3 =	sld [smem:$0x3FFD];
	_ =	sdelay $0x3  }
0x96: {  	_ =	strace s3  }
0x97: {  	_ =	strace $0x8FFFFFFF  }
0x98: {  	s19 =	sld [smem:$0x3FDB];
	_ =	sdelay $0x1  }
0x99: {  	s4 =	simm.s32 $_scs_section_size  }
0x9a: {  	s5 =	simm.s32 $_size__tile_overlayer_lowered;
	s6 =	simm.s32 $_tile_overlayer_lowered  }
0x9b: {  	s22 =	simm.s32 $0x1BFF;
	s21 =	sshll.u32 s6, $0x1;
	s3 =	sadd.s32 s4, s19  }
0x9c: {  	s7 =	simm.s32 $0x0;
	s20 =	sshll.u32 s5, $0x1;
	s5 =	sadd.s32 s21, s3  }
0x9d: {  	[timem:s7], [sflag:s22] =	dma.local [hbm:s5], s20  }
0x9e: {  	_ =	swait.ge [sflag:s22], s20  }
0x9f: {  	s4 =	ssub.s32 $0x0, s20;
	[sflag:s22] =	ssyncset.done $0x0  }
0xa0: {  	[sflag:s22] =	ssyncadd.s32 s4;
	_ =	sdelay $0x1  }
0xa1: {  	s23 =	simm.s32 $0x1B8B  }
0xa2: {  	_ =	swait.ge [sflag:s23], $0x1  }
0xa3: {  	[sflag:s23] =	ssyncset.done $0x0  }
0xa4: {  	s25 =	simm.s32 $0x1B8E;
	s24 =	sld [smem:$0x3FFE];
	[sflag:s23] =	ssyncadd.s32 $0xFFFFFFFF  }
0xa5: {  	s26 =	simm.s32 $execute0_lowered;
	[smem:$0x3FD2] =	sst s25  }
0xa6: {  	s5 =	sshll.u32 s26, $0x1;
	_ =	strace $0x80000046;
	[dreg:$0x1] =	wrdreg $0xFFFFFFFF  }
0xa7: {  	s28 =	simm.s32 $_size_execute0_lowered;
	s3 =	sadd.s32 s3, s5;
	[dreg:$0x0] =	wrdreg $0x0  }
0xa8: {  	s5 =	sshll.u32 s28, $0x1;
	[dreg:$0x2] =	wrdreg s3  }
0xa9: {  	[dreg:$0x3] =	wrdreg s5  }
0xaa: {  	[dreg:$0x4] =	wrdreg $0xC0  }
0xab: {  	_ =	task [dreg:s7], $0x5FFFF  }
0xac: {  	[dreg:$0x1] =	wrdreg $0xFFFFFFFF  }
0xad: {  	[dreg:$0x0] =	wrdreg $0x60  }
0xae: {  	[dreg:$0x2] =	wrdreg s24  }
0xaf: {  	[dreg:$0x3] =	wrdreg s2  }
0xb0: {  	[dreg:$0x4] =	wrdreg $0xA2000  }
0xb1: {  	[dreg:$0x5] =	wrdreg $0x9  }
0xb2: {  	_ =	task.clear_ibuf [dreg:s7], $0x6FFFF;
	_ =	strace $0x90000046  }
0xb3: {  	s29 =	simm.s32 $0x9;
	_ =	strace $0x80000048  }
0xb4: {  	_ =	swait.ge [sflag:s29], $0x1  }
0xb5: {  	[sflag:s29] =	ssyncadd.s32 $0xFFFFFFFF  }
0xb6: {  	_ =	strace $0x90000048  }
0xb7: {  	_ =	sfence  }
0xb8: {  	s30 =	sld [smem:$0x0];
	_ =	sdelay $0x2  }
0xb9: {  	s31 =	sshll.u32 s1, $0xD;
	s1 =	sshrl.u32 s1, $0x2  }
0xba: {  	s3 =	sand.u32 $0x4000, s31;
	s1 =	sadd.s32 s1, s30  }
0xbb: {  	s0 =	sor.u32 s3, s0;
	s1 =	sshll.u32 s1, $0x11  }
0xbc: {  	s0 =	sor.u32 s1, s0  }
0xbd: {  	s0 =	sadd.s32 $0x8F2B, s0  }
0xbe: {  	[sflag:s0] =	ssyncadd.remote.s32 $0x1  }
0xbf: {  	_ =	sfence.sel $0xFFFF  }
0xc0: {  	[dreg:$0x0] =	wrdreg $0xFFFFFFFF;
	(pc) =	sbr.abs _section_cstart, $3  }
0xc1: {  	[dreg:$0x1] =	wrdreg $0xFFFFFFFF  }
0xc2: {  	_ =	task.clear_ibuf [dreg:s7], $0x2FFFF;
	_ =	strace $0x9FFFFFFF  }
0xc3: {  	(tm) =	ssettm $0x7FFFFFFF  }
tec
execute0_lowered:
.L_overlay_start_1:
0x0: {  	(tag) =	ssettag $0x1  }
0x1: {  	s4 =	stileid.u32  }
0x2: {  	s0 =	rddreg [dreg:$0x0];
	s9 =	smul.u32 $0x50000, s4  }
0x3: {  	s6 =	rddreg [dreg:$0x2];
	s5 =	simm.s32 $0x0  }
0x4: {  	[smem:$0x7FF] =	sst s5;
	s7 =	sadd.s32 $0x1400, s0;
	s10 =	sshrl.u32 s9, $0x2  }
0x5: {  	_ =	strace $0x80000047;
	[dreg:$0x4] =	wrdreg s7;
	s6 =	sadd.s32 s10, s6  }
0x6: {  	s13 =	sadd.s32 $0x1400, s6;
	[dreg:$0x5] =	wrdreg s6  }
0x7: {  	s14 =	sadd.s32 $0x2800, s6;
	[dreg:$0x6] =	wrdreg s13  }
0x8: {  	s1 =	srdreg.scid;
	s15 =	sadd.s32 $0x3C00, s6;
	[dreg:$0x7] =	wrdreg s14  }
0x9: {  	s8 =	simm.s32 $0x3;
	s16 =	sadd.s32 $0x5000, s6;
	[dreg:$0x8] =	wrdreg s15  }
0xa: {  	v3 =	vimm.f32 $0.0e+00;
	v1 =	vimm.s32 $0xFEDCBA98;
	s1 =	sand.u32 $0x1, s1;
	s17 =	sadd.s32 $0x6400, s6;
	[dreg:$0x9] =	wrdreg s16  }
0xb: {  	v4 =	vlaneseq.u32;
	v2 =	vimm.s32 $0x76543210;
	v5 =	vimm.s32 $0xBA98FEDC;
	s3 =	smul.u32 $0x14000, s4;
	s18 =	sadd.s32 $0x7800, s6;
	[dreg:$0xa] =	wrdreg s17  }
0xc: {  	v6 =	vimm.s32 $0x32107654;
	v7 =	vimm.s32 $0xDCFE98BA;
	s5 =	sadd.s32 $0x20800, s0;
	v0 =	vunpack.c.l.s4.s8 v1;
	s19 =	sadd.s32 $0x8C00, s6;
	[dreg:$0xb] =	wrdreg s18  }
0xd: {  	v8 =	vimm.s32 $0x54761032;
	vm0 =	vcmask $0x2F20;
	v2 =	vunpack.c.l.s4.s8 v2;
	s2 =	smul.u32 $0x140000, s1;
	s20 =	sadd.s32 $0xA000, s6;
	[dreg:$0xc] =	wrdreg s19  }
0xe: {  	v5 =	vunpack.c.l.s4.s8 v5;
	v6 =	vunpack.c.l.s4.s8 v6;
	s11 =	ssub.s32 $0x2, s1;
	v0 =	vunpack.c.0.s8.s32 v0;
	s21 =	sadd.s32 $0xB400, s6;
	[dreg:$0xd] =	wrdreg s20  }
0xf: {  	v7 =	vunpack.c.l.s4.s8 v7;
	v8 =	vunpack.c.l.s4.s8 v8;
	s1 =	sshll.u32 s1, $0x4;
	v2 =	vunpack.c.0.s8.s32 v2;
	s22 =	sadd.s32 $0xC800, s6;
	[dreg:$0xe] =	wrdreg s21  }
0x10: {  	s12 =	sshrl.u32 s11, $0x1;
	v5 =	vunpack.c.0.s8.s32 v5;
	v6 =	vunpack.c.0.s8.s32 v6;
	s23 =	sadd.s32 $0xDC00, s6;
	v0 =	vand.u32 $0xF, v0;
	[dreg:$0xf] =	wrdreg s22  }
0x11: {  	s1 =	sor.u32 s4, s1;
	s24 =	sadd.s32 $0xF000, s6;
	[dreg:$0x10] =	wrdreg s23;
	v2 =	vcombine.low v0, v2;
	v0 =	vunpack.c.0.s8.s32 v7;
	v7 =	vunpack.c.0.s8.s32 v8  }
0x12: {  	vm1 =	vcmask $0xF00;
	vm2 =	vcmask $0x1710;
	s2 =	sadd.s32 s3, s2;
	s25 =	sadd.s32 $0x10400, s6;
	v5 =	vcombine.low v6, v5;
	[dreg:$0x11] =	wrdreg s24  }
0x13: {  	s1 =	smul.u32 $0x7D00, s1;
	s30 =	sadd.s32 $0x11800, s6;
	[dreg:$0x12] =	wrdreg s25;
	v6 =	vcombine.low v7, v0;
	v0 =	vimm.s32 $0xEFCDAB89;
	v7 =	vimm.s32 $0x67452301  }
0x14: {  	vm3 =	vcmask $0x700;
	s2 =	sshrl.u32 s2, $0x3;
	s31 =	sadd.s32 $0x12C00, s6;
	[dreg:$0x18] =	wrdreg s30;
	v9 =	vunpack.c.l.s4.s8 v0;
	v7 =	vunpack.c.l.s4.s8 v7  }
0x15: {  	vm4 =	vcmask $0x2720;
	v1 =	vand.u32 $0x7, v4;
	s0 =	sadd.s32 s2, s0;
	s28 =	sor.u32 $0x80, s1;
	v8 =	vshrl.u32 v4, $0x3;
	[dreg:$0x19] =	wrdreg s31  }
0x16: {  	s26 =	sshrl.u32 s1, $0x3;
	s1 =	sadd.s32 $0x100, s1;
	[dreg:$0x14] =	wrdreg s28;
	v0 =	vmul.u32 $0x8, v8;
	v8 =	vunpack.c.0.s8.s32 v9;
	v7 =	vunpack.c.0.s8.s32 v7  }
0x17: {  	vm0 =	vmor vm1, vm0;
	vm1 =	vmmov $0xffff;
	vm3 =	vmor vm3, vm2;
	s2 =	ssub.s32 s11, s12;
	s3 =	sadd.s32 s7, s26;
	[dreg:$0x15] =	wrdreg s1  }
0x18: {  	[tilespmem:$0x1FFD0] =	vst v1;
	vm3 =	vmor vm3, vm4;
	vm4 =	vcmask $0x3730;
	s17 =	simm.s32 $0x4;
	s0 =	sadd.s32 $0x6EA00, s0;
	[dreg:$0x13] =	wrdreg s3;
	v7 =	vcombine.low v7, v8  }
0x19: {  	vm2 =	vmmov $0xff;
	vm3 =	vmor vm3, vm4;
	s29 =	smax.u32 s2, $0x1;
	s2 =	simm.s32 $0x7;
	[dreg:$0x16] =	wrdreg s0;
	[tilespmem:$0x1FFE0] =	vst v0;
	v0 =	vor.u32 $0x8, v4  }
0x1a: {  	v5 =	vand.u32 $0xF, v5;
	s1 =	simm.s32 $0x0;
	[dreg:$0x17] =	wrdreg s29;
	s3 =	simm.s32 $0x28;
	v6 =	vand.u32 $0xF, v6;
	[tilespmem:$0x1FFF0] =	vst v0;
	v7 =	vand.u32 $0xF, v7  }
.LBB2_1:
0x1b: {  	[dreg:$0x1a] =	wrdreg s1;
	s0 =	simm.s32 $0x0;
	s1 =	simm.s32 $0x200  }
.LBB2_2:
0x1c: {  	p0 =	sne.s32 s1, $0x4E00;
	[tilespmem:s0+$0x7A70] =	vst v3  }
0x1d: {  	[tilespmem:s0+$0x7A00] =	vst v3  }
0x1e: {  	[tilespmem:s0+$0x7A10] =	vst v3  }
.Ltmp0:
0x1f: {  	[tilespmem:s0+$0x7A20] =	vst v3;
	(pc) =	sbr.rel @p0 .LBB2_2-.Ltmp0, $4  }
0x20: {  	[tilespmem:s0+$0x7A30] =	vst v3  }
0x21: {  	[tilespmem:s0+$0x7A40] =	vst v3  }
0x22: {  	[tilespmem:s0+$0x7A50] =	vst v3  }
0x23: {  	[tilespmem:s0+$0x7A60] =	vst v3;
	s0 =	sshra.s32 s1, $0x2;
	s1 =	sadd.s32 $0x200, s1  }
0x24: {  	[tilespmem:s0+$0x7A70] =	vst v3  }
0x25: {  	[tilespmem:s0+$0x7A00] =	vst v3  }
0x26: {  	[tilespmem:s0+$0x7A10] =	vst v3  }
0x27: {  	[tilespmem:s0+$0x7A20] =	vst v3  }
0x28: {  	[tilespmem:s0+$0x7A30] =	vst v3  }
0x29: {  	[tilespmem:s0+$0x7A40] =	vst v3  }
0x2a: {  	[tilespmem:s0+$0x7A50] =	vst v3  }
0x2b: {  	[tilespmem:s0+$0x7A60] =	vst v3;
	s1 =	simm.s32 $0x7A00  }
0x2c: {  	[spmem:s6] =	stream.linear.scatter [tilespmem:s1], [sflag:$0x7], $0x1400, $0x38;
	[tilespmem:$0x1E200] =	vst v63  }
0x2d: {  	_ =	swait.ge [sflag:s2], $0x1400  }
0x2e: {  	[sflag:s2] =	ssyncset.done $0x0  }
0x2f: {  	s31 =	rddreg [dreg:$0x6];
	[sflag:s2] =	ssyncadd.s32 $0xFFFFEC00  }
0x30: {  	[spmem:s31] =	stream.linear.scatter [tilespmem:s1], [sflag:$0x7], $0x1400, $0x38;
	[tilespmem:$0x1E200] =	vst v63  }
0x31: {  	_ =	swait.ge [sflag:s2], $0x1400  }
0x32: {  	[sflag:s2] =	ssyncset.done $0x0  }
0x33: {  	s4 =	rddreg [dreg:$0x7];
	[sflag:s2] =	ssyncadd.s32 $0xFFFFEC00  }
0x34: {  	[spmem:s4] =	stream.linear.scatter [tilespmem:s1], [sflag:$0x7], $0x1400, $0x38;
	[tilespmem:$0x1E200] =	vst v63  }
0x35: {  	_ =	swait.ge [sflag:s2], $0x1400  }
0x36: {  	[sflag:s2] =	ssyncset.done $0x0  }
0x37: {  	s6 =	rddreg [dreg:$0x8];
	[sflag:s2] =	ssyncadd.s32 $0xFFFFEC00  }
0x38: {  	[spmem:s6] =	stream.linear.scatter [tilespmem:s1], [sflag:$0x7], $0x1400, $0x38;
	[tilespmem:$0x1E200] =	vst v63  }
0x39: {  	_ =	swait.ge [sflag:s2], $0x1400  }
0x3a: {  	[sflag:s2] =	ssyncset.done $0x0  }
0x3b: {  	s7 =	rddreg [dreg:$0x9];
	[sflag:s2] =	ssyncadd.s32 $0xFFFFEC00  }
0x3c: {  	[spmem:s7] =	stream.linear.scatter [tilespmem:s1], [sflag:$0x7], $0x1400, $0x38;
	[tilespmem:$0x1E200] =	vst v63  }
0x3d: {  	_ =	swait.ge [sflag:s2], $0x1400  }
0x3e: {  	[sflag:s2] =	ssyncset.done $0x0  }
0x3f: {  	s9 =	rddreg [dreg:$0xa];
	[sflag:s2] =	ssyncadd.s32 $0xFFFFEC00  }
0x40: {  	[spmem:s9] =	stream.linear.scatter [tilespmem:s1], [sflag:$0x7], $0x1400, $0x38;
	[tilespmem:$0x1E200] =	vst v63  }
0x41: {  	_ =	swait.ge [sflag:s2], $0x1400  }
0x42: {  	[sflag:s2] =	ssyncset.done $0x0  }
0x43: {  	s10 =	rddreg [dreg:$0xb];
	[sflag:s2] =	ssyncadd.s32 $0xFFFFEC00  }
0x44: {  	[spmem:s10] =	stream.linear.scatter [tilespmem:s1], [sflag:$0x7], $0x1400, $0x38;
	[tilespmem:$0x1E200] =	vst v63  }
0x45: {  	_ =	swait.ge [sflag:s2], $0x1400  }
0x46: {  	[sflag:s2] =	ssyncset.done $0x0  }
0x47: {  	s11 =	rddreg [dreg:$0xc];
	[sflag:s2] =	ssyncadd.s32 $0xFFFFEC00  }
0x48: {  	[spmem:s11] =	stream.linear.scatter [tilespmem:s1], [sflag:$0x7], $0x1400, $0x38;
	[tilespmem:$0x1E200] =	vst v63  }
0x49: {  	_ =	swait.ge [sflag:s2], $0x1400  }
0x4a: {  	[sflag:s2] =	ssyncset.done $0x0  }
0x4b: {  	s12 =	rddreg [dreg:$0xd];
	[sflag:s2] =	ssyncadd.s32 $0xFFFFEC00  }
0x4c: {  	[spmem:s12] =	stream.linear.scatter [tilespmem:s1], [sflag:$0x7], $0x1400, $0x38;
	[tilespmem:$0x1E200] =	vst v63  }
0x4d: {  	_ =	swait.ge [sflag:s2], $0x1400  }
0x4e: {  	[sflag:s2] =	ssyncset.done $0x0  }
0x4f: {  	s13 =	rddreg [dreg:$0xe];
	[sflag:s2] =	ssyncadd.s32 $0xFFFFEC00  }
0x50: {  	[spmem:s13] =	stream.linear.scatter [tilespmem:s1], [sflag:$0x7], $0x1400, $0x38;
	[tilespmem:$0x1E200] =	vst v63  }
0x51: {  	_ =	swait.ge [sflag:s2], $0x1400  }
0x52: {  	[sflag:s2] =	ssyncset.done $0x0  }
0x53: {  	s14 =	rddreg [dreg:$0xf];
	[sflag:s2] =	ssyncadd.s32 $0xFFFFEC00  }
0x54: {  	[spmem:s14] =	stream.linear.scatter [tilespmem:s1], [sflag:$0x7], $0x1400, $0x38;
	[tilespmem:$0x1E200] =	vst v63  }
0x55: {  	_ =	swait.ge [sflag:s2], $0x1400  }
0x56: {  	[sflag:s2] =	ssyncset.done $0x0  }
0x57: {  	s15 =	rddreg [dreg:$0x10];
	[sflag:s2] =	ssyncadd.s32 $0xFFFFEC00  }
0x58: {  	[spmem:s15] =	stream.linear.scatter [tilespmem:s1], [sflag:$0x7], $0x1400, $0x38;
	[tilespmem:$0x1E200] =	vst v63  }
0x59: {  	_ =	swait.ge [sflag:s2], $0x1400  }
0x5a: {  	[sflag:s2] =	ssyncset.done $0x0  }
0x5b: {  	s16 =	rddreg [dreg:$0x11];
	[sflag:s2] =	ssyncadd.s32 $0xFFFFEC00  }
0x5c: {  	[spmem:s16] =	stream.linear.scatter [tilespmem:s1], [sflag:$0x7], $0x1400, $0x38;
	[tilespmem:$0x1E200] =	vst v63  }
0x5d: {  	_ =	swait.ge [sflag:s2], $0x1400  }
0x5e: {  	[sflag:s2] =	ssyncset.done $0x0  }
0x5f: {  	s18 =	rddreg [dreg:$0x12];
	[sflag:s2] =	ssyncadd.s32 $0xFFFFEC00  }
0x60: {  	[spmem:s18] =	stream.linear.scatter [tilespmem:s1], [sflag:$0x7], $0x1400, $0x38;
	[tilespmem:$0x1E200] =	vst v63  }
0x61: {  	_ =	swait.ge [sflag:s2], $0x1400  }
0x62: {  	[sflag:s2] =	ssyncset.done $0x0  }
0x63: {  	s19 =	rddreg [dreg:$0x18];
	[sflag:s2] =	ssyncadd.s32 $0xFFFFEC00  }
0x64: {  	[spmem:s19] =	stream.linear.scatter [tilespmem:s1], [sflag:$0x7], $0x1400, $0x38;
	[tilespmem:$0x1E200] =	vst v63  }
0x65: {  	_ =	swait.ge [sflag:s2], $0x1400  }
0x66: {  	[sflag:s2] =	ssyncset.done $0x0  }
0x67: {  	s20 =	rddreg [dreg:$0x19];
	[sflag:s2] =	ssyncadd.s32 $0xFFFFEC00  }
0x68: {  	[spmem:s20] =	stream.linear.scatter [tilespmem:s1], [sflag:$0x7], $0x1400, $0x38;
	[tilespmem:$0x1E200] =	vst v63  }
0x69: {  	_ =	swait.ge [sflag:s2], $0x1400  }
0x6a: {  	[sflag:s2] =	ssyncset.done $0x0  }
0x6b: {  	[sflag:s2] =	ssyncadd.s32 $0xFFFFEC00  }
0x6c: {  	[bflag:$0x0] =	sbarrier.arrive $0xFFFF  }
0x6d: {  	s21 =	simm.s32 $0x0;
	s23 =	simm.s32 $0x1;
	s22 =	rddreg [dreg:$0x13]  }
0x6e: {  	[tilespmem:s21], [sflag:$0x1] =	stream.linear.gather [hbm4b:s22+s21], $0x80, $0x38;
	[tilespmem:$0x1E200] =	vst v63  }
0x6f: {  	_ =	swait.ge [sflag:s23], $0x80  }
0x70: {  	[sflag:s23] =	ssyncset.done $0x0  }
0x71: {  	[sflag:s23] =	ssyncadd.s32 $0xFFFFFF80  }
0x72: {  	v8 =	vld [tilespmem:$0x28];
	_ =	sdelay $0x2  }
0x73: {  	v0 =	vld [tilespmem:$0x1FFD0]  }
0x74: {  	v1 =	vld [tilespmem:$0x1FFE0]  }
0x75: {  	v3 =	vld [tilespmem:$0x1FFF0];
	v9 =	vshll.u32 v8, $0x1  }
0x76: {  	v8 =	vand.u32 $0x7, v8;
	v9 =	vand.u32 $0xFFFFFFF0, v9  }
0x77: {  	v8 =	vor.u32 v8, v9  }
0x78: {  	v9 =	vperm.xlane v8, v0;
	_ =	sdelay $0x1  }
0x79: {  	v8 =	vperm.xlane v8, v3;
	v9 =	vadd.s32 v1, v9;
	_ =	sdelay $0x1  }
0x7a: {  	v8 =	vadd.s32 v1, v8;
	_ =	sdelay $0x1  }
0x7b: {  	s24 =	simm.s32 $0x200  }
0x7c: {  	[tilespmem:s24], [sflag:$0x3] =	stream.indirect_vreg.gather [hbm4b:s5+s21], $0x80, v9, vm1, $0xb8;
	[tilespmem:$0x1E200] =	vst v63  }
0x7d: {  	s25 =	simm.s32 $0xA00  }
0x7e: {  	[tilespmem:s25], [sflag:$0x3] =	stream.indirect_vreg.gather [hbm4b:s5+s21], $0x80, v8, vm1, $0xb8;
	[tilespmem:$0x1E200] =	vst v63  }
0x7f: {  	v8 =	vld [tilespmem:$0x38];
	_ =	sdelay $0x4  }
0x80: {  	v62 =	vshll.u32 v8, $0x1  }
0x81: {  	v8 =	vand.u32 $0x7, v8;
	v9 =	vand.u32 $0xFFFFFFF0, v62  }
0x82: {  	v8 =	vor.u32 v8, v9  }
0x83: {  	v9 =	vperm.xlane v8, v0;
	_ =	sdelay $0x1  }
0x84: {  	v8 =	vperm.xlane v8, v3;
	v9 =	vadd.s32 v1, v9;
	_ =	sdelay $0x1  }
0x85: {  	v8 =	vadd.s32 v1, v8;
	_ =	sdelay $0x1  }
0x86: {  	s26 =	simm.s32 $0x1200  }
0x87: {  	[tilespmem:s26], [sflag:$0x3] =	stream.indirect_vreg.gather [hbm4b:s5+s21], $0x80, v9, vm1, $0xb8;
	[tilespmem:$0x1E200] =	vst v63  }
0x88: {  	s28 =	simm.s32 $0x1A00  }
0x89: {  	[tilespmem:s28], [sflag:$0x3] =	stream.indirect_vreg.gather [hbm4b:s5+s21], $0x80, v8, vm1, $0xb8;
	[tilespmem:$0x1E200] =	vst v63  }
0x8a: {  	v8 =	vld.msk [tilespmem:$0x48], $0xff;
	_ =	sdelay $0x4  }
0x8b: {  	v63 =	vshll.u32 v8, $0x1  }
0x8c: {  	v8 =	vand.u32 $0x7, v8;
	v9 =	vand.u32 $0xFFFFFFF0, v63  }
0x8d: {  	v8 =	vor.u32 v8, v9  }
0x8e: {  	v8 =	vperm.xlane v8, v0;
	_ =	sdelay $0x1  }
0x8f: {  	v8 =	vadd.s32 v1, v8;
	_ =	sdelay $0x3  }
0x90: {  	s29 =	simm.s32 $0x2200  }
0x91: {  	[tilespmem:s29], [sflag:$0x3] =	stream.indirect_vreg.gather [hbm4b:s5+s21], $0x80, v8, vm1, $0xb8;
	[tilespmem:$0x1E200] =	vst v63  }
0x92: {  	s31 =	simm.s32 $0x5200;
	s30 =	rddreg [dreg:$0x1];
	s26 =	simm.s32 $0x0  }
0x93: {  	[tilespmem:s31], [sflag:$0x3] =	stream.indirect.gather [hbm4b:s30+s3], $0x80, s21, s3, $0xb8;
	[tilespmem:$0x1E200] =	vst v63  }
.LBB2_4:
0x94: {  	s28 =	sshll.u32 s26, $0x8;
	s0 =	rddreg [dreg:$0x14]  }
0x95: {  	s0 =	sadd.s32 s28, s0  }
0x96: {  	s1 =	rddreg [dreg:$0x4];
	s0 =	sshrl.u32 s0, $0x3  }
0x97: {  	s16 =	simm.s32 $0x0;
	s2 =	simm.s32 $0x80;
	s0 =	sadd.s32 s1, s0  }
0x98: {  	[tilespmem:s2], [sflag:$0x2] =	stream.linear.gather [hbm4b:s0+s16], $0x80, $0x38;
	[tilespmem:$0x1E200] =	vst v63  }
0x99: {  	_ =	swait.ge [sflag:s8], $0x2800  }
0x9a: {  	[sflag:s8] =	ssyncset.done $0x0  }
0x9b: {  	[sflag:s8] =	ssyncadd.s32 $0xFFFFD800  }
0x9c: {  	_ =	swait.ge [sflag:s8], $0x1400  }
0x9d: {  	[sflag:s8] =	ssyncset.done $0x0  }
0x9e: {  	s18 =	simm.s32 $0x2;
	[sflag:s8] =	ssyncadd.s32 $0xFFFFEC00  }
0x9f: {  	_ =	swait.ge [sflag:s18], $0x80  }
0xa0: {  	[sflag:s18] =	ssyncset.done $0x0  }
0xa1: {  	[sflag:s18] =	ssyncadd.s32 $0xFFFFFF80  }
0xa2: {  	v8 =	vld [tilespmem:$0xA8];
	_ =	sdelay $0x2  }
0xa3: {  	v0 =	vld [tilespmem:$0x1FFD0]  }
0xa4: {  	v1 =	vld [tilespmem:$0x1FFE0]  }
0xa5: {  	v3 =	vld [tilespmem:$0x1FFF0];
	v9 =	vshll.u32 v8, $0x1  }
0xa6: {  	v8 =	vand.u32 $0x7, v8;
	v9 =	vand.u32 $0xFFFFFFF0, v9  }
0xa7: {  	v8 =	vor.u32 v8, v9  }
0xa8: {  	v9 =	vperm.xlane v8, v0;
	_ =	sdelay $0x1  }
0xa9: {  	v8 =	vperm.xlane v8, v3;
	v9 =	vadd.s32 v1, v9;
	_ =	sdelay $0x1  }
0xaa: {  	v8 =	vadd.s32 v1, v8;
	_ =	sdelay $0x1  }
0xab: {  	s19 =	simm.s32 $0x2A00  }
0xac: {  	[tilespmem:s19], [sflag:$0x4] =	stream.indirect_vreg.gather [hbm4b:s5+s16], $0x80, v9, vm1, $0xb8;
	[tilespmem:$0x1E200] =	vst v63  }
0xad: {  	s20 =	simm.s32 $0x3200  }
0xae: {  	[tilespmem:s20], [sflag:$0x4] =	stream.indirect_vreg.gather [hbm4b:s5+s16], $0x80, v8, vm1, $0xb8;
	[tilespmem:$0x1E200] =	vst v63  }
0xaf: {  	v8 =	vld [tilespmem:$0xB8];
	_ =	sdelay $0x4  }
0xb0: {  	v9 =	vshll.u32 v8, $0x1  }
0xb1: {  	v8 =	vand.u32 $0x7, v8;
	v9 =	vand.u32 $0xFFFFFFF0, v9  }
0xb2: {  	v8 =	vor.u32 v8, v9  }
0xb3: {  	v9 =	vperm.xlane v8, v0;
	_ =	sdelay $0x1  }
0xb4: {  	v8 =	vperm.xlane v8, v3;
	v9 =	vadd.s32 v1, v9;
	_ =	sdelay $0x1  }
0xb5: {  	v8 =	vadd.s32 v1, v8;
	_ =	sdelay $0x1  }
0xb6: {  	s21 =	simm.s32 $0x3A00  }
0xb7: {  	[tilespmem:s21], [sflag:$0x4] =	stream.indirect_vreg.gather [hbm4b:s5+s16], $0x80, v9, vm1, $0xb8;
	[tilespmem:$0x1E200] =	vst v63  }
0xb8: {  	s22 =	simm.s32 $0x4200  }
0xb9: {  	[tilespmem:s22], [sflag:$0x4] =	stream.indirect_vreg.gather [hbm4b:s5+s16], $0x80, v8, vm1, $0xb8;
	[tilespmem:$0x1E200] =	vst v63  }
0xba: {  	v8 =	vld.msk [tilespmem:$0xC8], $0xff;
	_ =	sdelay $0x4  }
0xbb: {  	v9 =	vshll.u32 v8, $0x1  }
0xbc: {  	v8 =	vand.u32 $0x7, v8;
	v9 =	vand.u32 $0xFFFFFFF0, v9  }
0xbd: {  	v8 =	vor.u32 v8, v9  }
0xbe: {  	v8 =	vperm.xlane v8, v0;
	_ =	sdelay $0x1  }
0xbf: {  	v8 =	vadd.s32 v1, v8;
	_ =	sdelay $0x3  }
0xc0: {  	s23 =	simm.s32 $0x4A00;
	p0 =	seq.s32 s26, $0x0  }
0xc1: {  	[tilespmem:s23], [sflag:$0x4] =	stream.indirect_vreg.gather [hbm4b:s5+s16], $0x80, v8, vm1, $0xb8;
	[tilespmem:$0x1E200] =	vst v63  }
0xc2: {  	s25 =	simm.s32 $0x6600;
	s0 =	simm.s32 @!p0 $0x5;
	s24 =	rddreg [dreg:$0x1]  }
0xc3: {  	[tilespmem:s25], [sflag:$0x4] =	stream.indirect.gather [hbm4b:s24+s3], $0x80, s2, s3, $0xb8;
	[tilespmem:$0x1E200] =	vst v63  }
0xc4: {  	_ =	swait.ge @!p0 [sflag:s0], $0x1400  }
0xc5: {  	[sflag:s0] =	ssyncset.done @!p0 $0x0  }
0xc6: {  	[sflag:s0] =	ssyncadd.s32 @!p0 $0xFFFFEC00  }
0xc7: {  	v8 =	vld [tilespmem:$0x0]  }
0xc8: {  	v9 =	vld [tilespmem:$0x10]  }
0xc9: {  	v10 =	vld [tilespmem:$0x18];
	_ =	sdelay $0x2  }
0xca: {  	[tilespmem:$0x100] =	vst v8  }
0xcb: {  	[tilespmem:$0x110] =	vst v9  }
0xcc: {  	s4 =	simm.s32 $0x5280;
	[tilespmem:$0x118] =	vst v10  }
0xcd: {  	v8 =	vld [tilespmem:s4+$0x0]  }
0xce: {  	v9 =	vld [tilespmem:s4+$0x10]  }
0xcf: {  	v10 =	vld [tilespmem:s4+$0x20]  }
0xd0: {  	v11 =	vld [tilespmem:s4+$0x30]  }
0xd1: {  	s7 =	simm.s32 $0x0;
	v12 =	vld [tilespmem:s4+$0x40]  }
0xd2: {  	s6 =	simm.s32 $0x80;
	s2 =	sand.u32 $0x3800, s7;
	v13 =	vld [tilespmem:s4+$0x50]  }
0xd3: {  	s1 =	sand.u32 $0x380, s6;
	s2 =	sor.u32 $0x200, s2;
	v14 =	vld [tilespmem:s4+$0x60]  }
0xd4: {  	s9 =	sadd.s32 s1, s2;
	v15 =	vld [tilespmem:s4+$0x70]  }
0xd5: {  	v16 =	vld [tilespmem:s9+$0x0]  }
0xd6: {  	v17 =	vld [tilespmem:s9+$0x10]  }
0xd7: {  	v18 =	vld [tilespmem:s9+$0x20]  }
0xd8: {  	v19 =	vld [tilespmem:s9+$0x30]  }
0xd9: {  	v20 =	vld [tilespmem:s9+$0x40]  }
0xda: {  	v21 =	vld [tilespmem:s9+$0x50]  }
0xdb: {  	v22 =	vld [tilespmem:s9+$0x60]  }
0xdc: {  	v23 =	vld [tilespmem:s9+$0x70];
	_ =	sdelay $0x1  }
0xdd: {  	v8 =	vmul.f32 v8, v16;
	v9 =	vmul.f32 v9, v17  }
0xde: {  	v10 =	vmul.f32 v10, v18;
	v11 =	vmul.f32 v11, v19  }
0xdf: {  	v12 =	vmul.f32 v12, v20;
	v13 =	vmul.f32 v13, v21  }
0xe0: {  	v14 =	vmul.f32 v14, v22;
	v15 =	vmul.f32 v15, v23  }
0xe1: {  	v16 =	vperm.xlane v8, v2;
	v17 =	vperm.xlane v9, v2  }
0xe2: {  	v18 =	vperm.xlane v10, v2;
	v19 =	vperm.xlane v11, v2  }
0xe3: {  	v20 =	vperm.xlane v12, v2;
	v21 =	vperm.xlane v13, v2  }
0xe4: {  	v22 =	vperm.xlane v14, v2;
	v8 =	vadd.f32 v16, v8;
	v9 =	vadd.f32 v17, v9  }
0xe5: {  	v16 =	vperm.xlane v15, v2;
	v10 =	vadd.f32 v18, v10;
	v11 =	vadd.f32 v19, v11  }
0xe6: {  	v12 =	vadd.f32 v20, v12;
	v13 =	vadd.f32 v21, v13  }
0xe7: {  	v14 =	vadd.f32 v22, v14;
	v15 =	vadd.f32 v16, v15  }
0xe8: {  	v8 =	vsel vm2, v8, v9;
	v9 =	vsel vm2, v10, v11;
	v10 =	vsel vm2, v12, v13  }
0xe9: {  	v24 =	vld [tilespmem:s4+$0xFFFFFFE0];
	v13 =	vperm.xlane v8, v5;
	v18 =	vperm.xlane v10, v5;
	v12 =	vsel vm2, v14, v15  }
0xea: {  	v25 =	vld [tilespmem:s4+$0xFFFFFFF0];
	v14 =	vperm.xlane v9, v5;
	v19 =	vperm.xlane v12, v5  }
0xeb: {  	s12 =	simm.s32 $0x5380;
	v26 =	vld [tilespmem:s9+$0x400];
	v8 =	vadd.f32 v13, v8;
	v10 =	vadd.f32 v18, v10  }
0xec: {  	v27 =	vld [tilespmem:s12+$0x0];
	v9 =	vadd.f32 v14, v9;
	v12 =	vadd.f32 v19, v12  }
0xed: {  	s11 =	simm.s32 $0x0;
	v28 =	vld [tilespmem:s12+$0x10]  }
0xee: {  	s13 =	simm.s32 $0x200;
	s1 =	sand.u32 $0x300, s11;
	v30 =	vld [tilespmem:s12+$0x30];
	v8 =	vsel vm0, v8, v9;
	v9 =	vsel vm0, v10, v12  }
0xef: {  	s14 =	simm.s32 $0x180;
	s11 =	sadd.s32 s1, s2;
	s1 =	sand.u32 $0x3800, s13;
	v31 =	vld [tilespmem:s12+$0x40];
	v12 =	vperm.xlane v8, v6;
	v19 =	vperm.xlane v9, v6  }
0xf0: {  	s2 =	sand.u32 $0x380, s14;
	s1 =	sor.u32 $0x200, s1;
	v32 =	vld [tilespmem:s12+$0x60]  }
0xf1: {  	s10 =	sadd.s32 s2, s1;
	v33 =	vld [tilespmem:s12+$0x70];
	v8 =	vadd.f32 v12, v8;
	v9 =	vadd.f32 v19, v9  }
0xf2: {  	v34 =	vld [tilespmem:s10+$0x10]  }
0xf3: {  	v23 =	vld [tilespmem:s4+$0xFFFFFFD0];
	v8 =	vsel vm3, v8, v9  }
0xf4: {  	v17 =	vld [tilespmem:s11+$0x0];
	v9 =	vperm.xlane v8, v7  }
0xf5: {  	v20 =	vld [tilespmem:s11+$0x40]  }
0xf6: {  	v21 =	vld [tilespmem:s4+$0xFFFFFF90];
	v8 =	vadd.f32 v8, v9  }
0xf7: {  	v22 =	vld [tilespmem:s4+$0xFFFFFFA0]  }
0xf8: {  	v16 =	vld [tilespmem:s11+$0x10];
	v8 =	vmax.f32 v8, $9.999999970e-07  }
0xf9: {  	v11 =	vld [tilespmem:s11+$0x20];
	v9 =	vmin.f32 v8, $1.000000000e+00  }
0xfa: {  	v15 =	vld [tilespmem:s11+$0x30];
	v29 =	vbroadcast v9, $0x0  }
0xfb: {  	v13 =	vld [tilespmem:s11+$0x50]  }
0xfc: {  	v10 =	vld [tilespmem:s4+$0xFFFFFF80];
	v26 =	vmul.f32 v29, v26  }
0xfd: {  	s31 =	simm.s32 $0x7A80;
	v12 =	vld [tilespmem:s4+$0xFFFFFFB0]  }
0xfe: {  	v19 =	vld [tilespmem:s4+$0xFFFFFFC0];
	[tilespmem:s31+$0x0] =	vst v26  }
0xff: {  	v26 =	vld [tilespmem:s9+$0x410]  }
0x100: {  	v18 =	vld [tilespmem:s11+$0x70]  }
0x101: {  	v14 =	vld [tilespmem:s11+$0x60];
	v16 =	vmul.f32 v21, v16  }
0x102: {  	v11 =	vmul.f32 v22, v11;
	v22 =	vld [tilespmem:s10+$0x40];
	v21 =	vbroadcast v9, $0x8  }
0x103: {  	v10 =	vmul.f32 v10, v17;
	v17 =	vld [tilespmem:s10+$0x0];
	v12 =	vmul.f32 v12, v15  }
0x104: {  	v15 =	vld [tilespmem:s10+$0x20];
	v19 =	vmul.f32 v19, v20;
	v20 =	vmul.f32 v21, v26  }
0x105: {  	v28 =	vmul.f32 v28, v34;
	v13 =	vmul.f32 v23, v13;
	v8 =	vld [tilespmem:s12+$0x20]  }
0x106: {  	v18 =	vmul.f32 v25, v18;
	v25 =	vperm.xlane v11, v2;
	v21 =	vld [tilespmem:s10+$0x30];
	[tilespmem:s31+$0x10] =	vst v20  }
0x107: {  	v14 =	vmul.f32 v24, v14;
	v24 =	vperm.xlane v16, v2;
	v26 =	vld [tilespmem:s9+$0x420]  }
0x108: {  	v37 =	vld [tilespmem:s10+$0x60];
	v38 =	vperm.xlane v13, v2;
	v22 =	vmul.f32 v31, v22  }
0x109: {  	v40 =	vld [tilespmem:s10+$0x70];
	v11 =	vadd.f32 v25, v11;
	v25 =	vperm.xlane v28, v2;
	v39 =	vperm.xlane v14, v2  }
0x10a: {  	v17 =	vmul.f32 v27, v17;
	v27 =	vbroadcast v9, $0x4;
	v29 =	vld [tilespmem:s12+$0x50]  }
0x10b: {  	v23 =	vperm.xlane v10, v2;
	v8 =	vmul.f32 v8, v15;
	v20 =	vld [tilespmem:s10+$0x50]  }
0x10c: {  	v15 =	vmul.f32 v30, v21;
	v21 =	vmul.f32 v27, v26  }
0x10d: {  	v16 =	vadd.f32 v24, v16;
	v10 =	vadd.f32 v23, v10;
	v23 =	vmul.f32 v32, v37  }
0x10e: {  	v24 =	vmul.f32 v33, v40;
	v13 =	vadd.f32 v38, v13;
	v35 =	vperm.xlane v12, v2;
	[tilespmem:s31+$0x20] =	vst v21  }
0x10f: {  	v14 =	vadd.f32 v39, v14;
	v36 =	vperm.xlane v19, v2;
	v32 =	vperm.xlane v23, v2;
	v26 =	vld [tilespmem:s9+$0x430]  }
0x110: {  	s15 =	simm.s32 $0x100;
	v12 =	vadd.f32 v35, v12;
	v30 =	vperm.xlane v22, v2;
	v20 =	vmul.f32 v29, v20  }
0x111: {  	s2 =	sand.u32 $0x300, s15;
	v19 =	vadd.f32 v36, v19;
	v29 =	vperm.xlane v15, v2;
	v21 =	vperm.xlane v17, v2  }
0x112: {  	s20 =	sadd.s32 s2, s1;
	v48 =	vbroadcast v9, $0xC;
	v22 =	vadd.f32 v30, v22;
	v27 =	vperm.xlane v8, v2  }
0x113: {  	s16 =	simm.s32 $0x5480;
	v49 =	vld [tilespmem:s20+$0x0];
	v31 =	vperm.xlane v20, v2;
	v15 =	vadd.f32 v29, v15;
	v17 =	vadd.f32 v21, v17  }
0x114: {  	v51 =	vld [tilespmem:s16+$0x30];
	v21 =	vadd.f32 v25, v28;
	v25 =	vperm.xlane v24, v2;
	v26 =	vmul.f32 v26, v48  }
0x115: {  	s18 =	simm.s32 $0x400;
	v52 =	vld [tilespmem:s16+$0x40];
	v8 =	vadd.f32 v27, v8;
	v20 =	vadd.f32 v31, v20  }
0x116: {  	s19 =	simm.s32 $0x280;
	s1 =	sand.u32 $0x3800, s18;
	v53 =	vld [tilespmem:s16+$0x60];
	v23 =	vadd.f32 v32, v23;
	v29 =	vperm.xlane v18, v2;
	v24 =	vadd.f32 v25, v24;
	[tilespmem:s31+$0x30] =	vst v26  }
0x117: {  	s2 =	sand.u32 $0x380, s19;
	s1 =	sor.u32 $0x200, s1;
	v8 =	vsel vm2, v8, v15;
	v15 =	vsel vm2, v22, v20;
	v17 =	vsel vm2, v17, v21;
	v20 =	vld [tilespmem:s9+$0x440]  }
0x118: {  	s2 =	sadd.s32 s2, s1;
	v55 =	vld [tilespmem:s16+$0x70];
	v22 =	vsel vm2, v23, v24;
	v23 =	vperm.xlane v17, v5;
	v24 =	vperm.xlane v8, v5  }
0x119: {  	v56 =	vld [tilespmem:s2+$0x0];
	v18 =	vadd.f32 v29, v18;
	v29 =	vperm.xlane v22, v5;
	v26 =	vperm.xlane v15, v5  }
0x11a: {  	v57 =	vld [tilespmem:s2+$0x10];
	v17 =	vadd.f32 v23, v17;
	v8 =	vadd.f32 v24, v8;
	v23 =	vbroadcast v9, $0x2  }
0x11b: {  	v41 =	vld [tilespmem:s2+$0x60];
	v10 =	vsel vm2, v10, v16;
	v22 =	vadd.f32 v29, v22;
	v15 =	vadd.f32 v26, v15  }
0x11c: {  	v16 =	vld [tilespmem:s20+$0x70];
	v11 =	vsel vm2, v11, v12;
	v12 =	vsel vm2, v19, v13;
	v19 =	vmul.f32 v20, v23  }
0x11d: {  	v13 =	vld [tilespmem:s12+$0xFFFFFF80];
	v8 =	vsel vm0, v17, v8;
	v15 =	vsel vm0, v15, v22;
	v20 =	vperm.xlane v10, v5  }
0x11e: {  	v30 =	vld [tilespmem:s20+$0x30];
	v14 =	vsel vm2, v14, v18;
	v18 =	vperm.xlane v8, v6;
	v22 =	vperm.xlane v15, v6;
	[tilespmem:s31+$0x40] =	vst v19  }
0x11f: {  	v24 =	vperm.xlane v12, v5;
	v26 =	vperm.xlane v14, v5;
	v10 =	vadd.f32 v20, v10;
	v20 =	vld [tilespmem:s9+$0x450]  }
0x120: {  	v27 =	vld [tilespmem:s20+$0x20];
	v8 =	vadd.f32 v18, v8;
	v15 =	vadd.f32 v22, v15;
	v19 =	vperm.xlane v11, v5  }
0x121: {  	v31 =	vld [tilespmem:s20+$0x60];
	v12 =	vadd.f32 v24, v12;
	v14 =	vadd.f32 v26, v14  }
0x122: {  	v28 =	vld [tilespmem:s20+$0x10];
	v8 =	vsel vm3, v8, v15;
	v15 =	vbroadcast v9, $0xA;
	v11 =	vadd.f32 v19, v11  }
0x123: {  	v21 =	vld [tilespmem:s20+$0x40];
	v24 =	vperm.xlane v8, v7  }
0x124: {  	v25 =	vld [tilespmem:s20+$0x50];
	v10 =	vsel vm0, v10, v11;
	v11 =	vsel vm0, v12, v14;
	v14 =	vmul.f32 v20, v15  }
0x125: {  	v29 =	vld [tilespmem:s12+$0xFFFFFFB0];
	v8 =	vadd.f32 v8, v24;
	v15 =	vperm.xlane v10, v6;
	v20 =	vperm.xlane v11, v6  }
0x126: {  	v24 =	vld [tilespmem:s10+$0x400]  }
0x127: {  	v17 =	vld [tilespmem:s12+$0xFFFFFFA0];
	v8 =	vmax.f32 v8, $9.999999970e-07;
	v10 =	vadd.f32 v15, v10;
	v11 =	vadd.f32 v20, v11  }
0x128: {  	v26 =	vld [tilespmem:s16+$0x0];
	v8 =	vmin.f32 v8, $1.000000000e+00  }
0x129: {  	v18 =	vld [tilespmem:s12+$0xFFFFFFC0];
	v10 =	vsel vm3, v10, v11;
	v11 =	vbroadcast v8, $0x0  }
0x12a: {  	v23 =	vld [tilespmem:s12+$0xFFFFFF90]  }
0x12b: {  	v22 =	vld [tilespmem:s12+$0xFFFFFFE0];
	v11 =	vmul.f32 v11, v24  }
0x12c: {  	s21 =	simm.s32 $0x7B80;
	v17 =	vmul.f32 v17, v27;
	v19 =	vld [tilespmem:s12+$0xFFFFFFD0]  }
0x12d: {  	v27 =	vmul.f32 v29, v30;
	v29 =	vld [tilespmem:s2+$0x20];
	[tilespmem:s21+$0x0] =	vst v11  }
0x12e: {  	v13 =	vmul.f32 v13, v49;
	v59 =	vperm.xlane v17, v2;
	v54 =	vld [tilespmem:s10+$0x410]  }
0x12f: {  	v60 =	vperm.xlane v27, v2;
	v26 =	vmul.f32 v26, v56;
	v12 =	vld [tilespmem:s12+$0xFFFFFFF0];
	[tilespmem:s31+$0x50] =	vst v14  }
0x130: {  	v18 =	vmul.f32 v18, v21;
	v23 =	vmul.f32 v23, v28;
	v14 =	vld [tilespmem:s9+$0x460]  }
0x131: {  	v19 =	vmul.f32 v19, v25;
	v25 =	vld [tilespmem:s2+$0x40];
	v28 =	vbroadcast v8, $0x8  }
0x132: {  	v22 =	vmul.f32 v22, v31;
	v31 =	vbroadcast v9, $0x6;
	v15 =	vld [tilespmem:s16+$0x10]  }
0x133: {  	v42 =	vperm.xlane v18, v2;
	v20 =	vld [tilespmem:s16+$0x20];
	v21 =	vmul.f32 v28, v54  }
0x134: {  	v9 =	vbroadcast v9, $0xE;
	v30 =	vperm.xlane v23, v2;
	v24 =	vld [tilespmem:s16+$0x50]  }
0x135: {  	v61 =	vbroadcast v8, $0x4;
	v14 =	vmul.f32 v14, v31;
	v31 =	vld [tilespmem:s2+$0x70];
	[tilespmem:s21+$0x10] =	vst v21  }
0x136: {  	v47 =	vbroadcast v8, $0xC;
	v12 =	vmul.f32 v12, v16;
	v58 =	vld [tilespmem:s10+$0x420]  }
0x137: {  	v17 =	vadd.f32 v59, v17;
	v16 =	vperm.xlane v13, v2;
	v50 =	vperm.xlane v10, v7;
	v28 =	vld [tilespmem:s2+$0x30]  }
0x138: {  	v27 =	vadd.f32 v60, v27;
	v15 =	vmul.f32 v15, v57;
	v20 =	vmul.f32 v20, v29;
	v21 =	vld [tilespmem:s2+$0x50]  }
0x139: {  	v25 =	vmul.f32 v52, v25;
	v10 =	vadd.f32 v10, v50;
	v50 =	vperm.xlane v19, v2  }
0x13a: {  	v13 =	vadd.f32 v16, v13;
	v62 =	vperm.xlane v15, v2;
	v16 =	vperm.xlane v20, v2  }
0x13b: {  	v17 =	vsel vm2, v17, v27;
	[tilespmem:s31+$0x60] =	vst v14;
	v14 =	vperm.xlane v25, v2;
	v29 =	vmul.f32 v61, v58  }
0x13c: {  	v18 =	vadd.f32 v42, v18;
	v31 =	vmul.f32 v55, v31;
	v28 =	vmul.f32 v51, v28  }
0x13d: {  	s6 =	simm.s32 $0x200;
	v44 =	vld [tilespmem:s11+$0x400];
	v23 =	vadd.f32 v30, v23;
	v21 =	vmul.f32 v24, v21;
	v24 =	vmul.f32 v53, v41;
	[tilespmem:s21+$0x20] =	vst v29  }
0x13e: {  	s6 =	sand.u32 $0x300, s6;
	s22 =	simm.s32 $0x5580;
	v15 =	vadd.f32 v62, v15;
	v43 =	vperm.xlane v28, v2;
	v29 =	vperm.xlane v26, v2;
	v63 =	vld [tilespmem:s10+$0x430]  }
0x13f: {  	s7 =	sadd.s32 s6, s1;
	v35 =	vld [tilespmem:s22+$0x0];
	v16 =	vadd.f32 v16, v20;
	v30 =	vperm.xlane v21, v2;
	v46 =	vperm.xlane v24, v2  }
0x140: {  	v49 =	vld [tilespmem:s7+$0x10];
	v20 =	vadd.f32 v43, v28;
	v26 =	vadd.f32 v29, v26;
	v29 =	vperm.xlane v31, v2  }
0x141: {  	v48 =	vld [tilespmem:s7+$0x0];
	v13 =	vsel vm2, v13, v23;
	v14 =	vadd.f32 v14, v25;
	v21 =	vadd.f32 v30, v21  }
0x142: {  	v42 =	vld [tilespmem:s22+$0x20];
	v24 =	vadd.f32 v46, v24;
	v16 =	vsel vm2, v16, v20;
	v29 =	vadd.f32 v29, v31  }
0x143: {  	v23 =	vld [tilespmem:s16+$0xFFFFFFB0];
	v14 =	vsel vm2, v14, v21;
	v15 =	vsel vm2, v26, v15;
	v28 =	vmul.f32 v63, v47  }
0x144: {  	v45 =	vld [tilespmem:s9+$0x470];
	v31 =	vperm.xlane v14, v5;
	v21 =	vsel vm2, v24, v29;
	v24 =	vperm.xlane v15, v5  }
0x145: {  	v10 =	vmax.f32 v10, $9.999999970e-07;
	v55 =	vld [tilespmem:s16+$0xFFFFFFE0];
	v52 =	vperm.xlane v21, v5;
	[tilespmem:s21+$0x30] =	vst v28;
	v28 =	vperm.xlane v16, v5  }
0x146: {  	v10 =	vmin.f32 v10, $1.000000000e+00;
	v14 =	vadd.f32 v31, v14;
	v15 =	vadd.f32 v24, v15;
	v20 =	vld [tilespmem:s10+$0x440]  }
0x147: {  	v11 =	vbroadcast v10, $0x0;
	v54 =	vld [tilespmem:s7+$0x70];
	v21 =	vadd.f32 v52, v21;
	v16 =	vadd.f32 v28, v16  }
0x148: {  	v19 =	vadd.f32 v50, v19;
	v25 =	vperm.xlane v22, v2;
	v31 =	vld [tilespmem:s16+$0xFFFFFF80];
	v24 =	vbroadcast v8, $0x2  }
0x149: {  	v51 =	vld [tilespmem:s7+$0x20];
	v28 =	vperm.xlane v12, v2;
	v14 =	vsel vm0, v14, v21;
	v15 =	vsel vm0, v15, v16  }
0x14a: {  	v22 =	vadd.f32 v25, v22;
	v53 =	vld [tilespmem:s7+$0x60];
	v25 =	vperm.xlane v14, v6;
	v21 =	vperm.xlane v15, v6  }
0x14b: {  	v18 =	vsel vm2, v18, v19;
	v26 =	vld [tilespmem:s7+$0x40];
	v12 =	vadd.f32 v28, v12;
	v20 =	vmul.f32 v20, v24  }
0x14c: {  	v0 =	vmul.f32 v45, v9;
	v29 =	vld [tilespmem:s7+$0x50];
	v14 =	vadd.f32 v25, v14;
	v15 =	vadd.f32 v21, v15  }
0x14d: {  	v31 =	vmul.f32 v31, v48;
	v16 =	vld [tilespmem:s16+$0xFFFFFFA0];
	v12 =	vsel vm2, v22, v12;
	v21 =	vperm.xlane v17, v5;
	[tilespmem:s21+$0x40] =	vst v20  }
0x14e: {  	v22 =	vperm.xlane v18, v5;
	v20 =	vperm.xlane v13, v5;
	v19 =	vld [tilespmem:s10+$0x450];
	v14 =	vsel vm3, v15, v14  }
0x14f: {  	v24 =	vld [tilespmem:s16+$0xFFFFFF90];
	v27 =	vperm.xlane v12, v5;
	v17 =	vadd.f32 v21, v17;
	v21 =	vperm.xlane v14, v7  }
0x150: {  	v57 =	vperm.xlane v31, v2;
	v25 =	vld [tilespmem:s16+$0xFFFFFFC0];
	v18 =	vadd.f32 v22, v18;
	v20 =	vadd.f32 v20, v13  }
0x151: {  	v28 =	vld [tilespmem:s16+$0xFFFFFFD0];
	v15 =	vbroadcast v8, $0xA;
	v12 =	vadd.f32 v27, v12;
	v14 =	vadd.f32 v14, v21  }
0x152: {  	v27 =	vbroadcast v10, $0xA;
	v16 =	vmul.f32 v16, v51;
	v17 =	vsel vm0, v20, v17;
	v20 =	vld [tilespmem:s2+$0x400]  }
0x153: {  	v41 =	vld [tilespmem:s22+$0x10];
	v18 =	vsel vm0, v18, v12;
	v15 =	vmul.f32 v19, v15;
	v12 =	vmax.f32 v14, $9.999999970e-07  }
0x154: {  	v22 =	vld [tilespmem:s16+$0xFFFFFFF0];
	v13 =	vbroadcast v10, $0x8;
	v24 =	vmul.f32 v24, v49;
	v12 =	vmin.f32 v12, $1.000000000e+00  }
0x155: {  	v30 =	vld [tilespmem:s7+$0x30];
	v25 =	vmul.f32 v25, v26;
	[tilespmem:s21+$0x50] =	vst v15;
	v43 =	vbroadcast v12, $0x0  }
0x156: {  	v26 =	vmul.f32 v28, v29;
	v56 =	vld [tilespmem:s10+$0x460];
	[tilespmem:$0x1FF70] =	vst v0;
	v0 =	vbroadcast v10, $0x6  }
0x157: {  	v29 =	vmul.f32 v55, v53;
	v9 =	vld [tilespmem:s22+$0x30];
	v20 =	vmul.f32 v43, v20  }
0x158: {  	s23 =	simm.s32 $0x600;
	s24 =	simm.s32 $0x7C80;
	v61 =	vperm.xlane v16, v2;
	v21 =	vperm.xlane v18, v6;
	v36 =	vld [tilespmem:s22+$0x40];
	[tilespmem:$0x1FF60] =	vst v0  }
0x159: {  	s25 =	simm.s32 $0x380;
	s1 =	sand.u32 $0x3800, s23;
	v22 =	vmul.f32 v22, v54;
	v60 =	vperm.xlane v24, v2;
	v32 =	vld [tilespmem:s22+$0x60];
	[tilespmem:s24+$0x0] =	vst v20  }
0x15a: {  	s3 =	sand.u32 $0x380, s25;
	s1 =	sor.u32 $0x200, s1;
	v63 =	vperm.xlane v25, v2;
	v20 =	vmul.f32 v23, v30;
	v23 =	vld [tilespmem:s2+$0x410]  }
0x15b: {  	s3 =	sadd.s32 s3, s1;
	v47 =	vperm.xlane v26, v2;
	v53 =	vperm.xlane v29, v2;
	v28 =	vld [tilespmem:s22+$0x70]  }
0x15c: {  	v31 =	vadd.f32 v57, v31;
	v19 =	vmul.f32 v11, v44;
	v11 =	vbroadcast v10, $0x4;
	v30 =	vld [tilespmem:s3+$0x0]  }
0x15d: {  	v18 =	vadd.f32 v21, v18;
	v15 =	vperm.xlane v17, v6;
	v58 =	vbroadcast v12, $0x8;
	v59 =	vld [tilespmem:s3+$0x10]  }
0x15e: {  	v14 =	vbroadcast v10, $0xC;
	v24 =	vadd.f32 v60, v24;
	v25 =	vadd.f32 v63, v25;
	v45 =	vld [tilespmem:s3+$0x20]  }
0x15f: {  	v26 =	vadd.f32 v47, v26;
	v17 =	vadd.f32 v15, v17;
	v62 =	vld [tilespmem:s3+$0x30];
	v23 =	vmul.f32 v58, v23  }
0x160: {  	v21 =	vbroadcast v10, $0x2;
	v48 =	vperm.xlane v22, v2;
	v24 =	vsel vm2, v31, v24;
	v52 =	vld [tilespmem:s3+$0x40];
	[tilespmem:s31+$0xFFFFFF80] =	vst v19  }
0x161: {  	v31 =	vbroadcast v8, $0x6;
	v17 =	vsel vm3, v17, v18;
	v49 =	vld [tilespmem:s3+$0x60];
	v19 =	vsel vm2, v25, v26;
	[tilespmem:s24+$0x10] =	vst v23  }
0x162: {  	v29 =	vadd.f32 v53, v29;
	v43 =	vperm.xlane v17, v7;
	v53 =	vperm.xlane v19, v5;
	v54 =	vld [tilespmem:s2+$0x420]  }
0x163: {  	v50 =	vld [tilespmem:s3+$0x70];
	v46 =	vperm.xlane v20, v2;
	v31 =	vmul.f32 v56, v31  }
0x164: {  	v22 =	vadd.f32 v48, v22;
	v48 =	vld [tilespmem:s11+$0x410];
	v56 =	vbroadcast v12, $0x4;
	v30 =	vmul.f32 v35, v30  }
0x165: {  	v38 =	vmul.f32 v41, v59;
	v57 =	vmul.f32 v42, v45  }
0x166: {  	v16 =	vadd.f32 v61, v16;
	v9 =	vmul.f32 v9, v62;
	v59 =	vmul.f32 v36, v52  }
0x167: {  	v44 =	vld [tilespmem:s22+$0x50];
	v20 =	vadd.f32 v46, v20;
	v32 =	vmul.f32 v32, v49;
	v58 =	vmul.f32 v56, v54  }
0x168: {  	v28 =	vmul.f32 v28, v50;
	v50 =	vbroadcast v12, $0xC;
	v23 =	vld [tilespmem:s3+$0x50]  }
0x169: {  	v16 =	vsel vm2, v16, v20;
	v20 =	vperm.xlane v24, v5;
	v40 =	vmul.f32 v13, v48;
	[tilespmem:s24+$0x20] =	vst v58  }
0x16a: {  	v22 =	vsel vm2, v29, v22;
	v60 =	vperm.xlane v30, v2;
	v61 =	vperm.xlane v38, v2;
	v62 =	vld [tilespmem:s2+$0x430]  }
0x16b: {  	v17 =	vadd.f32 v17, v43;
	v25 =	vperm.xlane v57, v2;
	v26 =	vperm.xlane v9, v2  }
0x16c: {  	v19 =	vadd.f32 v53, v19;
	v29 =	vperm.xlane v59, v2;
	v49 =	vperm.xlane v32, v2  }
0x16d: {  	s4 =	simm.s32 $0x300;
	s9 =	simm.s32 $0x5680;
	v63 =	vld [tilespmem:s20+$0x400];
	v20 =	vadd.f32 v20, v24;
	v30 =	vadd.f32 v60, v30;
	v23 =	vmul.f32 v44, v23  }
0x16e: {  	s6 =	sand.u32 $0x300, s4;
	[tilespmem:s21+$0x60] =	vst v31;
	v48 =	vld [tilespmem:s9+$0x0];
	v52 =	vperm.xlane v28, v2;
	v51 =	vadd.f32 v61, v38;
	v25 =	vadd.f32 v25, v57  }
0x16f: {  	v24 =	vld [tilespmem:s10+$0x470];
	s10 =	sadd.s32 s6, s1;
	v9 =	vadd.f32 v26, v9;
	v31 =	vperm.xlane v23, v2;
	v26 =	vmul.f32 v62, v50  }
0x170: {  	v55 =	vperm.xlane v16, v5;
	v38 =	vld [tilespmem:s10+$0x10];
	v32 =	vadd.f32 v49, v32;
	v28 =	vadd.f32 v52, v28  }
0x171: {  	v41 =	vld [tilespmem:s10+$0x20];
	v29 =	vadd.f32 v29, v59;
	v57 =	vbroadcast v12, $0x2;
	v23 =	vadd.f32 v31, v23;
	[tilespmem:s24+$0x30] =	vst v26  }
0x172: {  	v9 =	vsel vm2, v25, v9;
	v28 =	vsel vm2, v32, v28;
	v26 =	vsel vm2, v30, v51;
	v25 =	vld [tilespmem:s2+$0x440]  }
0x173: {  	v34 =	vld [tilespmem:s10+$0x30];
	v54 =	vperm.xlane v9, v5;
	v23 =	vsel vm2, v29, v23;
	v29 =	vperm.xlane v26, v5  }
0x174: {  	v16 =	vadd.f32 v55, v16;
	v33 =	vld [tilespmem:s10+$0x50];
	v56 =	vperm.xlane v28, v5;
	v55 =	vperm.xlane v23, v5  }
0x175: {  	v42 =	vld [tilespmem:s10+$0x60];
	v31 =	vperm.xlane v22, v5;
	v26 =	vadd.f32 v29, v26;
	v29 =	vadd.f32 v54, v9  }
0x176: {  	v43 =	vld [tilespmem:s10+$0x70];
	v9 =	vbroadcast v10, $0xE;
	v10 =	vadd.f32 v55, v23;
	v23 =	vadd.f32 v56, v28  }
0x177: {  	v17 =	vmax.f32 v17, $9.999999970e-07;
	v60 =	vld [tilespmem:s22+$0xFFFFFFB0];
	v22 =	vadd.f32 v31, v22;
	v25 =	vmul.f32 v25, v57  }
0x178: {  	v61 =	vld [tilespmem:s22+$0xFFFFFFC0];
	v16 =	vsel vm0, v20, v16;
	v20 =	vsel vm0, v26, v29;
	v10 =	vsel vm0, v10, v23  }
0x179: {  	v44 =	vld [tilespmem:s10+$0x0];
	v19 =	vsel vm0, v19, v22;
	v22 =	vperm.xlane v20, v6;
	v23 =	vperm.xlane v10, v6;
	[tilespmem:s24+$0x40] =	vst v25  }
0x17a: {  	v59 =	vmin.f32 v17, $1.000000000e+00;
	v26 =	vperm.xlane v19, v6;
	v29 =	vld [tilespmem:s2+$0x450]  }
0x17b: {  	v58 =	vld [tilespmem:s22+$0xFFFFFFA0];
	v25 =	vperm.xlane v16, v6;
	v17 =	vadd.f32 v22, v20;
	v10 =	vadd.f32 v23, v10  }
0x17c: {  	v31 =	vld [tilespmem:s22+$0xFFFFFF90];
	v19 =	vadd.f32 v26, v19  }
0x17d: {  	v62 =	vld [tilespmem:s22+$0xFFFFFFD0];
	v16 =	vadd.f32 v25, v16;
	v10 =	vsel vm3, v17, v10;
	v17 =	vbroadcast v12, $0xA  }
0x17e: {  	v8 =	vbroadcast v8, $0xE;
	v34 =	vmul.f32 v60, v34;
	v30 =	vld [tilespmem:s10+$0x40]  }
0x17f: {  	v28 =	vld [tilespmem:s22+$0xFFFFFF80];
	v19 =	vsel vm3, v16, v19;
	v16 =	vperm.xlane v10, v7;
	v17 =	vmul.f32 v29, v17  }
0x180: {  	v0 =	vmul.f32 v24, v8;
	v56 =	vld [tilespmem:s22+$0xFFFFFFF0];
	v20 =	vbroadcast v59, $0x0  }
0x181: {  	v60 =	vperm.xlane v34, v2;
	v57 =	vld [tilespmem:s3+$0x400];
	v10 =	vadd.f32 v10, v16;
	[tilespmem:s24+$0x50] =	vst v17  }
0x182: {  	v39 =	vmul.f32 v20, v63;
	v63 =	vld [tilespmem:s22+$0xFFFFFFE0];
	[tilespmem:$0x1FF80] =	vst v0;
	v0 =	vbroadcast v59, $0xA  }
0x183: {  	v32 =	vmul.f32 v58, v41;
	v31 =	vmul.f32 v31, v38;
	v8 =	vmax.f32 v10, $9.999999970e-07  }
0x184: {  	v33 =	vmul.f32 v62, v33;
	v30 =	vmul.f32 v61, v30;
	v17 =	vmin.f32 v8, $1.000000000e+00;
	v24 =	vld [tilespmem:s2+$0x460];
	[tilespmem:$0x1FF50] =	vst v0  }
0x185: {  	v62 =	vperm.xlane v31, v2;
	v52 =	vbroadcast v17, $0x0;
	v50 =	vld [tilespmem:s9+$0x10]  }
0x186: {  	v61 =	vperm.xlane v33, v2;
	v54 =	vperm.xlane v30, v2;
	v51 =	vld [tilespmem:s9+$0x20]  }
0x187: {  	v28 =	vmul.f32 v28, v44;
	v35 =	vld [tilespmem:s9+$0x30];
	v49 =	vmul.f32 v52, v57  }
0x188: {  	s13 =	simm.s32 $0x800;
	s12 =	simm.s32 $0x7D80;
	v34 =	vadd.f32 v60, v34;
	v23 =	vbroadcast v59, $0x8;
	v22 =	vbroadcast v59, $0xC;
	v53 =	vld [tilespmem:s9+$0x40]  }
0x189: {  	s14 =	simm.s32 $0x480;
	s1 =	sand.u32 $0x3800, s13;
	v33 =	vadd.f32 v61, v33;
	v44 =	vperm.xlane v28, v2;
	v20 =	vperm.xlane v19, v7;
	v36 =	vld [tilespmem:s9+$0x60];
	[tilespmem:s12+$0x0] =	vst v49  }
0x18a: {  	s6 =	sand.u32 $0x380, s14;
	s1 =	sor.u32 $0x200, s1;
	v30 =	vadd.f32 v54, v30;
	v16 =	vbroadcast v59, $0x4;
	v29 =	vbroadcast v59, $0x2;
	v58 =	vld [tilespmem:s3+$0x410]  }
0x18b: {  	s18 =	sadd.s32 s6, s1;
	v31 =	vadd.f32 v62, v31;
	v41 =	vmul.f32 v63, v42;
	v42 =	vmul.f32 v56, v43;
	v43 =	vld [tilespmem:s9+$0x70]  }
0x18c: {  	v30 =	vsel vm2, v30, v33;
	v63 =	vperm.xlane v32, v2;
	v10 =	vbroadcast v59, $0x6;
	v46 =	vld [tilespmem:s18+$0x0]  }
0x18d: {  	v28 =	vadd.f32 v44, v28;
	v8 =	vbroadcast v59, $0xE;
	v59 =	vbroadcast v17, $0x8;
	v52 =	vld [tilespmem:s18+$0x10]  }
0x18e: {  	v62 =	vbroadcast v12, $0x6;
	v61 =	vperm.xlane v30, v5;
	v13 =	vadd.f32 v19, v20;
	v55 =	vld [tilespmem:s18+$0x20]  }
0x18f: {  	v28 =	vsel vm2, v28, v31;
	v32 =	vadd.f32 v63, v32;
	v44 =	vld [tilespmem:s18+$0x40];
	v37 =	vmul.f32 v59, v58  }
0x190: {  	v33 =	vperm.xlane v28, v5;
	v13 =	vmax.f32 v13, $9.999999970e-07;
	v56 =	vperm.xlane v41, v2;
	v63 =	vld [tilespmem:s18+$0x60]  }
0x191: {  	v47 =	vperm.xlane v42, v2;
	v25 =	vmin.f32 v13, $1.000000000e+00;
	v31 =	vsel vm2, v32, v34;
	v57 =	vld [tilespmem:s18+$0x70];
	[tilespmem:s12+$0x10] =	vst v37  }
0x192: {  	v13 =	vbroadcast v25, $0x0;
	v60 =	vperm.xlane v31, v5;
	v32 =	vld [tilespmem:s3+$0x420]  }
0x193: {  	v41 =	vadd.f32 v56, v41;
	v49 =	vld [tilespmem:s18+$0x30];
	v24 =	vmul.f32 v24, v62;
	v62 =	vbroadcast v17, $0x4  }
0x194: {  	s15 =	simm.s32 $0x400;
	[tilespmem:s31+$0xFFFFFF90] =	vst v40;
	v40 =	vadd.f32 v47, v42;
	v46 =	vmul.f32 v48, v46;
	v50 =	vmul.f32 v50, v52  }
0x195: {  	s6 =	sand.u32 $0x300, s15;
	v38 =	vld [tilespmem:s9+$0x50];
	[tilespmem:s21+$0xFFFFFF80] =	vst v39;
	v51 =	vmul.f32 v51, v55;
	v39 =	vmul.f32 v53, v44  }
0x196: {  	s13 =	sadd.s32 s6, s1;
	v40 =	vsel vm2, v41, v40;
	v34 =	vmul.f32 v36, v63;
	v36 =	vmul.f32 v43, v57;
	v37 =	vld [tilespmem:s18+$0x50]  }
0x197: {  	v30 =	vadd.f32 v61, v30;
	v56 =	vld [tilespmem:s13+$0x10];
	v57 =	vperm.xlane v40, v5;
	v48 =	vmul.f32 v62, v32  }
0x198: {  	v28 =	vadd.f32 v33, v28;
	v47 =	vld [tilespmem:s11+$0x420];
	[tilespmem:s24+$0x60] =	vst v24;
	v35 =	vmul.f32 v35, v49;
	v42 =	vperm.xlane v46, v2  }
0x199: {  	v31 =	vadd.f32 v60, v31;
	v41 =	vld [tilespmem:s13+$0x30];
	v63 =	vperm.xlane v50, v2;
	v24 =	vperm.xlane v51, v2;
	[tilespmem:s12+$0x20] =	vst v48  }
0x19a: {  	v61 =	vperm.xlane v34, v2;
	v40 =	vadd.f32 v57, v40;
	v33 =	vperm.xlane v35, v2;
	v44 =	vld [tilespmem:s3+$0x430]  }
0x19b: {  	v52 =	vld [tilespmem:s7+$0x400];
	v42 =	vadd.f32 v42, v46;
	v43 =	vadd.f32 v63, v50;
	v37 =	vmul.f32 v38, v37  }
0x19c: {  	v53 =	vld [tilespmem:s13+$0x0];
	v63 =	vperm.xlane v36, v2;
	v24 =	vadd.f32 v24, v51;
	v62 =	vbroadcast v17, $0xC  }
0x19d: {  	v45 =	vld [tilespmem:s2+$0x470];
	v34 =	vadd.f32 v61, v34;
	v60 =	vperm.xlane v37, v2;
	v48 =	vperm.xlane v39, v2  }
0x19e: {  	v49 =	vld [tilespmem:s13+$0x70];
	v33 =	vadd.f32 v33, v35;
	v36 =	vadd.f32 v63, v36;
	v58 =	vsel vm2, v42, v43  }
0x19f: {  	v50 =	vld [tilespmem:s13+$0x20];
	v37 =	vadd.f32 v60, v37;
	v39 =	vadd.f32 v48, v39;
	v55 =	vmul.f32 v44, v62  }
0x1a0: {  	v30 =	vsel vm0, v30, v40;
	v40 =	vld [tilespmem:s9+$0xFFFFFF90];
	v61 =	vperm.xlane v58, v5;
	v24 =	vsel vm2, v24, v33  }
0x1a1: {  	v42 =	vld [tilespmem:s9+$0xFFFFFF80];
	v34 =	vsel vm2, v34, v36;
	v59 =	vsel vm2, v39, v37;
	v62 =	vperm.xlane v24, v5;
	[tilespmem:s12+$0x30] =	vst v55  }
0x1a2: {  	v54 =	vperm.xlane v34, v5;
	v63 =	vperm.xlane v59, v5;
	v60 =	vld [tilespmem:s3+$0x440]  }
0x1a3: {  	v13 =	vmul.f32 v13, v52;
	v33 =	vld [tilespmem:s9+$0xFFFFFFB0];
	v35 =	vadd.f32 v61, v58;
	v24 =	vadd.f32 v62, v24  }
0x1a4: {  	v28 =	vsel vm0, v28, v31;
	v38 =	vld [tilespmem:s20+$0x410];
	v57 =	vadd.f32 v54, v34;
	v31 =	vadd.f32 v63, v59  }
0x1a5: {  	v43 =	vld [tilespmem:s13+$0x60];
	[tilespmem:s24+$0xFFFFFF80] =	vst v13;
	v55 =	vbroadcast v17, $0x2;
	v24 =	vsel vm0, v35, v24  }
0x1a6: {  	v51 =	vld [tilespmem:s7+$0x410];
	v31 =	vsel vm0, v31, v57;
	v35 =	vperm.xlane v24, v6  }
0x1a7: {  	s16 =	simm.s32 $0x5780;
	v32 =	vld [tilespmem:s10+$0x400];
	v36 =	vmul.f32 v60, v55;
	v60 =	vperm.xlane v31, v6  }
0x1a8: {  	s19 =	simm.s32 $0xA00;
	v42 =	vmul.f32 v42, v53;
	v53 =	vld [tilespmem:s16+$0x20];
	v33 =	vmul.f32 v33, v41  }
0x1a9: {  	s1 =	sand.u32 $0x3800, s19;
	s22 =	simm.s32 $0x580;
	v48 =	vld [tilespmem:s13+$0x40];
	[tilespmem:s12+$0x40] =	vst v36;
	v36 =	vmul.f32 v23, v38;
	v23 =	vadd.f32 v35, v24;
	v31 =	vadd.f32 v60, v31  }
0x1aa: {  	s1 =	sor.u32 $0x200, s1;
	s2 =	sand.u32 $0x380, s22;
	v40 =	vmul.f32 v40, v56;
	v56 =	vperm.xlane v33, v2;
	v61 =	vld [tilespmem:s3+$0x450]  }
0x1ab: {  	s2 =	sadd.s32 s2, s1;
	v37 =	vld [tilespmem:s9+$0xFFFFFFC0];
	v23 =	vsel vm3, v23, v31  }
0x1ac: {  	v33 =	vadd.f32 v56, v33;
	v56 =	vld [tilespmem:s2+$0x20];
	v13 =	vperm.xlane v23, v7  }
0x1ad: {  	v44 =	vld [tilespmem:s9+$0xFFFFFFA0];
	v31 =	vbroadcast v17, $0xA  }
0x1ae: {  	v12 =	vbroadcast v12, $0xE;
	v19 =	vbroadcast v25, $0x8;
	v62 =	vld [tilespmem:s9+$0xFFFFFFE0];
	v23 =	vadd.f32 v23, v13  }
0x1af: {  	v58 =	vperm.xlane v28, v6;
	v34 =	vmul.f32 v61, v31;
	v61 =	vld [tilespmem:s18+$0x400]  }
0x1b0: {  	v41 =	vld [tilespmem:s16+$0x40];
	v19 =	vmul.f32 v19, v51;
	v59 =	vperm.xlane v30, v6;
	v23 =	vmax.f32 v23, $9.999999970e-07  }
0x1b1: {  	v63 =	vld [tilespmem:s9+$0xFFFFFFF0];
	v37 =	vmul.f32 v37, v48;
	v53 =	vmul.f32 v53, v56;
	v23 =	vmin.f32 v23, $1.000000000e+00  }
0x1b2: {  	v28 =	vadd.f32 v58, v28;
	v39 =	vld [tilespmem:s13+$0x50];
	v44 =	vmul.f32 v44, v50;
	v58 =	vbroadcast v23, $0x0  }
0x1b3: {  	v30 =	vadd.f32 v59, v30;
	v57 =	vld [tilespmem:s16+$0x10];
	v59 =	vperm.xlane v37, v2;
	v43 =	vmul.f32 v62, v43  }
0x1b4: {  	v48 =	vld [tilespmem:s16+$0x60];
	v62 =	vperm.xlane v42, v2;
	v54 =	vmul.f32 v58, v61  }
0x1b5: {  	s14 =	simm.s32 $0x7E80;
	v46 =	vperm.xlane v44, v2;
	v35 =	vmul.f32 v11, v47;
	v38 =	vld [tilespmem:s9+$0xFFFFFFD0]  }
0x1b6: {  	v50 =	vld [tilespmem:s16+$0x30];
	v11 =	vsel vm3, v28, v30;
	v47 =	vmul.f32 v63, v49;
	v63 =	vperm.xlane v40, v2;
	[tilespmem:s14+$0x0] =	vst v54  }
0x1b7: {  	v37 =	vadd.f32 v59, v37;
	v42 =	vadd.f32 v62, v42;
	v28 =	vperm.xlane v11, v7;
	v54 =	vld [tilespmem:s18+$0x410]  }
0x1b8: {  	v59 =	vbroadcast v17, $0x6;
	v44 =	vadd.f32 v46, v44;
	v62 =	vld [tilespmem:s2+$0x10];
	v40 =	vadd.f32 v63, v40  }
0x1b9: {  	v63 =	vperm.xlane v47, v2;
	v11 =	vadd.f32 v11, v28;
	v28 =	vmul.f32 v45, v12;
	v45 =	vld [tilespmem:s16+$0x0];
	[tilespmem:s12+$0x50] =	vst v34  }
0x1ba: {  	v38 =	vmul.f32 v38, v39;
	v52 =	vld [tilespmem:s3+$0x460];
	v46 =	vbroadcast v23, $0x8  }
0x1bb: {  	v24 =	vbroadcast v25, $0x4;
	v33 =	vsel vm2, v44, v33;
	v47 =	vadd.f32 v63, v47;
	v63 =	vld [tilespmem:s2+$0x60]  }
0x1bc: {  	v60 =	vmax.f32 v11, $9.999999970e-07;
	v39 =	vld [tilespmem:s16+$0x50];
	v49 =	vperm.xlane v38, v2;
	v46 =	vmul.f32 v46, v54  }
0x1bd: {  	[tilespmem:s21+$0xFFFFFF90] =	vst v36;
	v40 =	vsel vm2, v42, v40;
	v36 =	vmul.f32 v57, v62;
	v34 =	vmin.f32 v60, $1.000000000e+00;
	v60 =	vld [tilespmem:s2+$0x0]  }
0x1be: {  	v44 =	vperm.xlane v40, v5;
	v38 =	vadd.f32 v49, v38;
	v49 =	vld [tilespmem:s2+$0x30];
	v61 =	vperm.xlane v43, v2;
	[tilespmem:s14+$0x10] =	vst v46  }
0x1bf: {  	v55 =	vbroadcast v34, $0x0;
	v42 =	vmul.f32 v52, v59;
	v52 =	vld [tilespmem:s18+$0x420]  }
0x1c0: {  	v30 =	vbroadcast v25, $0xC;
	v40 =	vadd.f32 v44, v40;
	v58 =	vld [tilespmem:s16+$0x70];
	v43 =	vadd.f32 v61, v43  }
0x1c1: {  	s23 =	simm.s32 $0x500;
	v44 =	vperm.xlane v36, v2;
	v38 =	vsel vm2, v37, v38;
	v55 =	vmul.f32 v55, v32;
	v54 =	vld [tilespmem:s2+$0x40]  }
0x1c2: {  	s25 =	sand.u32 $0x300, s23;
	v45 =	vmul.f32 v45, v60;
	v60 =	vbroadcast v23, $0x4;
	v43 =	vsel vm2, v43, v47;
	v46 =	vld [tilespmem:s2+$0x50]  }
0x1c3: {  	s15 =	sadd.s32 s25, s1;
	v32 =	vld [tilespmem:s2+$0x70];
	v59 =	vperm.xlane v38, v5;
	v61 =	vperm.xlane v43, v5  }
0x1c4: {  	v56 =	vld [tilespmem:s15+$0x10];
	v49 =	vmul.f32 v50, v49;
	v57 =	vmul.f32 v60, v52  }
0x1c5: {  	[tilespmem:s31+$0xFFFFFFA0] =	vst v35;
	v35 =	vld [tilespmem:s20+$0x420];
	v47 =	vperm.xlane v33, v5;
	v43 =	vadd.f32 v61, v43;
	v61 =	vbroadcast v23, $0xC  }
0x1c6: {  	v51 =	vld [tilespmem:s11+$0x430];
	v36 =	vadd.f32 v44, v36;
	v41 =	vmul.f32 v41, v54;
	v54 =	vperm.xlane v49, v2;
	[tilespmem:s14+$0x20] =	vst v57  }
0x1c7: {  	v33 =	vadd.f32 v47, v33;
	v39 =	vmul.f32 v39, v46;
	v46 =	vmul.f32 v48, v63;
	v50 =	vld [tilespmem:s18+$0x430]  }
0x1c8: {  	v62 =	vld [tilespmem:s15+$0x30];
	v38 =	vadd.f32 v59, v38;
	v48 =	vmul.f32 v58, v32;
	v32 =	vperm.xlane v45, v2  }
0x1c9: {  	v37 =	vld [tilespmem:s13+$0x400];
	v33 =	vsel vm0, v40, v33;
	v49 =	vadd.f32 v54, v49;
	v52 =	vperm.xlane v53, v2  }
0x1ca: {  	[tilespmem:s12+$0x60] =	vst v42;
	v59 =	vld [tilespmem:s15+$0x20];
	v58 =	vperm.xlane v39, v2;
	v60 =	vperm.xlane v46, v2;
	v45 =	vadd.f32 v32, v45  }
0x1cb: {  	v42 =	vld [tilespmem:s3+$0x470];
	v44 =	vperm.xlane v48, v2;
	v57 =	vperm.xlane v41, v2;
	v52 =	vadd.f32 v52, v53  }
0x1cc: {  	v47 =	vld [tilespmem:s15+$0x0];
	v39 =	vadd.f32 v58, v39;
	v46 =	vadd.f32 v60, v46;
	v50 =	vmul.f32 v50, v61  }
0x1cd: {  	v40 =	vld [tilespmem:s15+$0x60];
	v44 =	vadd.f32 v44, v48;
	v36 =	vsel vm2, v45, v36;
	v41 =	vadd.f32 v57, v41  }
0x1ce: {  	v38 =	vsel vm0, v38, v43;
	v43 =	vld [tilespmem:s16+$0xFFFFFF80];
	v58 =	vsel vm2, v52, v49;
	v60 =	vperm.xlane v36, v5;
	[tilespmem:s14+$0x30] =	vst v50  }
0x1cf: {  	v44 =	vsel vm2, v46, v44;
	v49 =	vperm.xlane v58, v5;
	v39 =	vsel vm2, v41, v39;
	v41 =	vld [tilespmem:s18+$0x440]  }
0x1d0: {  	v63 =	vld [tilespmem:s15+$0x40];
	v61 =	vperm.xlane v44, v5;
	v50 =	vperm.xlane v39, v5  }
0x1d1: {  	v12 =	vbroadcast v25, $0x6;
	v54 =	vld [tilespmem:s16+$0xFFFFFF90];
	v36 =	vadd.f32 v60, v36;
	v45 =	vadd.f32 v49, v58  }
0x1d2: {  	v53 =	vld [tilespmem:s15+$0x50];
	v46 =	vbroadcast v23, $0x2;
	v44 =	vadd.f32 v61, v44;
	v39 =	vadd.f32 v50, v39  }
0x1d3: {  	v13 =	vbroadcast v25, $0xA;
	v48 =	vld [tilespmem:s15+$0x70];
	v60 =	vperm.xlane v33, v6;
	v36 =	vsel vm0, v36, v45  }
0x1d4: {  	v57 =	vld [tilespmem:s16+$0xFFFFFFA0];
	v61 =	vperm.xlane v38, v6;
	v39 =	vsel vm0, v39, v44;
	v41 =	vmul.f32 v41, v46  }
0x1d5: {  	v52 =	vld [tilespmem:s16+$0xFFFFFFB0];
	v33 =	vadd.f32 v60, v33;
	v45 =	vperm.xlane v36, v6;
	v58 =	vperm.xlane v39, v6  }
0x1d6: {  	v38 =	vadd.f32 v61, v38;
	v50 =	vld [tilespmem:s16+$0xFFFFFFE0];
	[tilespmem:s14+$0x40] =	vst v41;
	v41 =	vmul.f32 v16, v35;
	v16 =	vbroadcast v17, $0xE  }
0x1d7: {  	v11 =	vbroadcast v25, $0xE;
	v31 =	vbroadcast v25, $0x2;
	v44 =	vld [tilespmem:s16+$0xFFFFFFD0];
	v60 =	vadd.f32 v58, v39  }
0x1d8: {  	v46 =	vld [tilespmem:s16+$0xFFFFFFC0];
	v35 =	vsel vm3, v33, v38;
	v38 =	vadd.f32 v45, v36;
	v0 =	vmul.f32 v42, v16  }
0x1d9: {  	v25 =	vbroadcast v34, $0x8;
	[tilespmem:s12+$0xFFFFFF80] =	vst v55;
	v55 =	vbroadcast v23, $0xA;
	v58 =	vld [tilespmem:s16+$0xFFFFFFF0]  }
0x1da: {  	v32 =	vbroadcast v34, $0x4;
	v17 =	vld [tilespmem:s18+$0x450];
	v61 =	vperm.xlane v35, v7;
	v16 =	vsel vm3, v38, v60;
	[tilespmem:$0x1FF90] =	vst v0  }
0x1db: {  	v52 =	vmul.f32 v52, v62;
	v60 =	vperm.xlane v16, v7;
	v33 =	vld [tilespmem:s15+$0x400]  }
0x1dc: {  	v39 =	vbroadcast v34, $0xC;
	v42 =	vmul.f32 v51, v14;
	v14 =	vadd.f32 v35, v61;
	v45 =	vld [tilespmem:s10+$0x410]  }
0x1dd: {  	s4 =	simm.s32 $0x5880;
	v40 =	vmul.f32 v50, v40;
	v44 =	vmul.f32 v44, v53;
	v35 =	vadd.f32 v16, v60;
	v36 =	vld [tilespmem:s2+$0x400]  }
0x1de: {  	[tilespmem:s24+$0xFFFFFF90] =	vst v19;
	v19 =	vbroadcast v34, $0x2;
	v61 =	vmax.f32 v14, $9.999999970e-07;
	v16 =	vbroadcast v34, $0x6;
	v53 =	vld [tilespmem:s4+$0x30]  }
0x1df: {  	s9 =	simm.s32 $0xC00;
	v14 =	vbroadcast v34, $0xE;
	v50 =	vld [tilespmem:s4+$0x40];
	v38 =	vmin.f32 v61, $1.000000000e+00;
	v61 =	vmax.f32 v35, $9.999999970e-07  }
0x1e0: {  	s19 =	simm.s32 $0x680;
	s1 =	sand.u32 $0x3800, s9;
	v60 =	vld [tilespmem:s4+$0x50];
	v51 =	vmul.f32 v17, v55;
	v17 =	vbroadcast v34, $0xA;
	v34 =	vmin.f32 v61, $1.000000000e+00  }
0x1e1: {  	s1 =	sor.u32 $0x200, s1;
	s3 =	sand.u32 $0x380, s19;
	v46 =	vmul.f32 v46, v63;
	v63 =	vld [tilespmem:s4+$0x60];
	v62 =	vbroadcast v34, $0x0  }
0x1e2: {  	s3 =	sadd.s32 s3, s1;
	v15 =	vld [tilespmem:s4+$0x70];
	v35 =	vmul.f32 v54, v56  }
0x1e3: {  	v0 =	vld [tilespmem:s3+$0x10];
	v54 =	vmul.f32 v57, v59;
	v59 =	vmul.f32 v62, v36  }
0x1e4: {  	v43 =	vmul.f32 v43, v47;
	s16 =	simm.s32 $0x7F80;
	[tilespmem:s21+$0xFFFFFFA0] =	vst v41;
	v41 =	vld [tilespmem:s3+$0x70]  }
0x1e5: {  	v49 =	vld [tilespmem:s7+$0x420];
	[tilespmem:s16+$0x0] =	vst v59  }
0x1e6: {  	v48 =	vmul.f32 v58, v48;
	v58 =	vperm.xlane v43, v2;
	v4 =	vld [tilespmem:s2+$0x410]  }
0x1e7: {  	v55 =	vld [tilespmem:s4+$0x0];
	v59 =	vperm.xlane v46, v2  }
0x1e8: {  	[tilespmem:s31+$0xFFFFFFB0] =	vst v42;
	v43 =	vadd.f32 v58, v43;
	v42 =	vld [tilespmem:s20+$0x430]  }
0x1e9: {  	v58 =	vperm.xlane v52, v2;
	v56 =	vld [tilespmem:s4+$0x10];
	v46 =	vadd.f32 v59, v46;
	v59 =	vbroadcast v34, $0x8  }
0x1ea: {  	v1 =	vperm.xlane v40, v2;
	v57 =	vld [tilespmem:s4+$0x20]  }
0x1eb: {  	[tilespmem:s14+$0x50] =	vst v51;
	v52 =	vadd.f32 v58, v52;
	v58 =	vld [tilespmem:s3+$0x0];
	v36 =	vperm.xlane v54, v2;
	v4 =	vmul.f32 v59, v4  }
0x1ec: {  	v1 =	vadd.f32 v1, v40;
	v51 =	vbroadcast v38, $0x0;
	v47 =	vld [tilespmem:s18+$0x460];
	v61 =	vperm.xlane v35, v2  }
0x1ed: {  	v45 =	vmul.f32 v25, v45;
	v25 =	vld [tilespmem:s3+$0x60];
	v54 =	vadd.f32 v36, v54;
	v36 =	vperm.xlane v48, v2;
	[tilespmem:s16+$0x10] =	vst v4  }
0x1ee: {  	v15 =	vmul.f32 v15, v41;
	v61 =	vadd.f32 v61, v35;
	v35 =	vperm.xlane v44, v2;
	v3 =	vld [tilespmem:s2+$0x420]  }
0x1ef: {  	v24 =	vmul.f32 v24, v49;
	v40 =	vadd.f32 v36, v48;
	v48 =	vld [tilespmem:s3+$0x20];
	v36 =	vbroadcast v23, $0x6  }
0x1f0: {  	v44 =	vadd.f32 v35, v44;
	v49 =	vmul.f32 v55, v58;
	v58 =	vld [tilespmem:s11+$0x440];
	v52 =	vsel vm2, v54, v52  }
0x1f1: {  	v54 =	vld [tilespmem:s3+$0x40];
	v1 =	vsel vm2, v1, v40;
	v40 =	vmul.f32 v47, v36;
	v36 =	vbroadcast v34, $0x4  }
0x1f2: {  	s22 =	simm.s32 $0x600;
	v0 =	vmul.f32 v56, v0;
	v43 =	vsel vm2, v43, v61;
	v25 =	vmul.f32 v63, v25;
	v59 =	vld [tilespmem:s3+$0x30]  }
0x1f3: {  	s6 =	sand.u32 $0x300, s22;
	v44 =	vsel vm2, v46, v44;
	v46 =	vperm.xlane v43, v5;
	[tilespmem:s14+$0x60] =	vst v40;
	v4 =	vld [tilespmem:s3+$0x50];
	v3 =	vmul.f32 v36, v3  }
0x1f4: {  	v47 =	vperm.xlane v52, v5;
	v40 =	vmul.f32 v57, v48;
	v48 =	vld [tilespmem:s18+$0x470];
	s18 =	sadd.s32 s6, s1  }
0x1f5: {  	v41 =	vperm.xlane v49, v2;
	v62 =	vperm.xlane v1, v5;
	v43 =	vadd.f32 v46, v43;
	v46 =	vld [tilespmem:s18+$0x0];
	[tilespmem:s16+$0x20] =	vst v3  }
0x1f6: {  	v61 =	vperm.xlane v44, v5;
	v47 =	vadd.f32 v47, v52;
	v50 =	vmul.f32 v50, v54;
	v54 =	vld [tilespmem:s2+$0x430]  }
0x1f7: {  	v1 =	vadd.f32 v62, v1;
	v62 =	vbroadcast v34, $0xC;
	v52 =	vld [tilespmem:s18+$0x10];
	v53 =	vmul.f32 v53, v59  }
0x1f8: {  	v41 =	vadd.f32 v41, v49;
	v55 =	vld [tilespmem:s18+$0x20];
	v56 =	vperm.xlane v40, v2;
	v4 =	vmul.f32 v60, v4  }
0x1f9: {  	v43 =	vsel vm0, v43, v47;
	v47 =	vld [tilespmem:s18+$0x30];
	v59 =	vperm.xlane v50, v2;
	v57 =	vperm.xlane v53, v2  }
0x1fa: {  	v18 =	vld [tilespmem:s18+$0x40];
	v40 =	vadd.f32 v56, v40;
	v36 =	vperm.xlane v0, v2;
	v60 =	vperm.xlane v4, v2  }
0x1fb: {  	v63 =	vld [tilespmem:s18+$0x50];
	v53 =	vadd.f32 v57, v53;
	v3 =	vadd.f32 v61, v44;
	v54 =	vmul.f32 v54, v62  }
0x1fc: {  	v49 =	vld [tilespmem:s18+$0x60];
	v61 =	vperm.xlane v25, v2;
	v0 =	vadd.f32 v36, v0;
	v36 =	vperm.xlane v15, v2  }
0x1fd: {  	v50 =	vadd.f32 v59, v50;
	v57 =	vld [tilespmem:s18+$0x70];
	v4 =	vadd.f32 v60, v4;
	v40 =	vsel vm2, v40, v53;
	[tilespmem:s16+$0x30] =	vst v54  }
0x1fe: {  	v25 =	vadd.f32 v61, v25;
	v15 =	vadd.f32 v36, v15;
	v0 =	vsel vm2, v41, v0;
	v41 =	vld [tilespmem:s2+$0x440]  }
0x1ff: {  	v51 =	vmul.f32 v51, v37;
	v44 =	vld [tilespmem:s4+$0xFFFFFF90];
	v36 =	vperm.xlane v40, v5  }
0x200: {  	v23 =	vbroadcast v23, $0xE;
	v60 =	vld [tilespmem:s4+$0xFFFFFF80];
	v4 =	vsel vm2, v50, v4;
	v15 =	vsel vm2, v25, v15  }
0x201: {  	v53 =	vld [tilespmem:s4+$0xFFFFFFA0];
	v25 =	vperm.xlane v0, v5;
	v40 =	vadd.f32 v36, v40;
	v36 =	vbroadcast v34, $0x2  }
0x202: {  	v1 =	vsel vm0, v3, v1;
	v3 =	vld [tilespmem:s4+$0xFFFFFFC0];
	v61 =	vperm.xlane v15, v5;
	v54 =	vperm.xlane v4, v5  }
0x203: {  	v50 =	vld [tilespmem:s4+$0xFFFFFFE0];
	v0 =	vadd.f32 v25, v0;
	v41 =	vmul.f32 v41, v36  }
0x204: {  	[tilespmem:s14+$0xFFFFFF80] =	vst v51;
	v20 =	vmul.f32 v48, v23;
	v62 =	vld [tilespmem:s4+$0xFFFFFFB0];
	v15 =	vadd.f32 v61, v15;
	v4 =	vadd.f32 v54, v4  }
0x205: {  	v37 =	vbroadcast v38, $0x4;
	v59 =	vperm.xlane v1, v6;
	v54 =	vld [tilespmem:s4+$0xFFFFFFD0];
	[tilespmem:s16+$0x40] =	vst v41  }
0x206: {  	v56 =	vperm.xlane v43, v6;
	v0 =	vsel vm0, v0, v40;
	v4 =	vsel vm0, v4, v15;
	v15 =	vld [tilespmem:s4+$0xFFFFFFF0];
	[tilespmem:$0x1FFA0] =	vst v20  }
0x207: {  	v1 =	vadd.f32 v59, v1;
	v40 =	vperm.xlane v0, v6;
	v59 =	vperm.xlane v4, v6;
	v48 =	vld [tilespmem:s2+$0x450]  }
0x208: {  	s23 =	simm.s32 $0x5980;
	v22 =	vmul.f32 v42, v22;
	v35 =	vbroadcast v38, $0x8;
	v43 =	vadd.f32 v56, v43;
	v42 =	vld [tilespmem:s13+$0x410]  }
0x209: {  	v21 =	vmul.f32 v58, v21;
	v0 =	vadd.f32 v40, v0;
	v4 =	vadd.f32 v59, v4;
	v58 =	vld [tilespmem:s23+$0x0]  }
0x20a: {  	s25 =	simm.s32 $0xE00;
	v44 =	vmul.f32 v44, v52;
	v46 =	vmul.f32 v60, v46;
	v1 =	vsel vm3, v43, v1;
	v52 =	vld [tilespmem:s3+$0x400]  }
0x20b: {  	s1 =	sand.u32 $0x3800, s25;
	v3 =	vmul.f32 v3, v18;
	s4 =	simm.s32 $0x780;
	v18 =	vmul.f32 v54, v63;
	v0 =	vsel vm3, v0, v4;
	v54 =	vld [tilespmem:s23+$0x10]  }
0x20c: {  	s1 =	sor.u32 $0x200, s1;
	v23 =	vperm.xlane v1, v7;
	s6 =	sand.u32 $0x380, s4;
	v61 =	vperm.xlane v0, v7;
	v60 =	vld [tilespmem:s23+$0x40]  }
0x20d: {  	v47 =	vmul.f32 v62, v47;
	v36 =	vperm.xlane v46, v2;
	s29 =	sadd.s32 s6, s1;
	v62 =	vld [tilespmem:s23+$0x60]  }
0x20e: {  	v25 =	vbroadcast v38, $0xC;
	v1 =	vadd.f32 v1, v23;
	v59 =	vld [tilespmem:s29+$0x20];
	v0 =	vadd.f32 v0, v61  }
0x20f: {  	v23 =	vbroadcast v38, $0xA;
	v46 =	vadd.f32 v36, v46;
	v36 =	vperm.xlane v47, v2;
	[tilespmem:s12+$0xFFFFFF90] =	vst v45;
	v20 =	vld [tilespmem:s18+$0x400]  }
0x210: {  	v4 =	vbroadcast v34, $0xA;
	v15 =	vmul.f32 v15, v57;
	[tilespmem:s24+$0xFFFFFFA0] =	vst v24;
	v45 =	vld [tilespmem:s10+$0x420];
	v0 =	vmax.f32 v0, $9.999999970e-07  }
0x211: {  	v24 =	vbroadcast v38, $0x2;
	[tilespmem:s21+$0xFFFFFFB0] =	vst v22;
	v22 =	vbroadcast v38, $0x6;
	v51 =	vld [tilespmem:s7+$0x430];
	v43 =	vmin.f32 v0, $1.000000000e+00  }
0x212: {  	v1 =	vmax.f32 v1, $9.999999970e-07;
	[tilespmem:s31+$0xFFFFFFC0] =	vst v21;
	v21 =	vbroadcast v38, $0xE;
	v56 =	vld [tilespmem:s20+$0x440];
	v41 =	vbroadcast v43, $0x0  }
0x213: {  	v38 =	vmin.f32 v1, $1.000000000e+00;
	v47 =	vadd.f32 v36, v47;
	v1 =	vld [tilespmem:s11+$0x450];
	v36 =	vperm.xlane v15, v2  }
0x214: {  	v61 =	vld [tilespmem:s23+$0x50];
	v0 =	vmul.f32 v50, v49;
	v50 =	vmul.f32 v41, v52  }
0x215: {  	s19 =	simm.s32 $0x8080;
	v57 =	vbroadcast v34, $0x6;
	v40 =	vbroadcast v38, $0x8;
	v15 =	vadd.f32 v36, v15;
	v36 =	vld [tilespmem:s29+$0x70]  }
0x216: {  	v4 =	vmul.f32 v48, v4;
	v49 =	vld [tilespmem:s23+$0x20];
	v41 =	vperm.xlane v44, v2;
	[tilespmem:s19+$0x0] =	vst v50  }
0x217: {  	v48 =	vbroadcast v38, $0x0;
	v35 =	vmul.f32 v35, v42;
	v63 =	vld [tilespmem:s3+$0x410]  }
0x218: {  	v51 =	vmul.f32 v51, v30;
	v30 =	vld [tilespmem:s29+$0x50];
	v44 =	vadd.f32 v41, v44;
	v41 =	vperm.xlane v0, v2  }
0x219: {  	v1 =	vmul.f32 v1, v27;
	v27 =	vld [tilespmem:s29+$0x60];
	[tilespmem:s16+$0x50] =	vst v4;
	v4 =	vmul.f32 v53, v55  }
0x21a: {  	v53 =	vld [tilespmem:s2+$0x460];
	v52 =	vperm.xlane v18, v2;
	v0 =	vadd.f32 v41, v0;
	v41 =	vbroadcast v43, $0x8  }
0x21b: {  	v32 =	vmul.f32 v32, v45;
	v56 =	vmul.f32 v56, v29;
	v55 =	vld [tilespmem:s23+$0x30]  }
0x21c: {  	s0 =	simm.s32 $0x5A80;
	v48 =	vmul.f32 v48, v33;
	v33 =	vld [tilespmem:s29+$0x30];
	v18 =	vadd.f32 v52, v18;
	v52 =	vmul.f32 v41, v63  }
0x21d: {  	v42 =	vbroadcast v43, $0xC;
	[tilespmem:s21+$0xFFFFFFC0] =	vst v56;
	v56 =	vld [tilespmem:s0+$0x30];
	v50 =	vperm.xlane v3, v2  }
0x21e: {  	v49 =	vmul.f32 v49, v59;
	v30 =	vmul.f32 v61, v30;
	v44 =	vsel vm2, v46, v44;
	v46 =	vld [tilespmem:s29+$0x0];
	[tilespmem:s19+$0x10] =	vst v52  }
0x21f: {  	v53 =	vmul.f32 v53, v57;
	v57 =	vperm.xlane v4, v2;
	v45 =	vld [tilespmem:s3+$0x420]  }
0x220: {  	v3 =	vadd.f32 v50, v3;
	v15 =	vsel vm2, v0, v15;
	v0 =	vbroadcast v34, $0xE;
	v34 =	vld [tilespmem:s29+$0x40]  }
0x221: {  	v27 =	vmul.f32 v62, v27;
	v33 =	vmul.f32 v55, v33;
	[tilespmem:s16+$0x60] =	vst v53;
	v4 =	vadd.f32 v57, v4;
	v53 =	vld [tilespmem:s29+$0x10]  }
0x222: {  	[tilespmem:s12+$0xFFFFFFA0] =	vst v32;
	v61 =	vperm.xlane v30, v2;
	v3 =	vsel vm2, v3, v18;
	v57 =	vld [tilespmem:s2+$0x470];
	v41 =	vbroadcast v43, $0x4  }
0x223: {  	[tilespmem:s16+$0xFFFFFF80] =	vst v48;
	v48 =	vld [tilespmem:s10+$0x430];
	v63 =	vperm.xlane v3, v5;
	v4 =	vsel vm2, v4, v47;
	v47 =	vperm.xlane v44, v5  }
0x224: {  	[tilespmem:s24+$0xFFFFFFB0] =	vst v51;
	v50 =	vld [tilespmem:s23+$0x70];
	v30 =	vadd.f32 v61, v30;
	v18 =	vperm.xlane v4, v5;
	v45 =	vmul.f32 v41, v45  }
0x225: {  	[tilespmem:s31+$0xFFFFFFD0] =	vst v1;
	v51 =	vld [tilespmem:s7+$0x440];
	v46 =	vmul.f32 v58, v46;
	v52 =	vperm.xlane v15, v5;
	v44 =	vadd.f32 v47, v44  }
0x226: {  	v1 =	vld [tilespmem:s20+$0x450];
	v34 =	vmul.f32 v60, v34;
	v53 =	vmul.f32 v54, v53;
	v4 =	vadd.f32 v18, v4;
	[tilespmem:s19+$0x20] =	vst v45  }
0x227: {  	s6 =	simm.s32 $0x700;
	v15 =	vadd.f32 v52, v15;
	v26 =	vmul.f32 v57, v0;
	v57 =	vperm.xlane v49, v2;
	v52 =	vld [tilespmem:s3+$0x430]  }
0x228: {  	v55 =	vld [tilespmem:s23+$0xFFFFFF90];
	s2 =	sand.u32 $0x300, s6;
	v3 =	vadd.f32 v63, v3;
	v59 =	vperm.xlane v34, v2;
	v41 =	vperm.xlane v33, v2  }
0x229: {  	s25 =	sadd.s32 s2, s1;
	v63 =	vld [tilespmem:s23+$0xFFFFFFC0];
	v4 =	vsel vm0, v44, v4;
	v45 =	vmul.f32 v50, v36;
	v36 =	vperm.xlane v53, v2  }
0x22a: {  	v47 =	vld [tilespmem:s25+$0x0];
	v34 =	vadd.f32 v59, v34;
	v50 =	vperm.xlane v46, v2;
	v33 =	vadd.f32 v41, v33  }
0x22b: {  	v60 =	vld [tilespmem:s25+$0x50];
	v53 =	vadd.f32 v36, v53;
	v36 =	vperm.xlane v27, v2;
	v41 =	vperm.xlane v45, v2  }
0x22c: {  	v18 =	vld [tilespmem:s25+$0x10];
	v49 =	vadd.f32 v57, v49;
	v46 =	vadd.f32 v50, v46;
	v52 =	vmul.f32 v52, v42  }
0x22d: {  	v54 =	vld [tilespmem:s25+$0x20];
	v30 =	vsel vm2, v34, v30;
	v27 =	vadd.f32 v36, v27;
	v45 =	vadd.f32 v41, v45  }
0x22e: {  	v0 =	vld [tilespmem:s23+$0xFFFFFFD0];
	v33 =	vsel vm2, v49, v33;
	v46 =	vsel vm2, v46, v53;
	v42 =	vperm.xlane v4, v6;
	[tilespmem:s19+$0x30] =	vst v52  }
0x22f: {  	v36 =	vperm.xlane v33, v5;
	v41 =	vperm.xlane v30, v5;
	v27 =	vsel vm2, v27, v45;
	v49 =	vld [tilespmem:s3+$0x440]  }
0x230: {  	v44 =	vld [tilespmem:s25+$0x30];
	v34 =	vperm.xlane v46, v5;
	v4 =	vadd.f32 v42, v4;
	v42 =	vperm.xlane v27, v5  }
0x231: {  	v3 =	vsel vm0, v3, v15;
	v59 =	vld [tilespmem:s23+$0xFFFFFF80];
	v33 =	vadd.f32 v36, v33;
	v58 =	vadd.f32 v41, v30  }
0x232: {  	v15 =	vld [tilespmem:s25+$0x40];
	v36 =	vbroadcast v43, $0x2;
	v46 =	vadd.f32 v34, v46;
	v62 =	vadd.f32 v42, v27  }
0x233: {  	[tilespmem:s14+$0xFFFFFF90] =	vst v35;
	v57 =	vld [tilespmem:s25+$0x70];
	v61 =	vperm.xlane v3, v6;
	v18 =	vmul.f32 v55, v18  }
0x234: {  	v55 =	vld [tilespmem:s13+$0x420];
	v33 =	vsel vm0, v46, v33;
	v41 =	vsel vm0, v58, v62;
	v45 =	vmul.f32 v49, v36  }
0x235: {  	v3 =	vadd.f32 v61, v3;
	v53 =	vld [tilespmem:s23+$0xFFFFFFB0];
	v42 =	vperm.xlane v33, v6;
	v61 =	vperm.xlane v41, v6  }
0x236: {  	v0 =	vmul.f32 v0, v60;
	v47 =	vmul.f32 v59, v47;
	v46 =	vld [tilespmem:s23+$0xFFFFFFF0];
	[tilespmem:s19+$0x40] =	vst v45  }
0x237: {  	v3 =	vsel vm3, v4, v3;
	v36 =	vadd.f32 v42, v33;
	v41 =	vadd.f32 v61, v41;
	v59 =	vld [tilespmem:s3+$0x450]  }
0x238: {  	v15 =	vmul.f32 v63, v15;
	v52 =	vld [tilespmem:s23+$0xFFFFFFA0];
	v62 =	vperm.xlane v3, v7  }
0x239: {  	v63 =	vperm.xlane v18, v2;
	v50 =	vld [tilespmem:s25+$0x60];
	v58 =	vbroadcast v43, $0xA;
	v32 =	vsel vm3, v36, v41  }
0x23a: {  	v49 =	vld [tilespmem:s23+$0xFFFFFFE0];
	v3 =	vadd.f32 v3, v62;
	v62 =	vperm.xlane v47, v2;
	v61 =	vperm.xlane v32, v7  }
0x23b: {  	v18 =	vadd.f32 v63, v18;
	v44 =	vmul.f32 v53, v44;
	v53 =	vld [tilespmem:s11+$0x460];
	v46 =	vmul.f32 v46, v57  }
0x23c: {  	v4 =	vld [tilespmem:s15+$0x410];
	v47 =	vadd.f32 v62, v47;
	v32 =	vadd.f32 v32, v61;
	v33 =	vmul.f32 v59, v58  }
0x23d: {  	v42 =	vperm.xlane v0, v2;
	v45 =	vmul.f32 v52, v54;
	v54 =	vld [tilespmem:s29+$0x400]  }
0x23e: {  	v41 =	vperm.xlane v15, v2;
	v18 =	vsel vm2, v47, v18;
	v47 =	vld [tilespmem:s0+$0x60];
	v32 =	vmax.f32 v32, $9.999999970e-07;
	[tilespmem:s19+$0x50] =	vst v33  }
0x23f: {  	v52 =	vperm.xlane v45, v2;
	v49 =	vmul.f32 v49, v50;
	v35 =	vmin.f32 v32, $1.000000000e+00;
	v57 =	vld [tilespmem:s3+$0x460]  }
0x240: {  	v36 =	vperm.xlane v44, v2;
	v50 =	vld [tilespmem:s0+$0x0];
	v15 =	vadd.f32 v41, v15;
	v32 =	vbroadcast v35, $0x0  }
0x241: {  	v41 =	vperm.xlane v46, v2;
	v45 =	vadd.f32 v52, v45;
	v52 =	vld [tilespmem:s0+$0x20];
	v60 =	vperm.xlane v49, v2  }
0x242: {  	s22 =	simm.s32 $0x8180;
	s23 =	simm.s32 $0x1000;
	v61 =	vld [tilespmem:s0+$0x70];
	v33 =	vadd.f32 v36, v44;
	v36 =	vbroadcast v43, $0x6;
	v54 =	vmul.f32 v32, v54  }
0x243: {  	s2 =	simm.s32 $0x880;
	s9 =	sand.u32 $0x3800, s23;
	v3 =	vmax.f32 v3, $9.999999970e-07;
	v0 =	vadd.f32 v42, v0;
	v46 =	vadd.f32 v41, v46;
	v59 =	vld [tilespmem:s0+$0x10]  }
0x244: {  	s4 =	sand.u32 $0x380, s2;
	s1 =	sor.u32 $0x200, s9;
	v58 =	vld [tilespmem:s0+$0x40];
	v49 =	vadd.f32 v60, v49;
	v44 =	vmin.f32 v3, $1.000000000e+00;
	[tilespmem:s22+$0x0] =	vst v54;
	v3 =	vmul.f32 v57, v36  }
0x245: {  	s30 =	sadd.s32 s4, s1;
	v42 =	vperm.xlane v18, v5;
	v0 =	vsel vm2, v15, v0;
	v33 =	vsel vm2, v45, v33;
	v60 =	vld [tilespmem:s29+$0x410]  }
0x246: {  	v45 =	vld [tilespmem:s30+$0x10];
	v15 =	vperm.xlane v33, v5;
	v54 =	vbroadcast v44, $0x0;
	[tilespmem:s19+$0x60] =	vst v3;
	v3 =	vsel vm2, v49, v46  }
0x247: {  	v36 =	vperm.xlane v0, v5;
	v46 =	vld [tilespmem:s3+$0x470];
	v41 =	vperm.xlane v3, v5  }
0x248: {  	v18 =	vadd.f32 v42, v18;
	v42 =	vbroadcast v35, $0x8;
	v15 =	vadd.f32 v15, v33;
	v57 =	vld [tilespmem:s0+$0x50]  }
0x249: {  	v54 =	vmul.f32 v54, v20;
	v20 =	vld [tilespmem:s30+$0x0];
	v0 =	vadd.f32 v36, v0;
	v3 =	vadd.f32 v41, v3  }
0x24a: {  	v63 =	vbroadcast v43, $0xE;
	v15 =	vsel vm0, v18, v15;
	v18 =	vld [tilespmem:s30+$0x20];
	v36 =	vmul.f32 v42, v60  }
0x24b: {  	v49 =	vld [tilespmem:s30+$0x40];
	v0 =	vsel vm0, v0, v3;
	v3 =	vperm.xlane v15, v6  }
0x24c: {  	v60 =	vld [tilespmem:s30+$0x30];
	v41 =	vmul.f32 v40, v4;
	[tilespmem:s22+$0x10] =	vst v36;
	v4 =	vmul.f32 v46, v63  }
0x24d: {  	v3 =	vadd.f32 v3, v15;
	v15 =	vld [tilespmem:s29+$0x420]  }
0x24e: {  	[tilespmem:$0x1FFC0] =	vst v4;
	v4 =	vld [tilespmem:$0x1FF50];
	_ =	sdelay $0x4  }
0x24f: {  	v63 =	vmul.f32 v1, v4;
	v1 =	vld [tilespmem:$0x1FF60];
	_ =	sdelay $0x4  }
0x250: {  	v1 =	vmul.f32 v53, v1  }
0x251: {  	v62 =	vmul.f32 v48, v39;
	v43 =	vperm.xlane v0, v6;
	v39 =	vld [tilespmem:s30+$0x50]  }
0x252: {  	v42 =	vmul.f32 v51, v31;
	v31 =	vld [tilespmem:s30+$0x60];
	[tilespmem:$0x1FFB0] =	vst v1  }
0x253: {  	v0 =	vadd.f32 v43, v0;
	v53 =	vbroadcast v35, $0x4;
	v43 =	vld [tilespmem:s30+$0x70];
	_ =	sdelay $0x1  }
0x254: {  	v15 =	vmul.f32 v53, v15  }
0x255: {  	v0 =	vsel vm3, v3, v0  }
0x256: {  	v48 =	vperm.xlane v0, v7;
	[tilespmem:s22+$0x20] =	vst v15  }
0x257: {  	v15 =	vmul.f32 v47, v31;
	v31 =	vmul.f32 v61, v43;
	v43 =	vld [tilespmem:s29+$0x430]  }
0x258: {  	v4 =	vadd.f32 v0, v48;
	v0 =	vld [tilespmem:$0x1FF70];
	_ =	sdelay $0x1  }
0x259: {  	v36 =	vbroadcast v35, $0xC;
	_ =	sdelay $0x1  }
0x25a: {  	v43 =	vmul.f32 v43, v36  }
0x25b: {  	[tilespmem:s31+$0x70] =	vst v0  }
0x25c: {  	[tilespmem:s22+$0x30] =	vst v43  }
0x25d: {  	s9 =	simm.s32 $0x800;
	v0 =	vld [tilespmem:$0x1FF80]  }
0x25e: {  	v45 =	vmul.f32 v59, v45;
	s3 =	sand.u32 $0x300, s9;
	v20 =	vmul.f32 v50, v20  }
0x25f: {  	s3 =	sadd.s32 s3, s1;
	v18 =	vmul.f32 v52, v18;
	v51 =	vmul.f32 v56, v60;
	v40 =	vld [tilespmem:s25+$0x400]  }
0x260: {  	v49 =	vmul.f32 v58, v49;
	v56 =	vperm.xlane v45, v2;
	v50 =	vld [tilespmem:s3+$0x0]  }
0x261: {  	v58 =	vperm.xlane v51, v2;
	v46 =	vld [tilespmem:s3+$0x10];
	[tilespmem:s24+$0x70] =	vst v28  }
0x262: {  	v45 =	vadd.f32 v56, v45;
	v56 =	vperm.xlane v49, v2;
	v48 =	vperm.xlane v18, v2;
	v52 =	vld [tilespmem:s3+$0x20];
	[tilespmem:s21+$0x70] =	vst v0  }
0x263: {  	v39 =	vmul.f32 v57, v39;
	v53 =	vperm.xlane v20, v2;
	v1 =	vld [tilespmem:$0x1FF90]  }
0x264: {  	v51 =	vadd.f32 v58, v51;
	v57 =	vld [tilespmem:s3+$0x40];
	v61 =	vperm.xlane v31, v2;
	v36 =	vperm.xlane v15, v2  }
0x265: {  	v18 =	vadd.f32 v48, v18;
	v48 =	vperm.xlane v39, v2;
	v59 =	vld [tilespmem:s3+$0x50];
	v20 =	vadd.f32 v53, v20  }
0x266: {  	v58 =	vld [tilespmem:s3+$0x70];
	v61 =	vadd.f32 v61, v31;
	v15 =	vadd.f32 v36, v15  }
0x267: {  	v49 =	vadd.f32 v56, v49;
	v48 =	vadd.f32 v48, v39;
	v56 =	vld [tilespmem:s0+$0xFFFFFF80];
	v45 =	vsel vm2, v20, v45  }
0x268: {  	v18 =	vsel vm2, v18, v51;
	v51 =	vperm.xlane v45, v5;
	v15 =	vsel vm2, v15, v61;
	v61 =	vld [tilespmem:s29+$0x440];
	[tilespmem:s12+$0x70] =	vst v1  }
0x269: {  	v48 =	vsel vm2, v49, v48;
	v3 =	vld [tilespmem:$0x1FFA0];
	[tilespmem:s16+$0x70] =	vst v26  }
0x26a: {  	v55 =	vmul.f32 v37, v55;
	v60 =	vld [tilespmem:s0+$0xFFFFFF90];
	v51 =	vadd.f32 v51, v45;
	v45 =	vperm.xlane v48, v5;
	[tilespmem:s19+$0xFFFFFF80] =	vst v54  }
0x26b: {  	v4 =	vmax.f32 v4, $9.999999970e-07;
	v47 =	vld [tilespmem:s3+$0x30];
	[tilespmem:s16+$0xFFFFFF90] =	vst v41  }
0x26c: {  	v48 =	vadd.f32 v45, v48;
	v45 =	vbroadcast v35, $0x2;
	v1 =	vmul.f32 v56, v50;
	v56 =	vld [tilespmem:s0+$0xFFFFFFD0];
	[tilespmem:s14+$0xFFFFFFA0] =	vst v55  }
0x26d: {  	v29 =	vbroadcast v38, $0x4;
	v30 =	vbroadcast v38, $0x2;
	v26 =	vmin.f32 v4, $1.000000000e+00;
	v4 =	vld [tilespmem:s0+$0xFFFFFFF0];
	[tilespmem:s12+$0xFFFFFFB0] =	vst v62  }
0x26e: {  	v34 =	vbroadcast v38, $0xC;
	v53 =	vld [tilespmem:s3+$0x60];
	v54 =	vmul.f32 v61, v45;
	[tilespmem:s24+$0xFFFFFFC0] =	vst v42  }
0x26f: {  	v27 =	vbroadcast v38, $0xA;
	v37 =	vbroadcast v44, $0x4;
	v36 =	vld [tilespmem:s0+$0xFFFFFFA0];
	[tilespmem:s21+$0xFFFFFFD0] =	vst v63  }
0x270: {  	v32 =	vbroadcast v38, $0x6;
	v43 =	vld [tilespmem:s0+$0xFFFFFFB0];
	v0 =	vperm.xlane v15, v5;
	[tilespmem:s22+$0x40] =	vst v54  }
0x271: {  	v33 =	vbroadcast v38, $0xE;
	v49 =	vperm.xlane v18, v5;
	v28 =	vld [tilespmem:s0+$0xFFFFFFC0];
	[tilespmem:s14+$0x70] =	vst v3  }
0x272: {  	v0 =	vadd.f32 v0, v15;
	v55 =	vmul.f32 v56, v59;
	v56 =	vmul.f32 v4, v58;
	v4 =	vld [tilespmem:$0x1FFB0]  }
0x273: {  	v38 =	vbroadcast v44, $0x8;
	v49 =	vadd.f32 v49, v18;
	v50 =	vmul.f32 v60, v46;
	v46 =	vld [tilespmem:s3+$0x400]  }
0x274: {  	v39 =	vbroadcast v44, $0xC;
	v18 =	vbroadcast v44, $0x6;
	v0 =	vsel vm0, v48, v0;
	v48 =	vld [tilespmem:s18+$0x410]  }
0x275: {  	v49 =	vsel vm0, v51, v49;
	v51 =	vmul.f32 v36, v52;
	v52 =	vmul.f32 v43, v47;
	v47 =	vld [tilespmem:s15+$0x420]  }
0x276: {  	v60 =	vperm.xlane v49, v6;
	v61 =	vperm.xlane v0, v6;
	v3 =	vld [tilespmem:s0+$0xFFFFFFE0]  }
0x277: {  	v20 =	vbroadcast v44, $0xA;
	v54 =	vmul.f32 v28, v57;
	v28 =	vld [tilespmem:s29+$0x450];
	[tilespmem:s31+$0xFFFFFFE0] =	vst v4  }
0x278: {  	v31 =	vbroadcast v44, $0x2;
	v36 =	vadd.f32 v60, v49;
	v0 =	vadd.f32 v61, v0;
	v4 =	vld [tilespmem:$0x1FFC0]  }
0x279: {  	v15 =	vbroadcast v44, $0xE;
	v45 =	vbroadcast v26, $0x0;
	v43 =	vld [tilespmem:s13+$0x430]  }
0x27a: {  	v44 =	vbroadcast v26, $0x8;
	v42 =	vld [tilespmem:s10+$0x440];
	v59 =	vsel vm3, v36, v0;
	v0 =	vbroadcast v35, $0xA  }
0x27b: {  	v41 =	vld [tilespmem:s7+$0x450];
	v57 =	vmul.f32 v3, v53;
	v3 =	vperm.xlane v1, v2  }
0x27c: {  	v60 =	vperm.xlane v51, v2;
	v36 =	vld [tilespmem:s20+$0x460];
	v62 =	vperm.xlane v59, v7  }
0x27d: {  	s9 =	simm.s32 $0x5B80;
	v61 =	vperm.xlane v50, v2;
	s0 =	simm.s32 $0x10;
	v53 =	vmul.f32 v28, v0;
	v58 =	vadd.f32 v3, v1;
	v28 =	vld [tilespmem:s11+$0x470];
	s11 =	simm.s32 $0x8180;
	[tilespmem:s19+$0x70] =	vst v4  }
.LBB2_5:
0x27e: {  	v49 =	vld [tilespmem:s9+$0x0];
	v0 =	vperm.xlane v52, v2;
	v1 =	vperm.xlane v54, v2;
	v3 =	vadd.f32 v59, v62;
	s1 =	smov.u32 s10;
	s10 =	smov.u32 s13;
	s13 =	smov.u32 s15  }
0x27f: {  	v4 =	vadd.f32 v61, v50;
	v50 =	vperm.xlane v55, v2;
	v59 =	vperm.xlane v57, v2;
	s15 =	smov.u32 s18;
	s18 =	smov.u32 s25;
	s25 =	smov.u32 s3;
	v61 =	vld [tilespmem:s30+$0x400];
	[tilespmem:s22+$0x50] =	vst v53  }
0x280: {  	v51 =	vadd.f32 v60, v51;
	v60 =	vperm.xlane v56, v2;
	v3 =	vmax.f32 v3, $9.999999970e-07;
	v62 =	vld [tilespmem:s29+$0x460]  }
0x281: {  	v0 =	vadd.f32 v0, v52;
	v1 =	vadd.f32 v1, v54;
	v53 =	vld [tilespmem:s9+$0x10];
	v3 =	vmin.f32 v3, $1.000000000e+00  }
0x282: {  	v52 =	vadd.f32 v50, v55;
	v55 =	vadd.f32 v59, v57;
	v63 =	vld [tilespmem:s9+$0x20];
	v57 =	vbroadcast v3, $0x0  }
0x283: {  	v4 =	vsel vm2, v58, v4;
	v58 =	vbroadcast v35, $0x6;
	v56 =	vadd.f32 v60, v56;
	v54 =	vld [tilespmem:s9+$0x30]  }
0x284: {  	v0 =	vsel vm2, v51, v0;
	v1 =	vsel vm2, v1, v52;
	v50 =	vld [tilespmem:s9+$0x40];
	v57 =	vmul.f32 v57, v61  }
0x285: {  	s22 =	sadd.s32 $0x100, s22;
	v55 =	vsel vm2, v55, v56;
	v56 =	vperm.xlane v4, v5;
	v52 =	vld [tilespmem:s9+$0x50];
	v58 =	vmul.f32 v62, v58  }
0x286: {  	s23 =	sadd.s32 $0x200, s23;
	v59 =	vperm.xlane v0, v5;
	v60 =	vperm.xlane v1, v5;
	v51 =	vld [tilespmem:s9+$0x60];
	[tilespmem:s22+$0x0] =	vst v57  }
0x287: {  	s2 =	sadd.s32 $0x100, s2;
	s3 =	sand.u32 $0x3800, s23;
	v61 =	vmul.f32 v45, v40;
	v4 =	vadd.f32 v56, v4;
	v56 =	vperm.xlane v55, v5;
	v57 =	vld [tilespmem:s30+$0x410];
	[tilespmem:s11+$0x60] =	vst v58  }
0x288: {  	v48 =	vmul.f32 v38, v48;
	v38 =	vmovc v44;
	s6 =	sadd.s32 $0xFFFFFF80, s2;
	s4 =	sand.u32 $0x380, s2;
	s3 =	sor.u32 $0x200, s3;
	v0 =	vadd.f32 v59, v0;
	v1 =	vadd.f32 v60, v1;
	v45 =	vld [tilespmem:s29+$0x470]  }
0x289: {  	v47 =	vmul.f32 v29, v47;
	v29 =	vmovc v37;
	v37 =	vbroadcast v26, $0x4;
	s6 =	sand.u32 $0x300, s6;
	v55 =	vadd.f32 v56, v55;
	s29 =	smov.u32 s30;
	s30 =	sadd.s32 s4, s3;
	v44 =	vld [tilespmem:s9+$0x70];
	[tilespmem:s11+$0xFFFFFF80] =	vst v61  }
0x28a: {  	v40 =	vmovc v46;
	v0 =	vsel vm0, v4, v0;
	v4 =	vbroadcast v3, $0x8;
	v58 =	vbroadcast v26, $0xC;
	s3 =	sadd.s32 s6, s3;
	v56 =	vld [tilespmem:s30+$0x0];
	[tilespmem:s19+$0xFFFFFF90] =	vst v48  }
0x28b: {  	v1 =	vsel vm0, v1, v55;
	v55 =	vbroadcast v35, $0xE;
	v35 =	vmovc v3;
	v48 =	vperm.xlane v0, v6;
	v46 =	vld [tilespmem:s30+$0x10];
	[tilespmem:s16+$0xFFFFFFA0] =	vst v47  }
0x28c: {  	v47 =	vperm.xlane v1, v6;
	v3 =	vld [tilespmem:s30+$0x20];
	v4 =	vmul.f32 v4, v57  }
0x28d: {  	v43 =	vmul.f32 v43, v25;
	v25 =	vmovc v34;
	v0 =	vadd.f32 v48, v0;
	v57 =	vld [tilespmem:s30+$0x30];
	v45 =	vmul.f32 v45, v55  }
0x28e: {  	v34 =	vmovc v39;
	v42 =	vmul.f32 v42, v19;
	v1 =	vadd.f32 v47, v1;
	v48 =	vld [tilespmem:s30+$0x40];
	[tilespmem:s22+$0x10] =	vst v4;
	v4 =	vbroadcast v26, $0x2  }
0x28f: {  	v19 =	vmovc v24;
	v24 =	vmovc v30;
	v41 =	vmul.f32 v41, v13;
	v39 =	vmov v58;
	v55 =	vbroadcast v26, $0xA;
	v47 =	vld [tilespmem:s30+$0x50];
	[tilespmem:s11+$0x70] =	vst v45  }
0x290: {  	v30 =	vmovc v31;
	v36 =	vmul.f32 v36, v10;
	v0 =	vsel vm3, v0, v1;
	v45 =	vbroadcast v26, $0x6;
	v1 =	vld [tilespmem:s29+$0x420];
	[tilespmem:s14+$0xFFFFFFB0] =	vst v43  }
0x291: {  	v13 =	vmovc v17;
	v17 =	vmovc v23;
	v59 =	vbroadcast v26, $0xE;
	v58 =	vperm.xlane v0, v7;
	v31 =	vmov v4;
	v43 =	vld [tilespmem:s30+$0x60];
	[tilespmem:s12+$0xFFFFFFC0] =	vst v42  }
0x292: {  	v23 =	vmovc v27;
	v27 =	vmovc v20;
	v10 =	vmov v12;
	v9 =	vmul.f32 v28, v9;
	v20 =	vmov v55;
	v4 =	vld [tilespmem:s30+$0x70];
	[tilespmem:s24+$0xFFFFFFD0] =	vst v41  }
0x293: {  	v12 =	vmovc v16;
	v26 =	vbroadcast v35, $0x4;
	v41 =	vmul.f32 v49, v56;
	v0 =	vadd.f32 v0, v58;
	v28 =	vld [tilespmem:s3+$0x0];
	[tilespmem:s21+$0xFFFFFFE0] =	vst v36  }
0x294: {  	s0 =	sadd.s32 $0x2, s0;
	v16 =	vmovc v22;
	v22 =	vmov v32;
	v42 =	vmul.f32 v53, v46;
	v3 =	vmul.f32 v63, v3;
	v36 =	vld [tilespmem:s3+$0x10];
	[tilespmem:s31+$0xFFFFFFF0] =	vst v9;
	s31 =	smov.u32 s21;
	s21 =	smov.u32 s24  }
0x295: {  	p1 =	slt.u32 s0, $0x26;
	v32 =	vmovc v18;
	v18 =	vmovc v45;
	v46 =	vmul.f32 v54, v57;
	v0 =	vmax.f32 v0, $9.999999970e-07;
	s24 =	smov.u32 s12;
	s12 =	smov.u32 s14;
	v49 =	vld [tilespmem:s3+$0x20];
	v1 =	vmul.f32 v26, v1  }
0x296: {  	v45 =	vmul.f32 v50, v48;
	v47 =	vmul.f32 v52, v47;
	v9 =	vmovc v8;
	v8 =	vmovc v11;
	s14 =	smov.u32 s16;
	s16 =	smov.u32 s19;
	s19 =	smov.u32 s11;
	v26 =	vmin.f32 v0, $1.000000000e+00;
	v53 =	vld [tilespmem:s3+$0x30]  }
0x297: {  	v11 =	vmovc v14;
	v14 =	vmov v21;
	s11 =	smov.u32 s22;
	v43 =	vmul.f32 v51, v43;
	v0 =	vld [tilespmem:s3+$0x40];
	v4 =	vmul.f32 v44, v4;
	[tilespmem:s22+$0x20] =	vst v1  }
0x298: {  	v21 =	vmovc v33;
	v33 =	vmovc v15;
	v15 =	vmov v59;
	v1 =	vperm.xlane v41, v2;
	v44 =	vperm.xlane v42, v2;
	v48 =	vld [tilespmem:s29+$0x430]  }
0x299: {  	v50 =	vperm.xlane v3, v2;
	v51 =	vperm.xlane v46, v2;
	v55 =	vld [tilespmem:s3+$0x50]  }
0x29a: {  	v52 =	vperm.xlane v45, v2;
	v54 =	vperm.xlane v47, v2;
	v56 =	vld [tilespmem:s3+$0x60]  }
0x29b: {  	v59 =	vbroadcast v35, $0xC;
	v57 =	vperm.xlane v43, v2;
	v58 =	vld [tilespmem:s3+$0x70]  }
0x29c: {  	v1 =	vadd.f32 v1, v41;
	v41 =	vadd.f32 v44, v42;
	v42 =	vperm.xlane v4, v2;
	v60 =	vld [tilespmem:s9+$0xFFFFFF80]  }
0x29d: {  	v3 =	vadd.f32 v50, v3;
	v46 =	vadd.f32 v51, v46;
	v61 =	vld [tilespmem:s9+$0xFFFFFF90];
	v48 =	vmul.f32 v48, v59  }
0x29e: {  	v50 =	vadd.f32 v52, v45;
	v45 =	vbroadcast v26, $0x0;
	v47 =	vadd.f32 v54, v47;
	v51 =	vld [tilespmem:s9+$0xFFFFFFA0]  }
0x29f: {  	v44 =	vbroadcast v26, $0x8;
	v43 =	vadd.f32 v57, v43;
	v4 =	vadd.f32 v42, v4;
	v52 =	vld [tilespmem:s9+$0xFFFFFFB0];
	[tilespmem:s22+$0x30] =	vst v48  }
0x2a0: {  	v3 =	vsel vm2, v3, v46;
	v1 =	vsel vm2, v1, v41;
	v41 =	vsel vm2, v50, v47;
	v42 =	vld [tilespmem:s29+$0x440]  }
0x2a1: {  	v46 =	vperm.xlane v3, v5;
	v4 =	vsel vm2, v43, v4;
	v43 =	vperm.xlane v1, v5;
	v54 =	vld [tilespmem:s9+$0xFFFFFFC0]  }
0x2a2: {  	v47 =	vperm.xlane v41, v5;
	v48 =	vperm.xlane v4, v5;
	v57 =	vld [tilespmem:s9+$0xFFFFFFD0]  }
0x2a3: {  	v3 =	vadd.f32 v46, v3;
	v1 =	vadd.f32 v43, v1;
	v43 =	vbroadcast v35, $0x2;
	v59 =	vld [tilespmem:s9+$0xFFFFFFE0]  }
0x2a4: {  	v41 =	vadd.f32 v47, v41;
	v28 =	vmul.f32 v60, v28;
	v4 =	vadd.f32 v48, v4;
	v60 =	vld [tilespmem:s9+$0xFFFFFFF0]  }
0x2a5: {  	v50 =	vmul.f32 v61, v36;
	v46 =	vld [tilespmem:s3+$0x400];
	v36 =	vmul.f32 v42, v43  }
0x2a6: {  	v1 =	vsel vm0, v1, v3;
	v51 =	vmul.f32 v51, v49;
	v3 =	vsel vm0, v41, v4;
	v48 =	vld [tilespmem:s18+$0x410]  }
0x2a7: {  	v4 =	vperm.xlane v1, v6;
	v41 =	vperm.xlane v3, v6;
	[tilespmem:s22+$0x40] =	vst v36;
	v47 =	vld [tilespmem:s15+$0x420]  }
0x2a8: {  	v52 =	vmul.f32 v52, v53;
	v54 =	vmul.f32 v54, v0;
	v0 =	vld [tilespmem:s29+$0x450]  }
.Ltmp1:
0x2a9: {  	v1 =	vadd.f32 v4, v1;
	v3 =	vadd.f32 v41, v3;
	v55 =	vmul.f32 v57, v55;
	v43 =	vld [tilespmem:s13+$0x430];
	(pc) =	sbr.rel @p1 .LBB2_5-.Ltmp1, $4  }
0x2aa: {  	v57 =	vmul.f32 v59, v56;
	v56 =	vmul.f32 v60, v58;
	v42 =	vld [tilespmem:s10+$0x440]  }
0x2ab: {  	v4 =	vperm.xlane v28, v2;
	v59 =	vsel vm3, v1, v3;
	v1 =	vbroadcast v35, $0xA;
	v41 =	vld [tilespmem:s1+$0x450]  }
0x2ac: {  	v61 =	vperm.xlane v50, v2;
	v62 =	vperm.xlane v59, v7;
	v36 =	vld [tilespmem:s7+$0x460]  }
0x2ad: {  	s9 =	sadd.s32 $0x100, s9;
	v58 =	vadd.f32 v4, v28;
	v60 =	vperm.xlane v51, v2;
	v53 =	vmul.f32 v0, v1;
	v28 =	vld [tilespmem:s20+$0x470];
	s20 =	smov.u32 s7;
	s7 =	smov.u32 s1  }
0x2ae: {  	v0 =	vperm.xlane v52, v2;
	v1 =	vperm.xlane v54, v2;
	v3 =	vadd.f32 v59, v62  }
0x2af: {  	v4 =	vadd.f32 v61, v50;
	v49 =	vperm.xlane v55, v2;
	v62 =	vperm.xlane v57, v2  }
0x2b0: {  	v63 =	vperm.xlane v56, v2;
	v51 =	vadd.f32 v60, v51;
	v0 =	vadd.f32 v0, v52  }
0x2b1: {  	v1 =	vadd.f32 v1, v54;
	v49 =	vadd.f32 v49, v55  }
0x2b2: {  	v50 =	vadd.f32 v62, v57;
	v59 =	vadd.f32 v63, v56;
	v4 =	vsel vm2, v58, v4  }
0x2b3: {  	v3 =	vmax.f32 v3, $9.999999970e-07;
	v54 =	vld [tilespmem:s30+$0x400];
	v60 =	vperm.xlane v4, v5;
	v0 =	vsel vm2, v51, v0  }
0x2b4: {  	v1 =	vsel vm2, v1, v49;
	v49 =	vsel vm2, v50, v59;
	v61 =	vperm.xlane v0, v5  }
0x2b5: {  	v50 =	vmin.f32 v3, $1.000000000e+00;
	v3 =	vperm.xlane v1, v5;
	v62 =	vperm.xlane v49, v5  }
0x2b6: {  	v63 =	vbroadcast v50, $0x0;
	v4 =	vadd.f32 v60, v4;
	v0 =	vadd.f32 v61, v0  }
0x2b7: {  	v1 =	vadd.f32 v3, v1;
	v3 =	vadd.f32 v62, v49  }
0x2b8: {  	v59 =	vmul.f32 v63, v54  }
0x2b9: {  	s0 =	sadd.s32 $0x100, s22;
	v0 =	vsel vm0, v4, v0;
	v1 =	vsel vm0, v1, v3  }
0x2ba: {  	[tilespmem:s0+$0x0] =	vst v59;
	v3 =	vperm.xlane v0, v6;
	v4 =	vperm.xlane v1, v6  }
0x2bb: {  	v49 =	vld [tilespmem:s30+$0x410]  }
0x2bc: {  	v0 =	vadd.f32 v3, v0;
	v1 =	vadd.f32 v4, v1;
	_ =	sdelay $0x1  }
0x2bd: {  	v3 =	vbroadcast v50, $0x8;
	v0 =	vsel vm3, v0, v1  }
0x2be: {  	v1 =	vperm.xlane v0, v7  }
0x2bf: {  	v3 =	vmul.f32 v3, v49  }
0x2c0: {  	v0 =	vadd.f32 v0, v1  }
0x2c1: {  	[tilespmem:s0+$0x10] =	vst v3  }
0x2c2: {  	v1 =	vld [tilespmem:s30+$0x420];
	v0 =	vmax.f32 v0, $9.999999970e-07  }
0x2c3: {  	v60 =	vmin.f32 v0, $1.000000000e+00  }
0x2c4: {  	v0 =	vbroadcast v60, $0x0  }
0x2c5: {  	v4 =	vbroadcast v50, $0x4;
	v3 =	vmul.f32 v45, v40  }
0x2c6: {  	v0 =	vmul.f32 v0, v46  }
0x2c7: {  	[tilespmem:s11+$0xFFFFFF80] =	vst v3;
	v1 =	vmul.f32 v4, v1  }
0x2c8: {  	v3 =	vld [tilespmem:s25+$0x410];
	[tilespmem:s0+$0xFFFFFF80] =	vst v0  }
0x2c9: {  	[tilespmem:s0+$0x20] =	vst v1;
	v0 =	vld [tilespmem:s3+$0x410]  }
0x2ca: {  	[tilespmem:s22+$0x50] =	vst v53;
	v1 =	vld [tilespmem:s30+$0x430]  }
0x2cb: {  	v4 =	vld [tilespmem:s29+$0x460]  }
0x2cc: {  	v38 =	vmul.f32 v38, v48;
	v61 =	vbroadcast v60, $0x8  }
0x2cd: {  	v62 =	vbroadcast v50, $0xC;
	v3 =	vmul.f32 v44, v3  }
0x2ce: {  	[tilespmem:s19+$0xFFFFFF90] =	vst v38;
	v63 =	vbroadcast v35, $0x6;
	v0 =	vmul.f32 v61, v0  }
0x2cf: {  	v38 =	vld [tilespmem:s18+$0x420];
	[tilespmem:s11+$0xFFFFFF90] =	vst v3;
	v1 =	vmul.f32 v1, v62  }
0x2d0: {  	v3 =	vmul.f32 v4, v63;
	v4 =	vld [tilespmem:s25+$0x420];
	[tilespmem:s0+$0xFFFFFF90] =	vst v0  }
0x2d1: {  	[tilespmem:s0+$0x30] =	vst v1;
	v0 =	vld [tilespmem:s3+$0x420]  }
0x2d2: {  	[tilespmem:s11+$0x60] =	vst v3;
	v1 =	vld [tilespmem:s30+$0x440]  }
0x2d3: {  	v48 =	vbroadcast v26, $0x4;
	v29 =	vmul.f32 v29, v47;
	v3 =	vld [tilespmem:s29+$0x470]  }
0x2d4: {  	v37 =	vmul.f32 v37, v38;
	v51 =	vbroadcast v60, $0x4  }
0x2d5: {  	[tilespmem:s16+$0xFFFFFFA0] =	vst v29;
	v29 =	vbroadcast v50, $0x2;
	v4 =	vmul.f32 v48, v4  }
0x2d6: {  	v52 =	vbroadcast v35, $0xE;
	v53 =	vld [tilespmem:s15+$0x430];
	[tilespmem:s19+$0xFFFFFFA0] =	vst v37;
	v0 =	vmul.f32 v51, v0  }
0x2d7: {  	[tilespmem:s11+$0xFFFFFFA0] =	vst v4;
	v1 =	vmul.f32 v1, v29;
	v29 =	vld [tilespmem:s18+$0x430]  }
0x2d8: {  	v3 =	vmul.f32 v3, v52;
	v4 =	vld [tilespmem:s25+$0x430];
	[tilespmem:s0+$0xFFFFFFA0] =	vst v0  }
0x2d9: {  	v0 =	vmul.f32 v43, v25;
	[tilespmem:s0+$0x40] =	vst v1;
	v1 =	vld [tilespmem:s3+$0x430]  }
0x2da: {  	v19 =	vmul.f32 v42, v19;
	[tilespmem:s11+$0x70] =	vst v3;
	v3 =	vld [tilespmem:s30+$0x450]  }
0x2db: {  	v25 =	vbroadcast v26, $0xC;
	[tilespmem:s14+$0xFFFFFFB0] =	vst v0;
	v0 =	vmul.f32 v53, v34  }
0x2dc: {  	[tilespmem:s12+$0xFFFFFFC0] =	vst v19;
	v19 =	vbroadcast v60, $0xC;
	v29 =	vmul.f32 v29, v39  }
0x2dd: {  	v55 =	vbroadcast v50, $0xA;
	v54 =	vld [tilespmem:s13+$0x440];
	[tilespmem:s16+$0xFFFFFFB0] =	vst v0;
	v0 =	vmul.f32 v4, v25  }
0x2de: {  	v4 =	vld [tilespmem:s15+$0x440];
	[tilespmem:s19+$0xFFFFFFB0] =	vst v29;
	v1 =	vmul.f32 v1, v19  }
0x2df: {  	v3 =	vmul.f32 v3, v55;
	v19 =	vld [tilespmem:s18+$0x440];
	[tilespmem:s11+$0xFFFFFFB0] =	vst v0  }
0x2e0: {  	v0 =	vmul.f32 v41, v13;
	v13 =	vld [tilespmem:s25+$0x440];
	[tilespmem:s0+$0xFFFFFFB0] =	vst v1  }
0x2e1: {  	v1 =	vmul.f32 v36, v10;
	[tilespmem:s0+$0x50] =	vst v3;
	v3 =	vld [tilespmem:s3+$0x440]  }
0x2e2: {  	[tilespmem:s24+$0xFFFFFFD0] =	vst v0;
	v10 =	vmul.f32 v54, v24;
	v0 =	vld [tilespmem:s30+$0x460]  }
0x2e3: {  	v24 =	vbroadcast v26, $0x2;
	[tilespmem:s21+$0xFFFFFFE0] =	vst v1;
	v1 =	vmul.f32 v4, v30  }
0x2e4: {  	v25 =	vbroadcast v60, $0x2;
	v4 =	vld [tilespmem:s10+$0x450];
	[tilespmem:s14+$0xFFFFFFC0] =	vst v10;
	v10 =	vmul.f32 v19, v31  }
0x2e5: {  	v19 =	vbroadcast v50, $0x6;
	v29 =	vld [tilespmem:s13+$0x450];
	[tilespmem:s16+$0xFFFFFFC0] =	vst v1;
	v1 =	vmul.f32 v13, v24  }
0x2e6: {  	v13 =	vld [tilespmem:s15+$0x450];
	[tilespmem:s19+$0xFFFFFFC0] =	vst v10;
	v3 =	vmul.f32 v3, v25  }
0x2e7: {  	v0 =	vmul.f32 v0, v19;
	v10 =	vld [tilespmem:s18+$0x450];
	[tilespmem:s11+$0xFFFFFFC0] =	vst v1  }
0x2e8: {  	v1 =	vmul.f32 v28, v9;
	v9 =	vld [tilespmem:s25+$0x450];
	[tilespmem:s0+$0xFFFFFFC0] =	vst v3  }
0x2e9: {  	[tilespmem:s0+$0x60] =	vst v0;
	v0 =	vmul.f32 v4, v17;
	v3 =	vld [tilespmem:s3+$0x450]  }
0x2ea: {  	[tilespmem:s31+$0xFFFFFFF0] =	vst v1;
	v4 =	vmul.f32 v29, v23;
	v1 =	vld [tilespmem:s30+$0x470]  }
0x2eb: {  	v19 =	vld [tilespmem:s7+$0x460];
	v17 =	vbroadcast v26, $0xA;
	[tilespmem:s12+$0xFFFFFFD0] =	vst v0;
	v0 =	vmul.f32 v13, v27  }
0x2ec: {  	v13 =	vbroadcast v60, $0xA;
	[tilespmem:s14+$0xFFFFFFD0] =	vst v4;
	v23 =	vld [tilespmem:s10+$0x460];
	v4 =	vmul.f32 v10, v20  }
0x2ed: {  	v10 =	vbroadcast v50, $0xE;
	v20 =	vld [tilespmem:s13+$0x460];
	[tilespmem:s16+$0xFFFFFFD0] =	vst v0;
	v0 =	vmul.f32 v9, v17  }
0x2ee: {  	v9 =	vld [tilespmem:s15+$0x460];
	[tilespmem:s19+$0xFFFFFFD0] =	vst v4;
	v3 =	vmul.f32 v3, v13  }
0x2ef: {  	v1 =	vmul.f32 v1, v10;
	v4 =	vld [tilespmem:s18+$0x460];
	[tilespmem:s11+$0xFFFFFFD0] =	vst v0  }
0x2f0: {  	v0 =	vmul.f32 v19, v12;
	v10 =	vld [tilespmem:s25+$0x460];
	[tilespmem:s0+$0xFFFFFFD0] =	vst v3  }
0x2f1: {  	[tilespmem:s0+$0x70] =	vst v1;
	v1 =	vmul.f32 v23, v16;
	v3 =	vld [tilespmem:s3+$0x460]  }
0x2f2: {  	v12 =	vld [tilespmem:s20+$0x470];
	[tilespmem:s24+$0xFFFFFFE0] =	vst v0;
	v0 =	vmul.f32 v20, v22  }
0x2f3: {  	v13 =	vbroadcast v26, $0x6;
	v16 =	vld [tilespmem:s7+$0x470];
	[tilespmem:s12+$0xFFFFFFE0] =	vst v1;
	v1 =	vmul.f32 v9, v32  }
0x2f4: {  	v9 =	vbroadcast v60, $0x6;
	[tilespmem:s14+$0xFFFFFFE0] =	vst v0;
	v17 =	vld [tilespmem:s10+$0x470];
	v0 =	vmul.f32 v4, v18  }
0x2f5: {  	v4 =	vld [tilespmem:s13+$0x470];
	[tilespmem:s16+$0xFFFFFFE0] =	vst v1;
	v1 =	vmul.f32 v10, v13  }
0x2f6: {  	v10 =	vld [tilespmem:s15+$0x470];
	[tilespmem:s19+$0xFFFFFFE0] =	vst v0;
	v0 =	vmul.f32 v3, v9  }
0x2f7: {  	v3 =	vmul.f32 v12, v8;
	v8 =	vld [tilespmem:s18+$0x470];
	[tilespmem:s11+$0xFFFFFFE0] =	vst v1  }
0x2f8: {  	v1 =	vmul.f32 v16, v11;
	v9 =	vld [tilespmem:s25+$0x470];
	[tilespmem:s0+$0xFFFFFFE0] =	vst v0  }
0x2f9: {  	[tilespmem:s21+$0xFFFFFFF0] =	vst v3;
	v0 =	vmul.f32 v17, v14;
	v3 =	vld [tilespmem:s3+$0x470]  }
0x2fa: {  	[tilespmem:s24+$0xFFFFFFF0] =	vst v1;
	v1 =	vmul.f32 v4, v21  }
0x2fb: {  	v4 =	vbroadcast v26, $0xE;
	[tilespmem:s12+$0xFFFFFFF0] =	vst v0;
	v0 =	vmul.f32 v10, v33  }
0x2fc: {  	v10 =	vbroadcast v60, $0xE;
	[tilespmem:s14+$0xFFFFFFF0] =	vst v1;
	v1 =	vmul.f32 v8, v15  }
0x2fd: {  	[tilespmem:s16+$0xFFFFFFF0] =	vst v0;
	v0 =	vmul.f32 v9, v4  }
0x2fe: {  	[tilespmem:s19+$0xFFFFFFF0] =	vst v1;
	v1 =	vmul.f32 v3, v10  }
0x2ff: {  	s1 =	simm.s32 $0x7A00;
	[tilespmem:s11+$0xFFFFFFF0] =	vst v0  }
0x300: {  	s2 =	simm.s32 $0x28;
	s20 =	rddreg [dreg:$0x2];
	s21 =	simm.s32 $0x100;
	[tilespmem:s0+$0xFFFFFFF0] =	vst v1  }
0x301: {  	[spmem:s20] =	stream.indirect.scatter.add.f32 [tilespmem:s1], [sflag:$0x5], $0x80, s21, s2, $0xb8;
	[tilespmem:$0x1E200] =	vst v63  }
0x302: {  	p1 =	seq.s32 s26, $0x7C;
	s0 =	rddreg [dreg:$0x15]  }
0x303: {  	s0 =	sadd.s32 @!p1 s28, s0  }
0x304: {  	s1 =	rddreg [dreg:$0x4];
	s0 =	sshrl.u32 @!p1 s0, $0x3  }
0x305: {  	s0 =	sadd.s32 @!p1 s1, s0;
	s1 =	simm.s32 @!p1 $0x0  }
0x306: {  	[tilespmem:s1], [sflag:$0x1] =	stream.linear.gather @!p1 [hbm4b:s0+s1], $0x80, $0x38;
	[tilespmem:$0x1E200] =	vst v63  }
0x307: {  	s0 =	simm.s32 @!p1 $0x1  }
0x308: {  	_ =	swait.ge @!p1 [sflag:s0], $0x80  }
0x309: {  	[sflag:s0] =	ssyncset.done @!p1 $0x0  }
0x30a: {  	[sflag:s0] =	ssyncadd.s32 @!p1 $0xFFFFFF80  }
0x30b: {  	v0 =	vld @!p1 [tilespmem:$0x28];
	_ =	sdelay $0x4  }
0x30c: {  	v1 =	vshll.u32 @!p1 v0, $0x1  }
0x30d: {  	v3 =	vlaneseq.u32 @!p1;
	v0 =	vand.u32 @!p1 $0x7, v0;
	v1 =	vand.u32 @!p1 $0xFFFFFFF0, v1  }
0x30e: {  	v4 =	vshrl.u32 @!p1 v3, $0x3;
	v0 =	vor.u32 @!p1 v0, v1;
	v1 =	vand.u32 @!p1 $0x7, v3  }
0x30f: {  	v4 =	vmul.u32 @!p1 $0x8, v4;
	v8 =	vperm.xlane @!p1 v0, v1  }
0x310: {  	v3 =	vor.u32 @!p1 $0x8, v3  }
0x311: {  	v0 =	vperm.xlane @!p1 v0, v3;
	v8 =	vadd.s32 @!p1 v4, v8;
	_ =	sdelay $0x1  }
0x312: {  	v0 =	vadd.s32 @!p1 v4, v0;
	_ =	sdelay $0x1  }
0x313: {  	vm4 =	vmmov @!p1 $0xffff;
	s0 =	simm.s32 @!p1 $0x200  }
0x314: {  	[tilespmem:s0], [sflag:$0x3] =	stream.indirect_vreg.gather @!p1 [hbm4b:s5+s1], $0x80, v8, vm4, $0xb8;
	[tilespmem:$0x1E200] =	vst v63  }
0x315: {  	s0 =	simm.s32 @!p1 $0xA00  }
0x316: {  	[tilespmem:s0], [sflag:$0x3] =	stream.indirect_vreg.gather @!p1 [hbm4b:s5+s1], $0x80, v0, vm4, $0xb8;
	[tilespmem:$0x1E200] =	vst v63  }
0x317: {  	v0 =	vld @!p1 [tilespmem:$0x38];
	_ =	sdelay $0x4  }
0x318: {  	v8 =	vshll.u32 @!p1 v0, $0x1  }
0x319: {  	v0 =	vand.u32 @!p1 $0x7, v0;
	v8 =	vand.u32 @!p1 $0xFFFFFFF0, v8  }
0x31a: {  	v0 =	vor.u32 @!p1 v0, v8  }
0x31b: {  	v8 =	vperm.xlane @!p1 v0, v1;
	_ =	sdelay $0x1  }
0x31c: {  	v0 =	vperm.xlane @!p1 v0, v3;
	v8 =	vadd.s32 @!p1 v4, v8;
	_ =	sdelay $0x1  }
0x31d: {  	v0 =	vadd.s32 @!p1 v4, v0;
	_ =	sdelay $0x1  }
0x31e: {  	s0 =	simm.s32 @!p1 $0x1200  }
0x31f: {  	[tilespmem:s0], [sflag:$0x3] =	stream.indirect_vreg.gather @!p1 [hbm4b:s5+s1], $0x80, v8, vm4, $0xb8;
	[tilespmem:$0x1E200] =	vst v63  }
0x320: {  	s0 =	simm.s32 @!p1 $0x1A00  }
0x321: {  	[tilespmem:s0], [sflag:$0x3] =	stream.indirect_vreg.gather @!p1 [hbm4b:s5+s1], $0x80, v0, vm4, $0xb8;
	[tilespmem:$0x1E200] =	vst v63  }
0x322: {  	v0 =	vld.msk @!p1 [tilespmem:$0x48], $0xff;
	_ =	sdelay $0x4  }
0x323: {  	v3 =	vshll.u32 @!p1 v0, $0x1  }
0x324: {  	v0 =	vand.u32 @!p1 $0x7, v0;
	v3 =	vand.u32 @!p1 $0xFFFFFFF0, v3  }
0x325: {  	v0 =	vor.u32 @!p1 v0, v3  }
0x326: {  	v0 =	vperm.xlane @!p1 v0, v1;
	_ =	sdelay $0x1  }
0x327: {  	v0 =	vadd.s32 @!p1 v4, v0;
	_ =	sdelay $0x3  }
0x328: {  	s0 =	simm.s32 @!p1 $0x2200  }
0x329: {  	[tilespmem:s0], [sflag:$0x3] =	stream.indirect_vreg.gather @!p1 [hbm4b:s5+s1], $0x80, v0, vm4, $0xb8;
	[tilespmem:$0x1E200] =	vst v63  }
0x32a: {  	s2 =	simm.s32 @!p1 $0x5200;
	s3 =	rddreg [dreg:$0x1];
	s0 =	simm.s32 @!p1 $0x28  }
0x32b: {  	[tilespmem:s2], [sflag:$0x3] =	stream.indirect.gather @!p1 [hbm4b:s3+s0], $0x80, s1, s0, $0xb8;
	[tilespmem:$0x1E200] =	vst v63  }
0x32c: {  	_ =	swait.ge [sflag:s17], $0x2800  }
0x32d: {  	[sflag:s17] =	ssyncset.done $0x0  }
0x32e: {  	[sflag:s17] =	ssyncadd.s32 $0xFFFFD800  }
0x32f: {  	_ =	swait.ge [sflag:s17], $0x1400  }
0x330: {  	[sflag:s17] =	ssyncset.done $0x0  }
0x331: {  	s0 =	simm.s32 @!p0 $0x6;
	[sflag:s17] =	ssyncadd.s32 $0xFFFFEC00  }
0x332: {  	_ =	swait.ge @!p0 [sflag:s0], $0x1400  }
0x333: {  	[sflag:s0] =	ssyncset.done @!p0 $0x0  }
0x334: {  	[sflag:s0] =	ssyncadd.s32 @!p0 $0xFFFFEC00  }
0x335: {  	v0 =	vld [tilespmem:$0x80]  }
0x336: {  	v1 =	vld [tilespmem:$0x90]  }
0x337: {  	v3 =	vld [tilespmem:$0x98];
	_ =	sdelay $0x2  }
0x338: {  	[tilespmem:$0x180] =	vst v0  }
0x339: {  	[tilespmem:$0x190] =	vst v1  }
0x33a: {  	s22 =	simm.s32 $0x66F0;
	[tilespmem:$0x198] =	vst v3  }
0x33b: {  	v0 =	vld [tilespmem:s22+$0xFFFFFF90]  }
0x33c: {  	v1 =	vld [tilespmem:s22+$0xFFFFFFA0]  }
0x33d: {  	v3 =	vld [tilespmem:s22+$0xFFFFFFB0]  }
0x33e: {  	v4 =	vld [tilespmem:s22+$0xFFFFFFC0]  }
0x33f: {  	s23 =	simm.s32 $0x0;
	v8 =	vld [tilespmem:s22+$0xFFFFFFD0]  }
0x340: {  	s24 =	sand.u32 $0x3800, s23;
	s0 =	sand.u32 $0x300, s23;
	v9 =	vld [tilespmem:s22+$0xFFFFFFE0]  }
0x341: {  	s25 =	sadd.s32 $0x2A00, s24;
	s6 =	sor.u32 $0x80, s0;
	v10 =	vld [tilespmem:s22+$0xFFFFFFF0]  }
0x342: {  	s4 =	sadd.s32 s6, s25;
	v11 =	vld [tilespmem:s22+$0x0]  }
0x343: {  	v12 =	vld [tilespmem:s4+$0x0]  }
0x344: {  	v13 =	vld [tilespmem:s4+$0x10]  }
0x345: {  	v14 =	vld [tilespmem:s4+$0x20]  }
0x346: {  	v15 =	vld [tilespmem:s4+$0x30]  }
0x347: {  	v16 =	vld [tilespmem:s4+$0x40]  }
0x348: {  	v17 =	vld [tilespmem:s4+$0x50]  }
0x349: {  	v18 =	vld [tilespmem:s4+$0x60]  }
0x34a: {  	v19 =	vld [tilespmem:s4+$0x70];
	_ =	sdelay $0x1  }
0x34b: {  	v0 =	vmul.f32 v0, v12;
	v1 =	vmul.f32 v1, v13  }
0x34c: {  	v3 =	vmul.f32 v3, v14;
	v4 =	vmul.f32 v4, v15  }
0x34d: {  	v8 =	vmul.f32 v8, v16;
	v9 =	vmul.f32 v9, v17  }
0x34e: {  	v10 =	vmul.f32 v10, v18;
	v11 =	vmul.f32 v11, v19  }
0x34f: {  	v12 =	vperm.xlane v0, v2;
	v13 =	vperm.xlane v1, v2  }
0x350: {  	v14 =	vperm.xlane v3, v2;
	v15 =	vperm.xlane v4, v2  }
0x351: {  	v16 =	vperm.xlane v8, v2;
	v17 =	vperm.xlane v9, v2  }
0x352: {  	v18 =	vperm.xlane v10, v2;
	v0 =	vadd.f32 v12, v0;
	v1 =	vadd.f32 v13, v1  }
0x353: {  	v12 =	vperm.xlane v11, v2;
	v3 =	vadd.f32 v14, v3;
	v4 =	vadd.f32 v15, v4  }
0x354: {  	s3 =	sadd.s32 $0x2E00, s24;
	v8 =	vadd.f32 v16, v8;
	v9 =	vadd.f32 v17, v9  }
0x355: {  	s10 =	sadd.s32 s6, s3;
	v10 =	vadd.f32 v18, v10;
	v11 =	vadd.f32 v12, v11  }
0x356: {  	s7 =	simm.s32 $0x67F0;
	v20 =	vld [tilespmem:s10+$0x0];
	v0 =	vsel vm2, v0, v1;
	v1 =	vsel vm2, v3, v4;
	v3 =	vsel vm2, v8, v9  }
0x357: {  	v21 =	vld [tilespmem:s7+$0xFFFFFF90];
	v9 =	vperm.xlane v0, v5;
	v12 =	vperm.xlane v3, v5;
	v8 =	vsel vm2, v10, v11  }
0x358: {  	s13 =	simm.s32 $0x200;
	s14 =	simm.s32 $0x100;
	v22 =	vld [tilespmem:s7+$0xFFFFFFA0];
	v10 =	vperm.xlane v1, v5;
	v13 =	vperm.xlane v8, v5  }
0x359: {  	s15 =	sand.u32 $0x3800, s13;
	s11 =	sand.u32 $0x300, s14;
	v24 =	vld [tilespmem:s7+$0xFFFFFFC0];
	v0 =	vadd.f32 v9, v0;
	v3 =	vadd.f32 v12, v3  }
0x35a: {  	s6 =	sor.u32 $0x80, s11;
	v26 =	vld [tilespmem:s7+$0xFFFFFFF0];
	s4 =	sadd.s32 $0x2A00, s15;
	v1 =	vadd.f32 v10, v1;
	v8 =	vadd.f32 v13, v8  }
0x35b: {  	v27 =	vld [tilespmem:s7+$0x0];
	s16 =	sadd.s32 s6, s4  }
0x35c: {  	v28 =	vld [tilespmem:s16+$0x0];
	v0 =	vsel vm0, v0, v1;
	v1 =	vsel vm0, v3, v8  }
0x35d: {  	v30 =	vld [tilespmem:s16+$0x10];
	v8 =	vperm.xlane v0, v6;
	v13 =	vperm.xlane v1, v6  }
0x35e: {  	v31 =	vld [tilespmem:s16+$0x20]  }
0x35f: {  	s9 =	sadd.s32 s0, s25;
	v19 =	vld [tilespmem:s22+$0xFFFFFF70];
	v0 =	vadd.f32 v8, v0;
	v1 =	vadd.f32 v13, v1  }
0x360: {  	v14 =	vld [tilespmem:s9+$0x20]  }
0x361: {  	v15 =	vld [tilespmem:s22+$0xFFFFFF10];
	v0 =	vsel vm3, v0, v1  }
0x362: {  	v16 =	vld [tilespmem:s22+$0xFFFFFF20];
	v8 =	vperm.xlane v0, v7  }
0x363: {  	v17 =	vld [tilespmem:s22+$0xFFFFFF40]  }
0x364: {  	v18 =	vld [tilespmem:s22+$0xFFFFFF60];
	v0 =	vadd.f32 v0, v8  }
0x365: {  	v4 =	vld [tilespmem:s9+$0x0]  }
0x366: {  	v11 =	vld [tilespmem:s9+$0x10];
	v0 =	vmax.f32 v0, $9.999999970e-07  }
0x367: {  	v9 =	vld [tilespmem:s9+$0x30];
	v8 =	vmin.f32 v0, $1.000000000e+00  }
0x368: {  	v12 =	vld [tilespmem:s9+$0x50];
	v23 =	vbroadcast v8, $0x0  }
0x369: {  	v10 =	vld [tilespmem:s9+$0x40]  }
0x36a: {  	v4 =	vmul.f32 v15, v4;
	v15 =	vld [tilespmem:s16+$0x50];
	v20 =	vmul.f32 v23, v20  }
0x36b: {  	s28 =	simm.s32 $0x8EF0;
	v1 =	vld [tilespmem:s22+$0xFFFFFF50]  }
0x36c: {  	v3 =	vld [tilespmem:s9+$0x60];
	[tilespmem:s28+$0xFFFFFF90] =	vst v20  }
0x36d: {  	v20 =	vld [tilespmem:s10+$0x10]  }
0x36e: {  	v11 =	vmul.f32 v16, v11;
	v16 =	vld [tilespmem:s16+$0x70]  }
0x36f: {  	v13 =	vld [tilespmem:s22+$0xFFFFFF30]  }
0x370: {  	v1 =	vmul.f32 v1, v10;
	v10 =	vld [tilespmem:s16+$0x60];
	v29 =	vbroadcast v8, $0x8  }
0x371: {  	v0 =	vld [tilespmem:s7+$0xFFFFFFB0]  }
0x372: {  	v9 =	vmul.f32 v17, v9;
	v23 =	vld [tilespmem:s7+$0xFFFFFFE0];
	v20 =	vmul.f32 v29, v20  }
0x373: {  	v12 =	vmul.f32 v18, v12;
	v17 =	vmul.f32 v21, v28;
	v29 =	vld [tilespmem:s16+$0x30]  }
0x374: {  	v25 =	vld [tilespmem:s7+$0xFFFFFFD0];
	v3 =	vmul.f32 v19, v3;
	v19 =	vmul.f32 v22, v30;
	[tilespmem:s28+$0xFFFFFFA0] =	vst v20  }
0x375: {  	v16 =	vmul.f32 v27, v16;
	v13 =	vmul.f32 v13, v14;
	v14 =	vld [tilespmem:s10+$0x20]  }
0x376: {  	v56 =	vld [tilespmem:s16+$0x40];
	v18 =	vbroadcast v8, $0x4;
	v10 =	vmul.f32 v26, v10  }
0x377: {  	v0 =	vmul.f32 v0, v31;
	v15 =	vmul.f32 v23, v15  }
0x378: {  	v30 =	vperm.xlane v10, v2;
	v20 =	vmul.f32 v24, v29  }
0x379: {  	v23 =	vperm.xlane v17, v2;
	v28 =	vperm.xlane v15, v2  }
0x37a: {  	v21 =	vld [tilespmem:s9+$0x70];
	v26 =	vperm.xlane v20, v2;
	v14 =	vmul.f32 v18, v14  }
0x37b: {  	v22 =	vld [tilespmem:s22+$0xFFFFFF80];
	v10 =	vadd.f32 v30, v10;
	v18 =	vmul.f32 v25, v56;
	v25 =	vperm.xlane v0, v2  }
0x37c: {  	v17 =	vadd.f32 v23, v17;
	v24 =	vperm.xlane v19, v2;
	v20 =	vadd.f32 v26, v20  }
0x37d: {  	v27 =	vperm.xlane v18, v2;
	[tilespmem:s28+$0xFFFFFFB0] =	vst v14;
	v14 =	vperm.xlane v16, v2;
	v0 =	vadd.f32 v25, v0  }
0x37e: {  	v15 =	vadd.f32 v28, v15;
	v19 =	vadd.f32 v24, v19  }
0x37f: {  	s21 =	simm.s32 $0x400;
	v57 =	vld [tilespmem:s7+$0xFFFFFF30];
	s22 =	simm.s32 $0x200;
	v18 =	vadd.f32 v27, v18;
	v14 =	vadd.f32 v14, v16;
	v0 =	vsel vm2, v0, v20  }
0x380: {  	s23 =	sand.u32 $0x3800, s21;
	v58 =	vld [tilespmem:s7+$0xFFFFFF40];
	s2 =	sand.u32 $0x300, s22;
	v21 =	vmul.f32 v22, v21;
	v17 =	vsel vm2, v17, v19;
	v19 =	vperm.xlane v0, v5  }
0x381: {  	s19 =	simm.s32 $0x68F0;
	s24 =	sadd.s32 $0x2A00, s23;
	s25 =	sor.u32 $0x80, s2;
	v22 =	vld [tilespmem:s10+$0x30];
	v15 =	vsel vm2, v18, v15;
	v10 =	vsel vm2, v10, v14;
	v14 =	vperm.xlane v17, v5  }
0x382: {  	s14 =	sadd.s32 $0x2E00, s15;
	v60 =	vld [tilespmem:s19+$0xFFFFFFF0];
	s15 =	sadd.s32 s25, s24;
	v26 =	vperm.xlane v15, v5;
	v27 =	vperm.xlane v10, v5  }
0x383: {  	v62 =	vld [tilespmem:s15+$0x10];
	v0 =	vadd.f32 v19, v0;
	v14 =	vadd.f32 v14, v17  }
0x384: {  	s18 =	sadd.s32 s11, s4;
	v40 =	vld [tilespmem:s15+$0x60];
	v25 =	vbroadcast v8, $0xC;
	v15 =	vadd.f32 v26, v15;
	v10 =	vadd.f32 v27, v10  }
0x385: {  	v31 =	vperm.xlane v1, v2;
	v23 =	vld [tilespmem:s18+$0x10];
	v17 =	vperm.xlane v4, v2  }
0x386: {  	v28 =	vld [tilespmem:s18+$0x60];
	v22 =	vmul.f32 v22, v25;
	v0 =	vsel vm0, v14, v0;
	v10 =	vsel vm0, v15, v10  }
0x387: {  	v29 =	vld [tilespmem:s18+$0x0];
	v4 =	vadd.f32 v17, v4;
	v15 =	vperm.xlane v0, v6;
	v17 =	vperm.xlane v10, v6  }
0x388: {  	v1 =	vadd.f32 v31, v1;
	v24 =	vld [tilespmem:s18+$0x20];
	v25 =	vperm.xlane v11, v2;
	v26 =	vperm.xlane v13, v2  }
0x389: {  	v16 =	vld [tilespmem:s18+$0x30];
	[tilespmem:s28+$0xFFFFFFC0] =	vst v22;
	v22 =	vperm.xlane v9, v2;
	v0 =	vadd.f32 v15, v0;
	v10 =	vadd.f32 v17, v10  }
0x38a: {  	v20 =	vld [tilespmem:s18+$0x50];
	v11 =	vadd.f32 v25, v11;
	v25 =	vperm.xlane v12, v2;
	v13 =	vadd.f32 v26, v13  }
0x38b: {  	v18 =	vld [tilespmem:s18+$0x40];
	v15 =	vperm.xlane v3, v2;
	v17 =	vperm.xlane v21, v2;
	v0 =	vsel vm3, v0, v10  }
0x38c: {  	v19 =	vld [tilespmem:s18+$0x70];
	v9 =	vadd.f32 v22, v9;
	v10 =	vadd.f32 v25, v12;
	v25 =	vperm.xlane v0, v7  }
0x38d: {  	v27 =	vld [tilespmem:s7+$0xFFFFFF10];
	v3 =	vadd.f32 v15, v3;
	v15 =	vadd.f32 v17, v21  }
0x38e: {  	s1 =	sadd.s32 s6, s14;
	v14 =	vld [tilespmem:s7+$0xFFFFFF20];
	v4 =	vsel vm2, v4, v11;
	v9 =	vsel vm2, v13, v9;
	v0 =	vadd.f32 v0, v25  }
0x38f: {  	v17 =	vld [tilespmem:s1+$0x0];
	v1 =	vsel vm2, v1, v10;
	v3 =	vsel vm2, v3, v15;
	v10 =	vperm.xlane v4, v5  }
0x390: {  	v30 =	vld [tilespmem:s10+$0x40];
	v15 =	vperm.xlane v9, v5;
	v21 =	vperm.xlane v1, v5;
	v0 =	vmax.f32 v0, $9.999999970e-07  }
0x391: {  	v26 =	vld [tilespmem:s7+$0xFFFFFF50];
	v4 =	vadd.f32 v10, v4;
	v10 =	vmin.f32 v0, $1.000000000e+00  }
0x392: {  	v22 =	vld [tilespmem:s7+$0xFFFFFF60];
	v9 =	vadd.f32 v15, v9;
	v0 =	vadd.f32 v21, v1;
	v21 =	vbroadcast v10, $0x0  }
0x393: {  	v11 =	vld [tilespmem:s7+$0xFFFFFF80];
	v27 =	vmul.f32 v27, v29  }
0x394: {  	v29 =	vld [tilespmem:s15+$0x30];
	v25 =	vperm.xlane v3, v5;
	v4 =	vsel vm0, v4, v9;
	v9 =	vmul.f32 v21, v17  }
0x395: {  	s20 =	simm.s32 $0x8FF0;
	v59 =	vbroadcast v8, $0x2;
	v14 =	vmul.f32 v14, v23;
	v23 =	vld [tilespmem:s15+$0x20]  }
0x396: {  	v12 =	vld [tilespmem:s7+$0xFFFFFF70];
	v1 =	vadd.f32 v25, v3;
	[tilespmem:s20+$0xFFFFFF90] =	vst v9  }
0x397: {  	v30 =	vmul.f32 v30, v59;
	v9 =	vld [tilespmem:s1+$0x10]  }
0x398: {  	v18 =	vmul.f32 v26, v18;
	v26 =	vld [tilespmem:s15+$0x40];
	v0 =	vsel vm0, v0, v1  }
0x399: {  	[tilespmem:s28+$0xFFFFFFD0] =	vst v30;
	v30 =	vld [tilespmem:s19+$0xFFFFFF90];
	v17 =	vperm.xlane v4, v6;
	v21 =	vperm.xlane v0, v6  }
0x39a: {  	v24 =	vmul.f32 v57, v24;
	v13 =	vld [tilespmem:s10+$0x50];
	v61 =	vbroadcast v10, $0x8  }
0x39b: {  	v15 =	vld [tilespmem:s19+$0xFFFFFFA0];
	v4 =	vadd.f32 v17, v4;
	v0 =	vadd.f32 v21, v0  }
0x39c: {  	v41 =	vperm.xlane v24, v2;
	v3 =	vld [tilespmem:s19+$0xFFFFFFB0];
	v9 =	vmul.f32 v61, v9  }
0x39d: {  	v16 =	vmul.f32 v58, v16;
	v20 =	vmul.f32 v22, v20;
	v0 =	vsel vm3, v4, v0;
	v4 =	vld [tilespmem:s15+$0x0]  }
0x39e: {  	v11 =	vmul.f32 v11, v19;
	v19 =	vbroadcast v8, $0xA;
	v25 =	vld [tilespmem:s19+$0xFFFFFFC0];
	[tilespmem:s20+$0xFFFFFFA0] =	vst v9  }
0x39f: {  	v63 =	vperm.xlane v14, v2;
	v12 =	vmul.f32 v12, v28;
	v22 =	vld [tilespmem:s1+$0x20]  }
0x3a0: {  	v28 =	vperm.xlane v27, v2;
	v43 =	vbroadcast v10, $0xC;
	v1 =	vld [tilespmem:s19+$0xFFFFFFD0]  }
0x3a1: {  	v13 =	vmul.f32 v13, v19;
	v19 =	vld [tilespmem:s15+$0x70];
	v15 =	vmul.f32 v15, v62  }
0x3a2: {  	v17 =	vld [tilespmem:s19+$0x0];
	v4 =	vmul.f32 v30, v4;
	v30 =	vbroadcast v10, $0x4  }
0x3a3: {  	v31 =	vld [tilespmem:s19+$0xFFFFFFE0];
	v3 =	vmul.f32 v3, v23;
	v23 =	vmul.f32 v25, v29  }
0x3a4: {  	v25 =	vmul.f32 v60, v40;
	v9 =	vld [tilespmem:s15+$0x50];
	v22 =	vmul.f32 v30, v22  }
0x3a5: {  	v1 =	vmul.f32 v1, v26;
	v29 =	vperm.xlane v3, v2  }
0x3a6: {  	v34 =	vperm.xlane v25, v2;
	v21 =	vperm.xlane v0, v7;
	[tilespmem:s20+$0xFFFFFFB0] =	vst v22  }
0x3a7: {  	v14 =	vadd.f32 v63, v14;
	v17 =	vmul.f32 v17, v19;
	v19 =	vperm.xlane v4, v2;
	v26 =	vld [tilespmem:s1+$0x30]  }
0x3a8: {  	s16 =	sadd.s32 s2, s24;
	[tilespmem:s28+$0xFFFFFFE0] =	vst v13;
	v13 =	vperm.xlane v1, v2;
	v3 =	vadd.f32 v29, v3;
	v29 =	vperm.xlane v16, v2  }
0x3a9: {  	v44 =	vld [tilespmem:s16+$0x0];
	v4 =	vadd.f32 v19, v4;
	v19 =	vperm.xlane v17, v2;
	v9 =	vmul.f32 v31, v9  }
0x3aa: {  	v45 =	vld [tilespmem:s16+$0x30];
	v25 =	vadd.f32 v34, v25;
	v1 =	vadd.f32 v13, v1;
	v30 =	vperm.xlane v23, v2  }
0x3ab: {  	v46 =	vld [tilespmem:s16+$0x60];
	v17 =	vadd.f32 v19, v17;
	v42 =	vperm.xlane v9, v2;
	v22 =	vperm.xlane v15, v2  }
0x3ac: {  	v47 =	vld [tilespmem:s16+$0x70];
	s18 =	simm.s32 $0x69F0;
	v13 =	vperm.xlane v18, v2;
	v23 =	vadd.f32 v30, v23;
	v26 =	vmul.f32 v26, v43  }
0x3ad: {  	v35 =	vld [tilespmem:s18+$0xFFFFFF90];
	v17 =	vsel vm2, v25, v17;
	v9 =	vadd.f32 v42, v9;
	v15 =	vadd.f32 v22, v15  }
0x3ae: {  	v38 =	vld [tilespmem:s18+$0xFFFFFFC0];
	v25 =	vadd.f32 v28, v27;
	v28 =	vperm.xlane v17, v5;
	v3 =	vsel vm2, v3, v23;
	[tilespmem:s20+$0xFFFFFFC0] =	vst v26  }
0x3af: {  	v1 =	vsel vm2, v1, v9;
	v23 =	vperm.xlane v3, v5;
	v4 =	vsel vm2, v4, v15;
	v9 =	vld [tilespmem:s1+$0x40]  }
0x3b0: {  	v51 =	vld [tilespmem:s18+$0xFFFFFFD0];
	v0 =	vadd.f32 v0, v21;
	v27 =	vperm.xlane v1, v5;
	v19 =	vperm.xlane v4, v5  }
0x3b1: {  	v53 =	vld [tilespmem:s18+$0x0];
	v17 =	vadd.f32 v28, v17;
	v3 =	vadd.f32 v23, v3;
	v23 =	vperm.xlane v20, v2  }
0x3b2: {  	s13 =	sadd.s32 s0, s3;
	v21 =	vld [tilespmem:s10+$0x60];
	v1 =	vadd.f32 v27, v1;
	v4 =	vadd.f32 v19, v4;
	v19 =	vbroadcast v10, $0x2  }
0x3b3: {  	v13 =	vadd.f32 v13, v18;
	v31 =	vld [tilespmem:s13+$0x0];
	v27 =	vperm.xlane v12, v2;
	v18 =	vadd.f32 v23, v20  }
0x3b4: {  	v30 =	vld [tilespmem:s16+$0x20];
	v1 =	vsel vm0, v1, v17;
	v3 =	vsel vm0, v4, v3;
	v9 =	vmul.f32 v9, v19  }
0x3b5: {  	v22 =	vld [tilespmem:s16+$0x10];
	v4 =	vadd.f32 v29, v16;
	v29 =	vperm.xlane v1, v6;
	v17 =	vperm.xlane v3, v6  }
0x3b6: {  	v28 =	vld [tilespmem:s19+$0xFFFFFF10];
	v12 =	vadd.f32 v27, v12;
	v19 =	vadd.f32 v41, v24;
	[tilespmem:s20+$0xFFFFFFD0] =	vst v9;
	v9 =	vperm.xlane v11, v2  }
0x3b7: {  	v1 =	vadd.f32 v29, v1;
	v3 =	vadd.f32 v17, v3;
	v20 =	vld [tilespmem:s1+$0x50]  }
0x3b8: {  	v23 =	vld [tilespmem:s19+$0xFFFFFF40];
	v13 =	vsel vm2, v13, v18;
	v4 =	vsel vm2, v19, v4;
	v9 =	vadd.f32 v9, v11  }
0x3b9: {  	v16 =	vld [tilespmem:s19+$0xFFFFFF30];
	v1 =	vsel vm3, v3, v1;
	v3 =	vbroadcast v10, $0xA;
	v27 =	vperm.xlane v4, v5  }
0x3ba: {  	v18 =	vld [tilespmem:s19+$0xFFFFFF70];
	v11 =	vsel vm2, v25, v14;
	v25 =	vperm.xlane v1, v7;
	v12 =	vsel vm2, v12, v9  }
0x3bb: {  	s12 =	sadd.s32 $0x2E00, s23;
	v0 =	vmax.f32 v0, $9.999999970e-07;
	v29 =	vld [tilespmem:s19+$0xFFFFFF80];
	v14 =	vperm.xlane v11, v5;
	v48 =	vperm.xlane v12, v5  }
0x3bc: {  	s9 =	sadd.s32 s25, s12;
	v17 =	vld [tilespmem:s19+$0xFFFFFF50];
	v1 =	vadd.f32 v1, v25;
	v3 =	vmul.f32 v20, v3;
	v20 =	vperm.xlane v13, v5  }
0x3bd: {  	v4 =	vadd.f32 v27, v4;
	v9 =	vmin.f32 v0, $1.000000000e+00;
	v0 =	vadd.f32 v14, v11;
	v14 =	vld [tilespmem:s9+$0x0]  }
0x3be: {  	v24 =	vld [tilespmem:s19+$0xFFFFFF20];
	v1 =	vmax.f32 v1, $9.999999970e-07;
	v12 =	vadd.f32 v48, v12;
	[tilespmem:s20+$0xFFFFFFE0] =	vst v3;
	v3 =	vadd.f32 v20, v13  }
0x3bf: {  	s21 =	simm.s32 $0x300;
	v50 =	vbroadcast v8, $0x6;
	v19 =	vld [tilespmem:s19+$0xFFFFFF60];
	s19 =	simm.s32 $0x600;
	v11 =	vmin.f32 v1, $1.000000000e+00  }
0x3c0: {  	s3 =	sand.u32 $0x300, s21;
	v15 =	vld [tilespmem:s16+$0x40];
	s22 =	sand.u32 $0x3800, s19;
	v0 =	vsel vm0, v0, v4;
	v4 =	vbroadcast v11, $0x0;
	v1 =	vsel vm0, v3, v12  }
0x3c1: {  	s24 =	sor.u32 $0x80, s3;
	v26 =	vld [tilespmem:s16+$0x50];
	s23 =	sadd.s32 $0x2A00, s22;
	v12 =	vperm.xlane v0, v6;
	v49 =	vperm.xlane v1, v6  }
0x3c2: {  	v8 =	vbroadcast v8, $0xE;
	v27 =	vld [tilespmem:s18+$0xFFFFFFA0];
	s25 =	sadd.s32 s24, s23;
	v4 =	vmul.f32 v4, v14  }
0x3c3: {  	s7 =	simm.s32 $0x90F0;
	v22 =	vmul.f32 v24, v22;
	v24 =	vld [tilespmem:s25+$0x0];
	v0 =	vadd.f32 v12, v0;
	v1 =	vadd.f32 v49, v1  }
0x3c4: {  	v59 =	vbroadcast v10, $0x6;
	v21 =	vmul.f32 v21, v50;
	v54 =	vld [tilespmem:s25+$0x10];
	[tilespmem:s7+$0xFFFFFF90] =	vst v4  }
0x3c5: {  	v28 =	vmul.f32 v28, v44;
	v23 =	vmul.f32 v23, v45;
	v0 =	vsel vm3, v0, v1;
	v1 =	vld [tilespmem:s9+$0x10]  }
0x3c6: {  	v16 =	vmul.f32 v16, v30;
	v18 =	vmul.f32 v18, v46;
	v55 =	vld [tilespmem:s25+$0x40]  }
0x3c7: {  	v58 =	vperm.xlane v23, v2;
	v15 =	vmul.f32 v17, v15;
	v63 =	vld [tilespmem:s25+$0x60]  }
0x3c8: {  	v17 =	vmul.f32 v19, v26;
	v19 =	vld [tilespmem:s25+$0x20];
	v30 =	vbroadcast v11, $0x8  }
0x3c9: {  	v29 =	vmul.f32 v29, v47;
	v57 =	vperm.xlane v16, v2;
	v26 =	vld [tilespmem:s25+$0x30]  }
0x3ca: {  	v25 =	vbroadcast v9, $0x0;
	v20 =	vld [tilespmem:s1+$0x60];
	v1 =	vmul.f32 v30, v1  }
0x3cb: {  	v61 =	vperm.xlane v15, v2;
	v56 =	vperm.xlane v22, v2;
	v3 =	vld [tilespmem:s18+$0xFFFFFFB0]  }
0x3cc: {  	v25 =	vmul.f32 v25, v31;
	v31 =	vld [tilespmem:s18+$0xFFFFFFF0];
	v62 =	vperm.xlane v17, v2;
	[tilespmem:s7+$0xFFFFFFA0] =	vst v1  }
0x3cd: {  	v35 =	vmul.f32 v35, v24;
	v24 =	vbroadcast v11, $0x4;
	v60 =	vld [tilespmem:s9+$0x20]  }
0x3ce: {  	[tilespmem:s28+$0xFFFFFFF0] =	vst v21;
	v21 =	vadd.f32 v56, v22;
	v22 =	vmul.f32 v51, v55;
	v49 =	vld [tilespmem:s25+$0x70];
	v4 =	vperm.xlane v0, v7  }
0x3cf: {  	v52 =	vld [tilespmem:s18+$0xFFFFFFE0];
	v23 =	vadd.f32 v58, v23;
	v26 =	vmul.f32 v38, v26;
	v20 =	vmul.f32 v20, v59  }
0x3d0: {  	v3 =	vmul.f32 v3, v19;
	v0 =	vadd.f32 v0, v4;
	v4 =	vmul.f32 v27, v54;
	v1 =	vld [tilespmem:s25+$0x50]  }
0x3d1: {  	v16 =	vadd.f32 v57, v16;
	[tilespmem:s20+$0xFFFFFFF0] =	vst v20;
	v20 =	vperm.xlane v22, v2;
	v30 =	vperm.xlane v28, v2  }
0x3d2: {  	s21 =	sadd.s32 s11, s14;
	s14 =	sadd.s32 s3, s23;
	v15 =	vadd.f32 v61, v15;
	v50 =	vperm.xlane v4, v2;
	v24 =	vmul.f32 v24, v60  }
0x3d3: {  	v34 =	vld [tilespmem:s14+$0x20];
	v19 =	vadd.f32 v30, v28;
	v30 =	vmul.f32 v31, v63;
	v31 =	vmul.f32 v53, v49  }
0x3d4: {  	v36 =	vld [tilespmem:s14+$0x30];
	v20 =	vadd.f32 v20, v22;
	v28 =	vperm.xlane v35, v2;
	v53 =	vperm.xlane v26, v2;
	[tilespmem:s7+$0xFFFFFFB0] =	vst v24  }
0x3d5: {  	v4 =	vadd.f32 v50, v4;
	v55 =	vperm.xlane v30, v2;
	v1 =	vmul.f32 v52, v1;
	v51 =	vld [tilespmem:s9+$0x30]  }
0x3d6: {  	v32 =	vld [tilespmem:s14+$0x40];
	v35 =	vadd.f32 v28, v35;
	v57 =	vperm.xlane v31, v2;
	v52 =	vperm.xlane v3, v2  }
0x3d7: {  	v61 =	vld [tilespmem:s18+$0xFFFFFF40];
	v26 =	vadd.f32 v53, v26;
	v30 =	vadd.f32 v55, v30;
	v54 =	vperm.xlane v1, v2  }
0x3d8: {  	v56 =	vbroadcast v11, $0xC;
	[tilespmem:s28+$0xFFFFFF10] =	vst v25;
	v25 =	vld [tilespmem:s21+$0x0];
	v31 =	vadd.f32 v57, v31;
	v3 =	vadd.f32 v52, v3  }
0x3d9: {  	v37 =	vld [tilespmem:s13+$0x10];
	v22 =	vperm.xlane v29, v2;
	v4 =	vsel vm2, v35, v4;
	v1 =	vadd.f32 v54, v1  }
0x3da: {  	v38 =	vld [tilespmem:s14+$0x60];
	v3 =	vsel vm2, v3, v26;
	v26 =	vsel vm2, v30, v31;
	v33 =	vmul.f32 v51, v56  }
0x3db: {  	v59 =	vld [tilespmem:s18+$0xFFFFFF10];
	v30 =	vperm.xlane v4, v5;
	v31 =	vperm.xlane v3, v5;
	v1 =	vsel vm2, v20, v1  }
0x3dc: {  	v27 =	vld [tilespmem:s10+$0x70];
	v22 =	vadd.f32 v22, v29;
	v58 =	vperm.xlane v26, v5;
	v29 =	vperm.xlane v1, v5;
	[tilespmem:s7+$0xFFFFFFC0] =	vst v33  }
0x3dd: {  	v48 =	vperm.xlane v18, v2;
	v4 =	vadd.f32 v30, v4;
	v3 =	vadd.f32 v31, v3;
	v20 =	vld [tilespmem:s9+$0x40]  }
0x3de: {  	v39 =	vld [tilespmem:s1+$0x70];
	v19 =	vsel vm2, v19, v21;
	v21 =	vadd.f32 v58, v26;
	v1 =	vadd.f32 v29, v1  }
0x3df: {  	v16 =	vsel vm2, v16, v23;
	v17 =	vadd.f32 v62, v17;
	v18 =	vadd.f32 v48, v18;
	v28 =	vld [tilespmem:s14+$0x10]  }
0x3e0: {  	v60 =	vld [tilespmem:s18+$0xFFFFFF30];
	v30 =	vbroadcast v11, $0x2;
	v3 =	vsel vm0, v4, v3;
	v1 =	vsel vm0, v1, v21  }
0x3e1: {  	v24 =	vld [tilespmem:s14+$0x0];
	v4 =	vsel vm2, v18, v22;
	v18 =	vperm.xlane v3, v6;
	v21 =	vperm.xlane v1, v6  }
0x3e2: {  	v15 =	vsel vm2, v15, v17;
	v8 =	vmul.f32 v27, v8;
	v31 =	vld [tilespmem:s14+$0x70];
	v17 =	vmul.f32 v20, v30  }
0x3e3: {  	v33 =	vld [tilespmem:s14+$0x50];
	v3 =	vadd.f32 v18, v3;
	v1 =	vadd.f32 v21, v1;
	v20 =	vperm.xlane v19, v5  }
0x3e4: {  	v30 =	vld [tilespmem:s18+$0xFFFFFF20];
	[tilespmem:s7+$0xFFFFFFD0] =	vst v17;
	v17 =	vperm.xlane v16, v5  }
0x3e5: {  	v22 =	vperm.xlane v15, v5;
	v1 =	vsel vm3, v3, v1;
	v20 =	vadd.f32 v20, v19;
	v23 =	vld [tilespmem:s9+$0x50];
	[tilespmem:$0x1FEF0] =	vst v8  }
0x3e6: {  	v19 =	vperm.xlane v4, v5;
	v8 =	vadd.f32 v17, v16;
	v62 =	vld [tilespmem:s18+$0xFFFFFF50];
	v16 =	vperm.xlane v1, v7  }
0x3e7: {  	v15 =	vadd.f32 v22, v15;
	v63 =	vld [tilespmem:s18+$0xFFFFFF60]  }
0x3e8: {  	v4 =	vadd.f32 v19, v4;
	v56 =	vld [tilespmem:s18+$0xFFFFFF70];
	v1 =	vadd.f32 v1, v16;
	v16 =	vbroadcast v9, $0xA  }
0x3e9: {  	v3 =	vbroadcast v11, $0xA;
	v57 =	vld [tilespmem:s18+$0xFFFFFF80];
	s18 =	simm.s32 $0x6AF0;
	v8 =	vsel vm0, v20, v8  }
0x3ea: {  	v46 =	vld [tilespmem:s18+$0xFFFFFF90];
	v4 =	vsel vm0, v15, v4;
	v15 =	vperm.xlane v8, v6;
	[tilespmem:$0x1FEC0] =	vst v16;
	v16 =	vbroadcast v9, $0x6  }
0x3eb: {  	v17 =	vperm.xlane v4, v6;
	v3 =	vmul.f32 v23, v3  }
0x3ec: {  	v0 =	vmax.f32 v0, $9.999999970e-07;
	s14 =	sadd.s32 $0x2E00, s22;
	[tilespmem:$0x1FEE0] =	vst v16  }
0x3ed: {  	v0 =	vmin.f32 v0, $1.000000000e+00;
	s0 =	sadd.s32 s24, s14;
	v4 =	vadd.f32 v17, v4;
	[tilespmem:s7+$0xFFFFFFE0] =	vst v3;
	v3 =	vadd.f32 v15, v8  }
0x3ee: {  	v1 =	vmax.f32 v1, $9.999999970e-07;
	v16 =	vld [tilespmem:s0+$0x0];
	v8 =	vbroadcast v0, $0x0  }
0x3ef: {  	v10 =	vbroadcast v10, $0xE;
	v48 =	vld [tilespmem:s18+$0xFFFFFFA0];
	v15 =	vmin.f32 v1, $1.000000000e+00;
	v1 =	vsel vm3, v3, v4  }
0x3f0: {  	v50 =	vld [tilespmem:s18+$0xFFFFFFC0];
	v49 =	vmul.f32 v8, v25;
	v8 =	vperm.xlane v1, v7  }
0x3f1: {  	v51 =	vld [tilespmem:s18+$0xFFFFFFD0];
	v4 =	vbroadcast v15, $0x0  }
0x3f2: {  	v52 =	vld [tilespmem:s18+$0xFFFFFFE0];
	v1 =	vadd.f32 v1, v8;
	v8 =	vmul.f32 v39, v10  }
0x3f3: {  	v13 =	vbroadcast v9, $0x8;
	v58 =	vld [tilespmem:s9+$0x60];
	v4 =	vmul.f32 v4, v16  }
0x3f4: {  	v14 =	vbroadcast v9, $0xC;
	v36 =	vmul.f32 v61, v36;
	s10 =	simm.s32 $0x91F0;
	v3 =	vld [tilespmem:s18+$0xFFFFFFB0];
	[tilespmem:$0x1FF00] =	vst v8  }
0x3f5: {  	v12 =	vbroadcast v9, $0x4;
	[tilespmem:s10+$0xFFFFFF90] =	vst v4;
	v4 =	vbroadcast v0, $0xA  }
0x3f6: {  	s19 =	simm.s32 $0x800;
	v37 =	vmul.f32 v13, v37;
	v55 =	vperm.xlane v36, v2;
	s22 =	simm.s32 $0x400  }
0x3f7: {  	s23 =	sand.u32 $0x3800, s19;
	v29 =	vbroadcast v0, $0x2;
	v22 =	vbroadcast v0, $0xC;
	s16 =	sand.u32 $0x300, s22;
	v39 =	vld [tilespmem:s18+$0xFFFFFFF0];
	[tilespmem:$0x1FED0] =	vst v4  }
0x3f8: {  	s24 =	sadd.s32 $0x2A00, s23;
	s25 =	sor.u32 $0x80, s16;
	v23 =	vbroadcast v0, $0x8;
	v16 =	vbroadcast v0, $0x4;
	v4 =	vld [tilespmem:s0+$0x10]  }
0x3f9: {  	s11 =	sadd.s32 s25, s24;
	v10 =	vbroadcast v0, $0x6;
	v1 =	vmax.f32 v1, $9.999999970e-07;
	v8 =	vbroadcast v0, $0xE;
	v0 =	vld [tilespmem:s18+$0x0]  }
0x3fa: {  	v24 =	vmul.f32 v59, v24;
	v28 =	vmul.f32 v30, v28;
	v26 =	vmin.f32 v1, $1.000000000e+00;
	v1 =	vld [tilespmem:s11+$0x0]  }
0x3fb: {  	v30 =	vmul.f32 v60, v34;
	v59 =	vbroadcast v15, $0x8;
	v53 =	vld [tilespmem:s11+$0x10]  }
0x3fc: {  	v41 =	vperm.xlane v24, v2;
	v44 =	vperm.xlane v28, v2;
	v34 =	vld [tilespmem:s11+$0x20]  }
0x3fd: {  	v45 =	vperm.xlane v30, v2;
	v60 =	vld [tilespmem:s11+$0x30];
	v4 =	vmul.f32 v59, v4  }
0x3fe: {  	v32 =	vmul.f32 v62, v32;
	v33 =	vmul.f32 v63, v33;
	v61 =	vld [tilespmem:s11+$0x40]  }
0x3ff: {  	v31 =	vmul.f32 v57, v31;
	v62 =	vbroadcast v11, $0x6;
	v57 =	vld [tilespmem:s11+$0x60];
	[tilespmem:s10+$0xFFFFFFA0] =	vst v4  }
0x400: {  	v38 =	vmul.f32 v56, v38;
	v11 =	vbroadcast v11, $0xE;
	v63 =	vld [tilespmem:s0+$0x20]  }
0x401: {  	v24 =	vadd.f32 v41, v24;
	v41 =	vperm.xlane v33, v2;
	v42 =	vmul.f32 v58, v62;
	v58 =	vld [tilespmem:s11+$0x70]  }
0x402: {  	v1 =	vmul.f32 v46, v1;
	v59 =	vbroadcast v15, $0x4  }
0x403: {  	v36 =	vadd.f32 v55, v36;
	v48 =	vmul.f32 v48, v53;
	v3 =	vmul.f32 v3, v34;
	v4 =	vld [tilespmem:s11+$0x50]  }
0x404: {  	v30 =	vadd.f32 v45, v30;
	v34 =	vmul.f32 v50, v60;
	v40 =	vmul.f32 v51, v61  }
0x405: {  	[tilespmem:s20+$0xFFFFFF10] =	vst v49;
	v39 =	vmul.f32 v39, v57;
	v60 =	vmul.f32 v59, v63  }
0x406: {  	v30 =	vsel vm2, v30, v36;
	[tilespmem:s28+$0xFFFFFF20] =	vst v37;
	v36 =	vld [tilespmem:s18+$0xFFFFFF40];
	v0 =	vmul.f32 v0, v58;
	v61 =	vperm.xlane v1, v2  }
0x407: {  	v37 =	vld [tilespmem:s21+$0x10];
	v62 =	vperm.xlane v48, v2;
	v50 =	vperm.xlane v34, v2;
	[tilespmem:s10+$0xFFFFFFB0] =	vst v60  }
0x408: {  	v28 =	vadd.f32 v44, v28;
	[tilespmem:s7+$0xFFFFFFF0] =	vst v42;
	v57 =	vperm.xlane v40, v2;
	v4 =	vmul.f32 v52, v4;
	v47 =	vld [tilespmem:s0+$0x30]  }
0x409: {  	v44 =	vld [tilespmem:s9+$0x70];
	v1 =	vadd.f32 v61, v1;
	v61 =	vadd.f32 v62, v48;
	v62 =	vperm.xlane v0, v2  }
0x40a: {  	s19 =	simm.s32 $0x6BF0;
	v51 =	vld [tilespmem:s13+$0x20];
	v40 =	vadd.f32 v57, v40;
	v59 =	vperm.xlane v39, v2;
	v58 =	vperm.xlane v4, v2  }
0x40b: {  	v46 =	vld [tilespmem:s19+$0xFFFFFFB0];
	s11 =	sadd.s32 s2, s12;
	v0 =	vadd.f32 v62, v0;
	v63 =	vperm.xlane v3, v2;
	v60 =	vbroadcast v15, $0xC  }
0x40c: {  	v49 =	vperm.xlane v32, v2;
	s12 =	sadd.s32 s16, s24;
	v43 =	vld [tilespmem:s11+$0x0];
	v39 =	vadd.f32 v59, v39;
	v4 =	vadd.f32 v58, v4  }
0x40d: {  	v54 =	vld [tilespmem:s12+$0x0];
	v34 =	vadd.f32 v50, v34;
	v3 =	vadd.f32 v63, v3;
	v47 =	vmul.f32 v47, v60  }
0x40e: {  	v42 =	vld [tilespmem:s12+$0x30];
	v1 =	vsel vm2, v1, v61;
	v0 =	vsel vm2, v39, v0;
	v4 =	vsel vm2, v40, v4  }
0x40f: {  	v35 =	vld [tilespmem:s12+$0x40];
	v3 =	vsel vm2, v3, v34;
	v59 =	vperm.xlane v0, v5;
	v58 =	vperm.xlane v4, v5;
	[tilespmem:s10+$0xFFFFFFC0] =	vst v47  }
0x410: {  	v32 =	vadd.f32 v49, v32;
	v56 =	vperm.xlane v1, v5;
	v57 =	vperm.xlane v3, v5;
	v63 =	vld [tilespmem:s0+$0x40]  }
0x411: {  	v13 =	vbroadcast v26, $0x0;
	v45 =	vld [tilespmem:s12+$0x50];
	v0 =	vadd.f32 v59, v0;
	v4 =	vadd.f32 v58, v4  }
0x412: {  	v17 =	vbroadcast v26, $0x8;
	v53 =	vld [tilespmem:s12+$0x70];
	v1 =	vadd.f32 v56, v1;
	v3 =	vadd.f32 v57, v3  }
0x413: {  	v48 =	vld [tilespmem:s12+$0x10];
	v61 =	vperm.xlane v38, v2;
	v60 =	vbroadcast v15, $0x2;
	v0 =	vsel vm0, v4, v0  }
0x414: {  	v37 =	vmul.f32 v23, v37;
	v50 =	vld [tilespmem:s12+$0x20];
	v1 =	vsel vm0, v1, v3;
	v49 =	vperm.xlane v0, v6  }
0x415: {  	v55 =	vadd.f32 v61, v38;
	v38 =	vld [tilespmem:s18+$0xFFFFFF60];
	v34 =	vmul.f32 v63, v60;
	v63 =	vperm.xlane v1, v6  }
0x416: {  	v24 =	vsel vm2, v24, v28;
	v23 =	vbroadcast v26, $0x4;
	v62 =	vperm.xlane v31, v2;
	v61 =	vld [tilespmem:s18+$0xFFFFFF80]  }
0x417: {  	v11 =	vmul.f32 v44, v11;
	v39 =	vld [tilespmem:s18+$0xFFFFFF20];
	v0 =	vadd.f32 v49, v0;
	[tilespmem:s10+$0xFFFFFFD0] =	vst v34;
	v1 =	vadd.f32 v63, v1  }
0x418: {  	v31 =	vadd.f32 v62, v31;
	v43 =	vmul.f32 v13, v43;
	v56 =	vperm.xlane v24, v5;
	v28 =	vld [tilespmem:s0+$0x50]  }
0x419: {  	v36 =	vmul.f32 v36, v42;
	v3 =	vadd.f32 v41, v33;
	v47 =	vld [tilespmem:s18+$0xFFFFFF10];
	v0 =	vsel vm3, v1, v0  }
0x41a: {  	v31 =	vsel vm2, v55, v31;
	v24 =	vadd.f32 v56, v24;
	v4 =	vld [tilespmem:s18+$0xFFFFFF30];
	v59 =	vperm.xlane v0, v7  }
0x41b: {  	s1 =	sadd.s32 $0x2E00, s23;
	v57 =	vperm.xlane v30, v5;
	v3 =	vsel vm2, v32, v3;
	v32 =	vld [tilespmem:s18+$0xFFFFFF70];
	v1 =	vbroadcast v15, $0xA  }
0x41c: {  	v58 =	vperm.xlane v3, v5;
	v60 =	vperm.xlane v31, v5;
	v34 =	vld [tilespmem:s18+$0xFFFFFF50];
	s18 =	sadd.s32 s25, s1;
	v0 =	vadd.f32 v0, v59  }
0x41d: {  	v38 =	vmul.f32 v38, v45;
	v30 =	vadd.f32 v57, v30;
	v1 =	vmul.f32 v28, v1;
	v28 =	vld [tilespmem:s18+$0x0]  }
0x41e: {  	v52 =	vld [tilespmem:s12+$0x60];
	v3 =	vadd.f32 v58, v3;
	v13 =	vadd.f32 v60, v31;
	v0 =	vmax.f32 v0, $9.999999970e-07  }
0x41f: {  	v40 =	vld [tilespmem:s19+$0xFFFFFF90];
	[tilespmem:s10+$0xFFFFFFE0] =	vst v1;
	v1 =	vmul.f32 v12, v51;
	v12 =	vsel vm0, v24, v30;
	v24 =	vmin.f32 v0, $1.000000000e+00  }
0x420: {  	v41 =	vld [tilespmem:s19+$0xFFFFFFA0];
	v33 =	vbroadcast v26, $0x2;
	v3 =	vsel vm0, v3, v13;
	v62 =	vbroadcast v24, $0x0  }
0x421: {  	v0 =	vperm.xlane v3, v6;
	v51 =	vld [tilespmem:s19+$0xFFFFFFC0];
	v13 =	vperm.xlane v12, v6  }
0x422: {  	v39 =	vmul.f32 v39, v48;
	v31 =	vld [tilespmem:s0+$0x60];
	v63 =	vmul.f32 v62, v28  }
0x423: {  	s4 =	simm.s32 $0xA00;
	s6 =	simm.s32 $0x500;
	s12 =	simm.s32 $0x92F0;
	v57 =	vperm.xlane v36, v2;
	v0 =	vadd.f32 v0, v3;
	v3 =	vld [tilespmem:s19+$0xFFFFFFD0];
	[tilespmem:$0x1FF10] =	vst v11;
	v12 =	vadd.f32 v13, v12  }
0x424: {  	s15 =	sand.u32 $0x3800, s4;
	s2 =	sand.u32 $0x300, s6;
	v30 =	vbroadcast v26, $0xC;
	v11 =	vbroadcast v26, $0xE;
	[tilespmem:s12+$0xFFFFFF90] =	vst v63  }
0x425: {  	s24 =	sadd.s32 $0x2A00, s15;
	s25 =	sor.u32 $0x80, s2;
	v13 =	vbroadcast v26, $0xA;
	v0 =	vsel vm3, v12, v0;
	v12 =	vbroadcast v26, $0x6;
	v26 =	vld [tilespmem:s18+$0x10]  }
0x426: {  	v49 =	vmul.f32 v61, v53;
	v58 =	vbroadcast v15, $0x6;
	s22 =	sadd.s32 s25, s24;
	v48 =	vld [tilespmem:s19+$0x0]  }
0x427: {  	v47 =	vmul.f32 v47, v54;
	v4 =	vmul.f32 v4, v50;
	v42 =	vld [tilespmem:s22+$0x0]  }
0x428: {  	v54 =	vperm.xlane v38, v2;
	v60 =	vbroadcast v24, $0x8;
	v50 =	vld [tilespmem:s22+$0x10]  }
0x429: {  	v32 =	vmul.f32 v32, v52;
	v35 =	vmul.f32 v34, v35;
	v45 =	vld [tilespmem:s22+$0x20]  }
0x42a: {  	v61 =	vperm.xlane v47, v2;
	v52 =	vld [tilespmem:s22+$0x30];
	[tilespmem:s20+$0xFFFFFF20] =	vst v37;
	v26 =	vmul.f32 v60, v26  }
0x42b: {  	v36 =	vadd.f32 v57, v36;
	v53 =	vperm.xlane v35, v2;
	v55 =	vld [tilespmem:s22+$0x40];
	[tilespmem:s28+$0xFFFFFF30] =	vst v1;
	v59 =	vperm.xlane v0, v7  }
0x42c: {  	v38 =	vadd.f32 v54, v38;
	v15 =	vbroadcast v15, $0xE;
	v57 =	vbroadcast v24, $0x4;
	v1 =	vld [tilespmem:s21+$0x20];
	[tilespmem:s12+$0xFFFFFFA0] =	vst v26  }
0x42d: {  	v35 =	vadd.f32 v53, v35;
	v62 =	vperm.xlane v39, v2;
	v0 =	vadd.f32 v0, v59;
	v59 =	vld [tilespmem:s18+$0x20]  }
0x42e: {  	v47 =	vadd.f32 v61, v47;
	v63 =	vld [tilespmem:s22+$0x70];
	v31 =	vmul.f32 v31, v58;
	v58 =	vbroadcast v24, $0xC  }
0x42f: {  	v44 =	vld [tilespmem:s19+$0xFFFFFFE0];
	v35 =	vsel vm2, v35, v38;
	v40 =	vmul.f32 v40, v42;
	v41 =	vmul.f32 v41, v50  }
0x430: {  	v56 =	vld [tilespmem:s19+$0xFFFFFFF0];
	v39 =	vadd.f32 v62, v39;
	v45 =	vmul.f32 v46, v45;
	v46 =	vmul.f32 v51, v52  }
0x431: {  	v61 =	vld [tilespmem:s22+$0x60];
	v3 =	vmul.f32 v3, v55;
	v21 =	vmul.f32 v16, v1;
	v0 =	vmax.f32 v0, $9.999999970e-07  }
0x432: {  	v34 =	vmin.f32 v0, $1.000000000e+00;
	v0 =	vperm.xlane v4, v2;
	v26 =	vld [tilespmem:s22+$0x50];
	v42 =	vmul.f32 v57, v59  }
0x433: {  	s14 =	sadd.s32 s3, s14;
	[tilespmem:s7+$0xFFFFFF10] =	vst v43;
	v37 =	vsel vm2, v47, v39;
	v48 =	vmul.f32 v48, v63;
	v60 =	vperm.xlane v32, v2  }
0x434: {  	v43 =	vld [tilespmem:s14+$0x0];
	v62 =	vperm.xlane v45, v2;
	v0 =	vadd.f32 v0, v4;
	v4 =	vperm.xlane v49, v2;
	[tilespmem:s12+$0xFFFFFFB0] =	vst v42  }
0x435: {  	s23 =	sadd.s32 s2, s24;
	[tilespmem:s10+$0xFFFFFFF0] =	vst v31;
	v63 =	vperm.xlane v46, v2;
	v31 =	vperm.xlane v3, v2;
	v32 =	vadd.f32 v60, v32;
	v47 =	vld [tilespmem:s18+$0x30]  }
0x436: {  	v54 =	vld [tilespmem:s23+$0x0];
	v60 =	vperm.xlane v40, v2;
	v4 =	vadd.f32 v4, v49;
	v49 =	vmul.f32 v56, v61  }
0x437: {  	s3 =	simm.s32 $0x6CF0;
	v53 =	vld [tilespmem:s23+$0x30];
	v3 =	vadd.f32 v31, v3;
	v61 =	vperm.xlane v41, v2;
	v26 =	vmul.f32 v44, v26  }
0x438: {  	v19 =	vld [tilespmem:s3+$0xFFFFFF90];
	v0 =	vsel vm2, v0, v36;
	v39 =	vadd.f32 v60, v40;
	v60 =	vperm.xlane v48, v2  }
0x439: {  	v51 =	vld [tilespmem:s13+$0x30];
	v36 =	vadd.f32 v62, v45;
	v31 =	vperm.xlane v0, v5;
	v38 =	vperm.xlane v26, v2  }
0x43a: {  	v50 =	vld [tilespmem:s23+$0x20];
	v57 =	vperm.xlane v49, v2;
	v59 =	vadd.f32 v61, v41;
	v62 =	vmul.f32 v47, v58  }
0x43b: {  	v40 =	vld [tilespmem:s23+$0x40];
	v4 =	vsel vm2, v32, v4;
	v61 =	vadd.f32 v63, v46;
	v26 =	vadd.f32 v38, v26  }
0x43c: {  	v32 =	vld [tilespmem:s0+$0x70];
	v63 =	vperm.xlane v37, v5;
	v41 =	vadd.f32 v60, v48;
	v52 =	vadd.f32 v57, v49;
	[tilespmem:s12+$0xFFFFFFC0] =	vst v62  }
0x43d: {  	v39 =	vsel vm2, v39, v59;
	v36 =	vsel vm2, v36, v61;
	v3 =	vsel vm2, v3, v26;
	v26 =	vld [tilespmem:s18+$0x40]  }
0x43e: {  	v44 =	vld [tilespmem:s11+$0x10];
	v55 =	vperm.xlane v39, v5;
	v45 =	vperm.xlane v36, v5;
	v38 =	vsel vm2, v52, v41  }
0x43f: {  	v46 =	vld [tilespmem:s23+$0x50];
	v57 =	vperm.xlane v38, v5;
	v56 =	vperm.xlane v3, v5  }
0x440: {  	v48 =	vld [tilespmem:s19+$0xFFFFFF10];
	v39 =	vadd.f32 v55, v39;
	v36 =	vadd.f32 v45, v36;
	v58 =	vbroadcast v24, $0x2  }
0x441: {  	v60 =	vperm.xlane v4, v5;
	v42 =	vld [tilespmem:s23+$0x10];
	v38 =	vadd.f32 v57, v38;
	v3 =	vadd.f32 v56, v3  }
0x442: {  	v0 =	vadd.f32 v31, v0;
	v49 =	vld [tilespmem:s23+$0x60];
	v59 =	vperm.xlane v35, v5;
	v26 =	vmul.f32 v26, v58  }
0x443: {  	v4 =	vadd.f32 v60, v4;
	v52 =	vld [tilespmem:s23+$0x70];
	v61 =	vsel vm0, v39, v36;
	v3 =	vsel vm0, v3, v38  }
0x444: {  	v31 =	vadd.f32 v59, v35;
	v41 =	vld [tilespmem:s19+$0xFFFFFF20];
	v36 =	vperm.xlane v61, v6;
	v38 =	vperm.xlane v3, v6;
	[tilespmem:s12+$0xFFFFFFD0] =	vst v26  }
0x445: {  	v16 =	vbroadcast v34, $0xA;
	v20 =	vmul.f32 v51, v14;
	v37 =	vadd.f32 v63, v37;
	v63 =	vld [tilespmem:s18+$0x50]  }
0x446: {  	v55 =	vld [tilespmem:s19+$0xFFFFFF50];
	v4 =	vsel vm0, v31, v4;
	v31 =	vadd.f32 v36, v61;
	v3 =	vadd.f32 v38, v3  }
0x447: {  	v1 =	vmul.f32 v32, v15;
	v45 =	vld [tilespmem:s19+$0xFFFFFF60];
	v62 =	vbroadcast v34, $0x0  }
0x448: {  	v15 =	vbroadcast v34, $0x6;
	v39 =	vld [tilespmem:s19+$0xFFFFFF30];
	v3 =	vsel vm3, v31, v3;
	v31 =	vbroadcast v24, $0xA  }
0x449: {  	v57 =	vld [tilespmem:s19+$0xFFFFFF80];
	v43 =	vmul.f32 v62, v43;
	v62 =	vperm.xlane v3, v7  }
0x44a: {  	s0 =	sadd.s32 $0x2E00, s15;
	v44 =	vmul.f32 v17, v44;
	v47 =	vld [tilespmem:s19+$0xFFFFFF40];
	v17 =	vmul.f32 v63, v31  }
0x44b: {  	v0 =	vsel vm0, v37, v0;
	s23 =	sadd.s32 s25, s0;
	v48 =	vmul.f32 v48, v54;
	v56 =	vld [tilespmem:s19+$0xFFFFFF70];
	v3 =	vadd.f32 v3, v62  }
0x44c: {  	v37 =	vbroadcast v34, $0xC;
	v60 =	vperm.xlane v0, v6;
	v38 =	vld [tilespmem:s23+$0x0];
	[tilespmem:s12+$0xFFFFFFE0] =	vst v17  }
0x44d: {  	v54 =	vperm.xlane v48, v2;
	v41 =	vmul.f32 v41, v42;
	v3 =	vmax.f32 v3, $9.999999970e-07;
	v58 =	vld [tilespmem:s18+$0x60];
	[tilespmem:$0x1FF20] =	vst v1  }
0x44e: {  	v61 =	vperm.xlane v4, v6;
	v40 =	vmul.f32 v55, v40;
	v35 =	vmin.f32 v3, $1.000000000e+00;
	v59 =	vld [tilespmem:s3+$0xFFFFFFA0]  }
0x44f: {  	v39 =	vmul.f32 v39, v50;
	v14 =	vbroadcast v35, $0x0;
	v51 =	vld [tilespmem:s3+$0xFFFFFFB0]  }
0x450: {  	v0 =	vadd.f32 v60, v0;
	v52 =	vmul.f32 v57, v52;
	v26 =	vbroadcast v34, $0x8;
	v60 =	vld [tilespmem:s3+$0xFFFFFFC0]  }
0x451: {  	s24 =	simm.s32 $0xC00;
	s25 =	simm.s32 $0x600;
	v4 =	vadd.f32 v61, v4;
	v31 =	vbroadcast v34, $0x4;
	v61 =	vmul.f32 v14, v38;
	v18 =	vld [tilespmem:s3+$0xFFFFFFD0]  }
0x452: {  	s9 =	sand.u32 $0x3800, s24;
	s22 =	sand.u32 $0x300, s25;
	v14 =	vbroadcast v34, $0xE;
	v17 =	vbroadcast v34, $0x2;
	v34 =	vld [tilespmem:s3+$0xFFFFFFE0]  }
0x453: {  	s24 =	sor.u32 $0x80, s22;
	s19 =	sadd.s32 $0x2A00, s9;
	v48 =	vadd.f32 v54, v48;
	v57 =	vperm.xlane v41, v2;
	v47 =	vmul.f32 v47, v53;
	v42 =	vld [tilespmem:s3+$0xFFFFFFF0]  }
0x454: {  	s15 =	simm.s32 $0x93F0;
	s25 =	sadd.s32 s24, s19;
	v45 =	vmul.f32 v45, v46;
	v0 =	vsel vm3, v0, v4;
	v36 =	vperm.xlane v39, v2;
	v46 =	vld [tilespmem:s3+$0x0]  }
0x455: {  	v41 =	vadd.f32 v57, v41;
	v54 =	vperm.xlane v47, v2;
	v63 =	vperm.xlane v0, v7;
	[tilespmem:s15+$0xFFFFFF90] =	vst v61;
	v53 =	vld [tilespmem:s25+$0x0]  }
0x456: {  	v49 =	vmul.f32 v56, v49;
	v57 =	vperm.xlane v45, v2;
	v39 =	vadd.f32 v36, v39;
	v50 =	vld [tilespmem:s23+$0x10]  }
0x457: {  	v41 =	vsel vm2, v48, v41;
	v47 =	vadd.f32 v54, v47;
	v0 =	vadd.f32 v0, v63;
	v56 =	vld [tilespmem:s25+$0x10]  }
0x458: {  	v45 =	vadd.f32 v57, v45;
	v54 =	vbroadcast v24, $0x6;
	v63 =	vperm.xlane v40, v2;
	v62 =	vld [tilespmem:s25+$0x20]  }
0x459: {  	v39 =	vsel vm2, v39, v47;
	v55 =	vbroadcast v35, $0x8;
	v0 =	vmax.f32 v0, $9.999999970e-07;
	v3 =	vld [tilespmem:s25+$0x40]  }
0x45a: {  	v47 =	vperm.xlane v41, v5;
	v40 =	vadd.f32 v63, v40;
	v32 =	vmin.f32 v0, $1.000000000e+00;
	v0 =	vld [tilespmem:s25+$0x70]  }
0x45b: {  	v54 =	vmul.f32 v58, v54;
	v58 =	vld [tilespmem:s25+$0x60];
	v50 =	vmul.f32 v55, v50  }
0x45c: {  	v36 =	vbroadcast v35, $0x4;
	v1 =	vperm.xlane v52, v2;
	[tilespmem:s20+$0xFFFFFF30] =	vst v21;
	v21 =	vsel vm2, v40, v45;
	v55 =	vld [tilespmem:s25+$0x30]  }
0x45d: {  	v41 =	vadd.f32 v47, v41;
	v61 =	vperm.xlane v49, v2;
	v47 =	vperm.xlane v21, v5;
	[tilespmem:s15+$0xFFFFFFA0] =	vst v50;
	v50 =	vld [tilespmem:s25+$0x50]  }
0x45e: {  	v19 =	vmul.f32 v19, v53;
	v56 =	vmul.f32 v59, v56;
	v48 =	vld [tilespmem:s23+$0x20]  }
0x45f: {  	v1 =	vadd.f32 v1, v52;
	v51 =	vmul.f32 v51, v62;
	v3 =	vmul.f32 v18, v3  }
0x460: {  	s16 =	sadd.s32 s16, s1;
	v63 =	vadd.f32 v61, v49;
	v0 =	vmul.f32 v46, v0;
	v42 =	vmul.f32 v42, v58  }
0x461: {  	s4 =	sadd.s32 s22, s19;
	[tilespmem:s10+$0xFFFFFF10] =	vst v43;
	v43 =	vld [tilespmem:s16+$0x0];
	v46 =	vperm.xlane v19, v2;
	v55 =	vmul.f32 v60, v55  }
0x462: {  	v57 =	vld [tilespmem:s4+$0x60];
	v1 =	vsel vm2, v63, v1;
	v60 =	vperm.xlane v3, v2;
	v62 =	vperm.xlane v42, v2  }
0x463: {  	[tilespmem:s28+$0xFFFFFF40] =	vst v20;
	v20 =	vld [tilespmem:s21+$0x30];
	v21 =	vadd.f32 v47, v21;
	v34 =	vmul.f32 v34, v50;
	v48 =	vmul.f32 v36, v48  }
0x464: {  	[tilespmem:s7+$0xFFFFFF20] =	vst v44;
	v52 =	vld [tilespmem:s13+$0x40];
	v19 =	vadd.f32 v46, v19;
	v44 =	vperm.xlane v55, v2;
	v36 =	vperm.xlane v56, v2  }
0x465: {  	v49 =	vld [tilespmem:s11+$0x20];
	v3 =	vadd.f32 v60, v3;
	v61 =	vperm.xlane v34, v2;
	[tilespmem:s15+$0xFFFFFFB0] =	vst v48;
	v48 =	vperm.xlane v51, v2  }
0x466: {  	v44 =	vadd.f32 v44, v55;
	v40 =	vadd.f32 v36, v56;
	v36 =	vperm.xlane v0, v2;
	v45 =	vld [tilespmem:s23+$0x30]  }
0x467: {  	v63 =	vbroadcast v35, $0xC;
	v18 =	vld [tilespmem:s14+$0x10];
	v34 =	vadd.f32 v61, v34;
	v48 =	vadd.f32 v48, v51  }
0x468: {  	v53 =	vld [tilespmem:s4+$0x30];
	v42 =	vadd.f32 v62, v42;
	v0 =	vadd.f32 v36, v0;
	v19 =	vsel vm2, v19, v40  }
0x469: {  	v47 =	vld [tilespmem:s4+$0x70];
	[tilespmem:s12+$0xFFFFFFF0] =	vst v54;
	v3 =	vsel vm2, v3, v34;
	v60 =	vperm.xlane v19, v5;
	v40 =	vsel vm2, v48, v44  }
0x46a: {  	v54 =	vld [tilespmem:s18+$0x70];
	v0 =	vsel vm2, v42, v0;
	v62 =	vperm.xlane v3, v5;
	v61 =	vperm.xlane v40, v5  }
0x46b: {  	v46 =	vld [tilespmem:s4+$0x0];
	v45 =	vmul.f32 v45, v63;
	v63 =	vperm.xlane v0, v5  }
0x46c: {  	v50 =	vld [tilespmem:s4+$0x20];
	v36 =	vperm.xlane v1, v5;
	v19 =	vadd.f32 v60, v19;
	v3 =	vadd.f32 v62, v3  }
0x46d: {  	v4 =	vperm.xlane v39, v5;
	v55 =	vld [tilespmem:s3+$0xFFFFFF50];
	v40 =	vadd.f32 v61, v40;
	v0 =	vadd.f32 v63, v0  }
0x46e: {  	v56 =	vld [tilespmem:s4+$0x50];
	v1 =	vadd.f32 v36, v1  }
0x46f: {  	v4 =	vadd.f32 v4, v39;
	v51 =	vld [tilespmem:s4+$0x10];
	[tilespmem:s15+$0xFFFFFFC0] =	vst v45;
	v19 =	vsel vm0, v19, v40;
	v0 =	vsel vm0, v3, v0  }
0x470: {  	v1 =	vsel vm0, v21, v1;
	v44 =	vld [tilespmem:s23+$0x40];
	v40 =	vperm.xlane v19, v6;
	v60 =	vperm.xlane v0, v6  }
0x471: {  	v49 =	vmul.f32 v23, v49;
	v48 =	vld [tilespmem:s3+$0xFFFFFF10];
	v61 =	vperm.xlane v1, v6  }
0x472: {  	v45 =	vld [tilespmem:s4+$0x40];
	v3 =	vsel vm0, v41, v4;
	v19 =	vadd.f32 v40, v19;
	v0 =	vadd.f32 v60, v0  }
0x473: {  	v58 =	vbroadcast v35, $0x2;
	v4 =	vld [tilespmem:s3+$0xFFFFFF20];
	v21 =	vperm.xlane v3, v6  }
0x474: {  	v23 =	vbroadcast v24, $0xE;
	v1 =	vadd.f32 v61, v1;
	v40 =	vld [tilespmem:s3+$0xFFFFFF40];
	v0 =	vsel vm3, v19, v0  }
0x475: {  	v3 =	vadd.f32 v21, v3;
	v59 =	vmul.f32 v44, v58;
	v44 =	vld [tilespmem:s3+$0xFFFFFF30];
	v21 =	vperm.xlane v0, v7  }
0x476: {  	v58 =	vld [tilespmem:s3+$0xFFFFFF60]  }
0x477: {  	v1 =	vsel vm3, v3, v1;
	v3 =	vld [tilespmem:s3+$0xFFFFFF70];
	v0 =	vadd.f32 v0, v21;
	v21 =	vmul.f32 v54, v23  }
0x478: {  	s9 =	sadd.s32 $0x2E00, s9;
	v38 =	vbroadcast v32, $0x0;
	[tilespmem:s15+$0xFFFFFFD0] =	vst v59;
	v24 =	vperm.xlane v1, v7;
	v59 =	vld [tilespmem:s3+$0xFFFFFF80]  }
0x479: {  	s1 =	sadd.s32 s24, s9;
	v62 =	vld [tilespmem:s23+$0x50];
	[tilespmem:$0x1FF30] =	vst v21  }
0x47a: {  	v27 =	vbroadcast v9, $0x2;
	v43 =	vmul.f32 v38, v43;
	s25 =	simm.s32 $0x6DF0;
	v1 =	vadd.f32 v1, v24;
	v54 =	vld [tilespmem:s1+$0x0]  }
0x47b: {  	v38 =	vbroadcast v32, $0x4;
	v20 =	vmul.f32 v20, v22;
	v0 =	vmax.f32 v0, $9.999999970e-07;
	v22 =	vld [tilespmem:s25+$0xFFFFFF90]  }
0x47c: {  	v27 =	vmul.f32 v52, v27;
	v42 =	vmin.f32 v0, $1.000000000e+00;
	v0 =	vmax.f32 v1, $9.999999970e-07;
	v1 =	vld [tilespmem:s25+$0xFFFFFFA0]  }
0x47d: {  	v18 =	vmul.f32 v26, v18;
	v46 =	vmul.f32 v48, v46;
	v61 =	vld [tilespmem:s25+$0xFFFFFFC0]  }
0x47e: {  	s6 =	simm.s32 $0xE00;
	s19 =	simm.s32 $0x700;
	v26 =	vbroadcast v32, $0xC;
	v34 =	vbroadcast v32, $0x8;
	v48 =	vld [tilespmem:s25+$0xFFFFFFD0]  }
0x47f: {  	s29 =	sand.u32 $0x3800, s6;
	v63 =	vperm.xlane v46, v2;
	s3 =	sand.u32 $0x300, s19;
	v44 =	vmul.f32 v44, v50;
	v50 =	vld [tilespmem:s25+$0xFFFFFFE0]  }
0x480: {  	s6 =	sadd.s32 $0x2A00, s29;
	v45 =	vmul.f32 v55, v45;
	v19 =	vbroadcast v35, $0xA;
	s30 =	sor.u32 $0x80, s3;
	v55 =	vld [tilespmem:s25+$0xFFFFFFF0]  }
0x481: {  	v4 =	vmul.f32 v4, v51;
	s24 =	sadd.s32 s30, s6;
	v3 =	vmul.f32 v3, v57;
	v57 =	vld [tilespmem:s25+$0x0]  }
0x482: {  	v51 =	vmul.f32 v58, v56;
	v58 =	vld [tilespmem:s24+$0x0];
	v60 =	vbroadcast v42, $0x0  }
0x483: {  	v41 =	vperm.xlane v45, v2;
	v40 =	vmul.f32 v40, v53;
	v56 =	vld [tilespmem:s24+$0x10]  }
0x484: {  	v46 =	vadd.f32 v63, v46;
	s19 =	sadd.s32 s2, s0;
	v36 =	vperm.xlane v4, v2;
	v63 =	vld [tilespmem:s24+$0x50];
	v54 =	vmul.f32 v60, v54  }
0x485: {  	s18 =	simm.s32 $0x94F0;
	v24 =	vbroadcast v32, $0x2;
	v23 =	vbroadcast v32, $0xA;
	s6 =	sadd.s32 s3, s6;
	[tilespmem:s12+$0xFFFFFF10] =	vst v43;
	v43 =	vld [tilespmem:s19+$0x0]  }
0x486: {  	v4 =	vadd.f32 v36, v4;
	v36 =	vperm.xlane v51, v2;
	v25 =	vld [tilespmem:s6+$0x20];
	v19 =	vmul.f32 v62, v19;
	[tilespmem:s18+$0xFFFFFF90] =	vst v54  }
0x487: {  	v45 =	vadd.f32 v41, v45;
	v21 =	vbroadcast v32, $0x6;
	v47 =	vmul.f32 v59, v47;
	v53 =	vld [tilespmem:s1+$0x10]  }
0x488: {  	v59 =	vbroadcast v42, $0x8;
	v62 =	vld [tilespmem:s24+$0x30];
	v51 =	vadd.f32 v36, v51;
	v36 =	vbroadcast v35, $0x6;
	[tilespmem:s15+$0xFFFFFFE0] =	vst v19  }
0x489: {  	v39 =	vmin.f32 v0, $1.000000000e+00;
	v41 =	vperm.xlane v47, v2;
	v35 =	vbroadcast v35, $0xE;
	v52 =	vld [tilespmem:s23+$0x60]  }
0x48a: {  	[tilespmem:s10+$0xFFFFFF20] =	vst v18;
	v18 =	vld [tilespmem:s16+$0x10];
	v19 =	vbroadcast v32, $0xE;
	v32 =	vbroadcast v39, $0x0  }
0x48b: {  	v0 =	vld [tilespmem:s25+$0xFFFFFFB0];
	v60 =	vperm.xlane v40, v2;
	v22 =	vmul.f32 v22, v58  }
0x48c: {  	v4 =	vsel vm2, v46, v4;
	[tilespmem:s7+$0xFFFFFF30] =	vst v49;
	v49 =	vld [tilespmem:s14+$0x20];
	v54 =	vperm.xlane v44, v2;
	v53 =	vmul.f32 v59, v53  }
0x48d: {  	v45 =	vsel vm2, v45, v51;
	v51 =	vld [tilespmem:s24+$0x70];
	v1 =	vmul.f32 v1, v56;
	v50 =	vmul.f32 v50, v63  }
0x48e: {  	v63 =	vmul.f32 v32, v43;
	v44 =	vadd.f32 v54, v44;
	v54 =	vld [tilespmem:s24+$0x20];
	v52 =	vmul.f32 v52, v36;
	[tilespmem:s18+$0xFFFFFFA0] =	vst v53  }
0x48f: {  	v56 =	vmul.f32 v61, v62;
	v18 =	vmul.f32 v34, v18;
	v60 =	vadd.f32 v60, v40;
	v46 =	vld [tilespmem:s1+$0x20]  }
0x490: {  	v47 =	vadd.f32 v41, v47;
	v58 =	vld [tilespmem:s24+$0x60];
	v34 =	vbroadcast v39, $0x4;
	v41 =	vperm.xlane v1, v2;
	[tilespmem:s15+$0xFFFFFFF0] =	vst v52  }
0x491: {  	[tilespmem:s20+$0xFFFFFF40] =	vst v20;
	v36 =	vbroadcast v42, $0x4;
	v44 =	vsel vm2, v44, v60;
	v60 =	vperm.xlane v4, v5;
	v61 =	vld [tilespmem:s23+$0x70]  }
0x492: {  	[tilespmem:s28+$0xFFFFFF50] =	vst v27;
	v27 =	vld [tilespmem:s21+$0x40];
	v20 =	vmul.f32 v57, v51;
	v1 =	vadd.f32 v41, v1;
	v59 =	vperm.xlane v3, v2  }
0x493: {  	v52 =	vperm.xlane v56, v2;
	v4 =	vadd.f32 v60, v4;
	v60 =	vld [tilespmem:s13+$0x50];
	v0 =	vmul.f32 v0, v54  }
0x494: {  	v41 =	vperm.xlane v50, v2;
	v53 =	vld [tilespmem:s24+$0x40];
	v3 =	vadd.f32 v59, v3;
	v46 =	vmul.f32 v36, v46  }
0x495: {  	v55 =	vmul.f32 v55, v58;
	v52 =	vadd.f32 v52, v56;
	v56 =	vld [tilespmem:s6+$0x10];
	v58 =	vperm.xlane v0, v2  }
0x496: {  	v3 =	vsel vm2, v3, v47;
	v47 =	vperm.xlane v45, v5;
	v43 =	vmul.f32 v61, v35;
	v61 =	vld [tilespmem:s25+$0xFFFFFF80];
	[tilespmem:s18+$0xFFFFFFB0] =	vst v46  }
0x497: {  	v62 =	vperm.xlane v20, v2;
	v59 =	vperm.xlane v44, v5;
	v51 =	vld [tilespmem:s1+$0x30]  }
0x498: {  	v0 =	vadd.f32 v58, v0;
	v58 =	vperm.xlane v55, v2;
	v45 =	vadd.f32 v47, v45;
	v47 =	vld [tilespmem:s6+$0x50]  }
0x499: {  	v20 =	vadd.f32 v62, v20;
	v54 =	vperm.xlane v3, v5;
	v48 =	vmul.f32 v48, v53;
	v53 =	vld [tilespmem:s11+$0x30]  }
0x49a: {  	v57 =	vadd.f32 v58, v55;
	v55 =	vld [tilespmem:s6+$0x60];
	v36 =	vbroadcast v42, $0xC;
	v46 =	vperm.xlane v22, v2  }
0x49b: {  	v44 =	vadd.f32 v59, v44;
	v0 =	vsel vm2, v0, v52;
	v52 =	vld [tilespmem:s25+$0xFFFFFF20];
	v59 =	vperm.xlane v48, v2  }
0x49c: {  	v3 =	vadd.f32 v54, v3;
	v54 =	vld [tilespmem:s25+$0xFFFFFF40];
	v22 =	vadd.f32 v46, v22;
	v51 =	vmul.f32 v51, v36  }
0x49d: {  	v20 =	vsel vm2, v57, v20;
	v57 =	vld [tilespmem:s6+$0x70];
	v59 =	vadd.f32 v59, v48;
	v36 =	vadd.f32 v41, v50  }
0x49e: {  	v49 =	vmul.f32 v31, v49;
	v40 =	vbroadcast v39, $0x8;
	v48 =	vld [tilespmem:s6+$0x30];
	v1 =	vsel vm2, v22, v1;
	[tilespmem:s18+$0xFFFFFFC0] =	vst v51  }
0x49f: {  	v58 =	vperm.xlane v1, v5;
	v22 =	vsel vm2, v59, v36;
	v59 =	vperm.xlane v0, v5;
	v32 =	vld [tilespmem:s1+$0x40]  }
0x4a0: {  	v62 =	vperm.xlane v20, v5;
	v46 =	vld [tilespmem:s6+$0x0];
	v51 =	vperm.xlane v22, v5  }
0x4a1: {  	v3 =	vsel vm0, v45, v3;
	v50 =	vld [tilespmem:s6+$0x40];
	v1 =	vadd.f32 v58, v1;
	v0 =	vadd.f32 v59, v0  }
0x4a2: {  	v20 =	vadd.f32 v62, v20;
	v58 =	vld [tilespmem:s25+$0xFFFFFF60];
	v36 =	vbroadcast v42, $0x2;
	v22 =	vadd.f32 v51, v22  }
0x4a3: {  	v4 =	vsel vm0, v4, v44;
	v45 =	vperm.xlane v3, v6;
	v59 =	vld [tilespmem:s25+$0xFFFFFF70];
	v0 =	vsel vm0, v1, v0  }
0x4a4: {  	v51 =	vld [tilespmem:s25+$0xFFFFFF10];
	v1 =	vsel vm0, v22, v20;
	v22 =	vperm.xlane v0, v6;
	v31 =	vmul.f32 v32, v36  }
0x4a5: {  	v3 =	vadd.f32 v45, v3;
	v45 =	vmul.f32 v27, v29;
	v29 =	vbroadcast v39, $0x6;
	v20 =	vld [tilespmem:s25+$0xFFFFFF30]  }
0x4a6: {  	v62 =	vperm.xlane v1, v6;
	v0 =	vadd.f32 v22, v0;
	v22 =	vmul.f32 v53, v30;
	v53 =	vld [tilespmem:s25+$0xFFFFFF50];
	[tilespmem:s18+$0xFFFFFFD0] =	vst v31  }
0x4a7: {  	s0 =	sadd.s32 $0x2E00, s29;
	v32 =	vbroadcast v39, $0xC;
	v31 =	vperm.xlane v4, v6;
	v28 =	vld [tilespmem:$0x1FEC0];
	[tilespmem:s15+$0xFFFFFF10] =	vst v63  }
0x4a8: {  	v30 =	vbroadcast v39, $0xA;
	s25 =	sadd.s32 s30, s0;
	v1 =	vadd.f32 v62, v1;
	v36 =	vld [tilespmem:s1+$0x50];
	[tilespmem:s12+$0xFFFFFF20] =	vst v18;
	v18 =	vmul.f32 v52, v56  }
0x4a9: {  	s24 =	sadd.s32 s22, s9;
	s22 =	simm.s32 $0x1000;
	s30 =	simm.s32 $0x800;
	v62 =	vld [tilespmem:s25+$0x0];
	v56 =	vbroadcast v42, $0x6;
	[tilespmem:s20+$0xFFFFFF50] =	vst v45;
	v45 =	vmul.f32 v58, v47;
	v4 =	vadd.f32 v31, v4  }
0x4aa: {  	s9 =	sand.u32 $0x3800, s22;
	s31 =	sand.u32 $0x300, s30;
	[tilespmem:s10+$0xFFFFFF30] =	vst v49;
	v31 =	vbroadcast v39, $0x2;
	v0 =	vsel vm3, v0, v1;
	v20 =	vmul.f32 v20, v25;
	v25 =	vld [tilespmem:s19+$0x10]  }
0x4ab: {  	s23 =	sadd.s32 $0x2A00, s9;
	[tilespmem:s7+$0xFFFFFF40] =	vst v22;
	s2 =	sor.u32 $0x80, s31;
	v1 =	vbroadcast v42, $0xA;
	v49 =	vld [tilespmem:s14+$0x30];
	v27 =	vperm.xlane v0, v7  }
0x4ac: {  	v47 =	vld [tilespmem:s11+$0x40];
	s4 =	sadd.s32 s2, s23;
	v22 =	vmul.f32 v53, v50;
	v50 =	vmul.f32 v61, v57  }
0x4ad: {  	v58 =	vld [tilespmem:s4+$0x0];
	v61 =	vperm.xlane v18, v2;
	v0 =	vadd.f32 v0, v27;
	v1 =	vmul.f32 v36, v1  }
0x4ae: {  	v52 =	vld [tilespmem:s4+$0x30];
	v3 =	vsel vm3, v4, v3;
	v27 =	vbroadcast v39, $0xE;
	v44 =	vmul.f32 v60, v28  }
0x4af: {  	v4 =	vld [tilespmem:s24+$0x0];
	v60 =	vperm.xlane v3, v7;
	v41 =	vperm.xlane v22, v2;
	v0 =	vmax.f32 v0, $9.999999970e-07;
	[tilespmem:s18+$0xFFFFFFE0] =	vst v1  }
0x4b0: {  	v1 =	vmul.f32 v51, v46;
	v35 =	vmin.f32 v0, $1.000000000e+00;
	v46 =	vmul.f32 v54, v48;
	v63 =	vld [tilespmem:s1+$0x60]  }
0x4b1: {  	v18 =	vadd.f32 v61, v18;
	v61 =	vld [tilespmem:s4+$0x60];
	[tilespmem:s28+$0xFFFFFF60] =	vst v44;
	v44 =	vmul.f32 v59, v55;
	v54 =	vbroadcast v35, $0x0  }
0x4b2: {  	v36 =	vperm.xlane v45, v2;
	v0 =	vld [tilespmem:s16+$0x20];
	v3 =	vadd.f32 v3, v60;
	v60 =	vperm.xlane v1, v2  }
0x4b3: {  	v51 =	vld [tilespmem:s21+$0x50];
	v22 =	vadd.f32 v41, v22;
	v57 =	vperm.xlane v44, v2;
	v48 =	vmul.f32 v54, v62  }
0x4b4: {  	v59 =	vld [tilespmem:s4+$0x10];
	v45 =	vadd.f32 v36, v45;
	v62 =	vperm.xlane v20, v2;
	v54 =	vperm.xlane v50, v2  }
0x4b5: {  	s29 =	simm.s32 $0x95F0;
	v53 =	vld [tilespmem:s13+$0x60];
	v1 =	vadd.f32 v60, v1;
	v39 =	vmul.f32 v63, v56;
	v63 =	vperm.xlane v46, v2  }
0x4b6: {  	v3 =	vmax.f32 v3, $9.999999970e-07;
	v44 =	vadd.f32 v57, v44;
	[tilespmem:s29+$0xFFFFFF90] =	vst v48;
	v20 =	vadd.f32 v62, v20;
	v48 =	vld [tilespmem:s4+$0x20]  }
0x4b7: {  	v3 =	vmin.f32 v3, $1.000000000e+00;
	v50 =	vadd.f32 v54, v50;
	v62 =	vld [tilespmem:s4+$0x70];
	v46 =	vadd.f32 v63, v46  }
0x4b8: {  	v42 =	vbroadcast v42, $0xE;
	v60 =	vbroadcast v3, $0x0;
	v55 =	vld [tilespmem:s25+$0x10];
	v1 =	vsel vm2, v1, v18  }
0x4b9: {  	v44 =	vsel vm2, v44, v50;
	v50 =	vld [tilespmem:s4+$0x50];
	[tilespmem:s18+$0xFFFFFFF0] =	vst v39;
	v18 =	vsel vm2, v20, v46;
	v20 =	vsel vm2, v22, v45  }
0x4ba: {  	v36 =	vperm.xlane v44, v5;
	v56 =	vld [tilespmem:s1+$0x70];
	v54 =	vperm.xlane v20, v5  }
0x4bb: {  	v41 =	vperm.xlane v1, v5;
	s1 =	simm.s32 $0x6EF0;
	v22 =	vld [tilespmem:s4+$0x40];
	v46 =	vperm.xlane v18, v5  }
0x4bc: {  	v45 =	vld [tilespmem:s1+$0xFFFFFF90];
	v44 =	vadd.f32 v36, v44;
	v36 =	vbroadcast v35, $0x8;
	v20 =	vadd.f32 v54, v20  }
0x4bd: {  	v1 =	vadd.f32 v41, v1;
	v41 =	vmul.f32 v60, v4;
	v60 =	vld [tilespmem:s1+$0xFFFFFFD0];
	v18 =	vadd.f32 v46, v18  }
0x4be: {  	v57 =	vmul.f32 v40, v25;
	v54 =	vld [tilespmem:s1+$0xFFFFFFA0];
	v20 =	vsel vm0, v20, v44;
	v44 =	vmul.f32 v36, v55  }
0x4bf: {  	v46 =	vld [tilespmem:s1+$0xFFFFFFC0];
	v1 =	vsel vm0, v1, v18;
	v36 =	vmul.f32 v38, v0;
	v0 =	vmul.f32 v56, v42  }
0x4c0: {  	v18 =	vld [tilespmem:s1+$0xFFFFFFB0];
	v25 =	vperm.xlane v1, v6;
	v55 =	vperm.xlane v20, v6;
	[tilespmem:s29+$0xFFFFFFA0] =	vst v44  }
0x4c1: {  	[tilespmem:$0x1FF40] =	vst v0;
	v0 =	vld [tilespmem:$0x1FED0]  }
0x4c2: {  	v1 =	vadd.f32 v25, v1;
	v20 =	vadd.f32 v55, v20;
	v25 =	vld [tilespmem:s25+$0x20]  }
0x4c3: {  	v42 =	vmul.f32 v49, v37;
	v44 =	vld [tilespmem:s1+$0xFFFFFFE0]  }
0x4c4: {  	v45 =	vmul.f32 v45, v58;
	v54 =	vmul.f32 v54, v59;
	v1 =	vsel vm3, v1, v20  }
0x4c5: {  	v18 =	vmul.f32 v18, v48;
	v49 =	vperm.xlane v1, v7  }
0x4c6: {  	v63 =	vmul.f32 v51, v0;
	v51 =	vbroadcast v35, $0x4  }
0x4c7: {  	v58 =	vperm.xlane v18, v2;
	v1 =	vadd.f32 v1, v49;
	v49 =	vperm.xlane v54, v2  }
0x4c8: {  	v44 =	vmul.f32 v44, v50;
	v25 =	vmul.f32 v51, v25  }
0x4c9: {  	v20 =	vld [tilespmem:s1+$0x0]  }
0x4ca: {  	v0 =	vld [tilespmem:$0x1FEE0];
	v49 =	vadd.f32 v49, v54;
	v54 =	vadd.f32 v58, v18;
	v18 =	vperm.xlane v44, v2;
	[tilespmem:s29+$0xFFFFFFB0] =	vst v25  }
0x4cb: {  	v50 =	vld [tilespmem:s25+$0x30]  }
0x4cc: {  	v25 =	vperm.xlane v45, v2;
	v44 =	vadd.f32 v18, v44;
	v18 =	vld [tilespmem:$0x1FEF0];
	_ =	sdelay $0x1  }
0x4cd: {  	v45 =	vadd.f32 v25, v45;
	v25 =	vbroadcast v35, $0xC  }
0x4ce: {  	v20 =	vmul.f32 v20, v62  }
0x4cf: {  	v50 =	vmul.f32 v50, v25  }
0x4d0: {  	v56 =	vmul.f32 v53, v0;
	v0 =	vperm.xlane v20, v2;
	[tilespmem:s28+$0x0] =	vst v18  }
0x4d1: {  	[tilespmem:s29+$0xFFFFFFC0] =	vst v50  }
0x4d2: {  	v0 =	vadd.f32 v0, v20;
	v20 =	vld [tilespmem:$0x1FF00];
	_ =	sdelay $0x2  }
0x4d3: {  	s23 =	sadd.s32 s31, s23;
	v33 =	vmul.f32 v47, v33;
	v47 =	vld [tilespmem:s1+$0xFFFFFFF0]  }
0x4d4: {  	v55 =	vld [tilespmem:s23+$0x10]  }
0x4d5: {  	v46 =	vmul.f32 v46, v52;
	v52 =	vld [tilespmem:s23+$0x40];
	[tilespmem:s20+$0x0] =	vst v20  }
0x4d6: {  	v22 =	vmul.f32 v60, v22;
	v20 =	vld [tilespmem:$0x1FF10]  }
0x4d7: {  	v59 =	vld [tilespmem:s23+$0x50]  }
0x4d8: {  	v4 =	vld [tilespmem:s1+$0xFFFFFF10];
	v47 =	vmul.f32 v47, v61;
	v61 =	vperm.xlane v22, v2  }
0x4d9: {  	v28 =	vld [tilespmem:s1+$0xFFFFFF40]  }
0x4da: {  	v48 =	vld [tilespmem:s23+$0x20];
	v60 =	vperm.xlane v46, v2;
	v61 =	vadd.f32 v61, v22  }
0x4db: {  	v40 =	vbroadcast v3, $0x4;
	v39 =	vbroadcast v3, $0x8;
	v51 =	vld [tilespmem:s23+$0x30];
	[tilespmem:s7+$0x0] =	vst v20  }
0x4dc: {  	v46 =	vadd.f32 v60, v46;
	v60 =	vperm.xlane v47, v2;
	v44 =	vsel vm2, v61, v44;
	v61 =	vld [tilespmem:$0x1FF20]  }
0x4dd: {  	v38 =	vbroadcast v3, $0xC;
	v37 =	vbroadcast v3, $0x2;
	v62 =	vld [tilespmem:s23+$0x60]  }
0x4de: {  	v22 =	vbroadcast v3, $0x6;
	v46 =	vsel vm2, v54, v46;
	v53 =	vld [tilespmem:s23+$0x0];
	v47 =	vadd.f32 v60, v47  }
0x4df: {  	v60 =	vld [tilespmem:s1+$0xFFFFFF20];
	v54 =	vperm.xlane v46, v5;
	v45 =	vsel vm2, v45, v49;
	v25 =	vbroadcast v3, $0xA  }
0x4e0: {  	v18 =	vbroadcast v3, $0xE;
	v3 =	vld [tilespmem:s1+$0xFFFFFF30];
	v50 =	vperm.xlane v45, v5  }
0x4e1: {  	v46 =	vadd.f32 v54, v46;
	v0 =	vsel vm2, v47, v0;
	v49 =	vld [tilespmem:s25+$0x40];
	[tilespmem:s10+$0x0] =	vst v61  }
0x4e2: {  	v47 =	vperm.xlane v44, v5;
	v45 =	vadd.f32 v50, v45;
	v50 =	vperm.xlane v0, v5;
	v54 =	vld [tilespmem:$0x1FF30];
	[tilespmem:s15+$0x0] =	vst v43  }
0x4e3: {  	v58 =	vld [tilespmem:s23+$0x70];
	v1 =	vmax.f32 v1, $9.999999970e-07;
	v4 =	vmul.f32 v4, v53;
	[tilespmem:s18+$0xFFFFFF10] =	vst v41  }
0x4e4: {  	v53 =	vadd.f32 v47, v44;
	v0 =	vadd.f32 v50, v0;
	v50 =	vmul.f32 v60, v55;
	v60 =	vld [tilespmem:s1+$0xFFFFFF80];
	[tilespmem:s15+$0xFFFFFF20] =	vst v57  }
0x4e5: {  	v47 =	vbroadcast v35, $0x2;
	v20 =	vmin.f32 v1, $1.000000000e+00;
	v1 =	vld [tilespmem:s1+$0xFFFFFF50];
	[tilespmem:s12+$0xFFFFFF30] =	vst v36  }
0x4e6: {  	v0 =	vsel vm0, v53, v0;
	v61 =	vld [tilespmem:s1+$0xFFFFFF60];
	[tilespmem:s10+$0xFFFFFF40] =	vst v42  }
0x4e7: {  	s3 =	sadd.s32 s3, s0;
	v43 =	vmul.f32 v49, v47;
	v49 =	vmul.f32 v3, v48;
	v3 =	vsel vm0, v45, v46;
	[tilespmem:s12+$0x0] =	vst v54;
	v54 =	vld [tilespmem:s1+$0xFFFFFF70]  }
0x4e8: {  	v47 =	vld [tilespmem:s3+$0x0];
	v57 =	vperm.xlane v0, v6;
	[tilespmem:s7+$0xFFFFFF50] =	vst v33;
	v48 =	vperm.xlane v3, v6  }
0x4e9: {  	[tilespmem:s20+$0xFFFFFF60] =	vst v63;
	v46 =	vld [tilespmem:s24+$0x10]  }
0x4ea: {  	v45 =	vld [tilespmem:s19+$0x20];
	[tilespmem:s29+$0xFFFFFFD0] =	vst v43;
	v0 =	vadd.f32 v57, v0;
	v3 =	vadd.f32 v48, v3  }
0x4eb: {  	v9 =	vbroadcast v9, $0xE;
	v52 =	vmul.f32 v1, v52;
	[tilespmem:s28+$0xFFFFFF70] =	vst v56;
	v1 =	vld [tilespmem:s25+$0x50]  }
0x4ec: {  	v55 =	vmul.f32 v54, v62;
	v54 =	vmul.f32 v60, v58;
	v58 =	vsel vm3, v3, v0;
	v3 =	vld [tilespmem:$0x1FF40]  }
0x4ed: {  	v51 =	vmul.f32 v28, v51;
	v28 =	vperm.xlane v4, v2;
	v42 =	vld [tilespmem:s14+$0x40]  }
0x4ee: {  	v44 =	vbroadcast v20, $0x0;
	v41 =	vbroadcast v20, $0x8;
	v36 =	vld [tilespmem:s11+$0x50]  }
0x4ef: {  	v33 =	vld [tilespmem:s21+$0x60];
	v53 =	vmul.f32 v61, v59;
	v0 =	vbroadcast v35, $0xA  }
0x4f0: {  	s6 =	sadd.s32 $0x2E00, s9;
	v43 =	vld [tilespmem:s16+$0x30];
	v59 =	vperm.xlane v49, v2;
	v61 =	vperm.xlane v58, v7  }
0x4f1: {  	s0 =	simm.s32 $0x6FF0;
	s23 =	simm.s32 $0x10;
	v57 =	vadd.f32 v28, v4;
	v28 =	vld [tilespmem:s13+$0x70];
	s13 =	simm.s32 $0x95F0;
	v60 =	vperm.xlane v50, v2;
	v56 =	vmul.f32 v1, v0;
	[tilespmem:s18+$0x0] =	vst v3  }
.LBB2_7:
0x4f2: {  	v48 =	vld [tilespmem:s0+$0xFFFFFF90];
	v0 =	vperm.xlane v51, v2;
	v1 =	vperm.xlane v52, v2;
	s4 =	sadd.s32 s31, s6;
	v3 =	vadd.f32 v58, v61;
	s6 =	sadd.s32 s2, s6;
	s1 =	smov.u32 s11  }
0x4f3: {  	v4 =	vadd.f32 v60, v50;
	v50 =	vperm.xlane v53, v2;
	v58 =	vperm.xlane v55, v2;
	s11 =	smov.u32 s14;
	s14 =	smov.u32 s16;
	s16 =	smov.u32 s19;
	v60 =	vld [tilespmem:s6+$0x0];
	[tilespmem:s29+$0xFFFFFFE0] =	vst v56  }
0x4f4: {  	s19 =	smov.u32 s24;
	s24 =	smov.u32 s3;
	v56 =	vadd.f32 v59, v49;
	v49 =	vperm.xlane v54, v2;
	s3 =	smov.u32 s4;
	v3 =	vmax.f32 v3, $9.999999970e-07;
	v59 =	vld [tilespmem:s25+$0x60]  }
0x4f5: {  	v0 =	vadd.f32 v0, v51;
	v1 =	vadd.f32 v1, v52;
	v61 =	vld [tilespmem:s0+$0xFFFFFFA0];
	v3 =	vmin.f32 v3, $1.000000000e+00  }
0x4f6: {  	v50 =	vadd.f32 v50, v53;
	v53 =	vadd.f32 v58, v55;
	v52 =	vld [tilespmem:s0+$0xFFFFFFB0];
	v51 =	vbroadcast v3, $0x0  }
0x4f7: {  	v4 =	vsel vm2, v57, v4;
	v57 =	vbroadcast v35, $0x6;
	v54 =	vadd.f32 v49, v54;
	v55 =	vld [tilespmem:s0+$0xFFFFFFC0]  }
0x4f8: {  	v0 =	vsel vm2, v56, v0;
	v1 =	vsel vm2, v1, v50;
	v49 =	vld [tilespmem:s0+$0xFFFFFFD0];
	v56 =	vmul.f32 v51, v60  }
0x4f9: {  	s29 =	sadd.s32 $0x100, s29;
	v53 =	vsel vm2, v53, v54;
	v54 =	vperm.xlane v4, v5;
	v51 =	vld [tilespmem:s0+$0xFFFFFFE0];
	v57 =	vmul.f32 v59, v57  }
0x4fa: {  	s22 =	sadd.s32 $0x200, s22;
	s30 =	sadd.s32 $0x100, s30;
	v58 =	vperm.xlane v0, v5;
	v59 =	vperm.xlane v1, v5;
	v50 =	vld [tilespmem:s0+$0xFFFFFFF0];
	[tilespmem:s29+$0xFFFFFF90] =	vst v56  }
0x4fb: {  	v44 =	vmul.f32 v44, v47;
	s9 =	sand.u32 $0x3800, s22;
	s31 =	sand.u32 $0x300, s30;
	v4 =	vadd.f32 v54, v4;
	v54 =	vperm.xlane v53, v5;
	v56 =	vld [tilespmem:s6+$0x10];
	[tilespmem:s13+$0xFFFFFFF0] =	vst v57  }
0x4fc: {  	v46 =	vmul.f32 v39, v46;
	v39 =	vmovc v41;
	s4 =	sadd.s32 $0x2A00, s9;
	s2 =	sor.u32 $0x80, s31;
	v0 =	vadd.f32 v58, v0;
	v1 =	vadd.f32 v59, v1;
	v47 =	vld [tilespmem:s25+$0x70];
	s25 =	smov.u32 s6  }
0x4fd: {  	v53 =	vadd.f32 v54, v53;
	s6 =	sadd.s32 s31, s4;
	s4 =	sadd.s32 s2, s4;
	v41 =	vld [tilespmem:s0+$0x0];
	[tilespmem:s13+$0xFFFFFF10] =	vst v44;
	v44 =	vmul.f32 v34, v45;
	v34 =	vmovc v40;
	v40 =	vbroadcast v20, $0x4  }
0x4fe: {  	v0 =	vsel vm0, v4, v0;
	v4 =	vbroadcast v3, $0x8;
	v54 =	vbroadcast v20, $0xC;
	v45 =	vld [tilespmem:s4+$0x0];
	[tilespmem:s18+$0xFFFFFF20] =	vst v46  }
0x4ff: {  	v57 =	vbroadcast v35, $0xE;
	v35 =	vmovc v3;
	v1 =	vsel vm0, v1, v53;
	v53 =	vperm.xlane v0, v6;
	v46 =	vld [tilespmem:s4+$0x10];
	[tilespmem:s15+$0xFFFFFF30] =	vst v44  }
0x500: {  	v44 =	vperm.xlane v1, v6;
	v3 =	vld [tilespmem:s4+$0x20];
	v4 =	vmul.f32 v4, v56  }
0x501: {  	v43 =	vmul.f32 v43, v26;
	v26 =	vmovc v32;
	v0 =	vadd.f32 v53, v0;
	v56 =	vld [tilespmem:s4+$0x30];
	v47 =	vmul.f32 v47, v57  }
0x502: {  	v32 =	vmovc v38;
	v42 =	vmul.f32 v42, v17;
	v1 =	vadd.f32 v44, v1;
	v53 =	vld [tilespmem:s4+$0x40];
	[tilespmem:s29+$0xFFFFFFA0] =	vst v4;
	v4 =	vbroadcast v20, $0x2  }
0x503: {  	v17 =	vmovc v24;
	v24 =	vmovc v31;
	v36 =	vmul.f32 v36, v13;
	v38 =	vmov v54;
	v57 =	vbroadcast v20, $0xA;
	v44 =	vld [tilespmem:s4+$0x50];
	[tilespmem:s13+$0x0] =	vst v47  }
0x504: {  	v31 =	vmovc v37;
	v33 =	vmul.f32 v33, v10;
	v0 =	vsel vm3, v0, v1;
	v47 =	vbroadcast v20, $0x6;
	v1 =	vld [tilespmem:s25+$0x20];
	[tilespmem:s12+$0xFFFFFF40] =	vst v43  }
0x505: {  	v13 =	vmovc v16;
	v16 =	vmovc v23;
	v58 =	vbroadcast v20, $0xE;
	v54 =	vperm.xlane v0, v7;
	v37 =	vmov v4;
	v43 =	vld [tilespmem:s4+$0x60];
	[tilespmem:s10+$0xFFFFFF50] =	vst v42  }
0x506: {  	v23 =	vmovc v30;
	v30 =	vmovc v25;
	v10 =	vmov v12;
	v9 =	vmul.f32 v28, v9;
	v25 =	vmov v57;
	v4 =	vld [tilespmem:s4+$0x70];
	[tilespmem:s7+$0xFFFFFF60] =	vst v36  }
0x507: {  	v12 =	vmovc v15;
	v20 =	vbroadcast v35, $0x4;
	v36 =	vmul.f32 v48, v45;
	v0 =	vadd.f32 v0, v54;
	v28 =	vld [tilespmem:s6+$0x0];
	[tilespmem:s20+$0xFFFFFF70] =	vst v33  }
0x508: {  	s23 =	sadd.s32 $0x2, s23;
	v15 =	vmovc v21;
	v21 =	vmov v29;
	v42 =	vmul.f32 v61, v46;
	v3 =	vmul.f32 v52, v3;
	v33 =	vld [tilespmem:s6+$0x10];
	[tilespmem:s28+$0xFFFFFF80] =	vst v9;
	s28 =	smov.u32 s20;
	s20 =	smov.u32 s7  }
0x509: {  	p0 =	slt.u32 s23, $0x26;
	v29 =	vmovc v22;
	v22 =	vmovc v47;
	v46 =	vmul.f32 v55, v56;
	v0 =	vmax.f32 v0, $9.999999970e-07;
	s7 =	smov.u32 s10;
	s10 =	smov.u32 s12;
	v45 =	vld [tilespmem:s6+$0x20];
	v1 =	vmul.f32 v20, v1  }
0x50a: {  	v47 =	vmul.f32 v49, v53;
	v44 =	vmul.f32 v51, v44;
	v9 =	vmovc v8;
	v8 =	vmovc v11;
	s12 =	smov.u32 s15;
	s15 =	smov.u32 s18;
	s18 =	smov.u32 s13;
	v20 =	vmin.f32 v0, $1.000000000e+00;
	v48 =	vld [tilespmem:s6+$0x30]  }
0x50b: {  	v11 =	vmovc v14;
	v14 =	vmov v19;
	s13 =	smov.u32 s29;
	v43 =	vmul.f32 v50, v43;
	v0 =	vld [tilespmem:s6+$0x40];
	v4 =	vmul.f32 v41, v4;
	[tilespmem:s29+$0xFFFFFFB0] =	vst v1  }
0x50c: {  	v19 =	vmovc v27;
	v27 =	vmovc v18;
	v18 =	vmov v58;
	v1 =	vperm.xlane v36, v2;
	v41 =	vperm.xlane v42, v2;
	v49 =	vld [tilespmem:s25+$0x30]  }
0x50d: {  	v51 =	vperm.xlane v46, v2;
	v50 =	vperm.xlane v3, v2;
	v53 =	vld [tilespmem:s6+$0x50]  }
0x50e: {  	v52 =	vperm.xlane v47, v2;
	v55 =	vperm.xlane v44, v2;
	v54 =	vld [tilespmem:s6+$0x60]  }
0x50f: {  	v58 =	vbroadcast v35, $0xC;
	v57 =	vperm.xlane v43, v2;
	v56 =	vld [tilespmem:s6+$0x70]  }
0x510: {  	v1 =	vadd.f32 v1, v36;
	v36 =	vadd.f32 v41, v42;
	v41 =	vperm.xlane v4, v2;
	v59 =	vld [tilespmem:s0+$0xFFFFFF10]  }
0x511: {  	v46 =	vadd.f32 v51, v46;
	v3 =	vadd.f32 v50, v3;
	v42 =	vld [tilespmem:s0+$0xFFFFFF20];
	v49 =	vmul.f32 v49, v58  }
0x512: {  	v47 =	vadd.f32 v52, v47;
	v50 =	vadd.f32 v55, v44;
	v44 =	vbroadcast v20, $0x0;
	v51 =	vld [tilespmem:s0+$0xFFFFFF30]  }
0x513: {  	v43 =	vadd.f32 v57, v43;
	v4 =	vadd.f32 v41, v4;
	v41 =	vbroadcast v20, $0x8;
	v52 =	vld [tilespmem:s0+$0xFFFFFF40];
	[tilespmem:s29+$0xFFFFFFC0] =	vst v49  }
0x514: {  	v3 =	vsel vm2, v3, v46;
	v1 =	vsel vm2, v1, v36;
	v36 =	vsel vm2, v47, v50;
	v46 =	vld [tilespmem:s25+$0x40]  }
0x515: {  	v47 =	vperm.xlane v3, v5;
	v4 =	vsel vm2, v43, v4;
	v43 =	vperm.xlane v1, v5;
	v55 =	vld [tilespmem:s0+$0xFFFFFF50]  }
0x516: {  	v50 =	vperm.xlane v4, v5;
	v49 =	vperm.xlane v36, v5;
	v57 =	vld [tilespmem:s0+$0xFFFFFF60]  }
0x517: {  	v3 =	vadd.f32 v47, v3;
	v1 =	vadd.f32 v43, v1;
	v43 =	vbroadcast v35, $0x2;
	v58 =	vld [tilespmem:s0+$0xFFFFFF70]  }
0x518: {  	v4 =	vadd.f32 v50, v4;
	v28 =	vmul.f32 v59, v28;
	v36 =	vadd.f32 v49, v36;
	v59 =	vld [tilespmem:s0+$0xFFFFFF80]  }
0x519: {  	v50 =	vmul.f32 v42, v33;
	v47 =	vld [tilespmem:s3+$0x0];
	v33 =	vmul.f32 v46, v43  }
0x51a: {  	v1 =	vsel vm0, v1, v3;
	v49 =	vmul.f32 v51, v45;
	v3 =	vsel vm0, v36, v4;
	v46 =	vld [tilespmem:s24+$0x10]  }
0x51b: {  	v4 =	vperm.xlane v1, v6;
	v36 =	vperm.xlane v3, v6;
	[tilespmem:s29+$0xFFFFFFD0] =	vst v33;
	v45 =	vld [tilespmem:s19+$0x20]  }
0x51c: {  	v51 =	vmul.f32 v52, v48;
	v52 =	vmul.f32 v55, v0;
	v0 =	vld [tilespmem:s25+$0x50]  }
.Ltmp2:
0x51d: {  	v1 =	vadd.f32 v4, v1;
	v3 =	vadd.f32 v36, v3;
	v53 =	vmul.f32 v57, v53;
	v43 =	vld [tilespmem:s16+$0x30];
	(pc) =	sbr.rel @p0 .LBB2_7-.Ltmp2, $4  }
0x51e: {  	v55 =	vmul.f32 v58, v54;
	v54 =	vmul.f32 v59, v56;
	v42 =	vld [tilespmem:s14+$0x40]  }
0x51f: {  	v4 =	vperm.xlane v28, v2;
	v58 =	vsel vm3, v1, v3;
	v1 =	vbroadcast v35, $0xA;
	v36 =	vld [tilespmem:s11+$0x50]  }
0x520: {  	v60 =	vperm.xlane v50, v2;
	v61 =	vperm.xlane v58, v7;
	v33 =	vld [tilespmem:s1+$0x60]  }
0x521: {  	s6 =	sadd.s32 $0x2E00, s9;
	s0 =	sadd.s32 $0x100, s0;
	v57 =	vadd.f32 v4, v28;
	v59 =	vperm.xlane v49, v2;
	v56 =	vmul.f32 v0, v1;
	v28 =	vld [tilespmem:s21+$0x70];
	s21 =	smov.u32 s1  }
0x522: {  	v0 =	vperm.xlane v51, v2;
	v1 =	vperm.xlane v52, v2;
	v3 =	vadd.f32 v58, v61  }
0x523: {  	v4 =	vadd.f32 v60, v50;
	v48 =	vperm.xlane v53, v2;
	v60 =	vperm.xlane v55, v2  }
0x524: {  	v61 =	vperm.xlane v54, v2;
	v49 =	vadd.f32 v59, v49;
	v0 =	vadd.f32 v0, v51  }
0x525: {  	v1 =	vadd.f32 v1, v52;
	v48 =	vadd.f32 v48, v53  }
0x526: {  	s2 =	sadd.s32 s2, s6;
	v50 =	vadd.f32 v60, v55;
	v62 =	vadd.f32 v61, v54;
	v4 =	vsel vm2, v57, v4  }
0x527: {  	v63 =	vld [tilespmem:s2+$0x0];
	v3 =	vmax.f32 v3, $9.999999970e-07;
	v58 =	vperm.xlane v4, v5;
	v0 =	vsel vm2, v49, v0  }
0x528: {  	v1 =	vsel vm2, v1, v48;
	v57 =	vsel vm2, v50, v62;
	v59 =	vperm.xlane v0, v5  }
0x529: {  	v49 =	vmin.f32 v3, $1.000000000e+00;
	v3 =	vperm.xlane v1, v5;
	v60 =	vperm.xlane v57, v5  }
0x52a: {  	v61 =	vbroadcast v49, $0x0;
	v4 =	vadd.f32 v58, v4;
	v0 =	vadd.f32 v59, v0  }
0x52b: {  	v1 =	vadd.f32 v3, v1;
	v3 =	vadd.f32 v60, v57  }
0x52c: {  	v62 =	vmul.f32 v61, v63  }
0x52d: {  	s0 =	sadd.s32 $0x100, s29;
	v0 =	vsel vm0, v4, v0;
	v1 =	vsel vm0, v1, v3  }
0x52e: {  	[tilespmem:s0+$0xFFFFFF90] =	vst v62;
	v3 =	vperm.xlane v0, v6;
	v4 =	vperm.xlane v1, v6  }
0x52f: {  	v48 =	vld [tilespmem:s2+$0x10]  }
0x530: {  	v0 =	vadd.f32 v3, v0;
	v1 =	vadd.f32 v4, v1;
	_ =	sdelay $0x1  }
0x531: {  	v3 =	vbroadcast v49, $0x8;
	v0 =	vsel vm3, v0, v1  }
0x532: {  	v1 =	vperm.xlane v0, v7  }
0x533: {  	v3 =	vmul.f32 v3, v48  }
0x534: {  	s1 =	sadd.s32 s31, s6;
	v0 =	vadd.f32 v0, v1  }
0x535: {  	[tilespmem:s0+$0xFFFFFFA0] =	vst v3;
	v1 =	vld [tilespmem:s1+$0x0]  }
0x536: {  	v3 =	vld [tilespmem:s2+$0x20];
	v0 =	vmax.f32 v0, $9.999999970e-07  }
0x537: {  	v48 =	vmin.f32 v0, $1.000000000e+00  }
0x538: {  	v0 =	vbroadcast v48, $0x0  }
0x539: {  	v63 =	vbroadcast v49, $0x4;
	v4 =	vmul.f32 v44, v47  }
0x53a: {  	v0 =	vmul.f32 v0, v1  }
0x53b: {  	[tilespmem:s13+$0xFFFFFF10] =	vst v4;
	v1 =	vmul.f32 v63, v3  }
0x53c: {  	v3 =	vld [tilespmem:s3+$0x10];
	[tilespmem:s0+$0xFFFFFF10] =	vst v0  }
0x53d: {  	[tilespmem:s0+$0xFFFFFFB0] =	vst v1;
	v0 =	vld [tilespmem:s1+$0x10]  }
0x53e: {  	[tilespmem:s29+$0xFFFFFFE0] =	vst v56;
	v1 =	vld [tilespmem:s2+$0x30]  }
0x53f: {  	v4 =	vld [tilespmem:s25+$0x60]  }
0x540: {  	v39 =	vmul.f32 v39, v46;
	v50 =	vbroadcast v48, $0x8  }
0x541: {  	v51 =	vbroadcast v49, $0xC;
	v3 =	vmul.f32 v41, v3  }
0x542: {  	v52 =	vbroadcast v35, $0x6;
	[tilespmem:s18+$0xFFFFFF20] =	vst v39;
	v0 =	vmul.f32 v50, v0  }
0x543: {  	v39 =	vld [tilespmem:s24+$0x20];
	[tilespmem:s13+$0xFFFFFF20] =	vst v3;
	v1 =	vmul.f32 v1, v51  }
0x544: {  	v3 =	vmul.f32 v4, v52;
	v4 =	vld [tilespmem:s3+$0x20];
	[tilespmem:s0+$0xFFFFFF20] =	vst v0  }
0x545: {  	[tilespmem:s0+$0xFFFFFFC0] =	vst v1;
	v0 =	vld [tilespmem:s1+$0x20]  }
0x546: {  	[tilespmem:s13+$0xFFFFFFF0] =	vst v3;
	v1 =	vld [tilespmem:s2+$0x40]  }
0x547: {  	v34 =	vmul.f32 v34, v45;
	v53 =	vbroadcast v20, $0x4;
	v3 =	vld [tilespmem:s25+$0x70]  }
0x548: {  	v39 =	vmul.f32 v40, v39;
	v54 =	vbroadcast v48, $0x4  }
0x549: {  	[tilespmem:s15+$0xFFFFFF30] =	vst v34;
	v55 =	vbroadcast v49, $0x2;
	v4 =	vmul.f32 v53, v4  }
0x54a: {  	v56 =	vbroadcast v35, $0xE;
	v57 =	vld [tilespmem:s19+$0x30];
	[tilespmem:s18+$0xFFFFFF30] =	vst v39;
	v0 =	vmul.f32 v54, v0  }
0x54b: {  	v58 =	vld [tilespmem:s24+$0x30];
	[tilespmem:s13+$0xFFFFFF30] =	vst v4;
	v1 =	vmul.f32 v1, v55  }
0x54c: {  	v3 =	vmul.f32 v3, v56;
	v4 =	vld [tilespmem:s3+$0x30];
	[tilespmem:s0+$0xFFFFFF30] =	vst v0  }
0x54d: {  	v0 =	vmul.f32 v43, v26;
	[tilespmem:s0+$0xFFFFFFD0] =	vst v1;
	v1 =	vld [tilespmem:s1+$0x30]  }
0x54e: {  	v17 =	vmul.f32 v42, v17;
	[tilespmem:s13+$0x0] =	vst v3;
	v3 =	vld [tilespmem:s2+$0x50]  }
0x54f: {  	v59 =	vbroadcast v20, $0xC;
	[tilespmem:s12+$0xFFFFFF40] =	vst v0;
	v0 =	vmul.f32 v57, v32  }
0x550: {  	[tilespmem:s10+$0xFFFFFF50] =	vst v17;
	v61 =	vmul.f32 v58, v38;
	v60 =	vbroadcast v48, $0xC  }
0x551: {  	v63 =	vbroadcast v49, $0xA;
	v62 =	vld [tilespmem:s16+$0x40];
	[tilespmem:s15+$0xFFFFFF40] =	vst v0;
	v0 =	vmul.f32 v4, v59  }
0x552: {  	[tilespmem:s18+$0xFFFFFF40] =	vst v61;
	v4 =	vld [tilespmem:s19+$0x40];
	v1 =	vmul.f32 v1, v60  }
0x553: {  	v35 =	vld [tilespmem:s24+$0x40];
	v3 =	vmul.f32 v3, v63;
	[tilespmem:s13+$0xFFFFFF40] =	vst v0  }
0x554: {  	v0 =	vmul.f32 v36, v13;
	v36 =	vld [tilespmem:s3+$0x40];
	[tilespmem:s0+$0xFFFFFF40] =	vst v1  }
0x555: {  	v1 =	vmul.f32 v33, v10;
	[tilespmem:s0+$0xFFFFFFE0] =	vst v3;
	v3 =	vld [tilespmem:s1+$0x40]  }
0x556: {  	[tilespmem:s7+$0xFFFFFF60] =	vst v0;
	v38 =	vmul.f32 v62, v24;
	v0 =	vld [tilespmem:s2+$0x60]  }
0x557: {  	v39 =	vbroadcast v20, $0x2;
	[tilespmem:s20+$0xFFFFFF70] =	vst v1;
	v1 =	vmul.f32 v4, v31  }
0x558: {  	v40 =	vbroadcast v48, $0x2;
	v41 =	vmul.f32 v35, v37;
	v4 =	vld [tilespmem:s14+$0x50];
	[tilespmem:s12+$0xFFFFFF50] =	vst v38  }
0x559: {  	v42 =	vbroadcast v49, $0x6;
	v43 =	vld [tilespmem:s16+$0x50];
	[tilespmem:s15+$0xFFFFFF50] =	vst v1;
	v1 =	vmul.f32 v36, v39  }
0x55a: {  	[tilespmem:s18+$0xFFFFFF50] =	vst v41;
	v44 =	vld [tilespmem:s19+$0x50];
	v3 =	vmul.f32 v3, v40  }
0x55b: {  	v10 =	vld [tilespmem:s24+$0x50];
	v0 =	vmul.f32 v0, v42;
	[tilespmem:s13+$0xFFFFFF50] =	vst v1  }
0x55c: {  	v1 =	vmul.f32 v28, v9;
	v45 =	vld [tilespmem:s3+$0x50];
	[tilespmem:s0+$0xFFFFFF50] =	vst v3  }
0x55d: {  	[tilespmem:s0+$0xFFFFFFF0] =	vst v0;
	v0 =	vmul.f32 v4, v16;
	v3 =	vld [tilespmem:s1+$0x50]  }
0x55e: {  	[tilespmem:s28+$0xFFFFFF80] =	vst v1;
	v4 =	vmul.f32 v43, v23;
	v1 =	vld [tilespmem:s2+$0x70]  }
0x55f: {  	v46 =	vbroadcast v20, $0xA;
	v47 =	vld [tilespmem:s11+$0x60];
	[tilespmem:s10+$0xFFFFFF60] =	vst v0;
	v0 =	vmul.f32 v44, v30  }
0x560: {  	v50 =	vbroadcast v48, $0xA;
	[tilespmem:s12+$0xFFFFFF60] =	vst v4;
	v4 =	vmul.f32 v10, v25;
	v51 =	vld [tilespmem:s14+$0x60]  }
0x561: {  	v52 =	vbroadcast v49, $0xE;
	v53 =	vld [tilespmem:s16+$0x60];
	[tilespmem:s15+$0xFFFFFF60] =	vst v0;
	v0 =	vmul.f32 v45, v46  }
0x562: {  	[tilespmem:s18+$0xFFFFFF60] =	vst v4;
	v54 =	vld [tilespmem:s19+$0x60];
	v3 =	vmul.f32 v3, v50  }
0x563: {  	v4 =	vld [tilespmem:s24+$0x60];
	v1 =	vmul.f32 v1, v52;
	[tilespmem:s13+$0xFFFFFF60] =	vst v0  }
0x564: {  	v0 =	vmul.f32 v47, v12;
	v55 =	vld [tilespmem:s3+$0x60];
	[tilespmem:s0+$0xFFFFFF60] =	vst v3  }
0x565: {  	[tilespmem:s0+$0x0] =	vst v1;
	v1 =	vmul.f32 v51, v15;
	v3 =	vld [tilespmem:s1+$0x60]  }
0x566: {  	v56 =	vld [tilespmem:s21+$0x70];
	[tilespmem:s7+$0xFFFFFF70] =	vst v0;
	v0 =	vmul.f32 v53, v21  }
0x567: {  	v57 =	vbroadcast v20, $0x6;
	v58 =	vld [tilespmem:s11+$0x70];
	[tilespmem:s10+$0xFFFFFF70] =	vst v1;
	v1 =	vmul.f32 v54, v29  }
0x568: {  	v59 =	vbroadcast v48, $0x6;
	[tilespmem:s12+$0xFFFFFF70] =	vst v0;
	v0 =	vmul.f32 v4, v22;
	v60 =	vld [tilespmem:s14+$0x70]  }
0x569: {  	v4 =	vld [tilespmem:s16+$0x70];
	[tilespmem:s15+$0xFFFFFF70] =	vst v1;
	v1 =	vmul.f32 v55, v57  }
0x56a: {  	[tilespmem:s18+$0xFFFFFF70] =	vst v0;
	v61 =	vld [tilespmem:s19+$0x70];
	v0 =	vmul.f32 v3, v59  }
0x56b: {  	v3 =	vmul.f32 v56, v8;
	v8 =	vld [tilespmem:s24+$0x70];
	[tilespmem:s13+$0xFFFFFF70] =	vst v1  }
0x56c: {  	v1 =	vmul.f32 v58, v11;
	v62 =	vld [tilespmem:s3+$0x70];
	[tilespmem:s0+$0xFFFFFF70] =	vst v0  }
0x56d: {  	[tilespmem:s20+$0xFFFFFF80] =	vst v3;
	v0 =	vmul.f32 v60, v14;
	v3 =	vld [tilespmem:s1+$0x70]  }
0x56e: {  	[tilespmem:s7+$0xFFFFFF80] =	vst v1;
	v1 =	vmul.f32 v4, v19  }
0x56f: {  	s26 =	sadd.s32 $0x1, s26;
	v4 =	vbroadcast v20, $0xE;
	[tilespmem:s10+$0xFFFFFF80] =	vst v0;
	v0 =	vmul.f32 v61, v27  }
0x570: {  	p0 =	sne.s32 s26, $0x7D;
	v63 =	vbroadcast v48, $0xE;
	[tilespmem:s12+$0xFFFFFF80] =	vst v1;
	v1 =	vmul.f32 v8, v18  }
.Ltmp3:
0x571: {  	[tilespmem:s15+$0xFFFFFF80] =	vst v0;
	v0 =	vmul.f32 v62, v4;
	(pc) =	sbr.rel @p0 .LBB2_4-.Ltmp3, $4  }
0x572: {  	[tilespmem:s18+$0xFFFFFF80] =	vst v1;
	v1 =	vmul.f32 v3, v63  }
0x573: {  	s30 =	simm.s32 $0x180;
	[tilespmem:s13+$0xFFFFFF80] =	vst v0  }
0x574: {  	s31 =	simm.s32 $0x8E00;
	s29 =	rddreg [dreg:$0x2];
	s3 =	simm.s32 $0x28;
	[tilespmem:s0+$0xFFFFFF80] =	vst v1  }
0x575: {  	[spmem:s29] =	stream.indirect.scatter.add.f32 [tilespmem:s31], [sflag:$0x6], $0x80, s30, s3, $0xb8;
	[tilespmem:$0x1E200] =	vst v63  }
0x576: {  	s0 =	simm.s32 $0x5  }
0x577: {  	_ =	swait.ge [sflag:s0], $0x1400  }
0x578: {  	[sflag:s0] =	ssyncset.done $0x0  }
0x579: {  	s28 =	simm.s32 $0x6;
	[sflag:s0] =	ssyncadd.s32 $0xFFFFEC00  }
0x57a: {  	_ =	swait.ge [sflag:s28], $0x1400  }
0x57b: {  	[sflag:s28] =	ssyncset.done $0x0  }
0x57c: {  	[sflag:s28] =	ssyncadd.s32 $0xFFFFEC00  }
0x57d: {  	s29 =	stileid.u32;
	[bflag:$0x0] =	sbarrier.arrive $0xFFFF  }
0x57e: {  	s0 =	sshll.u32 s29, $0x6;
	s6 =	rddreg [dreg:$0x5]  }
0x57f: {  	s0 =	sor.u32 $0x1C07, s0;
	s2 =	rddreg [dreg:$0x16];
	s1 =	sshrl.u32 s6, $0x3  }
0x580: {  	[hbm:s2], [sflag:s0] =	dma.local [spmem:s1], $0x2800  }
0x581: {  	s2 =	simm.s32 $0x7  }
0x582: {  	_ =	swait.ge [sflag:s2], $0x2800  }
0x583: {  	s30 =	rddreg [dreg:$0x1a]  }
0x584: {  	s31 =	rddreg [dreg:$0x17];
	s1 =	sadd.s32 $0x1, s30  }
0x585: {  	p0 =	sne.s32 s1, s31  }
.Ltmp4:
0x586: {  	_ = 	snop;
	(pc) =	sbr.rel @p0 .LBB2_1-.Ltmp4, $3  }
0x587: {  	_ =	sdelay $0x1  }
0x588: {  	[sflag:s2] =	ssyncset.done $0x0  }
0x589: {  	v3 =	vimm.f32 $0.0e+00;
	[sflag:s2] =	ssyncadd.s32 $0xFFFFD800  }
0x58a: {  	_ =	sfence.sel $0x180000  }
0x58b: {  	[bflag:$0x0] =	sbarrier.arrive $0xFFFF  }
0x58c: {  	_ =	strace $0x90000047  }
0x58d: {  	s0 =	stileid.u32;
	[bflag:$0x2] =	sbarrier.arrive $0xFFFF  }
0x58e: {  	p0 =	sne.s32 s0, $0x0;
	s0 =	rddreg [dreg:$0x3]  }
0x58f: {  	s0 =	sadd.s32 @!p0 $0x100000, s0  }
0x590: {  	[sflag:s0] =	ssyncadd.tile.s32 @!p0 $0x1;
	_ =	shalt  }
.Lfunc_end2:
_tile_overlayer_lowered:
.L_overlay_start_2:
0x591: {  	(tag) =	ssettag $0x2  }
0x592: {  	s0 =	rddreg [dreg:$0x0];
	s2 =	stileid.u32  }
0x593: {  	s1 =	rddreg [dreg:$0x1];
	p0 =	sne.s32 s2, $0x0  }
0x594: {  	s3 =	rddreg [dreg:$0x2];
	[bflag:$0x3] =	sbarrier.arrive $0xFFFF;
	s2 =	simm.s32 @!p0 $0x1C07  }
0x595: {  	[timem:s3], [sflag:s2] =	dma.local @!p0 [hbm:s0], s1  }
0x596: {  	s0 =	simm.s32 @!p0 $0x7  }
0x597: {  	_ =	swait.ge @!p0 [sflag:s0], s1  }
0x598: {  	s1 =	ssub.s32 @!p0 $0x0, s1;
	[sflag:s0] =	ssyncset.done @!p0 $0x0  }
0x599: {  	[sflag:s0] =	ssyncadd.s32 @!p0 s1  }
0x59a: {  	[bflag:$0x3] =	sbarrier.arrive $0xFFFF  }
0x59b: {  	_ =	shalt  }

</sc_bundles>
